<compile_context>
chip_gen: v7x
topology: tpu7x:2x2x1
jax: 0.10.2.dev20260603
libtpu: 0.0.44.dev20260713+nightly
codegen_flags: <defaults>
</compile_context>

<pallas_src>
import functools

import jax
import jax.numpy as jnp
from jax import lax
from jax.experimental import pallas as pl
from jax.experimental.pallas import tpu as pltpu
from jax.experimental.pallas import tpu_sc as plsc

_TM = 512
_TK = 8192
_NC = 2
_NS = 16
_NW = _NC * _NS


_LANES = 128
_RC = 64


def _argmin_body(a_ref, b_ref, a2_ref, b2_ref, out_ref):
    ab = lax.dot_general(a_ref[...], b_ref[...],
                         dimension_numbers=(((1,), (1,)), ((), ())),
                         preferred_element_type=jnp.float32)
    a2col = jnp.reshape(a2_ref[...], (_TM, 1))
    d = a2col + b2_ref[...] - 2.0 * ab
    lane = lax.broadcasted_iota(jnp.int32, (_RC, _LANES), 1).astype(jnp.float32)
    for r in range(_TM // _RC):
        rows = slice(r * _RC, (r + 1) * _RC)
        m_run = d[rows, 0:_LANES]
        i_run = jnp.zeros((_RC, _LANES), jnp.float32)
        for c in range(1, _TK // _LANES):
            dc = d[rows, c * _LANES:(c + 1) * _LANES]
            mask = dc < m_run
            m_run = jnp.where(mask, dc, m_run)
            i_run = jnp.where(mask, jnp.float32(c), i_run)
        gl = i_run * jnp.float32(_LANES) + lane
        m = jnp.min(m_run, axis=1, keepdims=True)
        il = jnp.min(jnp.where(m_run == m, gl, jnp.float32(2**30)), axis=1)
        out_ref[pl.ds(r * _RC, _RC)] = il.astype(jnp.int32)


def _distance_argmin(a_bf, b_bf, a2, b2):
    n, d = a_bf.shape
    k = b_bf.shape[0]
    assert k == _TK
    return pl.pallas_call(
        _argmin_body,
        grid=(n // _TM,),
        in_specs=[
            pl.BlockSpec((_TM, d), lambda i: (i, 0)),
            pl.BlockSpec((_TK, d), lambda i: (0, 0)),
            pl.BlockSpec((_TM,), lambda i: (i,)),
            pl.BlockSpec((1, _TK), lambda i: (0, 0)),
        ],
        out_specs=pl.BlockSpec((_TM,), lambda i: (i,)),
        out_shape=jax.ShapeDtypeStruct((n,), jnp.int32),
        compiler_params=pltpu.CompilerParams(
            dimension_semantics=("parallel",)),
    )(a_bf, b_bf, a2, b2)


def _make_sc_gather_hist(n, d, k):
    b_per_w = n // _NW
    half = b_per_w // 2
    mesh = plsc.VectorSubcoreMesh(core_axis_name="c", subcore_axis_name="s",
                                  num_cores=_NC, num_subcores=_NS)

    @functools.partial(
        pl.kernel,
        out_type=[jax.ShapeDtypeStruct((n, d), jnp.float32),
                  jax.ShapeDtypeStruct((_NW, k), jnp.float32)],
        mesh=mesh,
        scratch_types=[
            pltpu.VMEM((b_per_w,), jnp.int32),
            pltpu.VMEM((b_per_w, d), jnp.float32),
            pltpu.VMEM((k,), jnp.float32),
            pltpu.SemaphoreType.DMA,
        ],
        compiler_params=pltpu.CompilerParams(needs_layout_passes=False),
    )
    def sc_kernel(cb_hbm, idx_hbm, quant_hbm, counts_hbm,
                  idx_v, rows_v, cnt_v, sem):
        wid = lax.axis_index("s") * _NC + lax.axis_index("c")
        base = wid * b_per_w
        pltpu.sync_copy(idx_hbm.at[pl.ds(base, b_per_w)], idx_v)
        cp0 = pltpu.async_copy(cb_hbm.at[idx_v.at[pl.ds(0, half)]],
                               rows_v.at[pl.ds(0, half)], sem)
        cp1 = pltpu.async_copy(cb_hbm.at[idx_v.at[pl.ds(half, half)]],
                               rows_v.at[pl.ds(half, half)], sem)
        zv = jnp.zeros((16,), jnp.float32)

        def _zero(r, carry):
            for u in range(16):
                cnt_v[pl.ds((r * 16 + u) * 16, 16)] = zv
            return carry

        lax.fori_loop(0, k // 256, _zero, 0)
        lane = lax.broadcasted_iota(jnp.int32, (16,), 0)
        ones = jnp.ones((16,), jnp.float32)
        for r in range(b_per_w // 16):
            v = idx_v[pl.ds(r * 16, 16)]
            for jj in range(16):
                plsc.addupdate_scatter(cnt_v, [v], ones, mask=lane == jj)
        pltpu.sync_copy(cnt_v, counts_hbm.at[wid])
        cp0.wait()
        cp1.wait()
        pltpu.sync_copy(rows_v, quant_hbm.at[pl.ds(base, b_per_w)])

    return sc_kernel


def _stats_body(cnt_ref, perp_ref, use_ref, *, n_tokens, k):
    c = jnp.sum(cnt_ref[...], axis=0, keepdims=True)
    p = c / jnp.float32(n_tokens)
    ent = -jnp.sum(p * jnp.log(p + 1e-10))
    perp_ref[...] = jnp.reshape(jnp.exp(ent), (1, 1))
    used = jnp.sum((c > 0.0).astype(jnp.float32))
    use_ref[...] = jnp.reshape(used / jnp.float32(k), (1, 1))


def _stats(counts, n_tokens):
    nw, k = counts.shape
    body = functools.partial(_stats_body, n_tokens=n_tokens, k=k)
    return pl.pallas_call(
        body,
        out_shape=[jax.ShapeDtypeStruct((1, 1), jnp.float32),
                   jax.ShapeDtypeStruct((1, 1), jnp.float32)],
    )(counts)


def kernel(x, codebook):
    b, t, d = x.shape
    k = codebook.shape[0]
    n = b * t

    xf = jnp.reshape(x, (-1, d))
    a = xf / (jnp.linalg.norm(xf, axis=1, keepdims=True) + 1e-8)
    bn = codebook / (jnp.linalg.norm(codebook, axis=1, keepdims=True) + 1e-8)
    bn = bn / (jnp.linalg.norm(bn, axis=1, keepdims=True) + 1e-8)
    a2 = jnp.sum(a ** 2, axis=1)
    b2 = jnp.sum(bn ** 2, axis=1)[None, :]
    a_bf = a.astype(jnp.bfloat16)
    b_bf = bn.astype(jnp.bfloat16)

    idx = _distance_argmin(a_bf, b_bf, a2, b2)

    quant, counts = _make_sc_gather_hist(n, d, k)(codebook, idx)
    perp, use = _stats(counts, n)

    return (jnp.reshape(quant, (b, t, d)), jnp.reshape(idx, (b, t)),
            perp[0, 0], use[0, 0])

# --- scband reference (transcript-rebuilt; emitter-appended) ---
"""Pipeline reference for scband-lqae-72911364817045 (READ-ONLY COPY).

The authoritative reference and input builder live on the scoring server;
editing this copy changes nothing except your own understanding.
"""

import jax, jax.numpy as jnp
import numpy as np


def l2_normalize(v, axis=1):
    return v / (jnp.linalg.norm(v, axis=axis, keepdims=True) + 1e-8)


def squared_euclidean_distance(a, b):
    # a: [N, D], b: [K, D] -> [N, K]
    a2 = jnp.sum(a ** 2, axis=1, keepdims=True)
    b2 = jnp.sum(b ** 2, axis=1)[None, :]
    ab = jnp.dot(a, b.T)
    return a2 + b2 - 2.0 * ab


def setup_inputs(seed: int = 0) -> dict:
    key = jax.random.key(seed)
    k1, k2 = jax.random.split(key)
    B, T, D, K = 8, 576, 256, 8192
    x = jax.random.normal(k1, (B, T, D), dtype=jnp.float32)
    codebook = jax.random.normal(k2, (K, D), dtype=jnp.float32) * 0.02
    return {"x": x, "codebook": codebook}


def reference(x, codebook):
    # LanguageQuantizer.__call__ with train=False, quantizer_latent_dim=0 (identity
    # input_to_latent/code_to_latent), strawman_codebook=False, l2_normalize=True,
    # dot_product=False, top_k_value=1, top_k_rnd=False, top_k_avg=False.
    B, T, D = x.shape
    K = codebook.shape[0]
    latent_input = l2_normalize(jnp.reshape(x, (-1, D)), axis=1)
    latent_codebook = l2_normalize(codebook, axis=1)
    sg_latent_codebook = jax.lax.stop_gradient(l2_normalize(latent_codebook, axis=1))
    distances = jnp.reshape(
        squared_euclidean_distance(latent_input, sg_latent_codebook), (B, T, K)
    )
    encoding_indices = jax.lax.approx_min_k(
        distances, k=1, reduction_dimension=-1, aggregate_to_topk=True
    )[1]
    encoding_indices = encoding_indices[..., 0]
    encodings = jax.nn.one_hot(encoding_indices, K, dtype=jnp.float32)
    quantized = jnp.dot(encodings, codebook)
    codebook_usage = jnp.sum(encodings, axis=(0, 1)) > 0
    codebook_usage = jnp.sum(codebook_usage) / K
    avg_probs = jnp.mean(encodings.reshape(-1, K), axis=0)
    log_perplexity = -jnp.sum(avg_probs * jnp.log(avg_probs + 1e-10))
    perplexity = jnp.exp(log_perplexity)
    return quantized, encoding_indices, perplexity, codebook_usage

if __name__ == "__main__":
    import jax
    _d = setup_inputs()
    print(jax.jit(kernel)(*tuple(_d.values())))

</pallas_src>

<mosaic_0001>
#map = affine_map<(d0, d1) -> (0, 0)>
#map1 = affine_map<(d0, d1) -> (0)>
module attributes {stable_mosaic.version = 14 : i64} {
  func.func @sc_kernel(%arg0: i32, %arg1: i32, %arg2: memref<8192x256xf32, #tpu.memory_space<hbm>>, %arg3: memref<4608xi32, #tpu.memory_space<hbm>>, %arg4: memref<4608x256xf32, #tpu.memory_space<hbm>>, %arg5: memref<32x8192xf32, #tpu.memory_space<hbm>>, %arg6: memref<144xi32, #tpu.memory_space<vmem>>, %arg7: memref<144x256xf32, #tpu.memory_space<vmem>>, %arg8: memref<8192xf32, #tpu.memory_space<vmem>>, %arg9: memref<!tpu.dma_semaphore, #tpu.memory_space<semaphore_mem>>) attributes {dimension_semantics = [#tpu.dimension_semantics<core_parallel>, #tpu.dimension_semantics<subcore_parallel>], iteration_bounds = array<i64: 2, 16>, scalar_prefetch = 0 : i64, scratch_operands = 4 : i64, tpu.core_type = #tpu.core_type<sc_vector_subcore>, window_params = [{transform_indices = #map}, {transform_indices = #map1}, {transform_indices = #map}, {transform_indices = #map}]} {
    %mul3A = arith.constant 2 : i32
    %mul3A_0 = arith.muli %arg1, %mul3A : i32
    %add3A = arith.addi %mul3A_0, %arg0 : i32
    %mul3A_1 = arith.constant 144 : i32
    %mul3A_2 = arith.muli %add3A, %mul3A_1 : i32
    "tpu.region"() ({
      %run_scoped3A = tpu.sem_alloc : memref<!tpu.dma_semaphore, #tpu.memory_space<semaphore_mem>>
      %dma_start3A_489 = tpu.memref_slice %arg3[%mul3A_2] : memref<4608xi32, #tpu.memory_space<hbm>> -> memref<144xi32, #tpu.memory_space<hbm>>
      %dma_start3A_490 = tpu.memref_slice %arg3[%mul3A_2] : memref<4608xi32, #tpu.memory_space<hbm>> -> memref<144xi32, #tpu.memory_space<hbm>>
      tpu.enqueue_dma source(%dma_start3A_490 : memref<144xi32, #tpu.memory_space<hbm>>) target(%arg6 : memref<144xi32, #tpu.memory_space<vmem>>) target_semaphore(%run_scoped3A : memref<!tpu.dma_semaphore, #tpu.memory_space<semaphore_mem>>)
      %dma_wait3A_491 = tpu.memref_slice %arg3[%mul3A_2] : memref<4608xi32, #tpu.memory_space<hbm>> -> memref<144xi32, #tpu.memory_space<hbm>>
      %dma_wait3A_492 = tpu.memref_slice %arg3[%mul3A_2] : memref<4608xi32, #tpu.memory_space<hbm>> -> memref<144xi32, #tpu.memory_space<hbm>>
      tpu.wait_dma2 semaphore(%run_scoped3A : memref<!tpu.dma_semaphore, #tpu.memory_space<semaphore_mem>>) src(%dma_wait3A_492 : memref<144xi32, #tpu.memory_space<hbm>>) dst(%arg6 : memref<144xi32, #tpu.memory_space<vmem>>)
      tpu.yield
    }) : () -> ()
    %dma_start3A = arith.constant 0 : i32
    %dma_start3A_3 = arith.constant 0 : i32
    %dma_start3A_4 = tpu.memref_slice %arg7[%dma_start3A, %dma_start3A_3] : memref<144x256xf32, #tpu.memory_space<vmem>> -> memref<72x256xf32, #tpu.memory_space<vmem>>
    %dma_start3A_5 = arith.constant 0 : i32
    %dma_start3A_6 = tpu.memref_slice %arg6[%dma_start3A_5] : memref<144xi32, #tpu.memory_space<vmem>> -> memref<72xi32, #tpu.memory_space<vmem>>
    %dma_start3A_7 = arith.constant 0 : i32
    %dma_start3A_8 = arith.constant 0 : i32
    %dma_start3A_9 = tpu.memref_slice %arg2[%dma_start3A_7, %dma_start3A_8] : memref<8192x256xf32, #tpu.memory_space<hbm>> -> memref<8192x256xf32, #tpu.memory_space<hbm>>
    tpu.enqueue_indirect_dma source(%dma_start3A_9 : memref<8192x256xf32, #tpu.memory_space<hbm>>) target(%dma_start3A_4 : memref<72x256xf32, #tpu.memory_space<vmem>>) offsets(%dma_start3A_6 : memref<72xi32, #tpu.memory_space<vmem>>) semaphore(%arg9 : memref<!tpu.dma_semaphore, #tpu.memory_space<semaphore_mem>>)
    %dma_start3A_10 = arith.constant 72 : i32
    %dma_start3A_11 = arith.constant 0 : i32
    %dma_start3A_12 = tpu.memref_slice %arg7[%dma_start3A_10, %dma_start3A_11] : memref<144x256xf32, #tpu.memory_space<vmem>> -> memref<72x256xf32, #tpu.memory_space<vmem>>
    %dma_start3A_13 = arith.constant 72 : i32
    %dma_start3A_14 = tpu.memref_slice %arg6[%dma_start3A_13] : memref<144xi32, #tpu.memory_space<vmem>> -> memref<72xi32, #tpu.memory_space<vmem>>
    %dma_start3A_15 = arith.constant 0 : i32
    %dma_start3A_16 = arith.constant 0 : i32
    %dma_start3A_17 = tpu.memref_slice %arg2[%dma_start3A_15, %dma_start3A_16] : memref<8192x256xf32, #tpu.memory_space<hbm>> -> memref<8192x256xf32, #tpu.memory_space<hbm>>
    tpu.enqueue_indirect_dma source(%dma_start3A_17 : memref<8192x256xf32, #tpu.memory_space<hbm>>) target(%dma_start3A_12 : memref<72x256xf32, #tpu.memory_space<vmem>>) offsets(%dma_start3A_14 : memref<72xi32, #tpu.memory_space<vmem>>) semaphore(%arg9 : memref<!tpu.dma_semaphore, #tpu.memory_space<semaphore_mem>>)
    %broadcast_in_dim3A = arith.constant 0.000000e+00 : f32
    %broadcast_in_dim3A_18 = vector.broadcast %broadcast_in_dim3A : f32 to vector<16xf32>
    %scan3A = arith.constant 0 : i32
    %scan3A_19 = arith.constant 0 : i32
    %scan3A_20 = arith.constant 32 : i32
    %scan3A_21 = arith.addi %scan3A_19, %scan3A_20 : i32
    %scan3A_22 = arith.constant 1 : i32
    scf.for %scan3A_489 = %scan3A_19 to %scan3A_21 step %scan3A_22  : i32 {
      %mul3A_490 = arith.constant 16 : i32
      %mul3A_491 = arith.muli %scan3A_489, %mul3A_490 : i32
      %add3A_492 = arith.constant 0 : i32
      %add3A_493 = arith.addi %mul3A_491, %add3A_492 : i32
      %mul3A_494 = arith.constant 16 : i32
      %mul3A_495 = arith.muli %add3A_493, %mul3A_494 : i32
      %swap3A = arith.index_cast %mul3A_495 : i32 to index
      %swap3A_496 = tpu.vector_load %arg8[%swap3A] {strides = array<i32>} : memref<8192xf32, #tpu.memory_space<vmem>>, vector<16xf32>,
      tpu.vector_store %arg8[%swap3A], %broadcast_in_dim3A_18 {strides = array<i32>} : memref<8192xf32, #tpu.memory_space<vmem>>, vector<16xf32>,
      %mul3A_497 = arith.constant 16 : i32
      %mul3A_498 = arith.muli %scan3A_489, %mul3A_497 : i32
      %add3A_499 = arith.constant 1 : i32
      %add3A_500 = arith.addi %mul3A_498, %add3A_499 : i32
      %mul3A_501 = arith.constant 16 : i32
      %mul3A_502 = arith.muli %add3A_500, %mul3A_501 : i32
      %swap3A_503 = arith.index_cast %mul3A_502 : i32 to index
      %swap3A_504 = tpu.vector_load %arg8[%swap3A_503] {strides = array<i32>} : memref<8192xf32, #tpu.memory_space<vmem>>, vector<16xf32>,
      tpu.vector_store %arg8[%swap3A_503], %broadcast_in_dim3A_18 {strides = array<i32>} : memref<8192xf32, #tpu.memory_space<vmem>>, vector<16xf32>,
      %mul3A_505 = arith.constant 16 : i32
      %mul3A_506 = arith.muli %scan3A_489, %mul3A_505 : i32
      %add3A_507 = arith.constant 2 : i32
      %add3A_508 = arith.addi %mul3A_506, %add3A_507 : i32
      %mul3A_509 = arith.constant 16 : i32
      %mul3A_510 = arith.muli %add3A_508, %mul3A_509 : i32
      %swap3A_511 = arith.index_cast %mul3A_510 : i32 to index
      %swap3A_512 = tpu.vector_load %arg8[%swap3A_511] {strides = array<i32>} : memref<8192xf32, #tpu.memory_space<vmem>>, vector<16xf32>,
      tpu.vector_store %arg8[%swap3A_511], %broadcast_in_dim3A_18 {strides = array<i32>} : memref<8192xf32, #tpu.memory_space<vmem>>, vector<16xf32>,
      %mul3A_513 = arith.constant 16 : i32
      %mul3A_514 = arith.muli %scan3A_489, %mul3A_513 : i32
      %add3A_515 = arith.constant 3 : i32
      %add3A_516 = arith.addi %mul3A_514, %add3A_515 : i32
      %mul3A_517 = arith.constant 16 : i32
      %mul3A_518 = arith.muli %add3A_516, %mul3A_517 : i32
      %swap3A_519 = arith.index_cast %mul3A_518 : i32 to index
      %swap3A_520 = tpu.vector_load %arg8[%swap3A_519] {strides = array<i32>} : memref<8192xf32, #tpu.memory_space<vmem>>, vector<16xf32>,
      tpu.vector_store %arg8[%swap3A_519], %broadcast_in_dim3A_18 {strides = array<i32>} : memref<8192xf32, #tpu.memory_space<vmem>>, vector<16xf32>,
      %mul3A_521 = arith.constant 16 : i32
      %mul3A_522 = arith.muli %scan3A_489, %mul3A_521 : i32
      %add3A_523 = arith.constant 4 : i32
      %add3A_524 = arith.addi %mul3A_522, %add3A_523 : i32
      %mul3A_525 = arith.constant 16 : i32
      %mul3A_526 = arith.muli %add3A_524, %mul3A_525 : i32
      %swap3A_527 = arith.index_cast %mul3A_526 : i32 to index
      %swap3A_528 = tpu.vector_load %arg8[%swap3A_527] {strides = array<i32>} : memref<8192xf32, #tpu.memory_space<vmem>>, vector<16xf32>,
      tpu.vector_store %arg8[%swap3A_527], %broadcast_in_dim3A_18 {strides = array<i32>} : memref<8192xf32, #tpu.memory_space<vmem>>, vector<16xf32>,
      %mul3A_529 = arith.constant 16 : i32
      %mul3A_530 = arith.muli %scan3A_489, %mul3A_529 : i32
      %add3A_531 = arith.constant 5 : i32
      %add3A_532 = arith.addi %mul3A_530, %add3A_531 : i32
      %mul3A_533 = arith.constant 16 : i32
      %mul3A_534 = arith.muli %add3A_532, %mul3A_533 : i32
      %swap3A_535 = arith.index_cast %mul3A_534 : i32 to index
      %swap3A_536 = tpu.vector_load %arg8[%swap3A_535] {strides = array<i32>} : memref<8192xf32, #tpu.memory_space<vmem>>, vector<16xf32>,
      tpu.vector_store %arg8[%swap3A_535], %broadcast_in_dim3A_18 {strides = array<i32>} : memref<8192xf32, #tpu.memory_space<vmem>>, vector<16xf32>,
      %mul3A_537 = arith.constant 16 : i32
      %mul3A_538 = arith.muli %scan3A_489, %mul3A_537 : i32
      %add3A_539 = arith.constant 6 : i32
      %add3A_540 = arith.addi %mul3A_538, %add3A_539 : i32
      %mul3A_541 = arith.constant 16 : i32
      %mul3A_542 = arith.muli %add3A_540, %mul3A_541 : i32
      %swap3A_543 = arith.index_cast %mul3A_542 : i32 to index
      %swap3A_544 = tpu.vector_load %arg8[%swap3A_543] {strides = array<i32>} : memref<8192xf32, #tpu.memory_space<vmem>>, vector<16xf32>,
      tpu.vector_store %arg8[%swap3A_543], %broadcast_in_dim3A_18 {strides = array<i32>} : memref<8192xf32, #tpu.memory_space<vmem>>, vector<16xf32>,
      %mul3A_545 = arith.constant 16 : i32
      %mul3A_546 = arith.muli %scan3A_489, %mul3A_545 : i32
      %add3A_547 = arith.constant 7 : i32
      %add3A_548 = arith.addi %mul3A_546, %add3A_547 : i32
      %mul3A_549 = arith.constant 16 : i32
      %mul3A_550 = arith.muli %add3A_548, %mul3A_549 : i32
      %swap3A_551 = arith.index_cast %mul3A_550 : i32 to index
      %swap3A_552 = tpu.vector_load %arg8[%swap3A_551] {strides = array<i32>} : memref<8192xf32, #tpu.memory_space<vmem>>, vector<16xf32>,
      tpu.vector_store %arg8[%swap3A_551], %broadcast_in_dim3A_18 {strides = array<i32>} : memref<8192xf32, #tpu.memory_space<vmem>>, vector<16xf32>,
      %mul3A_553 = arith.constant 16 : i32
      %mul3A_554 = arith.muli %scan3A_489, %mul3A_553 : i32
      %add3A_555 = arith.constant 8 : i32
      %add3A_556 = arith.addi %mul3A_554, %add3A_555 : i32
      %mul3A_557 = arith.constant 16 : i32
      %mul3A_558 = arith.muli %add3A_556, %mul3A_557 : i32
      %swap3A_559 = arith.index_cast %mul3A_558 : i32 to index
      %swap3A_560 = tpu.vector_load %arg8[%swap3A_559] {strides = array<i32>} : memref<8192xf32, #tpu.memory_space<vmem>>, vector<16xf32>,
      tpu.vector_store %arg8[%swap3A_559], %broadcast_in_dim3A_18 {strides = array<i32>} : memref<8192xf32, #tpu.memory_space<vmem>>, vector<16xf32>,
      %mul3A_561 = arith.constant 16 : i32
      %mul3A_562 = arith.muli %scan3A_489, %mul3A_561 : i32
      %add3A_563 = arith.constant 9 : i32
      %add3A_564 = arith.addi %mul3A_562, %add3A_563 : i32
      %mul3A_565 = arith.constant 16 : i32
      %mul3A_566 = arith.muli %add3A_564, %mul3A_565 : i32
      %swap3A_567 = arith.index_cast %mul3A_566 : i32 to index
      %swap3A_568 = tpu.vector_load %arg8[%swap3A_567] {strides = array<i32>} : memref<8192xf32, #tpu.memory_space<vmem>>, vector<16xf32>,
      tpu.vector_store %arg8[%swap3A_567], %broadcast_in_dim3A_18 {strides = array<i32>} : memref<8192xf32, #tpu.memory_space<vmem>>, vector<16xf32>,
      %mul3A_569 = arith.constant 16 : i32
      %mul3A_570 = arith.muli %scan3A_489, %mul3A_569 : i32
      %add3A_571 = arith.constant 10 : i32
      %add3A_572 = arith.addi %mul3A_570, %add3A_571 : i32
      %mul3A_573 = arith.constant 16 : i32
      %mul3A_574 = arith.muli %add3A_572, %mul3A_573 : i32
      %swap3A_575 = arith.index_cast %mul3A_574 : i32 to index
      %swap3A_576 = tpu.vector_load %arg8[%swap3A_575] {strides = array<i32>} : memref<8192xf32, #tpu.memory_space<vmem>>, vector<16xf32>,
      tpu.vector_store %arg8[%swap3A_575], %broadcast_in_dim3A_18 {strides = array<i32>} : memref<8192xf32, #tpu.memory_space<vmem>>, vector<16xf32>,
      %mul3A_577 = arith.constant 16 : i32
      %mul3A_578 = arith.muli %scan3A_489, %mul3A_577 : i32
      %add3A_579 = arith.constant 11 : i32
      %add3A_580 = arith.addi %mul3A_578, %add3A_579 : i32
      %mul3A_581 = arith.constant 16 : i32
      %mul3A_582 = arith.muli %add3A_580, %mul3A_581 : i32
      %swap3A_583 = arith.index_cast %mul3A_582 : i32 to index
      %swap3A_584 = tpu.vector_load %arg8[%swap3A_583] {strides = array<i32>} : memref<8192xf32, #tpu.memory_space<vmem>>, vector<16xf32>,
      tpu.vector_store %arg8[%swap3A_583], %broadcast_in_dim3A_18 {strides = array<i32>} : memref<8192xf32, #tpu.memory_space<vmem>>, vector<16xf32>,
      %mul3A_585 = arith.constant 16 : i32
      %mul3A_586 = arith.muli %scan3A_489, %mul3A_585 : i32
      %add3A_587 = arith.constant 12 : i32
      %add3A_588 = arith.addi %mul3A_586, %add3A_587 : i32
      %mul3A_589 = arith.constant 16 : i32
      %mul3A_590 = arith.muli %add3A_588, %mul3A_589 : i32
      %swap3A_591 = arith.index_cast %mul3A_590 : i32 to index
      %swap3A_592 = tpu.vector_load %arg8[%swap3A_591] {strides = array<i32>} : memref<8192xf32, #tpu.memory_space<vmem>>, vector<16xf32>,
      tpu.vector_store %arg8[%swap3A_591], %broadcast_in_dim3A_18 {strides = array<i32>} : memref<8192xf32, #tpu.memory_space<vmem>>, vector<16xf32>,
      %mul3A_593 = arith.constant 16 : i32
      %mul3A_594 = arith.muli %scan3A_489, %mul3A_593 : i32
      %add3A_595 = arith.constant 13 : i32
      %add3A_596 = arith.addi %mul3A_594, %add3A_595 : i32
      %mul3A_597 = arith.constant 16 : i32
      %mul3A_598 = arith.muli %add3A_596, %mul3A_597 : i32
      %swap3A_599 = arith.index_cast %mul3A_598 : i32 to index
      %swap3A_600 = tpu.vector_load %arg8[%swap3A_599] {strides = array<i32>} : memref<8192xf32, #tpu.memory_space<vmem>>, vector<16xf32>,
      tpu.vector_store %arg8[%swap3A_599], %broadcast_in_dim3A_18 {strides = array<i32>} : memref<8192xf32, #tpu.memory_space<vmem>>, vector<16xf32>,
      %mul3A_601 = arith.constant 16 : i32
      %mul3A_602 = arith.muli %scan3A_489, %mul3A_601 : i32
      %add3A_603 = arith.constant 14 : i32
      %add3A_604 = arith.addi %mul3A_602, %add3A_603 : i32
      %mul3A_605 = arith.constant 16 : i32
      %mul3A_606 = arith.muli %add3A_604, %mul3A_605 : i32
      %swap3A_607 = arith.index_cast %mul3A_606 : i32 to index
      %swap3A_608 = tpu.vector_load %arg8[%swap3A_607] {strides = array<i32>} : memref<8192xf32, #tpu.memory_space<vmem>>, vector<16xf32>,
      tpu.vector_store %arg8[%swap3A_607], %broadcast_in_dim3A_18 {strides = array<i32>} : memref<8192xf32, #tpu.memory_space<vmem>>, vector<16xf32>,
      %mul3A_609 = arith.constant 16 : i32
      %mul3A_610 = arith.muli %scan3A_489, %mul3A_609 : i32
      %add3A_611 = arith.constant 15 : i32
      %add3A_612 = arith.addi %mul3A_610, %add3A_611 : i32
      %mul3A_613 = arith.constant 16 : i32
      %mul3A_614 = arith.muli %add3A_612, %mul3A_613 : i32
      %swap3A_615 = arith.index_cast %mul3A_614 : i32 to index
      %swap3A_616 = tpu.vector_load %arg8[%swap3A_615] {strides = array<i32>} : memref<8192xf32, #tpu.memory_space<vmem>>, vector<16xf32>,
      tpu.vector_store %arg8[%swap3A_615], %broadcast_in_dim3A_18 {strides = array<i32>} : memref<8192xf32, #tpu.memory_space<vmem>>, vector<16xf32>,
    }
    %scan3A_23 = arith.constant 32 : i32
    %iota3A = tpu.iota {dimensions = array<i32: 0>} : vector<16xi32>
    %broadcast_in_dim3A_24 = arith.constant 1.000000e+00 : f32
    %broadcast_in_dim3A_25 = vector.broadcast %broadcast_in_dim3A_24 : f32 to vector<16xf32>
    %get3A = arith.constant 0 : index
    %get3A_26 = tpu.vector_load %arg6[%get3A] {strides = array<i32>} : memref<144xi32, #tpu.memory_space<vmem>>, vector<16xi32>,
    %eq3A = arith.constant 0 : i32
    %eq3A_27 = vector.broadcast %eq3A : i32 to vector<16xi32>
    %eq3A_28 = arith.cmpi eq, %iota3A, %eq3A_27 : vector<16xi32>
    tpu.vector_store_idx %arg8[%get3A_26], %broadcast_in_dim3A_25 masked %eq3A_28 {add = true} : memref<8192xf32, #tpu.memory_space<vmem>>[vector<16xi32>], vector<16xf32>, vector<16xi1>
    %eq3A_29 = arith.constant 1 : i32
    %eq3A_30 = vector.broadcast %eq3A_29 : i32 to vector<16xi32>
    %eq3A_31 = arith.cmpi eq, %iota3A, %eq3A_30 : vector<16xi32>
    tpu.vector_store_idx %arg8[%get3A_26], %broadcast_in_dim3A_25 masked %eq3A_31 {add = true} : memref<8192xf32, #tpu.memory_space<vmem>>[vector<16xi32>], vector<16xf32>, vector<16xi1>
    %eq3A_32 = arith.constant 2 : i32
    %eq3A_33 = vector.broadcast %eq3A_32 : i32 to vector<16xi32>
    %eq3A_34 = arith.cmpi eq, %iota3A, %eq3A_33 : vector<16xi32>
    tpu.vector_store_idx %arg8[%get3A_26], %broadcast_in_dim3A_25 masked %eq3A_34 {add = true} : memref<8192xf32, #tpu.memory_space<vmem>>[vector<16xi32>], vector<16xf32>, vector<16xi1>
    %eq3A_35 = arith.constant 3 : i32
    %eq3A_36 = vector.broadcast %eq3A_35 : i32 to vector<16xi32>
    %eq3A_37 = arith.cmpi eq, %iota3A, %eq3A_36 : vector<16xi32>
    tpu.vector_store_idx %arg8[%get3A_26], %broadcast_in_dim3A_25 masked %eq3A_37 {add = true} : memref<8192xf32, #tpu.memory_space<vmem>>[vector<16xi32>], vector<16xf32>, vector<16xi1>
    %eq3A_38 = arith.constant 4 : i32
    %eq3A_39 = vector.broadcast %eq3A_38 : i32 to vector<16xi32>
    %eq3A_40 = arith.cmpi eq, %iota3A, %eq3A_39 : vector<16xi32>
    tpu.vector_store_idx %arg8[%get3A_26], %broadcast_in_dim3A_25 masked %eq3A_40 {add = true} : memref<8192xf32, #tpu.memory_space<vmem>>[vector<16xi32>], vector<16xf32>, vector<16xi1>
    %eq3A_41 = arith.constant 5 : i32
    %eq3A_42 = vector.broadcast %eq3A_41 : i32 to vector<16xi32>
    %eq3A_43 = arith.cmpi eq, %iota3A, %eq3A_42 : vector<16xi32>
    tpu.vector_store_idx %arg8[%get3A_26], %broadcast_in_dim3A_25 masked %eq3A_43 {add = true} : memref<8192xf32, #tpu.memory_space<vmem>>[vector<16xi32>], vector<16xf32>, vector<16xi1>
    %eq3A_44 = arith.constant 6 : i32
    %eq3A_45 = vector.broadcast %eq3A_44 : i32 to vector<16xi32>
    %eq3A_46 = arith.cmpi eq, %iota3A, %eq3A_45 : vector<16xi32>
    tpu.vector_store_idx %arg8[%get3A_26], %broadcast_in_dim3A_25 masked %eq3A_46 {add = true} : memref<8192xf32, #tpu.memory_space<vmem>>[vector<16xi32>], vector<16xf32>, vector<16xi1>
    %eq3A_47 = arith.constant 7 : i32
    %eq3A_48 = vector.broadcast %eq3A_47 : i32 to vector<16xi32>
    %eq3A_49 = arith.cmpi eq, %iota3A, %eq3A_48 : vector<16xi32>
    tpu.vector_store_idx %arg8[%get3A_26], %broadcast_in_dim3A_25 masked %eq3A_49 {add = true} : memref<8192xf32, #tpu.memory_space<vmem>>[vector<16xi32>], vector<16xf32>, vector<16xi1>
    %eq3A_50 = arith.constant 8 : i32
    %eq3A_51 = vector.broadcast %eq3A_50 : i32 to vector<16xi32>
    %eq3A_52 = arith.cmpi eq, %iota3A, %eq3A_51 : vector<16xi32>
    tpu.vector_store_idx %arg8[%get3A_26], %broadcast_in_dim3A_25 masked %eq3A_52 {add = true} : memref<8192xf32, #tpu.memory_space<vmem>>[vector<16xi32>], vector<16xf32>, vector<16xi1>
    %eq3A_53 = arith.constant 9 : i32
    %eq3A_54 = vector.broadcast %eq3A_53 : i32 to vector<16xi32>
    %eq3A_55 = arith.cmpi eq, %iota3A, %eq3A_54 : vector<16xi32>
    tpu.vector_store_idx %arg8[%get3A_26], %broadcast_in_dim3A_25 masked %eq3A_55 {add = true} : memref<8192xf32, #tpu.memory_space<vmem>>[vector<16xi32>], vector<16xf32>, vector<16xi1>
    %eq3A_56 = arith.constant 10 : i32
    %eq3A_57 = vector.broadcast %eq3A_56 : i32 to vector<16xi32>
    %eq3A_58 = arith.cmpi eq, %iota3A, %eq3A_57 : vector<16xi32>
    tpu.vector_store_idx %arg8[%get3A_26], %broadcast_in_dim3A_25 masked %eq3A_58 {add = true} : memref<8192xf32, #tpu.memory_space<vmem>>[vector<16xi32>], vector<16xf32>, vector<16xi1>
    %eq3A_59 = arith.constant 11 : i32
    %eq3A_60 = vector.broadcast %eq3A_59 : i32 to vector<16xi32>
    %eq3A_61 = arith.cmpi eq, %iota3A, %eq3A_60 : vector<16xi32>
    tpu.vector_store_idx %arg8[%get3A_26], %broadcast_in_dim3A_25 masked %eq3A_61 {add = true} : memref<8192xf32, #tpu.memory_space<vmem>>[vector<16xi32>], vector<16xf32>, vector<16xi1>
    %eq3A_62 = arith.constant 12 : i32
    %eq3A_63 = vector.broadcast %eq3A_62 : i32 to vector<16xi32>
    %eq3A_64 = arith.cmpi eq, %iota3A, %eq3A_63 : vector<16xi32>
    tpu.vector_store_idx %arg8[%get3A_26], %broadcast_in_dim3A_25 masked %eq3A_64 {add = true} : memref<8192xf32, #tpu.memory_space<vmem>>[vector<16xi32>], vector<16xf32>, vector<16xi1>
    %eq3A_65 = arith.constant 13 : i32
    %eq3A_66 = vector.broadcast %eq3A_65 : i32 to vector<16xi32>
    %eq3A_67 = arith.cmpi eq, %iota3A, %eq3A_66 : vector<16xi32>
    tpu.vector_store_idx %arg8[%get3A_26], %broadcast_in_dim3A_25 masked %eq3A_67 {add = true} : memref<8192xf32, #tpu.memory_space<vmem>>[vector<16xi32>], vector<16xf32>, vector<16xi1>
    %eq3A_68 = arith.constant 14 : i32
    %eq3A_69 = vector.broadcast %eq3A_68 : i32 to vector<16xi32>
    %eq3A_70 = arith.cmpi eq, %iota3A, %eq3A_69 : vector<16xi32>
    tpu.vector_store_idx %arg8[%get3A_26], %broadcast_in_dim3A_25 masked %eq3A_70 {add = true} : memref<8192xf32, #tpu.memory_space<vmem>>[vector<16xi32>], vector<16xf32>, vector<16xi1>
    %eq3A_71 = arith.constant 15 : i32
    %eq3A_72 = vector.broadcast %eq3A_71 : i32 to vector<16xi32>
    %eq3A_73 = arith.cmpi eq, %iota3A, %eq3A_72 : vector<16xi32>
    tpu.vector_store_idx %arg8[%get3A_26], %broadcast_in_dim3A_25 masked %eq3A_73 {add = true} : memref<8192xf32, #tpu.memory_space<vmem>>[vector<16xi32>], vector<16xf32>, vector<16xi1>
    %get3A_74 = arith.constant 16 : index
    %get3A_75 = tpu.vector_load %arg6[%get3A_74] {strides = array<i32>} : memref<144xi32, #tpu.memory_space<vmem>>, vector<16xi32>,
    %eq3A_76 = arith.constant 0 : i32
    %eq3A_77 = vector.broadcast %eq3A_76 : i32 to vector<16xi32>
    %eq3A_78 = arith.cmpi eq, %iota3A, %eq3A_77 : vector<16xi32>
    tpu.vector_store_idx %arg8[%get3A_75], %broadcast_in_dim3A_25 masked %eq3A_78 {add = true} : memref<8192xf32, #tpu.memory_space<vmem>>[vector<16xi32>], vector<16xf32>, vector<16xi1>
    %eq3A_79 = arith.constant 1 : i32
    %eq3A_80 = vector.broadcast %eq3A_79 : i32 to vector<16xi32>
    %eq3A_81 = arith.cmpi eq, %iota3A, %eq3A_80 : vector<16xi32>
    tpu.vector_store_idx %arg8[%get3A_75], %broadcast_in_dim3A_25 masked %eq3A_81 {add = true} : memref<8192xf32, #tpu.memory_space<vmem>>[vector<16xi32>], vector<16xf32>, vector<16xi1>
    %eq3A_82 = arith.constant 2 : i32
    %eq3A_83 = vector.broadcast %eq3A_82 : i32 to vector<16xi32>
    %eq3A_84 = arith.cmpi eq, %iota3A, %eq3A_83 : vector<16xi32>
    tpu.vector_store_idx %arg8[%get3A_75], %broadcast_in_dim3A_25 masked %eq3A_84 {add = true} : memref<8192xf32, #tpu.memory_space<vmem>>[vector<16xi32>], vector<16xf32>, vector<16xi1>
    %eq3A_85 = arith.constant 3 : i32
    %eq3A_86 = vector.broadcast %eq3A_85 : i32 to vector<16xi32>
    %eq3A_87 = arith.cmpi eq, %iota3A, %eq3A_86 : vector<16xi32>
    tpu.vector_store_idx %arg8[%get3A_75], %broadcast_in_dim3A_25 masked %eq3A_87 {add = true} : memref<8192xf32, #tpu.memory_space<vmem>>[vector<16xi32>], vector<16xf32>, vector<16xi1>
    %eq3A_88 = arith.constant 4 : i32
    %eq3A_89 = vector.broadcast %eq3A_88 : i32 to vector<16xi32>
    %eq3A_90 = arith.cmpi eq, %iota3A, %eq3A_89 : vector<16xi32>
    tpu.vector_store_idx %arg8[%get3A_75], %broadcast_in_dim3A_25 masked %eq3A_90 {add = true} : memref<8192xf32, #tpu.memory_space<vmem>>[vector<16xi32>], vector<16xf32>, vector<16xi1>
    %eq3A_91 = arith.constant 5 : i32
    %eq3A_92 = vector.broadcast %eq3A_91 : i32 to vector<16xi32>
    %eq3A_93 = arith.cmpi eq, %iota3A, %eq3A_92 : vector<16xi32>
    tpu.vector_store_idx %arg8[%get3A_75], %broadcast_in_dim3A_25 masked %eq3A_93 {add = true} : memref<8192xf32, #tpu.memory_space<vmem>>[vector<16xi32>], vector<16xf32>, vector<16xi1>
    %eq3A_94 = arith.constant 6 : i32
    %eq3A_95 = vector.broadcast %eq3A_94 : i32 to vector<16xi32>
    %eq3A_96 = arith.cmpi eq, %iota3A, %eq3A_95 : vector<16xi32>
    tpu.vector_store_idx %arg8[%get3A_75], %broadcast_in_dim3A_25 masked %eq3A_96 {add = true} : memref<8192xf32, #tpu.memory_space<vmem>>[vector<16xi32>], vector<16xf32>, vector<16xi1>
    %eq3A_97 = arith.constant 7 : i32
    %eq3A_98 = vector.broadcast %eq3A_97 : i32 to vector<16xi32>
    %eq3A_99 = arith.cmpi eq, %iota3A, %eq3A_98 : vector<16xi32>
    tpu.vector_store_idx %arg8[%get3A_75], %broadcast_in_dim3A_25 masked %eq3A_99 {add = true} : memref<8192xf32, #tpu.memory_space<vmem>>[vector<16xi32>], vector<16xf32>, vector<16xi1>
    %eq3A_100 = arith.constant 8 : i32
    %eq3A_101 = vector.broadcast %eq3A_100 : i32 to vector<16xi32>
    %eq3A_102 = arith.cmpi eq, %iota3A, %eq3A_101 : vector<16xi32>
    tpu.vector_store_idx %arg8[%get3A_75], %broadcast_in_dim3A_25 masked %eq3A_102 {add = true} : memref<8192xf32, #tpu.memory_space<vmem>>[vector<16xi32>], vector<16xf32>, vector<16xi1>
    %eq3A_103 = arith.constant 9 : i32
    %eq3A_104 = vector.broadcast %eq3A_103 : i32 to vector<16xi32>
    %eq3A_105 = arith.cmpi eq, %iota3A, %eq3A_104 : vector<16xi32>
    tpu.vector_store_idx %arg8[%get3A_75], %broadcast_in_dim3A_25 masked %eq3A_105 {add = true} : memref<8192xf32, #tpu.memory_space<vmem>>[vector<16xi32>], vector<16xf32>, vector<16xi1>
    %eq3A_106 = arith.constant 10 : i32
    %eq3A_107 = vector.broadcast %eq3A_106 : i32 to vector<16xi32>
    %eq3A_108 = arith.cmpi eq, %iota3A, %eq3A_107 : vector<16xi32>
    tpu.vector_store_idx %arg8[%get3A_75], %broadcast_in_dim3A_25 masked %eq3A_108 {add = true} : memref<8192xf32, #tpu.memory_space<vmem>>[vector<16xi32>], vector<16xf32>, vector<16xi1>
    %eq3A_109 = arith.constant 11 : i32
    %eq3A_110 = vector.broadcast %eq3A_109 : i32 to vector<16xi32>
    %eq3A_111 = arith.cmpi eq, %iota3A, %eq3A_110 : vector<16xi32>
    tpu.vector_store_idx %arg8[%get3A_75], %broadcast_in_dim3A_25 masked %eq3A_111 {add = true} : memref<8192xf32, #tpu.memory_space<vmem>>[vector<16xi32>], vector<16xf32>, vector<16xi1>
    %eq3A_112 = arith.constant 12 : i32
    %eq3A_113 = vector.broadcast %eq3A_112 : i32 to vector<16xi32>
    %eq3A_114 = arith.cmpi eq, %iota3A, %eq3A_113 : vector<16xi32>
    tpu.vector_store_idx %arg8[%get3A_75], %broadcast_in_dim3A_25 masked %eq3A_114 {add = true} : memref<8192xf32, #tpu.memory_space<vmem>>[vector<16xi32>], vector<16xf32>, vector<16xi1>
    %eq3A_115 = arith.constant 13 : i32
    %eq3A_116 = vector.broadcast %eq3A_115 : i32 to vector<16xi32>
    %eq3A_117 = arith.cmpi eq, %iota3A, %eq3A_116 : vector<16xi32>
    tpu.vector_store_idx %arg8[%get3A_75], %broadcast_in_dim3A_25 masked %eq3A_117 {add = true} : memref<8192xf32, #tpu.memory_space<vmem>>[vector<16xi32>], vector<16xf32>, vector<16xi1>
    %eq3A_118 = arith.constant 14 : i32
    %eq3A_119 = vector.broadcast %eq3A_118 : i32 to vector<16xi32>
    %eq3A_120 = arith.cmpi eq, %iota3A, %eq3A_119 : vector<16xi32>
    tpu.vector_store_idx %arg8[%get3A_75], %broadcast_in_dim3A_25 masked %eq3A_120 {add = true} : memref<8192xf32, #tpu.memory_space<vmem>>[vector<16xi32>], vector<16xf32>, vector<16xi1>
    %eq3A_121 = arith.constant 15 : i32
    %eq3A_122 = vector.broadcast %eq3A_121 : i32 to vector<16xi32>
    %eq3A_123 = arith.cmpi eq, %iota3A, %eq3A_122 : vector<16xi32>
    tpu.vector_store_idx %arg8[%get3A_75], %broadcast_in_dim3A_25 masked %eq3A_123 {add = true} : memref<8192xf32, #tpu.memory_space<vmem>>[vector<16xi32>], vector<16xf32>, vector<16xi1>
    %get3A_124 = arith.constant 32 : index
    %get3A_125 = tpu.vector_load %arg6[%get3A_124] {strides = array<i32>} : memref<144xi32, #tpu.memory_space<vmem>>, vector<16xi32>,
    %eq3A_126 = arith.constant 0 : i32
    %eq3A_127 = vector.broadcast %eq3A_126 : i32 to vector<16xi32>
    %eq3A_128 = arith.cmpi eq, %iota3A, %eq3A_127 : vector<16xi32>
    tpu.vector_store_idx %arg8[%get3A_125], %broadcast_in_dim3A_25 masked %eq3A_128 {add = true} : memref<8192xf32, #tpu.memory_space<vmem>>[vector<16xi32>], vector<16xf32>, vector<16xi1>
    %eq3A_129 = arith.constant 1 : i32
    %eq3A_130 = vector.broadcast %eq3A_129 : i32 to vector<16xi32>
    %eq3A_131 = arith.cmpi eq, %iota3A, %eq3A_130 : vector<16xi32>
    tpu.vector_store_idx %arg8[%get3A_125], %broadcast_in_dim3A_25 masked %eq3A_131 {add = true} : memref<8192xf32, #tpu.memory_space<vmem>>[vector<16xi32>], vector<16xf32>, vector<16xi1>
    %eq3A_132 = arith.constant 2 : i32
    %eq3A_133 = vector.broadcast %eq3A_132 : i32 to vector<16xi32>
    %eq3A_134 = arith.cmpi eq, %iota3A, %eq3A_133 : vector<16xi32>
    tpu.vector_store_idx %arg8[%get3A_125], %broadcast_in_dim3A_25 masked %eq3A_134 {add = true} : memref<8192xf32, #tpu.memory_space<vmem>>[vector<16xi32>], vector<16xf32>, vector<16xi1>
    %eq3A_135 = arith.constant 3 : i32
    %eq3A_136 = vector.broadcast %eq3A_135 : i32 to vector<16xi32>
    %eq3A_137 = arith.cmpi eq, %iota3A, %eq3A_136 : vector<16xi32>
    tpu.vector_store_idx %arg8[%get3A_125], %broadcast_in_dim3A_25 masked %eq3A_137 {add = true} : memref<8192xf32, #tpu.memory_space<vmem>>[vector<16xi32>], vector<16xf32>, vector<16xi1>
    %eq3A_138 = arith.constant 4 : i32
    %eq3A_139 = vector.broadcast %eq3A_138 : i32 to vector<16xi32>
    %eq3A_140 = arith.cmpi eq, %iota3A, %eq3A_139 : vector<16xi32>
    tpu.vector_store_idx %arg8[%get3A_125], %broadcast_in_dim3A_25 masked %eq3A_140 {add = true} : memref<8192xf32, #tpu.memory_space<vmem>>[vector<16xi32>], vector<16xf32>, vector<16xi1>
    %eq3A_141 = arith.constant 5 : i32
    %eq3A_142 = vector.broadcast %eq3A_141 : i32 to vector<16xi32>
    %eq3A_143 = arith.cmpi eq, %iota3A, %eq3A_142 : vector<16xi32>
    tpu.vector_store_idx %arg8[%get3A_125], %broadcast_in_dim3A_25 masked %eq3A_143 {add = true} : memref<8192xf32, #tpu.memory_space<vmem>>[vector<16xi32>], vector<16xf32>, vector<16xi1>
    %eq3A_144 = arith.constant 6 : i32
    %eq3A_145 = vector.broadcast %eq3A_144 : i32 to vector<16xi32>
    %eq3A_146 = arith.cmpi eq, %iota3A, %eq3A_145 : vector<16xi32>
    tpu.vector_store_idx %arg8[%get3A_125], %broadcast_in_dim3A_25 masked %eq3A_146 {add = true} : memref<8192xf32, #tpu.memory_space<vmem>>[vector<16xi32>], vector<16xf32>, vector<16xi1>
    %eq3A_147 = arith.constant 7 : i32
    %eq3A_148 = vector.broadcast %eq3A_147 : i32 to vector<16xi32>
    %eq3A_149 = arith.cmpi eq, %iota3A, %eq3A_148 : vector<16xi32>
    tpu.vector_store_idx %arg8[%get3A_125], %broadcast_in_dim3A_25 masked %eq3A_149 {add = true} : memref<8192xf32, #tpu.memory_space<vmem>>[vector<16xi32>], vector<16xf32>, vector<16xi1>
    %eq3A_150 = arith.constant 8 : i32
    %eq3A_151 = vector.broadcast %eq3A_150 : i32 to vector<16xi32>
    %eq3A_152 = arith.cmpi eq, %iota3A, %eq3A_151 : vector<16xi32>
    tpu.vector_store_idx %arg8[%get3A_125], %broadcast_in_dim3A_25 masked %eq3A_152 {add = true} : memref<8192xf32, #tpu.memory_space<vmem>>[vector<16xi32>], vector<16xf32>, vector<16xi1>
    %eq3A_153 = arith.constant 9 : i32
    %eq3A_154 = vector.broadcast %eq3A_153 : i32 to vector<16xi32>
    %eq3A_155 = arith.cmpi eq, %iota3A, %eq3A_154 : vector<16xi32>
    tpu.vector_store_idx %arg8[%get3A_125], %broadcast_in_dim3A_25 masked %eq3A_155 {add = true} : memref<8192xf32, #tpu.memory_space<vmem>>[vector<16xi32>], vector<16xf32>, vector<16xi1>
    %eq3A_156 = arith.constant 10 : i32
    %eq3A_157 = vector.broadcast %eq3A_156 : i32 to vector<16xi32>
    %eq3A_158 = arith.cmpi eq, %iota3A, %eq3A_157 : vector<16xi32>
    tpu.vector_store_idx %arg8[%get3A_125], %broadcast_in_dim3A_25 masked %eq3A_158 {add = true} : memref<8192xf32, #tpu.memory_space<vmem>>[vector<16xi32>], vector<16xf32>, vector<16xi1>
    %eq3A_159 = arith.constant 11 : i32
    %eq3A_160 = vector.broadcast %eq3A_159 : i32 to vector<16xi32>
    %eq3A_161 = arith.cmpi eq, %iota3A, %eq3A_160 : vector<16xi32>
    tpu.vector_store_idx %arg8[%get3A_125], %broadcast_in_dim3A_25 masked %eq3A_161 {add = true} : memref<8192xf32, #tpu.memory_space<vmem>>[vector<16xi32>], vector<16xf32>, vector<16xi1>
    %eq3A_162 = arith.constant 12 : i32
    %eq3A_163 = vector.broadcast %eq3A_162 : i32 to vector<16xi32>
    %eq3A_164 = arith.cmpi eq, %iota3A, %eq3A_163 : vector<16xi32>
    tpu.vector_store_idx %arg8[%get3A_125], %broadcast_in_dim3A_25 masked %eq3A_164 {add = true} : memref<8192xf32, #tpu.memory_space<vmem>>[vector<16xi32>], vector<16xf32>, vector<16xi1>
    %eq3A_165 = arith.constant 13 : i32
    %eq3A_166 = vector.broadcast %eq3A_165 : i32 to vector<16xi32>
    %eq3A_167 = arith.cmpi eq, %iota3A, %eq3A_166 : vector<16xi32>
    tpu.vector_store_idx %arg8[%get3A_125], %broadcast_in_dim3A_25 masked %eq3A_167 {add = true} : memref<8192xf32, #tpu.memory_space<vmem>>[vector<16xi32>], vector<16xf32>, vector<16xi1>
    %eq3A_168 = arith.constant 14 : i32
    %eq3A_169 = vector.broadcast %eq3A_168 : i32 to vector<16xi32>
    %eq3A_170 = arith.cmpi eq, %iota3A, %eq3A_169 : vector<16xi32>
    tpu.vector_store_idx %arg8[%get3A_125], %broadcast_in_dim3A_25 masked %eq3A_170 {add = true} : memref<8192xf32, #tpu.memory_space<vmem>>[vector<16xi32>], vector<16xf32>, vector<16xi1>
    %eq3A_171 = arith.constant 15 : i32
    %eq3A_172 = vector.broadcast %eq3A_171 : i32 to vector<16xi32>
    %eq3A_173 = arith.cmpi eq, %iota3A, %eq3A_172 : vector<16xi32>
    tpu.vector_store_idx %arg8[%get3A_125], %broadcast_in_dim3A_25 masked %eq3A_173 {add = true} : memref<8192xf32, #tpu.memory_space<vmem>>[vector<16xi32>], vector<16xf32>, vector<16xi1>
    %get3A_174 = arith.constant 48 : index
    %get3A_175 = tpu.vector_load %arg6[%get3A_174] {strides = array<i32>} : memref<144xi32, #tpu.memory_space<vmem>>, vector<16xi32>,
    %eq3A_176 = arith.constant 0 : i32
    %eq3A_177 = vector.broadcast %eq3A_176 : i32 to vector<16xi32>
    %eq3A_178 = arith.cmpi eq, %iota3A, %eq3A_177 : vector<16xi32>
    tpu.vector_store_idx %arg8[%get3A_175], %broadcast_in_dim3A_25 masked %eq3A_178 {add = true} : memref<8192xf32, #tpu.memory_space<vmem>>[vector<16xi32>], vector<16xf32>, vector<16xi1>
    %eq3A_179 = arith.constant 1 : i32
    %eq3A_180 = vector.broadcast %eq3A_179 : i32 to vector<16xi32>
    %eq3A_181 = arith.cmpi eq, %iota3A, %eq3A_180 : vector<16xi32>
    tpu.vector_store_idx %arg8[%get3A_175], %broadcast_in_dim3A_25 masked %eq3A_181 {add = true} : memref<8192xf32, #tpu.memory_space<vmem>>[vector<16xi32>], vector<16xf32>, vector<16xi1>
    %eq3A_182 = arith.constant 2 : i32
    %eq3A_183 = vector.broadcast %eq3A_182 : i32 to vector<16xi32>
    %eq3A_184 = arith.cmpi eq, %iota3A, %eq3A_183 : vector<16xi32>
    tpu.vector_store_idx %arg8[%get3A_175], %broadcast_in_dim3A_25 masked %eq3A_184 {add = true} : memref<8192xf32, #tpu.memory_space<vmem>>[vector<16xi32>], vector<16xf32>, vector<16xi1>
    %eq3A_185 = arith.constant 3 : i32
    %eq3A_186 = vector.broadcast %eq3A_185 : i32 to vector<16xi32>
    %eq3A_187 = arith.cmpi eq, %iota3A, %eq3A_186 : vector<16xi32>
    tpu.vector_store_idx %arg8[%get3A_175], %broadcast_in_dim3A_25 masked %eq3A_187 {add = true} : memref<8192xf32, #tpu.memory_space<vmem>>[vector<16xi32>], vector<16xf32>, vector<16xi1>
    %eq3A_188 = arith.constant 4 : i32
    %eq3A_189 = vector.broadcast %eq3A_188 : i32 to vector<16xi32>
    %eq3A_190 = arith.cmpi eq, %iota3A, %eq3A_189 : vector<16xi32>
    tpu.vector_store_idx %arg8[%get3A_175], %broadcast_in_dim3A_25 masked %eq3A_190 {add = true} : memref<8192xf32, #tpu.memory_space<vmem>>[vector<16xi32>], vector<16xf32>, vector<16xi1>
    %eq3A_191 = arith.constant 5 : i32
    %eq3A_192 = vector.broadcast %eq3A_191 : i32 to vector<16xi32>
    %eq3A_193 = arith.cmpi eq, %iota3A, %eq3A_192 : vector<16xi32>
    tpu.vector_store_idx %arg8[%get3A_175], %broadcast_in_dim3A_25 masked %eq3A_193 {add = true} : memref<8192xf32, #tpu.memory_space<vmem>>[vector<16xi32>], vector<16xf32>, vector<16xi1>
    %eq3A_194 = arith.constant 6 : i32
    %eq3A_195 = vector.broadcast %eq3A_194 : i32 to vector<16xi32>
    %eq3A_196 = arith.cmpi eq, %iota3A, %eq3A_195 : vector<16xi32>
    tpu.vector_store_idx %arg8[%get3A_175], %broadcast_in_dim3A_25 masked %eq3A_196 {add = true} : memref<8192xf32, #tpu.memory_space<vmem>>[vector<16xi32>], vector<16xf32>, vector<16xi1>
    %eq3A_197 = arith.constant 7 : i32
    %eq3A_198 = vector.broadcast %eq3A_197 : i32 to vector<16xi32>
    %eq3A_199 = arith.cmpi eq, %iota3A, %eq3A_198 : vector<16xi32>
    tpu.vector_store_idx %arg8[%get3A_175], %broadcast_in_dim3A_25 masked %eq3A_199 {add = true} : memref<8192xf32, #tpu.memory_space<vmem>>[vector<16xi32>], vector<16xf32>, vector<16xi1>
    %eq3A_200 = arith.constant 8 : i32
    %eq3A_201 = vector.broadcast %eq3A_200 : i32 to vector<16xi32>
    %eq3A_202 = arith.cmpi eq, %iota3A, %eq3A_201 : vector<16xi32>
    tpu.vector_store_idx %arg8[%get3A_175], %broadcast_in_dim3A_25 masked %eq3A_202 {add = true} : memref<8192xf32, #tpu.memory_space<vmem>>[vector<16xi32>], vector<16xf32>, vector<16xi1>
    %eq3A_203 = arith.constant 9 : i32
    %eq3A_204 = vector.broadcast %eq3A_203 : i32 to vector<16xi32>
    %eq3A_205 = arith.cmpi eq, %iota3A, %eq3A_204 : vector<16xi32>
    tpu.vector_store_idx %arg8[%get3A_175], %broadcast_in_dim3A_25 masked %eq3A_205 {add = true} : memref<8192xf32, #tpu.memory_space<vmem>>[vector<16xi32>], vector<16xf32>, vector<16xi1>
    %eq3A_206 = arith.constant 10 : i32
    %eq3A_207 = vector.broadcast %eq3A_206 : i32 to vector<16xi32>
    %eq3A_208 = arith.cmpi eq, %iota3A, %eq3A_207 : vector<16xi32>
    tpu.vector_store_idx %arg8[%get3A_175], %broadcast_in_dim3A_25 masked %eq3A_208 {add = true} : memref<8192xf32, #tpu.memory_space<vmem>>[vector<16xi32>], vector<16xf32>, vector<16xi1>
    %eq3A_209 = arith.constant 11 : i32
    %eq3A_210 = vector.broadcast %eq3A_209 : i32 to vector<16xi32>
    %eq3A_211 = arith.cmpi eq, %iota3A, %eq3A_210 : vector<16xi32>
    tpu.vector_store_idx %arg8[%get3A_175], %broadcast_in_dim3A_25 masked %eq3A_211 {add = true} : memref<8192xf32, #tpu.memory_space<vmem>>[vector<16xi32>], vector<16xf32>, vector<16xi1>
    %eq3A_212 = arith.constant 12 : i32
    %eq3A_213 = vector.broadcast %eq3A_212 : i32 to vector<16xi32>
    %eq3A_214 = arith.cmpi eq, %iota3A, %eq3A_213 : vector<16xi32>
    tpu.vector_store_idx %arg8[%get3A_175], %broadcast_in_dim3A_25 masked %eq3A_214 {add = true} : memref<8192xf32, #tpu.memory_space<vmem>>[vector<16xi32>], vector<16xf32>, vector<16xi1>
    %eq3A_215 = arith.constant 13 : i32
    %eq3A_216 = vector.broadcast %eq3A_215 : i32 to vector<16xi32>
    %eq3A_217 = arith.cmpi eq, %iota3A, %eq3A_216 : vector<16xi32>
    tpu.vector_store_idx %arg8[%get3A_175], %broadcast_in_dim3A_25 masked %eq3A_217 {add = true} : memref<8192xf32, #tpu.memory_space<vmem>>[vector<16xi32>], vector<16xf32>, vector<16xi1>
    %eq3A_218 = arith.constant 14 : i32
    %eq3A_219 = vector.broadcast %eq3A_218 : i32 to vector<16xi32>
    %eq3A_220 = arith.cmpi eq, %iota3A, %eq3A_219 : vector<16xi32>
    tpu.vector_store_idx %arg8[%get3A_175], %broadcast_in_dim3A_25 masked %eq3A_220 {add = true} : memref<8192xf32, #tpu.memory_space<vmem>>[vector<16xi32>], vector<16xf32>, vector<16xi1>
    %eq3A_221 = arith.constant 15 : i32
    %eq3A_222 = vector.broadcast %eq3A_221 : i32 to vector<16xi32>
    %eq3A_223 = arith.cmpi eq, %iota3A, %eq3A_222 : vector<16xi32>
    tpu.vector_store_idx %arg8[%get3A_175], %broadcast_in_dim3A_25 masked %eq3A_223 {add = true} : memref<8192xf32, #tpu.memory_space<vmem>>[vector<16xi32>], vector<16xf32>, vector<16xi1>
    %get3A_224 = arith.constant 64 : index
    %get3A_225 = tpu.vector_load %arg6[%get3A_224] {strides = array<i32>} : memref<144xi32, #tpu.memory_space<vmem>>, vector<16xi32>,
    %eq3A_226 = arith.constant 0 : i32
    %eq3A_227 = vector.broadcast %eq3A_226 : i32 to vector<16xi32>
    %eq3A_228 = arith.cmpi eq, %iota3A, %eq3A_227 : vector<16xi32>
    tpu.vector_store_idx %arg8[%get3A_225], %broadcast_in_dim3A_25 masked %eq3A_228 {add = true} : memref<8192xf32, #tpu.memory_space<vmem>>[vector<16xi32>], vector<16xf32>, vector<16xi1>
    %eq3A_229 = arith.constant 1 : i32
    %eq3A_230 = vector.broadcast %eq3A_229 : i32 to vector<16xi32>
    %eq3A_231 = arith.cmpi eq, %iota3A, %eq3A_230 : vector<16xi32>
    tpu.vector_store_idx %arg8[%get3A_225], %broadcast_in_dim3A_25 masked %eq3A_231 {add = true} : memref<8192xf32, #tpu.memory_space<vmem>>[vector<16xi32>], vector<16xf32>, vector<16xi1>
    %eq3A_232 = arith.constant 2 : i32
    %eq3A_233 = vector.broadcast %eq3A_232 : i32 to vector<16xi32>
    %eq3A_234 = arith.cmpi eq, %iota3A, %eq3A_233 : vector<16xi32>
    tpu.vector_store_idx %arg8[%get3A_225], %broadcast_in_dim3A_25 masked %eq3A_234 {add = true} : memref<8192xf32, #tpu.memory_space<vmem>>[vector<16xi32>], vector<16xf32>, vector<16xi1>
    %eq3A_235 = arith.constant 3 : i32
    %eq3A_236 = vector.broadcast %eq3A_235 : i32 to vector<16xi32>
    %eq3A_237 = arith.cmpi eq, %iota3A, %eq3A_236 : vector<16xi32>
    tpu.vector_store_idx %arg8[%get3A_225], %broadcast_in_dim3A_25 masked %eq3A_237 {add = true} : memref<8192xf32, #tpu.memory_space<vmem>>[vector<16xi32>], vector<16xf32>, vector<16xi1>
    %eq3A_238 = arith.constant 4 : i32
    %eq3A_239 = vector.broadcast %eq3A_238 : i32 to vector<16xi32>
    %eq3A_240 = arith.cmpi eq, %iota3A, %eq3A_239 : vector<16xi32>
    tpu.vector_store_idx %arg8[%get3A_225], %broadcast_in_dim3A_25 masked %eq3A_240 {add = true} : memref<8192xf32, #tpu.memory_space<vmem>>[vector<16xi32>], vector<16xf32>, vector<16xi1>
    %eq3A_241 = arith.constant 5 : i32
    %eq3A_242 = vector.broadcast %eq3A_241 : i32 to vector<16xi32>
    %eq3A_243 = arith.cmpi eq, %iota3A, %eq3A_242 : vector<16xi32>
    tpu.vector_store_idx %arg8[%get3A_225], %broadcast_in_dim3A_25 masked %eq3A_243 {add = true} : memref<8192xf32, #tpu.memory_space<vmem>>[vector<16xi32>], vector<16xf32>, vector<16xi1>
    %eq3A_244 = arith.constant 6 : i32
    %eq3A_245 = vector.broadcast %eq3A_244 : i32 to vector<16xi32>
    %eq3A_246 = arith.cmpi eq, %iota3A, %eq3A_245 : vector<16xi32>
    tpu.vector_store_idx %arg8[%get3A_225], %broadcast_in_dim3A_25 masked %eq3A_246 {add = true} : memref<8192xf32, #tpu.memory_space<vmem>>[vector<16xi32>], vector<16xf32>, vector<16xi1>
    %eq3A_247 = arith.constant 7 : i32
    %eq3A_248 = vector.broadcast %eq3A_247 : i32 to vector<16xi32>
    %eq3A_249 = arith.cmpi eq, %iota3A, %eq3A_248 : vector<16xi32>
    tpu.vector_store_idx %arg8[%get3A_225], %broadcast_in_dim3A_25 masked %eq3A_249 {add = true} : memref<8192xf32, #tpu.memory_space<vmem>>[vector<16xi32>], vector<16xf32>, vector<16xi1>
    %eq3A_250 = arith.constant 8 : i32
    %eq3A_251 = vector.broadcast %eq3A_250 : i32 to vector<16xi32>
    %eq3A_252 = arith.cmpi eq, %iota3A, %eq3A_251 : vector<16xi32>
    tpu.vector_store_idx %arg8[%get3A_225], %broadcast_in_dim3A_25 masked %eq3A_252 {add = true} : memref<8192xf32, #tpu.memory_space<vmem>>[vector<16xi32>], vector<16xf32>, vector<16xi1>
    %eq3A_253 = arith.constant 9 : i32
    %eq3A_254 = vector.broadcast %eq3A_253 : i32 to vector<16xi32>
    %eq3A_255 = arith.cmpi eq, %iota3A, %eq3A_254 : vector<16xi32>
    tpu.vector_store_idx %arg8[%get3A_225], %broadcast_in_dim3A_25 masked %eq3A_255 {add = true} : memref<8192xf32, #tpu.memory_space<vmem>>[vector<16xi32>], vector<16xf32>, vector<16xi1>
    %eq3A_256 = arith.constant 10 : i32
    %eq3A_257 = vector.broadcast %eq3A_256 : i32 to vector<16xi32>
    %eq3A_258 = arith.cmpi eq, %iota3A, %eq3A_257 : vector<16xi32>
    tpu.vector_store_idx %arg8[%get3A_225], %broadcast_in_dim3A_25 masked %eq3A_258 {add = true} : memref<8192xf32, #tpu.memory_space<vmem>>[vector<16xi32>], vector<16xf32>, vector<16xi1>
    %eq3A_259 = arith.constant 11 : i32
    %eq3A_260 = vector.broadcast %eq3A_259 : i32 to vector<16xi32>
    %eq3A_261 = arith.cmpi eq, %iota3A, %eq3A_260 : vector<16xi32>
    tpu.vector_store_idx %arg8[%get3A_225], %broadcast_in_dim3A_25 masked %eq3A_261 {add = true} : memref<8192xf32, #tpu.memory_space<vmem>>[vector<16xi32>], vector<16xf32>, vector<16xi1>
    %eq3A_262 = arith.constant 12 : i32
    %eq3A_263 = vector.broadcast %eq3A_262 : i32 to vector<16xi32>
    %eq3A_264 = arith.cmpi eq, %iota3A, %eq3A_263 : vector<16xi32>
    tpu.vector_store_idx %arg8[%get3A_225], %broadcast_in_dim3A_25 masked %eq3A_264 {add = true} : memref<8192xf32, #tpu.memory_space<vmem>>[vector<16xi32>], vector<16xf32>, vector<16xi1>
    %eq3A_265 = arith.constant 13 : i32
    %eq3A_266 = vector.broadcast %eq3A_265 : i32 to vector<16xi32>
    %eq3A_267 = arith.cmpi eq, %iota3A, %eq3A_266 : vector<16xi32>
    tpu.vector_store_idx %arg8[%get3A_225], %broadcast_in_dim3A_25 masked %eq3A_267 {add = true} : memref<8192xf32, #tpu.memory_space<vmem>>[vector<16xi32>], vector<16xf32>, vector<16xi1>
    %eq3A_268 = arith.constant 14 : i32
    %eq3A_269 = vector.broadcast %eq3A_268 : i32 to vector<16xi32>
    %eq3A_270 = arith.cmpi eq, %iota3A, %eq3A_269 : vector<16xi32>
    tpu.vector_store_idx %arg8[%get3A_225], %broadcast_in_dim3A_25 masked %eq3A_270 {add = true} : memref<8192xf32, #tpu.memory_space<vmem>>[vector<16xi32>], vector<16xf32>, vector<16xi1>
    %eq3A_271 = arith.constant 15 : i32
    %eq3A_272 = vector.broadcast %eq3A_271 : i32 to vector<16xi32>
    %eq3A_273 = arith.cmpi eq, %iota3A, %eq3A_272 : vector<16xi32>
    tpu.vector_store_idx %arg8[%get3A_225], %broadcast_in_dim3A_25 masked %eq3A_273 {add = true} : memref<8192xf32, #tpu.memory_space<vmem>>[vector<16xi32>], vector<16xf32>, vector<16xi1>
    %get3A_274 = arith.constant 80 : index
    %get3A_275 = tpu.vector_load %arg6[%get3A_274] {strides = array<i32>} : memref<144xi32, #tpu.memory_space<vmem>>, vector<16xi32>,
    %eq3A_276 = arith.constant 0 : i32
    %eq3A_277 = vector.broadcast %eq3A_276 : i32 to vector<16xi32>
    %eq3A_278 = arith.cmpi eq, %iota3A, %eq3A_277 : vector<16xi32>
    tpu.vector_store_idx %arg8[%get3A_275], %broadcast_in_dim3A_25 masked %eq3A_278 {add = true} : memref<8192xf32, #tpu.memory_space<vmem>>[vector<16xi32>], vector<16xf32>, vector<16xi1>
    %eq3A_279 = arith.constant 1 : i32
    %eq3A_280 = vector.broadcast %eq3A_279 : i32 to vector<16xi32>
    %eq3A_281 = arith.cmpi eq, %iota3A, %eq3A_280 : vector<16xi32>
    tpu.vector_store_idx %arg8[%get3A_275], %broadcast_in_dim3A_25 masked %eq3A_281 {add = true} : memref<8192xf32, #tpu.memory_space<vmem>>[vector<16xi32>], vector<16xf32>, vector<16xi1>
    %eq3A_282 = arith.constant 2 : i32
    %eq3A_283 = vector.broadcast %eq3A_282 : i32 to vector<16xi32>
    %eq3A_284 = arith.cmpi eq, %iota3A, %eq3A_283 : vector<16xi32>
    tpu.vector_store_idx %arg8[%get3A_275], %broadcast_in_dim3A_25 masked %eq3A_284 {add = true} : memref<8192xf32, #tpu.memory_space<vmem>>[vector<16xi32>], vector<16xf32>, vector<16xi1>
    %eq3A_285 = arith.constant 3 : i32
    %eq3A_286 = vector.broadcast %eq3A_285 : i32 to vector<16xi32>
    %eq3A_287 = arith.cmpi eq, %iota3A, %eq3A_286 : vector<16xi32>
    tpu.vector_store_idx %arg8[%get3A_275], %broadcast_in_dim3A_25 masked %eq3A_287 {add = true} : memref<8192xf32, #tpu.memory_space<vmem>>[vector<16xi32>], vector<16xf32>, vector<16xi1>
    %eq3A_288 = arith.constant 4 : i32
    %eq3A_289 = vector.broadcast %eq3A_288 : i32 to vector<16xi32>
    %eq3A_290 = arith.cmpi eq, %iota3A, %eq3A_289 : vector<16xi32>
    tpu.vector_store_idx %arg8[%get3A_275], %broadcast_in_dim3A_25 masked %eq3A_290 {add = true} : memref<8192xf32, #tpu.memory_space<vmem>>[vector<16xi32>], vector<16xf32>, vector<16xi1>
    %eq3A_291 = arith.constant 5 : i32
    %eq3A_292 = vector.broadcast %eq3A_291 : i32 to vector<16xi32>
    %eq3A_293 = arith.cmpi eq, %iota3A, %eq3A_292 : vector<16xi32>
    tpu.vector_store_idx %arg8[%get3A_275], %broadcast_in_dim3A_25 masked %eq3A_293 {add = true} : memref<8192xf32, #tpu.memory_space<vmem>>[vector<16xi32>], vector<16xf32>, vector<16xi1>
    %eq3A_294 = arith.constant 6 : i32
    %eq3A_295 = vector.broadcast %eq3A_294 : i32 to vector<16xi32>
    %eq3A_296 = arith.cmpi eq, %iota3A, %eq3A_295 : vector<16xi32>
    tpu.vector_store_idx %arg8[%get3A_275], %broadcast_in_dim3A_25 masked %eq3A_296 {add = true} : memref<8192xf32, #tpu.memory_space<vmem>>[vector<16xi32>], vector<16xf32>, vector<16xi1>
    %eq3A_297 = arith.constant 7 : i32
    %eq3A_298 = vector.broadcast %eq3A_297 : i32 to vector<16xi32>
    %eq3A_299 = arith.cmpi eq, %iota3A, %eq3A_298 : vector<16xi32>
    tpu.vector_store_idx %arg8[%get3A_275], %broadcast_in_dim3A_25 masked %eq3A_299 {add = true} : memref<8192xf32, #tpu.memory_space<vmem>>[vector<16xi32>], vector<16xf32>, vector<16xi1>
    %eq3A_300 = arith.constant 8 : i32
    %eq3A_301 = vector.broadcast %eq3A_300 : i32 to vector<16xi32>
    %eq3A_302 = arith.cmpi eq, %iota3A, %eq3A_301 : vector<16xi32>
    tpu.vector_store_idx %arg8[%get3A_275], %broadcast_in_dim3A_25 masked %eq3A_302 {add = true} : memref<8192xf32, #tpu.memory_space<vmem>>[vector<16xi32>], vector<16xf32>, vector<16xi1>
    %eq3A_303 = arith.constant 9 : i32
    %eq3A_304 = vector.broadcast %eq3A_303 : i32 to vector<16xi32>
    %eq3A_305 = arith.cmpi eq, %iota3A, %eq3A_304 : vector<16xi32>
    tpu.vector_store_idx %arg8[%get3A_275], %broadcast_in_dim3A_25 masked %eq3A_305 {add = true} : memref<8192xf32, #tpu.memory_space<vmem>>[vector<16xi32>], vector<16xf32>, vector<16xi1>
    %eq3A_306 = arith.constant 10 : i32
    %eq3A_307 = vector.broadcast %eq3A_306 : i32 to vector<16xi32>
    %eq3A_308 = arith.cmpi eq, %iota3A, %eq3A_307 : vector<16xi32>
    tpu.vector_store_idx %arg8[%get3A_275], %broadcast_in_dim3A_25 masked %eq3A_308 {add = true} : memref<8192xf32, #tpu.memory_space<vmem>>[vector<16xi32>], vector<16xf32>, vector<16xi1>
    %eq3A_309 = arith.constant 11 : i32
    %eq3A_310 = vector.broadcast %eq3A_309 : i32 to vector<16xi32>
    %eq3A_311 = arith.cmpi eq, %iota3A, %eq3A_310 : vector<16xi32>
    tpu.vector_store_idx %arg8[%get3A_275], %broadcast_in_dim3A_25 masked %eq3A_311 {add = true} : memref<8192xf32, #tpu.memory_space<vmem>>[vector<16xi32>], vector<16xf32>, vector<16xi1>
    %eq3A_312 = arith.constant 12 : i32
    %eq3A_313 = vector.broadcast %eq3A_312 : i32 to vector<16xi32>
    %eq3A_314 = arith.cmpi eq, %iota3A, %eq3A_313 : vector<16xi32>
    tpu.vector_store_idx %arg8[%get3A_275], %broadcast_in_dim3A_25 masked %eq3A_314 {add = true} : memref<8192xf32, #tpu.memory_space<vmem>>[vector<16xi32>], vector<16xf32>, vector<16xi1>
    %eq3A_315 = arith.constant 13 : i32
    %eq3A_316 = vector.broadcast %eq3A_315 : i32 to vector<16xi32>
    %eq3A_317 = arith.cmpi eq, %iota3A, %eq3A_316 : vector<16xi32>
    tpu.vector_store_idx %arg8[%get3A_275], %broadcast_in_dim3A_25 masked %eq3A_317 {add = true} : memref<8192xf32, #tpu.memory_space<vmem>>[vector<16xi32>], vector<16xf32>, vector<16xi1>
    %eq3A_318 = arith.constant 14 : i32
    %eq3A_319 = vector.broadcast %eq3A_318 : i32 to vector<16xi32>
    %eq3A_320 = arith.cmpi eq, %iota3A, %eq3A_319 : vector<16xi32>
    tpu.vector_store_idx %arg8[%get3A_275], %broadcast_in_dim3A_25 masked %eq3A_320 {add = true} : memref<8192xf32, #tpu.memory_space<vmem>>[vector<16xi32>], vector<16xf32>, vector<16xi1>
    %eq3A_321 = arith.constant 15 : i32
    %eq3A_322 = vector.broadcast %eq3A_321 : i32 to vector<16xi32>
    %eq3A_323 = arith.cmpi eq, %iota3A, %eq3A_322 : vector<16xi32>
    tpu.vector_store_idx %arg8[%get3A_275], %broadcast_in_dim3A_25 masked %eq3A_323 {add = true} : memref<8192xf32, #tpu.memory_space<vmem>>[vector<16xi32>], vector<16xf32>, vector<16xi1>
    %get3A_324 = arith.constant 96 : index
    %get3A_325 = tpu.vector_load %arg6[%get3A_324] {strides = array<i32>} : memref<144xi32, #tpu.memory_space<vmem>>, vector<16xi32>,
    %eq3A_326 = arith.constant 0 : i32
    %eq3A_327 = vector.broadcast %eq3A_326 : i32 to vector<16xi32>
    %eq3A_328 = arith.cmpi eq, %iota3A, %eq3A_327 : vector<16xi32>
    tpu.vector_store_idx %arg8[%get3A_325], %broadcast_in_dim3A_25 masked %eq3A_328 {add = true} : memref<8192xf32, #tpu.memory_space<vmem>>[vector<16xi32>], vector<16xf32>, vector<16xi1>
    %eq3A_329 = arith.constant 1 : i32
    %eq3A_330 = vector.broadcast %eq3A_329 : i32 to vector<16xi32>
    %eq3A_331 = arith.cmpi eq, %iota3A, %eq3A_330 : vector<16xi32>
    tpu.vector_store_idx %arg8[%get3A_325], %broadcast_in_dim3A_25 masked %eq3A_331 {add = true} : memref<8192xf32, #tpu.memory_space<vmem>>[vector<16xi32>], vector<16xf32>, vector<16xi1>
    %eq3A_332 = arith.constant 2 : i32
    %eq3A_333 = vector.broadcast %eq3A_332 : i32 to vector<16xi32>
    %eq3A_334 = arith.cmpi eq, %iota3A, %eq3A_333 : vector<16xi32>
    tpu.vector_store_idx %arg8[%get3A_325], %broadcast_in_dim3A_25 masked %eq3A_334 {add = true} : memref<8192xf32, #tpu.memory_space<vmem>>[vector<16xi32>], vector<16xf32>, vector<16xi1>
    %eq3A_335 = arith.constant 3 : i32
    %eq3A_336 = vector.broadcast %eq3A_335 : i32 to vector<16xi32>
    %eq3A_337 = arith.cmpi eq, %iota3A, %eq3A_336 : vector<16xi32>
    tpu.vector_store_idx %arg8[%get3A_325], %broadcast_in_dim3A_25 masked %eq3A_337 {add = true} : memref<8192xf32, #tpu.memory_space<vmem>>[vector<16xi32>], vector<16xf32>, vector<16xi1>
    %eq3A_338 = arith.constant 4 : i32
    %eq3A_339 = vector.broadcast %eq3A_338 : i32 to vector<16xi32>
    %eq3A_340 = arith.cmpi eq, %iota3A, %eq3A_339 : vector<16xi32>
    tpu.vector_store_idx %arg8[%get3A_325], %broadcast_in_dim3A_25 masked %eq3A_340 {add = true} : memref<8192xf32, #tpu.memory_space<vmem>>[vector<16xi32>], vector<16xf32>, vector<16xi1>
    %eq3A_341 = arith.constant 5 : i32
    %eq3A_342 = vector.broadcast %eq3A_341 : i32 to vector<16xi32>
    %eq3A_343 = arith.cmpi eq, %iota3A, %eq3A_342 : vector<16xi32>
    tpu.vector_store_idx %arg8[%get3A_325], %broadcast_in_dim3A_25 masked %eq3A_343 {add = true} : memref<8192xf32, #tpu.memory_space<vmem>>[vector<16xi32>], vector<16xf32>, vector<16xi1>
    %eq3A_344 = arith.constant 6 : i32
    %eq3A_345 = vector.broadcast %eq3A_344 : i32 to vector<16xi32>
    %eq3A_346 = arith.cmpi eq, %iota3A, %eq3A_345 : vector<16xi32>
    tpu.vector_store_idx %arg8[%get3A_325], %broadcast_in_dim3A_25 masked %eq3A_346 {add = true} : memref<8192xf32, #tpu.memory_space<vmem>>[vector<16xi32>], vector<16xf32>, vector<16xi1>
    %eq3A_347 = arith.constant 7 : i32
    %eq3A_348 = vector.broadcast %eq3A_347 : i32 to vector<16xi32>
    %eq3A_349 = arith.cmpi eq, %iota3A, %eq3A_348 : vector<16xi32>
    tpu.vector_store_idx %arg8[%get3A_325], %broadcast_in_dim3A_25 masked %eq3A_349 {add = true} : memref<8192xf32, #tpu.memory_space<vmem>>[vector<16xi32>], vector<16xf32>, vector<16xi1>
    %eq3A_350 = arith.constant 8 : i32
    %eq3A_351 = vector.broadcast %eq3A_350 : i32 to vector<16xi32>
    %eq3A_352 = arith.cmpi eq, %iota3A, %eq3A_351 : vector<16xi32>
    tpu.vector_store_idx %arg8[%get3A_325], %broadcast_in_dim3A_25 masked %eq3A_352 {add = true} : memref<8192xf32, #tpu.memory_space<vmem>>[vector<16xi32>], vector<16xf32>, vector<16xi1>
    %eq3A_353 = arith.constant 9 : i32
    %eq3A_354 = vector.broadcast %eq3A_353 : i32 to vector<16xi32>
    %eq3A_355 = arith.cmpi eq, %iota3A, %eq3A_354 : vector<16xi32>
    tpu.vector_store_idx %arg8[%get3A_325], %broadcast_in_dim3A_25 masked %eq3A_355 {add = true} : memref<8192xf32, #tpu.memory_space<vmem>>[vector<16xi32>], vector<16xf32>, vector<16xi1>
    %eq3A_356 = arith.constant 10 : i32
    %eq3A_357 = vector.broadcast %eq3A_356 : i32 to vector<16xi32>
    %eq3A_358 = arith.cmpi eq, %iota3A, %eq3A_357 : vector<16xi32>
    tpu.vector_store_idx %arg8[%get3A_325], %broadcast_in_dim3A_25 masked %eq3A_358 {add = true} : memref<8192xf32, #tpu.memory_space<vmem>>[vector<16xi32>], vector<16xf32>, vector<16xi1>
    %eq3A_359 = arith.constant 11 : i32
    %eq3A_360 = vector.broadcast %eq3A_359 : i32 to vector<16xi32>
    %eq3A_361 = arith.cmpi eq, %iota3A, %eq3A_360 : vector<16xi32>
    tpu.vector_store_idx %arg8[%get3A_325], %broadcast_in_dim3A_25 masked %eq3A_361 {add = true} : memref<8192xf32, #tpu.memory_space<vmem>>[vector<16xi32>], vector<16xf32>, vector<16xi1>
    %eq3A_362 = arith.constant 12 : i32
    %eq3A_363 = vector.broadcast %eq3A_362 : i32 to vector<16xi32>
    %eq3A_364 = arith.cmpi eq, %iota3A, %eq3A_363 : vector<16xi32>
    tpu.vector_store_idx %arg8[%get3A_325], %broadcast_in_dim3A_25 masked %eq3A_364 {add = true} : memref<8192xf32, #tpu.memory_space<vmem>>[vector<16xi32>], vector<16xf32>, vector<16xi1>
    %eq3A_365 = arith.constant 13 : i32
    %eq3A_366 = vector.broadcast %eq3A_365 : i32 to vector<16xi32>
    %eq3A_367 = arith.cmpi eq, %iota3A, %eq3A_366 : vector<16xi32>
    tpu.vector_store_idx %arg8[%get3A_325], %broadcast_in_dim3A_25 masked %eq3A_367 {add = true} : memref<8192xf32, #tpu.memory_space<vmem>>[vector<16xi32>], vector<16xf32>, vector<16xi1>
    %eq3A_368 = arith.constant 14 : i32
    %eq3A_369 = vector.broadcast %eq3A_368 : i32 to vector<16xi32>
    %eq3A_370 = arith.cmpi eq, %iota3A, %eq3A_369 : vector<16xi32>
    tpu.vector_store_idx %arg8[%get3A_325], %broadcast_in_dim3A_25 masked %eq3A_370 {add = true} : memref<8192xf32, #tpu.memory_space<vmem>>[vector<16xi32>], vector<16xf32>, vector<16xi1>
    %eq3A_371 = arith.constant 15 : i32
    %eq3A_372 = vector.broadcast %eq3A_371 : i32 to vector<16xi32>
    %eq3A_373 = arith.cmpi eq, %iota3A, %eq3A_372 : vector<16xi32>
    tpu.vector_store_idx %arg8[%get3A_325], %broadcast_in_dim3A_25 masked %eq3A_373 {add = true} : memref<8192xf32, #tpu.memory_space<vmem>>[vector<16xi32>], vector<16xf32>, vector<16xi1>
    %get3A_374 = arith.constant 112 : index
    %get3A_375 = tpu.vector_load %arg6[%get3A_374] {strides = array<i32>} : memref<144xi32, #tpu.memory_space<vmem>>, vector<16xi32>,
    %eq3A_376 = arith.constant 0 : i32
    %eq3A_377 = vector.broadcast %eq3A_376 : i32 to vector<16xi32>
    %eq3A_378 = arith.cmpi eq, %iota3A, %eq3A_377 : vector<16xi32>
    tpu.vector_store_idx %arg8[%get3A_375], %broadcast_in_dim3A_25 masked %eq3A_378 {add = true} : memref<8192xf32, #tpu.memory_space<vmem>>[vector<16xi32>], vector<16xf32>, vector<16xi1>
    %eq3A_379 = arith.constant 1 : i32
    %eq3A_380 = vector.broadcast %eq3A_379 : i32 to vector<16xi32>
    %eq3A_381 = arith.cmpi eq, %iota3A, %eq3A_380 : vector<16xi32>
    tpu.vector_store_idx %arg8[%get3A_375], %broadcast_in_dim3A_25 masked %eq3A_381 {add = true} : memref<8192xf32, #tpu.memory_space<vmem>>[vector<16xi32>], vector<16xf32>, vector<16xi1>
    %eq3A_382 = arith.constant 2 : i32
    %eq3A_383 = vector.broadcast %eq3A_382 : i32 to vector<16xi32>
    %eq3A_384 = arith.cmpi eq, %iota3A, %eq3A_383 : vector<16xi32>
    tpu.vector_store_idx %arg8[%get3A_375], %broadcast_in_dim3A_25 masked %eq3A_384 {add = true} : memref<8192xf32, #tpu.memory_space<vmem>>[vector<16xi32>], vector<16xf32>, vector<16xi1>
    %eq3A_385 = arith.constant 3 : i32
    %eq3A_386 = vector.broadcast %eq3A_385 : i32 to vector<16xi32>
    %eq3A_387 = arith.cmpi eq, %iota3A, %eq3A_386 : vector<16xi32>
    tpu.vector_store_idx %arg8[%get3A_375], %broadcast_in_dim3A_25 masked %eq3A_387 {add = true} : memref<8192xf32, #tpu.memory_space<vmem>>[vector<16xi32>], vector<16xf32>, vector<16xi1>
    %eq3A_388 = arith.constant 4 : i32
    %eq3A_389 = vector.broadcast %eq3A_388 : i32 to vector<16xi32>
    %eq3A_390 = arith.cmpi eq, %iota3A, %eq3A_389 : vector<16xi32>
    tpu.vector_store_idx %arg8[%get3A_375], %broadcast_in_dim3A_25 masked %eq3A_390 {add = true} : memref<8192xf32, #tpu.memory_space<vmem>>[vector<16xi32>], vector<16xf32>, vector<16xi1>
    %eq3A_391 = arith.constant 5 : i32
    %eq3A_392 = vector.broadcast %eq3A_391 : i32 to vector<16xi32>
    %eq3A_393 = arith.cmpi eq, %iota3A, %eq3A_392 : vector<16xi32>
    tpu.vector_store_idx %arg8[%get3A_375], %broadcast_in_dim3A_25 masked %eq3A_393 {add = true} : memref<8192xf32, #tpu.memory_space<vmem>>[vector<16xi32>], vector<16xf32>, vector<16xi1>
    %eq3A_394 = arith.constant 6 : i32
    %eq3A_395 = vector.broadcast %eq3A_394 : i32 to vector<16xi32>
    %eq3A_396 = arith.cmpi eq, %iota3A, %eq3A_395 : vector<16xi32>
    tpu.vector_store_idx %arg8[%get3A_375], %broadcast_in_dim3A_25 masked %eq3A_396 {add = true} : memref<8192xf32, #tpu.memory_space<vmem>>[vector<16xi32>], vector<16xf32>, vector<16xi1>
    %eq3A_397 = arith.constant 7 : i32
    %eq3A_398 = vector.broadcast %eq3A_397 : i32 to vector<16xi32>
    %eq3A_399 = arith.cmpi eq, %iota3A, %eq3A_398 : vector<16xi32>
    tpu.vector_store_idx %arg8[%get3A_375], %broadcast_in_dim3A_25 masked %eq3A_399 {add = true} : memref<8192xf32, #tpu.memory_space<vmem>>[vector<16xi32>], vector<16xf32>, vector<16xi1>
    %eq3A_400 = arith.constant 8 : i32
    %eq3A_401 = vector.broadcast %eq3A_400 : i32 to vector<16xi32>
    %eq3A_402 = arith.cmpi eq, %iota3A, %eq3A_401 : vector<16xi32>
    tpu.vector_store_idx %arg8[%get3A_375], %broadcast_in_dim3A_25 masked %eq3A_402 {add = true} : memref<8192xf32, #tpu.memory_space<vmem>>[vector<16xi32>], vector<16xf32>, vector<16xi1>
    %eq3A_403 = arith.constant 9 : i32
    %eq3A_404 = vector.broadcast %eq3A_403 : i32 to vector<16xi32>
    %eq3A_405 = arith.cmpi eq, %iota3A, %eq3A_404 : vector<16xi32>
    tpu.vector_store_idx %arg8[%get3A_375], %broadcast_in_dim3A_25 masked %eq3A_405 {add = true} : memref<8192xf32, #tpu.memory_space<vmem>>[vector<16xi32>], vector<16xf32>, vector<16xi1>
    %eq3A_406 = arith.constant 10 : i32
    %eq3A_407 = vector.broadcast %eq3A_406 : i32 to vector<16xi32>
    %eq3A_408 = arith.cmpi eq, %iota3A, %eq3A_407 : vector<16xi32>
    tpu.vector_store_idx %arg8[%get3A_375], %broadcast_in_dim3A_25 masked %eq3A_408 {add = true} : memref<8192xf32, #tpu.memory_space<vmem>>[vector<16xi32>], vector<16xf32>, vector<16xi1>
    %eq3A_409 = arith.constant 11 : i32
    %eq3A_410 = vector.broadcast %eq3A_409 : i32 to vector<16xi32>
    %eq3A_411 = arith.cmpi eq, %iota3A, %eq3A_410 : vector<16xi32>
    tpu.vector_store_idx %arg8[%get3A_375], %broadcast_in_dim3A_25 masked %eq3A_411 {add = true} : memref<8192xf32, #tpu.memory_space<vmem>>[vector<16xi32>], vector<16xf32>, vector<16xi1>
    %eq3A_412 = arith.constant 12 : i32
    %eq3A_413 = vector.broadcast %eq3A_412 : i32 to vector<16xi32>
    %eq3A_414 = arith.cmpi eq, %iota3A, %eq3A_413 : vector<16xi32>
    tpu.vector_store_idx %arg8[%get3A_375], %broadcast_in_dim3A_25 masked %eq3A_414 {add = true} : memref<8192xf32, #tpu.memory_space<vmem>>[vector<16xi32>], vector<16xf32>, vector<16xi1>
    %eq3A_415 = arith.constant 13 : i32
    %eq3A_416 = vector.broadcast %eq3A_415 : i32 to vector<16xi32>
    %eq3A_417 = arith.cmpi eq, %iota3A, %eq3A_416 : vector<16xi32>
    tpu.vector_store_idx %arg8[%get3A_375], %broadcast_in_dim3A_25 masked %eq3A_417 {add = true} : memref<8192xf32, #tpu.memory_space<vmem>>[vector<16xi32>], vector<16xf32>, vector<16xi1>
    %eq3A_418 = arith.constant 14 : i32
    %eq3A_419 = vector.broadcast %eq3A_418 : i32 to vector<16xi32>
    %eq3A_420 = arith.cmpi eq, %iota3A, %eq3A_419 : vector<16xi32>
    tpu.vector_store_idx %arg8[%get3A_375], %broadcast_in_dim3A_25 masked %eq3A_420 {add = true} : memref<8192xf32, #tpu.memory_space<vmem>>[vector<16xi32>], vector<16xf32>, vector<16xi1>
    %eq3A_421 = arith.constant 15 : i32
    %eq3A_422 = vector.broadcast %eq3A_421 : i32 to vector<16xi32>
    %eq3A_423 = arith.cmpi eq, %iota3A, %eq3A_422 : vector<16xi32>
    tpu.vector_store_idx %arg8[%get3A_375], %broadcast_in_dim3A_25 masked %eq3A_423 {add = true} : memref<8192xf32, #tpu.memory_space<vmem>>[vector<16xi32>], vector<16xf32>, vector<16xi1>
    %get3A_424 = arith.constant 128 : index
    %get3A_425 = tpu.vector_load %arg6[%get3A_424] {strides = array<i32>} : memref<144xi32, #tpu.memory_space<vmem>>, vector<16xi32>,
    %eq3A_426 = arith.constant 0 : i32
    %eq3A_427 = vector.broadcast %eq3A_426 : i32 to vector<16xi32>
    %eq3A_428 = arith.cmpi eq, %iota3A, %eq3A_427 : vector<16xi32>
    tpu.vector_store_idx %arg8[%get3A_425], %broadcast_in_dim3A_25 masked %eq3A_428 {add = true} : memref<8192xf32, #tpu.memory_space<vmem>>[vector<16xi32>], vector<16xf32>, vector<16xi1>
    %eq3A_429 = arith.constant 1 : i32
    %eq3A_430 = vector.broadcast %eq3A_429 : i32 to vector<16xi32>
    %eq3A_431 = arith.cmpi eq, %iota3A, %eq3A_430 : vector<16xi32>
    tpu.vector_store_idx %arg8[%get3A_425], %broadcast_in_dim3A_25 masked %eq3A_431 {add = true} : memref<8192xf32, #tpu.memory_space<vmem>>[vector<16xi32>], vector<16xf32>, vector<16xi1>
    %eq3A_432 = arith.constant 2 : i32
    %eq3A_433 = vector.broadcast %eq3A_432 : i32 to vector<16xi32>
    %eq3A_434 = arith.cmpi eq, %iota3A, %eq3A_433 : vector<16xi32>
    tpu.vector_store_idx %arg8[%get3A_425], %broadcast_in_dim3A_25 masked %eq3A_434 {add = true} : memref<8192xf32, #tpu.memory_space<vmem>>[vector<16xi32>], vector<16xf32>, vector<16xi1>
    %eq3A_435 = arith.constant 3 : i32
    %eq3A_436 = vector.broadcast %eq3A_435 : i32 to vector<16xi32>
    %eq3A_437 = arith.cmpi eq, %iota3A, %eq3A_436 : vector<16xi32>
    tpu.vector_store_idx %arg8[%get3A_425], %broadcast_in_dim3A_25 masked %eq3A_437 {add = true} : memref<8192xf32, #tpu.memory_space<vmem>>[vector<16xi32>], vector<16xf32>, vector<16xi1>
    %eq3A_438 = arith.constant 4 : i32
    %eq3A_439 = vector.broadcast %eq3A_438 : i32 to vector<16xi32>
    %eq3A_440 = arith.cmpi eq, %iota3A, %eq3A_439 : vector<16xi32>
    tpu.vector_store_idx %arg8[%get3A_425], %broadcast_in_dim3A_25 masked %eq3A_440 {add = true} : memref<8192xf32, #tpu.memory_space<vmem>>[vector<16xi32>], vector<16xf32>, vector<16xi1>
    %eq3A_441 = arith.constant 5 : i32
    %eq3A_442 = vector.broadcast %eq3A_441 : i32 to vector<16xi32>
    %eq3A_443 = arith.cmpi eq, %iota3A, %eq3A_442 : vector<16xi32>
    tpu.vector_store_idx %arg8[%get3A_425], %broadcast_in_dim3A_25 masked %eq3A_443 {add = true} : memref<8192xf32, #tpu.memory_space<vmem>>[vector<16xi32>], vector<16xf32>, vector<16xi1>
    %eq3A_444 = arith.constant 6 : i32
    %eq3A_445 = vector.broadcast %eq3A_444 : i32 to vector<16xi32>
    %eq3A_446 = arith.cmpi eq, %iota3A, %eq3A_445 : vector<16xi32>
    tpu.vector_store_idx %arg8[%get3A_425], %broadcast_in_dim3A_25 masked %eq3A_446 {add = true} : memref<8192xf32, #tpu.memory_space<vmem>>[vector<16xi32>], vector<16xf32>, vector<16xi1>
    %eq3A_447 = arith.constant 7 : i32
    %eq3A_448 = vector.broadcast %eq3A_447 : i32 to vector<16xi32>
    %eq3A_449 = arith.cmpi eq, %iota3A, %eq3A_448 : vector<16xi32>
    tpu.vector_store_idx %arg8[%get3A_425], %broadcast_in_dim3A_25 masked %eq3A_449 {add = true} : memref<8192xf32, #tpu.memory_space<vmem>>[vector<16xi32>], vector<16xf32>, vector<16xi1>
    %eq3A_450 = arith.constant 8 : i32
    %eq3A_451 = vector.broadcast %eq3A_450 : i32 to vector<16xi32>
    %eq3A_452 = arith.cmpi eq, %iota3A, %eq3A_451 : vector<16xi32>
    tpu.vector_store_idx %arg8[%get3A_425], %broadcast_in_dim3A_25 masked %eq3A_452 {add = true} : memref<8192xf32, #tpu.memory_space<vmem>>[vector<16xi32>], vector<16xf32>, vector<16xi1>
    %eq3A_453 = arith.constant 9 : i32
    %eq3A_454 = vector.broadcast %eq3A_453 : i32 to vector<16xi32>
    %eq3A_455 = arith.cmpi eq, %iota3A, %eq3A_454 : vector<16xi32>
    tpu.vector_store_idx %arg8[%get3A_425], %broadcast_in_dim3A_25 masked %eq3A_455 {add = true} : memref<8192xf32, #tpu.memory_space<vmem>>[vector<16xi32>], vector<16xf32>, vector<16xi1>
    %eq3A_456 = arith.constant 10 : i32
    %eq3A_457 = vector.broadcast %eq3A_456 : i32 to vector<16xi32>
    %eq3A_458 = arith.cmpi eq, %iota3A, %eq3A_457 : vector<16xi32>
    tpu.vector_store_idx %arg8[%get3A_425], %broadcast_in_dim3A_25 masked %eq3A_458 {add = true} : memref<8192xf32, #tpu.memory_space<vmem>>[vector<16xi32>], vector<16xf32>, vector<16xi1>
    %eq3A_459 = arith.constant 11 : i32
    %eq3A_460 = vector.broadcast %eq3A_459 : i32 to vector<16xi32>
    %eq3A_461 = arith.cmpi eq, %iota3A, %eq3A_460 : vector<16xi32>
    tpu.vector_store_idx %arg8[%get3A_425], %broadcast_in_dim3A_25 masked %eq3A_461 {add = true} : memref<8192xf32, #tpu.memory_space<vmem>>[vector<16xi32>], vector<16xf32>, vector<16xi1>
    %eq3A_462 = arith.constant 12 : i32
    %eq3A_463 = vector.broadcast %eq3A_462 : i32 to vector<16xi32>
    %eq3A_464 = arith.cmpi eq, %iota3A, %eq3A_463 : vector<16xi32>
    tpu.vector_store_idx %arg8[%get3A_425], %broadcast_in_dim3A_25 masked %eq3A_464 {add = true} : memref<8192xf32, #tpu.memory_space<vmem>>[vector<16xi32>], vector<16xf32>, vector<16xi1>
    %eq3A_465 = arith.constant 13 : i32
    %eq3A_466 = vector.broadcast %eq3A_465 : i32 to vector<16xi32>
    %eq3A_467 = arith.cmpi eq, %iota3A, %eq3A_466 : vector<16xi32>
    tpu.vector_store_idx %arg8[%get3A_425], %broadcast_in_dim3A_25 masked %eq3A_467 {add = true} : memref<8192xf32, #tpu.memory_space<vmem>>[vector<16xi32>], vector<16xf32>, vector<16xi1>
    %eq3A_468 = arith.constant 14 : i32
    %eq3A_469 = vector.broadcast %eq3A_468 : i32 to vector<16xi32>
    %eq3A_470 = arith.cmpi eq, %iota3A, %eq3A_469 : vector<16xi32>
    tpu.vector_store_idx %arg8[%get3A_425], %broadcast_in_dim3A_25 masked %eq3A_470 {add = true} : memref<8192xf32, #tpu.memory_space<vmem>>[vector<16xi32>], vector<16xf32>, vector<16xi1>
    %eq3A_471 = arith.constant 15 : i32
    %eq3A_472 = vector.broadcast %eq3A_471 : i32 to vector<16xi32>
    %eq3A_473 = arith.cmpi eq, %iota3A, %eq3A_472 : vector<16xi32>
    tpu.vector_store_idx %arg8[%get3A_425], %broadcast_in_dim3A_25 masked %eq3A_473 {add = true} : memref<8192xf32, #tpu.memory_space<vmem>>[vector<16xi32>], vector<16xf32>, vector<16xi1>
    "tpu.region"() ({
      %run_scoped3A = tpu.sem_alloc : memref<!tpu.dma_semaphore, #tpu.memory_space<semaphore_mem>>
      %dma_start3A_489 = arith.constant 0 : i32
      %dma_start3A_490 = tpu.memref_slice %arg5[%add3A, %dma_start3A_489] : memref<32x8192xf32, #tpu.memory_space<hbm>> -> memref<1x8192xf32, #tpu.memory_space<hbm>>
      %dma_start3A_491 = tpu.memref_squeeze %dma_start3A_490 : memref<1x8192xf32, #tpu.memory_space<hbm>> -> memref<8192xf32, #tpu.memory_space<hbm>>
      %dma_start3A_492 = arith.constant 0 : i32
      %dma_start3A_493 = tpu.memref_slice %arg5[%add3A, %dma_start3A_492] : memref<32x8192xf32, #tpu.memory_space<hbm>> -> memref<1x8192xf32, #tpu.memory_space<hbm>>
      %dma_start3A_494 = tpu.memref_squeeze %dma_start3A_493 : memref<1x8192xf32, #tpu.memory_space<hbm>> -> memref<8192xf32, #tpu.memory_space<hbm>>
      tpu.enqueue_dma source(%arg8 : memref<8192xf32, #tpu.memory_space<vmem>>) target(%dma_start3A_494 : memref<8192xf32, #tpu.memory_space<hbm>>) target_semaphore(%run_scoped3A : memref<!tpu.dma_semaphore, #tpu.memory_space<semaphore_mem>>)
      %dma_wait3A_495 = arith.constant 0 : i32
      %dma_wait3A_496 = tpu.memref_slice %arg5[%add3A, %dma_wait3A_495] : memref<32x8192xf32, #tpu.memory_space<hbm>> -> memref<1x8192xf32, #tpu.memory_space<hbm>>
      %dma_wait3A_497 = tpu.memref_squeeze %dma_wait3A_496 : memref<1x8192xf32, #tpu.memory_space<hbm>> -> memref<8192xf32, #tpu.memory_space<hbm>>
      %dma_wait3A_498 = arith.constant 0 : i32
      %dma_wait3A_499 = tpu.memref_slice %arg5[%add3A, %dma_wait3A_498] : memref<32x8192xf32, #tpu.memory_space<hbm>> -> memref<1x8192xf32, #tpu.memory_space<hbm>>
      %dma_wait3A_500 = tpu.memref_squeeze %dma_wait3A_499 : memref<1x8192xf32, #tpu.memory_space<hbm>> -> memref<8192xf32, #tpu.memory_space<hbm>>
      tpu.wait_dma2 semaphore(%run_scoped3A : memref<!tpu.dma_semaphore, #tpu.memory_space<semaphore_mem>>) src(%arg8 : memref<8192xf32, #tpu.memory_space<vmem>>) dst(%dma_wait3A_500 : memref<8192xf32, #tpu.memory_space<hbm>>)
      tpu.yield
    }) : () -> ()
    %dma_wait3A = arith.constant 0 : i32
    %dma_wait3A_474 = arith.constant 0 : i32
    %dma_wait3A_475 = tpu.memref_slice %arg7[%dma_wait3A, %dma_wait3A_474] : memref<144x256xf32, #tpu.memory_space<vmem>> -> memref<72x256xf32, #tpu.memory_space<vmem>>
    %dma_wait3A_476 = arith.constant 0 : i32
    %dma_wait3A_477 = tpu.memref_slice %arg6[%dma_wait3A_476] : memref<144xi32, #tpu.memory_space<vmem>> -> memref<72xi32, #tpu.memory_space<vmem>>
    %dma_wait3A_478 = arith.constant 0 : i32
    %dma_wait3A_479 = arith.constant 0 : i32
    %dma_wait3A_480 = tpu.memref_slice %arg2[%dma_wait3A_478, %dma_wait3A_479] : memref<8192x256xf32, #tpu.memory_space<hbm>> -> memref<8192x256xf32, #tpu.memory_space<hbm>>
    tpu.wait_indirect_dma semaphore(%arg9 : memref<!tpu.dma_semaphore, #tpu.memory_space<semaphore_mem>>) src(%dma_wait3A_480 : memref<8192x256xf32, #tpu.memory_space<hbm>>) dst(%dma_wait3A_475 : memref<72x256xf32, #tpu.memory_space<vmem>>)
    %dma_wait3A_481 = arith.constant 72 : i32
    %dma_wait3A_482 = arith.constant 0 : i32
    %dma_wait3A_483 = tpu.memref_slice %arg7[%dma_wait3A_481, %dma_wait3A_482] : memref<144x256xf32, #tpu.memory_space<vmem>> -> memref<72x256xf32, #tpu.memory_space<vmem>>
    %dma_wait3A_484 = arith.constant 72 : i32
    %dma_wait3A_485 = tpu.memref_slice %arg6[%dma_wait3A_484] : memref<144xi32, #tpu.memory_space<vmem>> -> memref<72xi32, #tpu.memory_space<vmem>>
    %dma_wait3A_486 = arith.constant 0 : i32
    %dma_wait3A_487 = arith.constant 0 : i32
    %dma_wait3A_488 = tpu.memref_slice %arg2[%dma_wait3A_486, %dma_wait3A_487] : memref<8192x256xf32, #tpu.memory_space<hbm>> -> memref<8192x256xf32, #tpu.memory_space<hbm>>
    tpu.wait_indirect_dma semaphore(%arg9 : memref<!tpu.dma_semaphore, #tpu.memory_space<semaphore_mem>>) src(%dma_wait3A_488 : memref<8192x256xf32, #tpu.memory_space<hbm>>) dst(%dma_wait3A_483 : memref<72x256xf32, #tpu.memory_space<vmem>>)
    "tpu.region"() ({
      %run_scoped3A = tpu.sem_alloc : memref<!tpu.dma_semaphore, #tpu.memory_space<semaphore_mem>>
      %dma_start3A_489 = arith.constant 0 : i32
      %dma_start3A_490 = tpu.memref_slice %arg4[%mul3A_2, %dma_start3A_489] : memref<4608x256xf32, #tpu.memory_space<hbm>> -> memref<144x256xf32, #tpu.memory_space<hbm>>
      %dma_start3A_491 = arith.constant 0 : i32
      %dma_start3A_492 = tpu.memref_slice %arg4[%mul3A_2, %dma_start3A_491] : memref<4608x256xf32, #tpu.memory_space<hbm>> -> memref<144x256xf32, #tpu.memory_space<hbm>>
      tpu.enqueue_dma source(%arg7 : memref<144x256xf32, #tpu.memory_space<vmem>>) target(%dma_start3A_492 : memref<144x256xf32, #tpu.memory_space<hbm>>) target_semaphore(%run_scoped3A : memref<!tpu.dma_semaphore, #tpu.memory_space<semaphore_mem>>)
      %dma_wait3A_493 = arith.constant 0 : i32
      %dma_wait3A_494 = tpu.memref_slice %arg4[%mul3A_2, %dma_wait3A_493] : memref<4608x256xf32, #tpu.memory_space<hbm>> -> memref<144x256xf32, #tpu.memory_space<hbm>>
      %dma_wait3A_495 = arith.constant 0 : i32
      %dma_wait3A_496 = tpu.memref_slice %arg4[%mul3A_2, %dma_wait3A_495] : memref<4608x256xf32, #tpu.memory_space<hbm>> -> memref<144x256xf32, #tpu.memory_space<hbm>>
      tpu.wait_dma2 semaphore(%run_scoped3A : memref<!tpu.dma_semaphore, #tpu.memory_space<semaphore_mem>>) src(%arg7 : memref<144x256xf32, #tpu.memory_space<vmem>>) dst(%dma_wait3A_496 : memref<144x256xf32, #tpu.memory_space<hbm>>)
      tpu.yield
    }) : () -> ()
    return
  }
}

module attributes {stable_mosaic.version = 14 : i64} {
  func.func @_argmin_body(%arg0: i32, %arg1: memref<512x256xbf16, #tpu.memory_space<vmem>>, %arg2: memref<8192x256xbf16, #tpu.memory_space<vmem>>, %arg3: memref<512xf32, #tpu.memory_space<vmem>>, %arg4: memref<1x8192xf32, #tpu.memory_space<vmem>>, %arg5: memref<512xi32, #tpu.memory_space<vmem>>) attributes {dimension_semantics = [#tpu.dimension_semantics<parallel>], iteration_bounds = array<i64: 9>, scalar_prefetch = 0 : i64, scratch_operands = 0 : i64, tpu.core_type = #tpu.core_type<tc>, window_params = [{transform_indices = @transform_0, window_bounds = array<i64: 512, 256>}, {pipeline_mode = #tpu.pipeline_mode<synchronous>, transform_indices = @transform_1, window_bounds = array<i64: 8192, 256>}, {transform_indices = @transform_2, window_bounds = array<i64: 512>}, {pipeline_mode = #tpu.pipeline_mode<synchronous>, transform_indices = @transform_3, window_bounds = array<i64: 1, 8192>}, {transform_indices = @transform_4, window_bounds = array<i64: 512>}]} {
    %get3A = arith.constant 0 : index
    %get3A_0 = arith.constant 0 : index
    %get3A_1 = vector.load %arg1[%get3A, %get3A_0] : memref<512x256xbf16, #tpu.memory_space<vmem>>, vector<512x256xbf16>
    %get3A_2 = arith.constant 0 : index
    %get3A_3 = arith.constant 0 : index
    %get3A_4 = vector.load %arg2[%get3A_2, %get3A_3] : memref<8192x256xbf16, #tpu.memory_space<vmem>>, vector<8192x256xbf16>
    %dot_general3A = arith.constant dense<0.000000e+00> : vector<512x8192xf32>
    %dot_general3A_5 = tpu.matmul %get3A_1, %get3A_4, %dot_general3A {dimension_numbers = #tpu.dot_dimension_numbers<[1], [1], [0], [0], [0, 0, 1, 0], [], []>, transpose_lhs_hint = false} : vector<512x256xbf16>, vector<8192x256xbf16>, vector<512x8192xf32> -> vector<512x8192xf32>
    %get3A_6 = arith.constant 0 : index
    %get3A_7 = vector.load %arg3[%get3A_6] : memref<512xf32, #tpu.memory_space<vmem>>, vector<512xf32>
    %reshape3A = vector.shape_cast %get3A_7 : vector<512xf32> to vector<512x1xf32>
    %get3A_8 = arith.constant 0 : index
    %get3A_9 = arith.constant 0 : index
    %get3A_10 = vector.load %arg4[%get3A_8, %get3A_9] : memref<1x8192xf32, #tpu.memory_space<vmem>>, vector<1x8192xf32>
    %add3A = vector.broadcast %reshape3A : vector<512x1xf32> to vector<512x8192xf32>
    %add3A_11 = vector.broadcast %get3A_10 : vector<1x8192xf32> to vector<512x8192xf32>
    %add3A_12 = arith.addf %add3A, %add3A_11 : vector<512x8192xf32>
    %mul3A = arith.constant 2.000000e+00 : f32
    %mul3A_13 = vector.broadcast %mul3A : f32 to vector<512x8192xf32>
    %mul3A_14 = arith.mulf %mul3A_13, %dot_general3A_5 : vector<512x8192xf32>
    %sub3A = arith.subf %add3A_12, %mul3A_14 : vector<512x8192xf32>
    %iota3A = tpu.iota {dimensions = array<i32: 1>} : vector<64x128xi32>
    %convert_element_type3A = arith.sitofp %iota3A : vector<64x128xi32> to vector<64x128xf32>
    %slice3A = vector.extract_strided_slice %sub3A {offsets = [0, 0], sizes = [64, 128], strides = [1, 1]} : vector<512x8192xf32> to vector<64x128xf32>
    %broadcast_in_dim3A = arith.constant 0.000000e+00 : f32
    %broadcast_in_dim3A_15 = vector.broadcast %broadcast_in_dim3A : f32 to vector<64x128xf32>
    %slice3A_16 = vector.extract_strided_slice %sub3A {offsets = [0, 128], sizes = [64, 128], strides = [1, 1]} : vector<512x8192xf32> to vector<64x128xf32>
    %lt3A = arith.cmpf olt, %slice3A_16, %slice3A : vector<64x128xf32>
    %select_n3A = arith.select %lt3A, %slice3A_16, %slice3A : vector<64x128xi1>, vector<64x128xf32>
    %jit3A = arith.constant 1.000000e+00 : f32
    %broadcast_in_dim3A_17 = vector.broadcast %jit3A : f32 to vector<64x128xf32>
    %select_n3A_18 = arith.select %lt3A, %broadcast_in_dim3A_17, %broadcast_in_dim3A_15 : vector<64x128xi1>, vector<64x128xf32>
    %slice3A_19 = vector.extract_strided_slice %sub3A {offsets = [0, 256], sizes = [64, 128], strides = [1, 1]} : vector<512x8192xf32> to vector<64x128xf32>
    %lt3A_20 = arith.cmpf olt, %slice3A_19, %select_n3A : vector<64x128xf32>
    %select_n3A_21 = arith.select %lt3A_20, %slice3A_19, %select_n3A : vector<64x128xi1>, vector<64x128xf32>
    %jit3A_22 = arith.constant 2.000000e+00 : f32
    %broadcast_in_dim3A_23 = vector.broadcast %jit3A_22 : f32 to vector<64x128xf32>
    %select_n3A_24 = arith.select %lt3A_20, %broadcast_in_dim3A_23, %select_n3A_18 : vector<64x128xi1>, vector<64x128xf32>
    %slice3A_25 = vector.extract_strided_slice %sub3A {offsets = [0, 384], sizes = [64, 128], strides = [1, 1]} : vector<512x8192xf32> to vector<64x128xf32>
    %lt3A_26 = arith.cmpf olt, %slice3A_25, %select_n3A_21 : vector<64x128xf32>
    %select_n3A_27 = arith.select %lt3A_26, %slice3A_25, %select_n3A_21 : vector<64x128xi1>, vector<64x128xf32>
    %jit3A_28 = arith.constant 3.000000e+00 : f32
    %broadcast_in_dim3A_29 = vector.broadcast %jit3A_28 : f32 to vector<64x128xf32>
    %select_n3A_30 = arith.select %lt3A_26, %broadcast_in_dim3A_29, %select_n3A_24 : vector<64x128xi1>, vector<64x128xf32>
    %slice3A_31 = vector.extract_strided_slice %sub3A {offsets = [0, 512], sizes = [64, 128], strides = [1, 1]} : vector<512x8192xf32> to vector<64x128xf32>
    %lt3A_32 = arith.cmpf olt, %slice3A_31, %select_n3A_27 : vector<64x128xf32>
    %select_n3A_33 = arith.select %lt3A_32, %slice3A_31, %select_n3A_27 : vector<64x128xi1>, vector<64x128xf32>
    %jit3A_34 = arith.constant 4.000000e+00 : f32
    %broadcast_in_dim3A_35 = vector.broadcast %jit3A_34 : f32 to vector<64x128xf32>
    %select_n3A_36 = arith.select %lt3A_32, %broadcast_in_dim3A_35, %select_n3A_30 : vector<64x128xi1>, vector<64x128xf32>
    %slice3A_37 = vector.extract_strided_slice %sub3A {offsets = [0, 640], sizes = [64, 128], strides = [1, 1]} : vector<512x8192xf32> to vector<64x128xf32>
    %lt3A_38 = arith.cmpf olt, %slice3A_37, %select_n3A_33 : vector<64x128xf32>
    %select_n3A_39 = arith.select %lt3A_38, %slice3A_37, %select_n3A_33 : vector<64x128xi1>, vector<64x128xf32>
    %jit3A_40 = arith.constant 5.000000e+00 : f32
    %broadcast_in_dim3A_41 = vector.broadcast %jit3A_40 : f32 to vector<64x128xf32>
    %select_n3A_42 = arith.select %lt3A_38, %broadcast_in_dim3A_41, %select_n3A_36 : vector<64x128xi1>, vector<64x128xf32>
    %slice3A_43 = vector.extract_strided_slice %sub3A {offsets = [0, 768], sizes = [64, 128], strides = [1, 1]} : vector<512x8192xf32> to vector<64x128xf32>
    %lt3A_44 = arith.cmpf olt, %slice3A_43, %select_n3A_39 : vector<64x128xf32>
    %select_n3A_45 = arith.select %lt3A_44, %slice3A_43, %select_n3A_39 : vector<64x128xi1>, vector<64x128xf32>
    %jit3A_46 = arith.constant 6.000000e+00 : f32
    %broadcast_in_dim3A_47 = vector.broadcast %jit3A_46 : f32 to vector<64x128xf32>
    %select_n3A_48 = arith.select %lt3A_44, %broadcast_in_dim3A_47, %select_n3A_42 : vector<64x128xi1>, vector<64x128xf32>
    %slice3A_49 = vector.extract_strided_slice %sub3A {offsets = [0, 896], sizes = [64, 128], strides = [1, 1]} : vector<512x8192xf32> to vector<64x128xf32>
    %lt3A_50 = arith.cmpf olt, %slice3A_49, %select_n3A_45 : vector<64x128xf32>
    %select_n3A_51 = arith.select %lt3A_50, %slice3A_49, %select_n3A_45 : vector<64x128xi1>, vector<64x128xf32>
    %jit3A_52 = arith.constant 7.000000e+00 : f32
    %broadcast_in_dim3A_53 = vector.broadcast %jit3A_52 : f32 to vector<64x128xf32>
    %select_n3A_54 = arith.select %lt3A_50, %broadcast_in_dim3A_53, %select_n3A_48 : vector<64x128xi1>, vector<64x128xf32>
    %slice3A_55 = vector.extract_strided_slice %sub3A {offsets = [0, 1024], sizes = [64, 128], strides = [1, 1]} : vector<512x8192xf32> to vector<64x128xf32>
    %lt3A_56 = arith.cmpf olt, %slice3A_55, %select_n3A_51 : vector<64x128xf32>
    %select_n3A_57 = arith.select %lt3A_56, %slice3A_55, %select_n3A_51 : vector<64x128xi1>, vector<64x128xf32>
    %jit3A_58 = arith.constant 8.000000e+00 : f32
    %broadcast_in_dim3A_59 = vector.broadcast %jit3A_58 : f32 to vector<64x128xf32>
    %select_n3A_60 = arith.select %lt3A_56, %broadcast_in_dim3A_59, %select_n3A_54 : vector<64x128xi1>, vector<64x128xf32>
    %slice3A_61 = vector.extract_strided_slice %sub3A {offsets = [0, 1152], sizes = [64, 128], strides = [1, 1]} : vector<512x8192xf32> to vector<64x128xf32>
    %lt3A_62 = arith.cmpf olt, %slice3A_61, %select_n3A_57 : vector<64x128xf32>
    %select_n3A_63 = arith.select %lt3A_62, %slice3A_61, %select_n3A_57 : vector<64x128xi1>, vector<64x128xf32>
    %jit3A_64 = arith.constant 9.000000e+00 : f32
    %broadcast_in_dim3A_65 = vector.broadcast %jit3A_64 : f32 to vector<64x128xf32>
    %select_n3A_66 = arith.select %lt3A_62, %broadcast_in_dim3A_65, %select_n3A_60 : vector<64x128xi1>, vector<64x128xf32>
    %slice3A_67 = vector.extract_strided_slice %sub3A {offsets = [0, 1280], sizes = [64, 128], strides = [1, 1]} : vector<512x8192xf32> to vector<64x128xf32>
    %lt3A_68 = arith.cmpf olt, %slice3A_67, %select_n3A_63 : vector<64x128xf32>
    %select_n3A_69 = arith.select %lt3A_68, %slice3A_67, %select_n3A_63 : vector<64x128xi1>, vector<64x128xf32>
    %jit3A_70 = arith.constant 1.000000e+01 : f32
    %broadcast_in_dim3A_71 = vector.broadcast %jit3A_70 : f32 to vector<64x128xf32>
    %select_n3A_72 = arith.select %lt3A_68, %broadcast_in_dim3A_71, %select_n3A_66 : vector<64x128xi1>, vector<64x128xf32>
    %slice3A_73 = vector.extract_strided_slice %sub3A {offsets = [0, 1408], sizes = [64, 128], strides = [1, 1]} : vector<512x8192xf32> to vector<64x128xf32>
    %lt3A_74 = arith.cmpf olt, %slice3A_73, %select_n3A_69 : vector<64x128xf32>
    %select_n3A_75 = arith.select %lt3A_74, %slice3A_73, %select_n3A_69 : vector<64x128xi1>, vector<64x128xf32>
    %jit3A_76 = arith.constant 1.100000e+01 : f32
    %broadcast_in_dim3A_77 = vector.broadcast %jit3A_76 : f32 to vector<64x128xf32>
    %select_n3A_78 = arith.select %lt3A_74, %broadcast_in_dim3A_77, %select_n3A_72 : vector<64x128xi1>, vector<64x128xf32>
    %slice3A_79 = vector.extract_strided_slice %sub3A {offsets = [0, 1536], sizes = [64, 128], strides = [1, 1]} : vector<512x8192xf32> to vector<64x128xf32>
    %lt3A_80 = arith.cmpf olt, %slice3A_79, %select_n3A_75 : vector<64x128xf32>
    %select_n3A_81 = arith.select %lt3A_80, %slice3A_79, %select_n3A_75 : vector<64x128xi1>, vector<64x128xf32>
    %jit3A_82 = arith.constant 1.200000e+01 : f32
    %broadcast_in_dim3A_83 = vector.broadcast %jit3A_82 : f32 to vector<64x128xf32>
    %select_n3A_84 = arith.select %lt3A_80, %broadcast_in_dim3A_83, %select_n3A_78 : vector<64x128xi1>, vector<64x128xf32>
    %slice3A_85 = vector.extract_strided_slice %sub3A {offsets = [0, 1664], sizes = [64, 128], strides = [1, 1]} : vector<512x8192xf32> to vector<64x128xf32>
    %lt3A_86 = arith.cmpf olt, %slice3A_85, %select_n3A_81 : vector<64x128xf32>
    %select_n3A_87 = arith.select %lt3A_86, %slice3A_85, %select_n3A_81 : vector<64x128xi1>, vector<64x128xf32>
    %jit3A_88 = arith.constant 1.300000e+01 : f32
    %broadcast_in_dim3A_89 = vector.broadcast %jit3A_88 : f32 to vector<64x128xf32>
    %select_n3A_90 = arith.select %lt3A_86, %broadcast_in_dim3A_89, %select_n3A_84 : vector<64x128xi1>, vector<64x128xf32>
    %slice3A_91 = vector.extract_strided_slice %sub3A {offsets = [0, 1792], sizes = [64, 128], strides = [1, 1]} : vector<512x8192xf32> to vector<64x128xf32>
    %lt3A_92 = arith.cmpf olt, %slice3A_91, %select_n3A_87 : vector<64x128xf32>
    %select_n3A_93 = arith.select %lt3A_92, %slice3A_91, %select_n3A_87 : vector<64x128xi1>, vector<64x128xf32>
    %jit3A_94 = arith.constant 1.400000e+01 : f32
    %broadcast_in_dim3A_95 = vector.broadcast %jit3A_94 : f32 to vector<64x128xf32>
    %select_n3A_96 = arith.select %lt3A_92, %broadcast_in_dim3A_95, %select_n3A_90 : vector<64x128xi1>, vector<64x128xf32>
    %slice3A_97 = vector.extract_strided_slice %sub3A {offsets = [0, 1920], sizes = [64, 128], strides = [1, 1]} : vector<512x8192xf32> to vector<64x128xf32>
    %lt3A_98 = arith.cmpf olt, %slice3A_97, %select_n3A_93 : vector<64x128xf32>
    %select_n3A_99 = arith.select %lt3A_98, %slice3A_97, %select_n3A_93 : vector<64x128xi1>, vector<64x128xf32>
    %jit3A_100 = arith.constant 1.500000e+01 : f32
    %broadcast_in_dim3A_101 = vector.broadcast %jit3A_100 : f32 to vector<64x128xf32>
    %select_n3A_102 = arith.select %lt3A_98, %broadcast_in_dim3A_101, %select_n3A_96 : vector<64x128xi1>, vector<64x128xf32>
    %slice3A_103 = vector.extract_strided_slice %sub3A {offsets = [0, 2048], sizes = [64, 128], strides = [1, 1]} : vector<512x8192xf32> to vector<64x128xf32>
    %lt3A_104 = arith.cmpf olt, %slice3A_103, %select_n3A_99 : vector<64x128xf32>
    %select_n3A_105 = arith.select %lt3A_104, %slice3A_103, %select_n3A_99 : vector<64x128xi1>, vector<64x128xf32>
    %jit3A_106 = arith.constant 1.600000e+01 : f32
    %broadcast_in_dim3A_107 = vector.broadcast %jit3A_106 : f32 to vector<64x128xf32>
    %select_n3A_108 = arith.select %lt3A_104, %broadcast_in_dim3A_107, %select_n3A_102 : vector<64x128xi1>, vector<64x128xf32>
    %slice3A_109 = vector.extract_strided_slice %sub3A {offsets = [0, 2176], sizes = [64, 128], strides = [1, 1]} : vector<512x8192xf32> to vector<64x128xf32>
    %lt3A_110 = arith.cmpf olt, %slice3A_109, %select_n3A_105 : vector<64x128xf32>
    %select_n3A_111 = arith.select %lt3A_110, %slice3A_109, %select_n3A_105 : vector<64x128xi1>, vector<64x128xf32>
    %jit3A_112 = arith.constant 1.700000e+01 : f32
    %broadcast_in_dim3A_113 = vector.broadcast %jit3A_112 : f32 to vector<64x128xf32>
    %select_n3A_114 = arith.select %lt3A_110, %broadcast_in_dim3A_113, %select_n3A_108 : vector<64x128xi1>, vector<64x128xf32>
    %slice3A_115 = vector.extract_strided_slice %sub3A {offsets = [0, 2304], sizes = [64, 128], strides = [1, 1]} : vector<512x8192xf32> to vector<64x128xf32>
    %lt3A_116 = arith.cmpf olt, %slice3A_115, %select_n3A_111 : vector<64x128xf32>
    %select_n3A_117 = arith.select %lt3A_116, %slice3A_115, %select_n3A_111 : vector<64x128xi1>, vector<64x128xf32>
    %jit3A_118 = arith.constant 1.800000e+01 : f32
    %broadcast_in_dim3A_119 = vector.broadcast %jit3A_118 : f32 to vector<64x128xf32>
    %select_n3A_120 = arith.select %lt3A_116, %broadcast_in_dim3A_119, %select_n3A_114 : vector<64x128xi1>, vector<64x128xf32>
    %slice3A_121 = vector.extract_strided_slice %sub3A {offsets = [0, 2432], sizes = [64, 128], strides = [1, 1]} : vector<512x8192xf32> to vector<64x128xf32>
    %lt3A_122 = arith.cmpf olt, %slice3A_121, %select_n3A_117 : vector<64x128xf32>
    %select_n3A_123 = arith.select %lt3A_122, %slice3A_121, %select_n3A_117 : vector<64x128xi1>, vector<64x128xf32>
    %jit3A_124 = arith.constant 1.900000e+01 : f32
    %broadcast_in_dim3A_125 = vector.broadcast %jit3A_124 : f32 to vector<64x128xf32>
    %select_n3A_126 = arith.select %lt3A_122, %broadcast_in_dim3A_125, %select_n3A_120 : vector<64x128xi1>, vector<64x128xf32>
    %slice3A_127 = vector.extract_strided_slice %sub3A {offsets = [0, 2560], sizes = [64, 128], strides = [1, 1]} : vector<512x8192xf32> to vector<64x128xf32>
    %lt3A_128 = arith.cmpf olt, %slice3A_127, %select_n3A_123 : vector<64x128xf32>
    %select_n3A_129 = arith.select %lt3A_128, %slice3A_127, %select_n3A_123 : vector<64x128xi1>, vector<64x128xf32>
    %jit3A_130 = arith.constant 2.000000e+01 : f32
    %broadcast_in_dim3A_131 = vector.broadcast %jit3A_130 : f32 to vector<64x128xf32>
    %select_n3A_132 = arith.select %lt3A_128, %broadcast_in_dim3A_131, %select_n3A_126 : vector<64x128xi1>, vector<64x128xf32>
    %slice3A_133 = vector.extract_strided_slice %sub3A {offsets = [0, 2688], sizes = [64, 128], strides = [1, 1]} : vector<512x8192xf32> to vector<64x128xf32>
    %lt3A_134 = arith.cmpf olt, %slice3A_133, %select_n3A_129 : vector<64x128xf32>
    %select_n3A_135 = arith.select %lt3A_134, %slice3A_133, %select_n3A_129 : vector<64x128xi1>, vector<64x128xf32>
    %jit3A_136 = arith.constant 2.100000e+01 : f32
    %broadcast_in_dim3A_137 = vector.broadcast %jit3A_136 : f32 to vector<64x128xf32>
    %select_n3A_138 = arith.select %lt3A_134, %broadcast_in_dim3A_137, %select_n3A_132 : vector<64x128xi1>, vector<64x128xf32>
    %slice3A_139 = vector.extract_strided_slice %sub3A {offsets = [0, 2816], sizes = [64, 128], strides = [1, 1]} : vector<512x8192xf32> to vector<64x128xf32>
    %lt3A_140 = arith.cmpf olt, %slice3A_139, %select_n3A_135 : vector<64x128xf32>
    %select_n3A_141 = arith.select %lt3A_140, %slice3A_139, %select_n3A_135 : vector<64x128xi1>, vector<64x128xf32>
    %jit3A_142 = arith.constant 2.200000e+01 : f32
    %broadcast_in_dim3A_143 = vector.broadcast %jit3A_142 : f32 to vector<64x128xf32>
    %select_n3A_144 = arith.select %lt3A_140, %broadcast_in_dim3A_143, %select_n3A_138 : vector<64x128xi1>, vector<64x128xf32>
    %slice3A_145 = vector.extract_strided_slice %sub3A {offsets = [0, 2944], sizes = [64, 128], strides = [1, 1]} : vector<512x8192xf32> to vector<64x128xf32>
    %lt3A_146 = arith.cmpf olt, %slice3A_145, %select_n3A_141 : vector<64x128xf32>
    %select_n3A_147 = arith.select %lt3A_146, %slice3A_145, %select_n3A_141 : vector<64x128xi1>, vector<64x128xf32>
    %jit3A_148 = arith.constant 2.300000e+01 : f32
    %broadcast_in_dim3A_149 = vector.broadcast %jit3A_148 : f32 to vector<64x128xf32>
    %select_n3A_150 = arith.select %lt3A_146, %broadcast_in_dim3A_149, %select_n3A_144 : vector<64x128xi1>, vector<64x128xf32>
    %slice3A_151 = vector.extract_strided_slice %sub3A {offsets = [0, 3072], sizes = [64, 128], strides = [1, 1]} : vector<512x8192xf32> to vector<64x128xf32>
    %lt3A_152 = arith.cmpf olt, %slice3A_151, %select_n3A_147 : vector<64x128xf32>
    %select_n3A_153 = arith.select %lt3A_152, %slice3A_151, %select_n3A_147 : vector<64x128xi1>, vector<64x128xf32>
    %jit3A_154 = arith.constant 2.400000e+01 : f32
    %broadcast_in_dim3A_155 = vector.broadcast %jit3A_154 : f32 to vector<64x128xf32>
    %select_n3A_156 = arith.select %lt3A_152, %broadcast_in_dim3A_155, %select_n3A_150 : vector<64x128xi1>, vector<64x128xf32>
    %slice3A_157 = vector.extract_strided_slice %sub3A {offsets = [0, 3200], sizes = [64, 128], strides = [1, 1]} : vector<512x8192xf32> to vector<64x128xf32>
    %lt3A_158 = arith.cmpf olt, %slice3A_157, %select_n3A_153 : vector<64x128xf32>
    %select_n3A_159 = arith.select %lt3A_158, %slice3A_157, %select_n3A_153 : vector<64x128xi1>, vector<64x128xf32>
    %jit3A_160 = arith.constant 2.500000e+01 : f32
    %broadcast_in_dim3A_161 = vector.broadcast %jit3A_160 : f32 to vector<64x128xf32>
    %select_n3A_162 = arith.select %lt3A_158, %broadcast_in_dim3A_161, %select_n3A_156 : vector<64x128xi1>, vector<64x128xf32>
    %slice3A_163 = vector.extract_strided_slice %sub3A {offsets = [0, 3328], sizes = [64, 128], strides = [1, 1]} : vector<512x8192xf32> to vector<64x128xf32>
    %lt3A_164 = arith.cmpf olt, %slice3A_163, %select_n3A_159 : vector<64x128xf32>
    %select_n3A_165 = arith.select %lt3A_164, %slice3A_163, %select_n3A_159 : vector<64x128xi1>, vector<64x128xf32>
    %jit3A_166 = arith.constant 2.600000e+01 : f32
    %broadcast_in_dim3A_167 = vector.broadcast %jit3A_166 : f32 to vector<64x128xf32>
    %select_n3A_168 = arith.select %lt3A_164, %broadcast_in_dim3A_167, %select_n3A_162 : vector<64x128xi1>, vector<64x128xf32>
    %slice3A_169 = vector.extract_strided_slice %sub3A {offsets = [0, 3456], sizes = [64, 128], strides = [1, 1]} : vector<512x8192xf32> to vector<64x128xf32>
    %lt3A_170 = arith.cmpf olt, %slice3A_169, %select_n3A_165 : vector<64x128xf32>
    %select_n3A_171 = arith.select %lt3A_170, %slice3A_169, %select_n3A_165 : vector<64x128xi1>, vector<64x128xf32>
    %jit3A_172 = arith.constant 2.700000e+01 : f32
    %broadcast_in_dim3A_173 = vector.broadcast %jit3A_172 : f32 to vector<64x128xf32>
    %select_n3A_174 = arith.select %lt3A_170, %broadcast_in_dim3A_173, %select_n3A_168 : vector<64x128xi1>, vector<64x128xf32>
    %slice3A_175 = vector.extract_strided_slice %sub3A {offsets = [0, 3584], sizes = [64, 128], strides = [1, 1]} : vector<512x8192xf32> to vector<64x128xf32>
    %lt3A_176 = arith.cmpf olt, %slice3A_175, %select_n3A_171 : vector<64x128xf32>
    %select_n3A_177 = arith.select %lt3A_176, %slice3A_175, %select_n3A_171 : vector<64x128xi1>, vector<64x128xf32>
    %jit3A_178 = arith.constant 2.800000e+01 : f32
    %broadcast_in_dim3A_179 = vector.broadcast %jit3A_178 : f32 to vector<64x128xf32>
    %select_n3A_180 = arith.select %lt3A_176, %broadcast_in_dim3A_179, %select_n3A_174 : vector<64x128xi1>, vector<64x128xf32>
    %slice3A_181 = vector.extract_strided_slice %sub3A {offsets = [0, 3712], sizes = [64, 128], strides = [1, 1]} : vector<512x8192xf32> to vector<64x128xf32>
    %lt3A_182 = arith.cmpf olt, %slice3A_181, %select_n3A_177 : vector<64x128xf32>
    %select_n3A_183 = arith.select %lt3A_182, %slice3A_181, %select_n3A_177 : vector<64x128xi1>, vector<64x128xf32>
    %jit3A_184 = arith.constant 2.900000e+01 : f32
    %broadcast_in_dim3A_185 = vector.broadcast %jit3A_184 : f32 to vector<64x128xf32>
    %select_n3A_186 = arith.select %lt3A_182, %broadcast_in_dim3A_185, %select_n3A_180 : vector<64x128xi1>, vector<64x128xf32>
    %slice3A_187 = vector.extract_strided_slice %sub3A {offsets = [0, 3840], sizes = [64, 128], strides = [1, 1]} : vector<512x8192xf32> to vector<64x128xf32>
    %lt3A_188 = arith.cmpf olt, %slice3A_187, %select_n3A_183 : vector<64x128xf32>
    %select_n3A_189 = arith.select %lt3A_188, %slice3A_187, %select_n3A_183 : vector<64x128xi1>, vector<64x128xf32>
    %jit3A_190 = arith.constant 3.000000e+01 : f32
    %broadcast_in_dim3A_191 = vector.broadcast %jit3A_190 : f32 to vector<64x128xf32>
    %select_n3A_192 = arith.select %lt3A_188, %broadcast_in_dim3A_191, %select_n3A_186 : vector<64x128xi1>, vector<64x128xf32>
    %slice3A_193 = vector.extract_strided_slice %sub3A {offsets = [0, 3968], sizes = [64, 128], strides = [1, 1]} : vector<512x8192xf32> to vector<64x128xf32>
    %lt3A_194 = arith.cmpf olt, %slice3A_193, %select_n3A_189 : vector<64x128xf32>
    %select_n3A_195 = arith.select %lt3A_194, %slice3A_193, %select_n3A_189 : vector<64x128xi1>, vector<64x128xf32>
    %jit3A_196 = arith.constant 3.100000e+01 : f32
    %broadcast_in_dim3A_197 = vector.broadcast %jit3A_196 : f32 to vector<64x128xf32>
    %select_n3A_198 = arith.select %lt3A_194, %broadcast_in_dim3A_197, %select_n3A_192 : vector<64x128xi1>, vector<64x128xf32>
    %slice3A_199 = vector.extract_strided_slice %sub3A {offsets = [0, 4096], sizes = [64, 128], strides = [1, 1]} : vector<512x8192xf32> to vector<64x128xf32>
    %lt3A_200 = arith.cmpf olt, %slice3A_199, %select_n3A_195 : vector<64x128xf32>
    %select_n3A_201 = arith.select %lt3A_200, %slice3A_199, %select_n3A_195 : vector<64x128xi1>, vector<64x128xf32>
    %jit3A_202 = arith.constant 3.200000e+01 : f32
    %broadcast_in_dim3A_203 = vector.broadcast %jit3A_202 : f32 to vector<64x128xf32>
    %select_n3A_204 = arith.select %lt3A_200, %broadcast_in_dim3A_203, %select_n3A_198 : vector<64x128xi1>, vector<64x128xf32>
    %slice3A_205 = vector.extract_strided_slice %sub3A {offsets = [0, 4224], sizes = [64, 128], strides = [1, 1]} : vector<512x8192xf32> to vector<64x128xf32>
    %lt3A_206 = arith.cmpf olt, %slice3A_205, %select_n3A_201 : vector<64x128xf32>
    %select_n3A_207 = arith.select %lt3A_206, %slice3A_205, %select_n3A_201 : vector<64x128xi1>, vector<64x128xf32>
    %jit3A_208 = arith.constant 3.300000e+01 : f32
    %broadcast_in_dim3A_209 = vector.broadcast %jit3A_208 : f32 to vector<64x128xf32>
    %select_n3A_210 = arith.select %lt3A_206, %broadcast_in_dim3A_209, %select_n3A_204 : vector<64x128xi1>, vector<64x128xf32>
    %slice3A_211 = vector.extract_strided_slice %sub3A {offsets = [0, 4352], sizes = [64, 128], strides = [1, 1]} : vector<512x8192xf32> to vector<64x128xf32>
    %lt3A_212 = arith.cmpf olt, %slice3A_211, %select_n3A_207 : vector<64x128xf32>
    %select_n3A_213 = arith.select %lt3A_212, %slice3A_211, %select_n3A_207 : vector<64x128xi1>, vector<64x128xf32>
    %jit3A_214 = arith.constant 3.400000e+01 : f32
    %broadcast_in_dim3A_215 = vector.broadcast %jit3A_214 : f32 to vector<64x128xf32>
    %select_n3A_216 = arith.select %lt3A_212, %broadcast_in_dim3A_215, %select_n3A_210 : vector<64x128xi1>, vector<64x128xf32>
    %slice3A_217 = vector.extract_strided_slice %sub3A {offsets = [0, 4480], sizes = [64, 128], strides = [1, 1]} : vector<512x8192xf32> to vector<64x128xf32>
    %lt3A_218 = arith.cmpf olt, %slice3A_217, %select_n3A_213 : vector<64x128xf32>
    %select_n3A_219 = arith.select %lt3A_218, %slice3A_217, %select_n3A_213 : vector<64x128xi1>, vector<64x128xf32>
    %jit3A_220 = arith.constant 3.500000e+01 : f32
    %broadcast_in_dim3A_221 = vector.broadcast %jit3A_220 : f32 to vector<64x128xf32>
    %select_n3A_222 = arith.select %lt3A_218, %broadcast_in_dim3A_221, %select_n3A_216 : vector<64x128xi1>, vector<64x128xf32>
    %slice3A_223 = vector.extract_strided_slice %sub3A {offsets = [0, 4608], sizes = [64, 128], strides = [1, 1]} : vector<512x8192xf32> to vector<64x128xf32>
    %lt3A_224 = arith.cmpf olt, %slice3A_223, %select_n3A_219 : vector<64x128xf32>
    %select_n3A_225 = arith.select %lt3A_224, %slice3A_223, %select_n3A_219 : vector<64x128xi1>, vector<64x128xf32>
    %jit3A_226 = arith.constant 3.600000e+01 : f32
    %broadcast_in_dim3A_227 = vector.broadcast %jit3A_226 : f32 to vector<64x128xf32>
    %select_n3A_228 = arith.select %lt3A_224, %broadcast_in_dim3A_227, %select_n3A_222 : vector<64x128xi1>, vector<64x128xf32>
    %slice3A_229 = vector.extract_strided_slice %sub3A {offsets = [0, 4736], sizes = [64, 128], strides = [1, 1]} : vector<512x8192xf32> to vector<64x128xf32>
    %lt3A_230 = arith.cmpf olt, %slice3A_229, %select_n3A_225 : vector<64x128xf32>
    %select_n3A_231 = arith.select %lt3A_230, %slice3A_229, %select_n3A_225 : vector<64x128xi1>, vector<64x128xf32>
    %jit3A_232 = arith.constant 3.700000e+01 : f32
    %broadcast_in_dim3A_233 = vector.broadcast %jit3A_232 : f32 to vector<64x128xf32>
    %select_n3A_234 = arith.select %lt3A_230, %broadcast_in_dim3A_233, %select_n3A_228 : vector<64x128xi1>, vector<64x128xf32>
    %slice3A_235 = vector.extract_strided_slice %sub3A {offsets = [0, 4864], sizes = [64, 128], strides = [1, 1]} : vector<512x8192xf32> to vector<64x128xf32>
    %lt3A_236 = arith.cmpf olt, %slice3A_235, %select_n3A_231 : vector<64x128xf32>
    %select_n3A_237 = arith.select %lt3A_236, %slice3A_235, %select_n3A_231 : vector<64x128xi1>, vector<64x128xf32>
    %jit3A_238 = arith.constant 3.800000e+01 : f32
    %broadcast_in_dim3A_239 = vector.broadcast %jit3A_238 : f32 to vector<64x128xf32>
    %select_n3A_240 = arith.select %lt3A_236, %broadcast_in_dim3A_239, %select_n3A_234 : vector<64x128xi1>, vector<64x128xf32>
    %slice3A_241 = vector.extract_strided_slice %sub3A {offsets = [0, 4992], sizes = [64, 128], strides = [1, 1]} : vector<512x8192xf32> to vector<64x128xf32>
    %lt3A_242 = arith.cmpf olt, %slice3A_241, %select_n3A_237 : vector<64x128xf32>
    %select_n3A_243 = arith.select %lt3A_242, %slice3A_241, %select_n3A_237 : vector<64x128xi1>, vector<64x128xf32>
    %jit3A_244 = arith.constant 3.900000e+01 : f32
    %broadcast_in_dim3A_245 = vector.broadcast %jit3A_244 : f32 to vector<64x128xf32>
    %select_n3A_246 = arith.select %lt3A_242, %broadcast_in_dim3A_245, %select_n3A_240 : vector<64x128xi1>, vector<64x128xf32>
    %slice3A_247 = vector.extract_strided_slice %sub3A {offsets = [0, 5120], sizes = [64, 128], strides = [1, 1]} : vector<512x8192xf32> to vector<64x128xf32>
    %lt3A_248 = arith.cmpf olt, %slice3A_247, %select_n3A_243 : vector<64x128xf32>
    %select_n3A_249 = arith.select %lt3A_248, %slice3A_247, %select_n3A_243 : vector<64x128xi1>, vector<64x128xf32>
    %jit3A_250 = arith.constant 4.000000e+01 : f32
    %broadcast_in_dim3A_251 = vector.broadcast %jit3A_250 : f32 to vector<64x128xf32>
    %select_n3A_252 = arith.select %lt3A_248, %broadcast_in_dim3A_251, %select_n3A_246 : vector<64x128xi1>, vector<64x128xf32>
    %slice3A_253 = vector.extract_strided_slice %sub3A {offsets = [0, 5248], sizes = [64, 128], strides = [1, 1]} : vector<512x8192xf32> to vector<64x128xf32>
    %lt3A_254 = arith.cmpf olt, %slice3A_253, %select_n3A_249 : vector<64x128xf32>
    %select_n3A_255 = arith.select %lt3A_254, %slice3A_253, %select_n3A_249 : vector<64x128xi1>, vector<64x128xf32>
    %jit3A_256 = arith.constant 4.100000e+01 : f32
    %broadcast_in_dim3A_257 = vector.broadcast %jit3A_256 : f32 to vector<64x128xf32>
    %select_n3A_258 = arith.select %lt3A_254, %broadcast_in_dim3A_257, %select_n3A_252 : vector<64x128xi1>, vector<64x128xf32>
    %slice3A_259 = vector.extract_strided_slice %sub3A {offsets = [0, 5376], sizes = [64, 128], strides = [1, 1]} : vector<512x8192xf32> to vector<64x128xf32>
    %lt3A_260 = arith.cmpf olt, %slice3A_259, %select_n3A_255 : vector<64x128xf32>
    %select_n3A_261 = arith.select %lt3A_260, %slice3A_259, %select_n3A_255 : vector<64x128xi1>, vector<64x128xf32>
    %jit3A_262 = arith.constant 4.200000e+01 : f32
    %broadcast_in_dim3A_263 = vector.broadcast %jit3A_262 : f32 to vector<64x128xf32>
    %select_n3A_264 = arith.select %lt3A_260, %broadcast_in_dim3A_263, %select_n3A_258 : vector<64x128xi1>, vector<64x128xf32>
    %slice3A_265 = vector.extract_strided_slice %sub3A {offsets = [0, 5504], sizes = [64, 128], strides = [1, 1]} : vector<512x8192xf32> to vector<64x128xf32>
    %lt3A_266 = arith.cmpf olt, %slice3A_265, %select_n3A_261 : vector<64x128xf32>
    %select_n3A_267 = arith.select %lt3A_266, %slice3A_265, %select_n3A_261 : vector<64x128xi1>, vector<64x128xf32>
    %jit3A_268 = arith.constant 4.300000e+01 : f32
    %broadcast_in_dim3A_269 = vector.broadcast %jit3A_268 : f32 to vector<64x128xf32>
    %select_n3A_270 = arith.select %lt3A_266, %broadcast_in_dim3A_269, %select_n3A_264 : vector<64x128xi1>, vector<64x128xf32>
    %slice3A_271 = vector.extract_strided_slice %sub3A {offsets = [0, 5632], sizes = [64, 128], strides = [1, 1]} : vector<512x8192xf32> to vector<64x128xf32>
    %lt3A_272 = arith.cmpf olt, %slice3A_271, %select_n3A_267 : vector<64x128xf32>
    %select_n3A_273 = arith.select %lt3A_272, %slice3A_271, %select_n3A_267 : vector<64x128xi1>, vector<64x128xf32>
    %jit3A_274 = arith.constant 4.400000e+01 : f32
    %broadcast_in_dim3A_275 = vector.broadcast %jit3A_274 : f32 to vector<64x128xf32>
    %select_n3A_276 = arith.select %lt3A_272, %broadcast_in_dim3A_275, %select_n3A_270 : vector<64x128xi1>, vector<64x128xf32>
    %slice3A_277 = vector.extract_strided_slice %sub3A {offsets = [0, 5760], sizes = [64, 128], strides = [1, 1]} : vector<512x8192xf32> to vector<64x128xf32>
    %lt3A_278 = arith.cmpf olt, %slice3A_277, %select_n3A_273 : vector<64x128xf32>
    %select_n3A_279 = arith.select %lt3A_278, %slice3A_277, %select_n3A_273 : vector<64x128xi1>, vector<64x128xf32>
    %jit3A_280 = arith.constant 4.500000e+01 : f32
    %broadcast_in_dim3A_281 = vector.broadcast %jit3A_280 : f32 to vector<64x128xf32>
    %select_n3A_282 = arith.select %lt3A_278, %broadcast_in_dim3A_281, %select_n3A_276 : vector<64x128xi1>, vector<64x128xf32>
    %slice3A_283 = vector.extract_strided_slice %sub3A {offsets = [0, 5888], sizes = [64, 128], strides = [1, 1]} : vector<512x8192xf32> to vector<64x128xf32>
    %lt3A_284 = arith.cmpf olt, %slice3A_283, %select_n3A_279 : vector<64x128xf32>
    %select_n3A_285 = arith.select %lt3A_284, %slice3A_283, %select_n3A_279 : vector<64x128xi1>, vector<64x128xf32>
    %jit3A_286 = arith.constant 4.600000e+01 : f32
    %broadcast_in_dim3A_287 = vector.broadcast %jit3A_286 : f32 to vector<64x128xf32>
    %select_n3A_288 = arith.select %lt3A_284, %broadcast_in_dim3A_287, %select_n3A_282 : vector<64x128xi1>, vector<64x128xf32>
    %slice3A_289 = vector.extract_strided_slice %sub3A {offsets = [0, 6016], sizes = [64, 128], strides = [1, 1]} : vector<512x8192xf32> to vector<64x128xf32>
    %lt3A_290 = arith.cmpf olt, %slice3A_289, %select_n3A_285 : vector<64x128xf32>
    %select_n3A_291 = arith.select %lt3A_290, %slice3A_289, %select_n3A_285 : vector<64x128xi1>, vector<64x128xf32>
    %jit3A_292 = arith.constant 4.700000e+01 : f32
    %broadcast_in_dim3A_293 = vector.broadcast %jit3A_292 : f32 to vector<64x128xf32>
    %select_n3A_294 = arith.select %lt3A_290, %broadcast_in_dim3A_293, %select_n3A_288 : vector<64x128xi1>, vector<64x128xf32>
    %slice3A_295 = vector.extract_strided_slice %sub3A {offsets = [0, 6144], sizes = [64, 128], strides = [1, 1]} : vector<512x8192xf32> to vector<64x128xf32>
    %lt3A_296 = arith.cmpf olt, %slice3A_295, %select_n3A_291 : vector<64x128xf32>
    %select_n3A_297 = arith.select %lt3A_296, %slice3A_295, %select_n3A_291 : vector<64x128xi1>, vector<64x128xf32>
    %jit3A_298 = arith.constant 4.800000e+01 : f32
    %broadcast_in_dim3A_299 = vector.broadcast %jit3A_298 : f32 to vector<64x128xf32>
    %select_n3A_300 = arith.select %lt3A_296, %broadcast_in_dim3A_299, %select_n3A_294 : vector<64x128xi1>, vector<64x128xf32>
    %slice3A_301 = vector.extract_strided_slice %sub3A {offsets = [0, 6272], sizes = [64, 128], strides = [1, 1]} : vector<512x8192xf32> to vector<64x128xf32>
    %lt3A_302 = arith.cmpf olt, %slice3A_301, %select_n3A_297 : vector<64x128xf32>
    %select_n3A_303 = arith.select %lt3A_302, %slice3A_301, %select_n3A_297 : vector<64x128xi1>, vector<64x128xf32>
    %jit3A_304 = arith.constant 4.900000e+01 : f32
    %broadcast_in_dim3A_305 = vector.broadcast %jit3A_304 : f32 to vector<64x128xf32>
    %select_n3A_306 = arith.select %lt3A_302, %broadcast_in_dim3A_305, %select_n3A_300 : vector<64x128xi1>, vector<64x128xf32>
    %slice3A_307 = vector.extract_strided_slice %sub3A {offsets = [0, 6400], sizes = [64, 128], strides = [1, 1]} : vector<512x8192xf32> to vector<64x128xf32>
    %lt3A_308 = arith.cmpf olt, %slice3A_307, %select_n3A_303 : vector<64x128xf32>
    %select_n3A_309 = arith.select %lt3A_308, %slice3A_307, %select_n3A_303 : vector<64x128xi1>, vector<64x128xf32>
    %jit3A_310 = arith.constant 5.000000e+01 : f32
    %broadcast_in_dim3A_311 = vector.broadcast %jit3A_310 : f32 to vector<64x128xf32>
    %select_n3A_312 = arith.select %lt3A_308, %broadcast_in_dim3A_311, %select_n3A_306 : vector<64x128xi1>, vector<64x128xf32>
    %slice3A_313 = vector.extract_strided_slice %sub3A {offsets = [0, 6528], sizes = [64, 128], strides = [1, 1]} : vector<512x8192xf32> to vector<64x128xf32>
    %lt3A_314 = arith.cmpf olt, %slice3A_313, %select_n3A_309 : vector<64x128xf32>
    %select_n3A_315 = arith.select %lt3A_314, %slice3A_313, %select_n3A_309 : vector<64x128xi1>, vector<64x128xf32>
    %jit3A_316 = arith.constant 5.100000e+01 : f32
    %broadcast_in_dim3A_317 = vector.broadcast %jit3A_316 : f32 to vector<64x128xf32>
    %select_n3A_318 = arith.select %lt3A_314, %broadcast_in_dim3A_317, %select_n3A_312 : vector<64x128xi1>, vector<64x128xf32>
    %slice3A_319 = vector.extract_strided_slice %sub3A {offsets = [0, 6656], sizes = [64, 128], strides = [1, 1]} : vector<512x8192xf32> to vector<64x128xf32>
    %lt3A_320 = arith.cmpf olt, %slice3A_319, %select_n3A_315 : vector<64x128xf32>
    %select_n3A_321 = arith.select %lt3A_320, %slice3A_319, %select_n3A_315 : vector<64x128xi1>, vector<64x128xf32>
    %jit3A_322 = arith.constant 5.200000e+01 : f32
    %broadcast_in_dim3A_323 = vector.broadcast %jit3A_322 : f32 to vector<64x128xf32>
    %select_n3A_324 = arith.select %lt3A_320, %broadcast_in_dim3A_323, %select_n3A_318 : vector<64x128xi1>, vector<64x128xf32>
    %slice3A_325 = vector.extract_strided_slice %sub3A {offsets = [0, 6784], sizes = [64, 128], strides = [1, 1]} : vector<512x8192xf32> to vector<64x128xf32>
    %lt3A_326 = arith.cmpf olt, %slice3A_325, %select_n3A_321 : vector<64x128xf32>
    %select_n3A_327 = arith.select %lt3A_326, %slice3A_325, %select_n3A_321 : vector<64x128xi1>, vector<64x128xf32>
    %jit3A_328 = arith.constant 5.300000e+01 : f32
    %broadcast_in_dim3A_329 = vector.broadcast %jit3A_328 : f32 to vector<64x128xf32>
    %select_n3A_330 = arith.select %lt3A_326, %broadcast_in_dim3A_329, %select_n3A_324 : vector<64x128xi1>, vector<64x128xf32>
    %slice3A_331 = vector.extract_strided_slice %sub3A {offsets = [0, 6912], sizes = [64, 128], strides = [1, 1]} : vector<512x8192xf32> to vector<64x128xf32>
    %lt3A_332 = arith.cmpf olt, %slice3A_331, %select_n3A_327 : vector<64x128xf32>
    %select_n3A_333 = arith.select %lt3A_332, %slice3A_331, %select_n3A_327 : vector<64x128xi1>, vector<64x128xf32>
    %jit3A_334 = arith.constant 5.400000e+01 : f32
    %broadcast_in_dim3A_335 = vector.broadcast %jit3A_334 : f32 to vector<64x128xf32>
    %select_n3A_336 = arith.select %lt3A_332, %broadcast_in_dim3A_335, %select_n3A_330 : vector<64x128xi1>, vector<64x128xf32>
    %slice3A_337 = vector.extract_strided_slice %sub3A {offsets = [0, 7040], sizes = [64, 128], strides = [1, 1]} : vector<512x8192xf32> to vector<64x128xf32>
    %lt3A_338 = arith.cmpf olt, %slice3A_337, %select_n3A_333 : vector<64x128xf32>
    %select_n3A_339 = arith.select %lt3A_338, %slice3A_337, %select_n3A_333 : vector<64x128xi1>, vector<64x128xf32>
    %jit3A_340 = arith.constant 5.500000e+01 : f32
    %broadcast_in_dim3A_341 = vector.broadcast %jit3A_340 : f32 to vector<64x128xf32>
    %select_n3A_342 = arith.select %lt3A_338, %broadcast_in_dim3A_341, %select_n3A_336 : vector<64x128xi1>, vector<64x128xf32>
    %slice3A_343 = vector.extract_strided_slice %sub3A {offsets = [0, 7168], sizes = [64, 128], strides = [1, 1]} : vector<512x8192xf32> to vector<64x128xf32>
    %lt3A_344 = arith.cmpf olt, %slice3A_343, %select_n3A_339 : vector<64x128xf32>
    %select_n3A_345 = arith.select %lt3A_344, %slice3A_343, %select_n3A_339 : vector<64x128xi1>, vector<64x128xf32>
    %jit3A_346 = arith.constant 5.600000e+01 : f32
    %broadcast_in_dim3A_347 = vector.broadcast %jit3A_346 : f32 to vector<64x128xf32>
    %select_n3A_348 = arith.select %lt3A_344, %broadcast_in_dim3A_347, %select_n3A_342 : vector<64x128xi1>, vector<64x128xf32>
    %slice3A_349 = vector.extract_strided_slice %sub3A {offsets = [0, 7296], sizes = [64, 128], strides = [1, 1]} : vector<512x8192xf32> to vector<64x128xf32>
    %lt3A_350 = arith.cmpf olt, %slice3A_349, %select_n3A_345 : vector<64x128xf32>
    %select_n3A_351 = arith.select %lt3A_350, %slice3A_349, %select_n3A_345 : vector<64x128xi1>, vector<64x128xf32>
    %jit3A_352 = arith.constant 5.700000e+01 : f32
    %broadcast_in_dim3A_353 = vector.broadcast %jit3A_352 : f32 to vector<64x128xf32>
    %select_n3A_354 = arith.select %lt3A_350, %broadcast_in_dim3A_353, %select_n3A_348 : vector<64x128xi1>, vector<64x128xf32>
    %slice3A_355 = vector.extract_strided_slice %sub3A {offsets = [0, 7424], sizes = [64, 128], strides = [1, 1]} : vector<512x8192xf32> to vector<64x128xf32>
    %lt3A_356 = arith.cmpf olt, %slice3A_355, %select_n3A_351 : vector<64x128xf32>
    %select_n3A_357 = arith.select %lt3A_356, %slice3A_355, %select_n3A_351 : vector<64x128xi1>, vector<64x128xf32>
    %jit3A_358 = arith.constant 5.800000e+01 : f32
    %broadcast_in_dim3A_359 = vector.broadcast %jit3A_358 : f32 to vector<64x128xf32>
    %select_n3A_360 = arith.select %lt3A_356, %broadcast_in_dim3A_359, %select_n3A_354 : vector<64x128xi1>, vector<64x128xf32>
    %slice3A_361 = vector.extract_strided_slice %sub3A {offsets = [0, 7552], sizes = [64, 128], strides = [1, 1]} : vector<512x8192xf32> to vector<64x128xf32>
    %lt3A_362 = arith.cmpf olt, %slice3A_361, %select_n3A_357 : vector<64x128xf32>
    %select_n3A_363 = arith.select %lt3A_362, %slice3A_361, %select_n3A_357 : vector<64x128xi1>, vector<64x128xf32>
    %jit3A_364 = arith.constant 5.900000e+01 : f32
    %broadcast_in_dim3A_365 = vector.broadcast %jit3A_364 : f32 to vector<64x128xf32>
    %select_n3A_366 = arith.select %lt3A_362, %broadcast_in_dim3A_365, %select_n3A_360 : vector<64x128xi1>, vector<64x128xf32>
    %slice3A_367 = vector.extract_strided_slice %sub3A {offsets = [0, 7680], sizes = [64, 128], strides = [1, 1]} : vector<512x8192xf32> to vector<64x128xf32>
    %lt3A_368 = arith.cmpf olt, %slice3A_367, %select_n3A_363 : vector<64x128xf32>
    %select_n3A_369 = arith.select %lt3A_368, %slice3A_367, %select_n3A_363 : vector<64x128xi1>, vector<64x128xf32>
    %jit3A_370 = arith.constant 6.000000e+01 : f32
    %broadcast_in_dim3A_371 = vector.broadcast %jit3A_370 : f32 to vector<64x128xf32>
    %select_n3A_372 = arith.select %lt3A_368, %broadcast_in_dim3A_371, %select_n3A_366 : vector<64x128xi1>, vector<64x128xf32>
    %slice3A_373 = vector.extract_strided_slice %sub3A {offsets = [0, 7808], sizes = [64, 128], strides = [1, 1]} : vector<512x8192xf32> to vector<64x128xf32>
    %lt3A_374 = arith.cmpf olt, %slice3A_373, %select_n3A_369 : vector<64x128xf32>
    %select_n3A_375 = arith.select %lt3A_374, %slice3A_373, %select_n3A_369 : vector<64x128xi1>, vector<64x128xf32>
    %jit3A_376 = arith.constant 6.100000e+01 : f32
    %broadcast_in_dim3A_377 = vector.broadcast %jit3A_376 : f32 to vector<64x128xf32>
    %select_n3A_378 = arith.select %lt3A_374, %broadcast_in_dim3A_377, %select_n3A_372 : vector<64x128xi1>, vector<64x128xf32>
    %slice3A_379 = vector.extract_strided_slice %sub3A {offsets = [0, 7936], sizes = [64, 128], strides = [1, 1]} : vector<512x8192xf32> to vector<64x128xf32>
    %lt3A_380 = arith.cmpf olt, %slice3A_379, %select_n3A_375 : vector<64x128xf32>
    %select_n3A_381 = arith.select %lt3A_380, %slice3A_379, %select_n3A_375 : vector<64x128xi1>, vector<64x128xf32>
    %jit3A_382 = arith.constant 6.200000e+01 : f32
    %broadcast_in_dim3A_383 = vector.broadcast %jit3A_382 : f32 to vector<64x128xf32>
    %select_n3A_384 = arith.select %lt3A_380, %broadcast_in_dim3A_383, %select_n3A_378 : vector<64x128xi1>, vector<64x128xf32>
    %slice3A_385 = vector.extract_strided_slice %sub3A {offsets = [0, 8064], sizes = [64, 128], strides = [1, 1]} : vector<512x8192xf32> to vector<64x128xf32>
    %lt3A_386 = arith.cmpf olt, %slice3A_385, %select_n3A_381 : vector<64x128xf32>
    %select_n3A_387 = arith.select %lt3A_386, %slice3A_385, %select_n3A_381 : vector<64x128xi1>, vector<64x128xf32>
    %jit3A_388 = arith.constant 6.300000e+01 : f32
    %broadcast_in_dim3A_389 = vector.broadcast %jit3A_388 : f32 to vector<64x128xf32>
    %select_n3A_390 = arith.select %lt3A_386, %broadcast_in_dim3A_389, %select_n3A_384 : vector<64x128xi1>, vector<64x128xf32>
    %mul3A_391 = arith.constant 1.280000e+02 : f32
    %mul3A_392 = vector.broadcast %mul3A_391 : f32 to vector<64x128xf32>
    %mul3A_393 = arith.mulf %select_n3A_390, %mul3A_392 : vector<64x128xf32>
    %add3A_394 = arith.addf %mul3A_393, %convert_element_type3A : vector<64x128xf32>
    %reduce_min3A = arith.constant dense<0x7F800000> : vector<64xf32>
    %reduce_min3A_395 = vector.multi_reduction <minimumf>, %select_n3A_387, %reduce_min3A [1] : vector<64x128xf32> to vector<64xf32>
    %broadcast_in_dim3A_396 = vector.shape_cast %reduce_min3A_395 : vector<64xf32> to vector<64x1xf32>
    %eq3A = vector.broadcast %broadcast_in_dim3A_396 : vector<64x1xf32> to vector<64x128xf32>
    %eq3A_397 = arith.cmpf oeq, %select_n3A_387, %eq3A : vector<64x128xf32>
    %jit3A_398 = arith.constant 1.07374182E+9 : f32
    %broadcast_in_dim3A_399 = vector.broadcast %jit3A_398 : f32 to vector<64x128xf32>
    %select_n3A_400 = arith.select %eq3A_397, %add3A_394, %broadcast_in_dim3A_399 : vector<64x128xi1>, vector<64x128xf32>
    %reduce_min3A_401 = arith.constant dense<0x7F800000> : vector<64xf32>
    %reduce_min3A_402 = vector.multi_reduction <minimumf>, %select_n3A_400, %reduce_min3A_401 [1] : vector<64x128xf32> to vector<64xf32>
    %convert_element_type3A_403 = arith.fptosi %reduce_min3A_402 : vector<64xf32> to vector<64xi32>
    %swap3A = arith.constant 0 : index
    %swap3A_404 = vector.load %arg5[%swap3A] : memref<512xi32, #tpu.memory_space<vmem>>, vector<64xi32>
    tpu.vector_store %arg5[%swap3A], %convert_element_type3A_403 {strides = array<i32>} : memref<512xi32, #tpu.memory_space<vmem>>, vector<64xi32>,
    %slice3A_405 = vector.extract_strided_slice %sub3A {offsets = [64, 0], sizes = [64, 128], strides = [1, 1]} : vector<512x8192xf32> to vector<64x128xf32>
    %broadcast_in_dim3A_406 = arith.constant 0.000000e+00 : f32
    %broadcast_in_dim3A_407 = vector.broadcast %broadcast_in_dim3A_406 : f32 to vector<64x128xf32>
    %slice3A_408 = vector.extract_strided_slice %sub3A {offsets = [64, 128], sizes = [64, 128], strides = [1, 1]} : vector<512x8192xf32> to vector<64x128xf32>
    %lt3A_409 = arith.cmpf olt, %slice3A_408, %slice3A_405 : vector<64x128xf32>
    %select_n3A_410 = arith.select %lt3A_409, %slice3A_408, %slice3A_405 : vector<64x128xi1>, vector<64x128xf32>
    %jit3A_411 = arith.constant 1.000000e+00 : f32
    %broadcast_in_dim3A_412 = vector.broadcast %jit3A_411 : f32 to vector<64x128xf32>
    %select_n3A_413 = arith.select %lt3A_409, %broadcast_in_dim3A_412, %broadcast_in_dim3A_407 : vector<64x128xi1>, vector<64x128xf32>
    %slice3A_414 = vector.extract_strided_slice %sub3A {offsets = [64, 256], sizes = [64, 128], strides = [1, 1]} : vector<512x8192xf32> to vector<64x128xf32>
    %lt3A_415 = arith.cmpf olt, %slice3A_414, %select_n3A_410 : vector<64x128xf32>
    %select_n3A_416 = arith.select %lt3A_415, %slice3A_414, %select_n3A_410 : vector<64x128xi1>, vector<64x128xf32>
    %jit3A_417 = arith.constant 2.000000e+00 : f32
    %broadcast_in_dim3A_418 = vector.broadcast %jit3A_417 : f32 to vector<64x128xf32>
    %select_n3A_419 = arith.select %lt3A_415, %broadcast_in_dim3A_418, %select_n3A_413 : vector<64x128xi1>, vector<64x128xf32>
    %slice3A_420 = vector.extract_strided_slice %sub3A {offsets = [64, 384], sizes = [64, 128], strides = [1, 1]} : vector<512x8192xf32> to vector<64x128xf32>
    %lt3A_421 = arith.cmpf olt, %slice3A_420, %select_n3A_416 : vector<64x128xf32>
    %select_n3A_422 = arith.select %lt3A_421, %slice3A_420, %select_n3A_416 : vector<64x128xi1>, vector<64x128xf32>
    %jit3A_423 = arith.constant 3.000000e+00 : f32
    %broadcast_in_dim3A_424 = vector.broadcast %jit3A_423 : f32 to vector<64x128xf32>
    %select_n3A_425 = arith.select %lt3A_421, %broadcast_in_dim3A_424, %select_n3A_419 : vector<64x128xi1>, vector<64x128xf32>
    %slice3A_426 = vector.extract_strided_slice %sub3A {offsets = [64, 512], sizes = [64, 128], strides = [1, 1]} : vector<512x8192xf32> to vector<64x128xf32>
    %lt3A_427 = arith.cmpf olt, %slice3A_426, %select_n3A_422 : vector<64x128xf32>
    %select_n3A_428 = arith.select %lt3A_427, %slice3A_426, %select_n3A_422 : vector<64x128xi1>, vector<64x128xf32>
    %jit3A_429 = arith.constant 4.000000e+00 : f32
    %broadcast_in_dim3A_430 = vector.broadcast %jit3A_429 : f32 to vector<64x128xf32>
    %select_n3A_431 = arith.select %lt3A_427, %broadcast_in_dim3A_430, %select_n3A_425 : vector<64x128xi1>, vector<64x128xf32>
    %slice3A_432 = vector.extract_strided_slice %sub3A {offsets = [64, 640], sizes = [64, 128], strides = [1, 1]} : vector<512x8192xf32> to vector<64x128xf32>
    %lt3A_433 = arith.cmpf olt, %slice3A_432, %select_n3A_428 : vector<64x128xf32>
    %select_n3A_434 = arith.select %lt3A_433, %slice3A_432, %select_n3A_428 : vector<64x128xi1>, vector<64x128xf32>
    %jit3A_435 = arith.constant 5.000000e+00 : f32
    %broadcast_in_dim3A_436 = vector.broadcast %jit3A_435 : f32 to vector<64x128xf32>
    %select_n3A_437 = arith.select %lt3A_433, %broadcast_in_dim3A_436, %select_n3A_431 : vector<64x128xi1>, vector<64x128xf32>
    %slice3A_438 = vector.extract_strided_slice %sub3A {offsets = [64, 768], sizes = [64, 128], strides = [1, 1]} : vector<512x8192xf32> to vector<64x128xf32>
    %lt3A_439 = arith.cmpf olt, %slice3A_438, %select_n3A_434 : vector<64x128xf32>
    %select_n3A_440 = arith.select %lt3A_439, %slice3A_438, %select_n3A_434 : vector<64x128xi1>, vector<64x128xf32>
    %jit3A_441 = arith.constant 6.000000e+00 : f32
    %broadcast_in_dim3A_442 = vector.broadcast %jit3A_441 : f32 to vector<64x128xf32>
    %select_n3A_443 = arith.select %lt3A_439, %broadcast_in_dim3A_442, %select_n3A_437 : vector<64x128xi1>, vector<64x128xf32>
    %slice3A_444 = vector.extract_strided_slice %sub3A {offsets = [64, 896], sizes = [64, 128], strides = [1, 1]} : vector<512x8192xf32> to vector<64x128xf32>
    %lt3A_445 = arith.cmpf olt, %slice3A_444, %select_n3A_440 : vector<64x128xf32>
    %select_n3A_446 = arith.select %lt3A_445, %slice3A_444, %select_n3A_440 : vector<64x128xi1>, vector<64x128xf32>
    %jit3A_447 = arith.constant 7.000000e+00 : f32
    %broadcast_in_dim3A_448 = vector.broadcast %jit3A_447 : f32 to vector<64x128xf32>
    %select_n3A_449 = arith.select %lt3A_445, %broadcast_in_dim3A_448, %select_n3A_443 : vector<64x128xi1>, vector<64x128xf32>
    %slice3A_450 = vector.extract_strided_slice %sub3A {offsets = [64, 1024], sizes = [64, 128], strides = [1, 1]} : vector<512x8192xf32> to vector<64x128xf32>
    %lt3A_451 = arith.cmpf olt, %slice3A_450, %select_n3A_446 : vector<64x128xf32>
    %select_n3A_452 = arith.select %lt3A_451, %slice3A_450, %select_n3A_446 : vector<64x128xi1>, vector<64x128xf32>
    %jit3A_453 = arith.constant 8.000000e+00 : f32
    %broadcast_in_dim3A_454 = vector.broadcast %jit3A_453 : f32 to vector<64x128xf32>
    %select_n3A_455 = arith.select %lt3A_451, %broadcast_in_dim3A_454, %select_n3A_449 : vector<64x128xi1>, vector<64x128xf32>
    %slice3A_456 = vector.extract_strided_slice %sub3A {offsets = [64, 1152], sizes = [64, 128], strides = [1, 1]} : vector<512x8192xf32> to vector<64x128xf32>
    %lt3A_457 = arith.cmpf olt, %slice3A_456, %select_n3A_452 : vector<64x128xf32>
    %select_n3A_458 = arith.select %lt3A_457, %slice3A_456, %select_n3A_452 : vector<64x128xi1>, vector<64x128xf32>
    %jit3A_459 = arith.constant 9.000000e+00 : f32
    %broadcast_in_dim3A_460 = vector.broadcast %jit3A_459 : f32 to vector<64x128xf32>
    %select_n3A_461 = arith.select %lt3A_457, %broadcast_in_dim3A_460, %select_n3A_455 : vector<64x128xi1>, vector<64x128xf32>
    %slice3A_462 = vector.extract_strided_slice %sub3A {offsets = [64, 1280], sizes = [64, 128], strides = [1, 1]} : vector<512x8192xf32> to vector<64x128xf32>
    %lt3A_463 = arith.cmpf olt, %slice3A_462, %select_n3A_458 : vector<64x128xf32>
    %select_n3A_464 = arith.select %lt3A_463, %slice3A_462, %select_n3A_458 : vector<64x128xi1>, vector<64x128xf32>
    %jit3A_465 = arith.constant 1.000000e+01 : f32
    %broadcast_in_dim3A_466 = vector.broadcast %jit3A_465 : f32 to vector<64x128xf32>
    %select_n3A_467 = arith.select %lt3A_463, %broadcast_in_dim3A_466, %select_n3A_461 : vector<64x128xi1>, vector<64x128xf32>
    %slice3A_468 = vector.extract_strided_slice %sub3A {offsets = [64, 1408], sizes = [64, 128], strides = [1, 1]} : vector<512x8192xf32> to vector<64x128xf32>
    %lt3A_469 = arith.cmpf olt, %slice3A_468, %select_n3A_464 : vector<64x128xf32>
    %select_n3A_470 = arith.select %lt3A_469, %slice3A_468, %select_n3A_464 : vector<64x128xi1>, vector<64x128xf32>
    %jit3A_471 = arith.constant 1.100000e+01 : f32
    %broadcast_in_dim3A_472 = vector.broadcast %jit3A_471 : f32 to vector<64x128xf32>
    %select_n3A_473 = arith.select %lt3A_469, %broadcast_in_dim3A_472, %select_n3A_467 : vector<64x128xi1>, vector<64x128xf32>
    %slice3A_474 = vector.extract_strided_slice %sub3A {offsets = [64, 1536], sizes = [64, 128], strides = [1, 1]} : vector<512x8192xf32> to vector<64x128xf32>
    %lt3A_475 = arith.cmpf olt, %slice3A_474, %select_n3A_470 : vector<64x128xf32>
    %select_n3A_476 = arith.select %lt3A_475, %slice3A_474, %select_n3A_470 : vector<64x128xi1>, vector<64x128xf32>
    %jit3A_477 = arith.constant 1.200000e+01 : f32
    %broadcast_in_dim3A_478 = vector.broadcast %jit3A_477 : f32 to vector<64x128xf32>
    %select_n3A_479 = arith.select %lt3A_475, %broadcast_in_dim3A_478, %select_n3A_473 : vector<64x128xi1>, vector<64x128xf32>
    %slice3A_480 = vector.extract_strided_slice %sub3A {offsets = [64, 1664], sizes = [64, 128], strides = [1, 1]} : vector<512x8192xf32> to vector<64x128xf32>
    %lt3A_481 = arith.cmpf olt, %slice3A_480, %select_n3A_476 : vector<64x128xf32>
    %select_n3A_482 = arith.select %lt3A_481, %slice3A_480, %select_n3A_476 : vector<64x128xi1>, vector<64x128xf32>
    %jit3A_483 = arith.constant 1.300000e+01 : f32
    %broadcast_in_dim3A_484 = vector.broadcast %jit3A_483 : f32 to vector<64x128xf32>
    %select_n3A_485 = arith.select %lt3A_481, %broadcast_in_dim3A_484, %select_n3A_479 : vector<64x128xi1>, vector<64x128xf32>
    %slice3A_486 = vector.extract_strided_slice %sub3A {offsets = [64, 1792], sizes = [64, 128], strides = [1, 1]} : vector<512x8192xf32> to vector<64x128xf32>
    %lt3A_487 = arith.cmpf olt, %slice3A_486, %select_n3A_482 : vector<64x128xf32>
    %select_n3A_488 = arith.select %lt3A_487, %slice3A_486, %select_n3A_482 : vector<64x128xi1>, vector<64x128xf32>
    %jit3A_489 = arith.constant 1.400000e+01 : f32
    %broadcast_in_dim3A_490 = vector.broadcast %jit3A_489 : f32 to vector<64x128xf32>
    %select_n3A_491 = arith.select %lt3A_487, %broadcast_in_dim3A_490, %select_n3A_485 : vector<64x128xi1>, vector<64x128xf32>
    %slice3A_492 = vector.extract_strided_slice %sub3A {offsets = [64, 1920], sizes = [64, 128], strides = [1, 1]} : vector<512x8192xf32> to vector<64x128xf32>
    %lt3A_493 = arith.cmpf olt, %slice3A_492, %select_n3A_488 : vector<64x128xf32>
    %select_n3A_494 = arith.select %lt3A_493, %slice3A_492, %select_n3A_488 : vector<64x128xi1>, vector<64x128xf32>
    %jit3A_495 = arith.constant 1.500000e+01 : f32
    %broadcast_in_dim3A_496 = vector.broadcast %jit3A_495 : f32 to vector<64x128xf32>
    %select_n3A_497 = arith.select %lt3A_493, %broadcast_in_dim3A_496, %select_n3A_491 : vector<64x128xi1>, vector<64x128xf32>
    %slice3A_498 = vector.extract_strided_slice %sub3A {offsets = [64, 2048], sizes = [64, 128], strides = [1, 1]} : vector<512x8192xf32> to vector<64x128xf32>
    %lt3A_499 = arith.cmpf olt, %slice3A_498, %select_n3A_494 : vector<64x128xf32>
    %select_n3A_500 = arith.select %lt3A_499, %slice3A_498, %select_n3A_494 : vector<64x128xi1>, vector<64x128xf32>
    %jit3A_501 = arith.constant 1.600000e+01 : f32
    %broadcast_in_dim3A_502 = vector.broadcast %jit3A_501 : f32 to vector<64x128xf32>
    %select_n3A_503 = arith.select %lt3A_499, %broadcast_in_dim3A_502, %select_n3A_497 : vector<64x128xi1>, vector<64x128xf32>
    %slice3A_504 = vector.extract_strided_slice %sub3A {offsets = [64, 2176], sizes = [64, 128], strides = [1, 1]} : vector<512x8192xf32> to vector<64x128xf32>
    %lt3A_505 = arith.cmpf olt, %slice3A_504, %select_n3A_500 : vector<64x128xf32>
    %select_n3A_506 = arith.select %lt3A_505, %slice3A_504, %select_n3A_500 : vector<64x128xi1>, vector<64x128xf32>
    %jit3A_507 = arith.constant 1.700000e+01 : f32
    %broadcast_in_dim3A_508 = vector.broadcast %jit3A_507 : f32 to vector<64x128xf32>
    %select_n3A_509 = arith.select %lt3A_505, %broadcast_in_dim3A_508, %select_n3A_503 : vector<64x128xi1>, vector<64x128xf32>
    %slice3A_510 = vector.extract_strided_slice %sub3A {offsets = [64, 2304], sizes = [64, 128], strides = [1, 1]} : vector<512x8192xf32> to vector<64x128xf32>
    %lt3A_511 = arith.cmpf olt, %slice3A_510, %select_n3A_506 : vector<64x128xf32>
    %select_n3A_512 = arith.select %lt3A_511, %slice3A_510, %select_n3A_506 : vector<64x128xi1>, vector<64x128xf32>
    %jit3A_513 = arith.constant 1.800000e+01 : f32
    %broadcast_in_dim3A_514 = vector.broadcast %jit3A_513 : f32 to vector<64x128xf32>
    %select_n3A_515 = arith.select %lt3A_511, %broadcast_in_dim3A_514, %select_n3A_509 : vector<64x128xi1>, vector<64x128xf32>
    %slice3A_516 = vector.extract_strided_slice %sub3A {offsets = [64, 2432], sizes = [64, 128], strides = [1, 1]} : vector<512x8192xf32> to vector<64x128xf32>
    %lt3A_517 = arith.cmpf olt, %slice3A_516, %select_n3A_512 : vector<64x128xf32>
    %select_n3A_518 = arith.select %lt3A_517, %slice3A_516, %select_n3A_512 : vector<64x128xi1>, vector<64x128xf32>
    %jit3A_519 = arith.constant 1.900000e+01 : f32
    %broadcast_in_dim3A_520 = vector.broadcast %jit3A_519 : f32 to vector<64x128xf32>
    %select_n3A_521 = arith.select %lt3A_517, %broadcast_in_dim3A_520, %select_n3A_515 : vector<64x128xi1>, vector<64x128xf32>
    %slice3A_522 = vector.extract_strided_slice %sub3A {offsets = [64, 2560], sizes = [64, 128], strides = [1, 1]} : vector<512x8192xf32> to vector<64x128xf32>
    %lt3A_523 = arith.cmpf olt, %slice3A_522, %select_n3A_518 : vector<64x128xf32>
    %select_n3A_524 = arith.select %lt3A_523, %slice3A_522, %select_n3A_518 : vector<64x128xi1>, vector<64x128xf32>
    %jit3A_525 = arith.constant 2.000000e+01 : f32
    %broadcast_in_dim3A_526 = vector.broadcast %jit3A_525 : f32 to vector<64x128xf32>
    %select_n3A_527 = arith.select %lt3A_523, %broadcast_in_dim3A_526, %select_n3A_521 : vector<64x128xi1>, vector<64x128xf32>
    %slice3A_528 = vector.extract_strided_slice %sub3A {offsets = [64, 2688], sizes = [64, 128], strides = [1, 1]} : vector<512x8192xf32> to vector<64x128xf32>
    %lt3A_529 = arith.cmpf olt, %slice3A_528, %select_n3A_524 : vector<64x128xf32>
    %select_n3A_530 = arith.select %lt3A_529, %slice3A_528, %select_n3A_524 : vector<64x128xi1>, vector<64x128xf32>
    %jit3A_531 = arith.constant 2.100000e+01 : f32
    %broadcast_in_dim3A_532 = vector.broadcast %jit3A_531 : f32 to vector<64x128xf32>
    %select_n3A_533 = arith.select %lt3A_529, %broadcast_in_dim3A_532, %select_n3A_527 : vector<64x128xi1>, vector<64x128xf32>
    %slice3A_534 = vector.extract_strided_slice %sub3A {offsets = [64, 2816], sizes = [64, 128], strides = [1, 1]} : vector<512x8192xf32> to vector<64x128xf32>
    %lt3A_535 = arith.cmpf olt, %slice3A_534, %select_n3A_530 : vector<64x128xf32>
    %select_n3A_536 = arith.select %lt3A_535, %slice3A_534, %select_n3A_530 : vector<64x128xi1>, vector<64x128xf32>
    %jit3A_537 = arith.constant 2.200000e+01 : f32
    %broadcast_in_dim3A_538 = vector.broadcast %jit3A_537 : f32 to vector<64x128xf32>
    %select_n3A_539 = arith.select %lt3A_535, %broadcast_in_dim3A_538, %select_n3A_533 : vector<64x128xi1>, vector<64x128xf32>
    %slice3A_540 = vector.extract_strided_slice %sub3A {offsets = [64, 2944], sizes = [64, 128], strides = [1, 1]} : vector<512x8192xf32> to vector<64x128xf32>
    %lt3A_541 = arith.cmpf olt, %slice3A_540, %select_n3A_536 : vector<64x128xf32>
    %select_n3A_542 = arith.select %lt3A_541, %slice3A_540, %select_n3A_536 : vector<64x128xi1>, vector<64x128xf32>
    %jit3A_543 = arith.constant 2.300000e+01 : f32
    %broadcast_in_dim3A_544 = vector.broadcast %jit3A_543 : f32 to vector<64x128xf32>
    %select_n3A_545 = arith.select %lt3A_541, %broadcast_in_dim3A_544, %select_n3A_539 : vector<64x128xi1>, vector<64x128xf32>
    %slice3A_546 = vector.extract_strided_slice %sub3A {offsets = [64, 3072], sizes = [64, 128], strides = [1, 1]} : vector<512x8192xf32> to vector<64x128xf32>
    %lt3A_547 = arith.cmpf olt, %slice3A_546, %select_n3A_542 : vector<64x128xf32>
    %select_n3A_548 = arith.select %lt3A_547, %slice3A_546, %select_n3A_542 : vector<64x128xi1>, vector<64x128xf32>
    %jit3A_549 = arith.constant 2.400000e+01 : f32
    %broadcast_in_dim3A_550 = vector.broadcast %jit3A_549 : f32 to vector<64x128xf32>
    %select_n3A_551 = arith.select %lt3A_547, %broadcast_in_dim3A_550, %select_n3A_545 : vector<64x128xi1>, vector<64x128xf32>
    %slice3A_552 = vector.extract_strided_slice %sub3A {offsets = [64, 3200], sizes = [64, 128], strides = [1, 1]} : vector<512x8192xf32> to vector<64x128xf32>
    %lt3A_553 = arith.cmpf olt, %slice3A_552, %select_n3A_548 : vector<64x128xf32>
    %select_n3A_554 = arith.select %lt3A_553, %slice3A_552, %select_n3A_548 : vector<64x128xi1>, vector<64x128xf32>
    %jit3A_555 = arith.constant 2.500000e+01 : f32
    %broadcast_in_dim3A_556 = vector.broadcast %jit3A_555 : f32 to vector<64x128xf32>
    %select_n3A_557 = arith.select %lt3A_553, %broadcast_in_dim3A_556, %select_n3A_551 : vector<64x128xi1>, vector<64x128xf32>
    %slice3A_558 = vector.extract_strided_slice %sub3A {offsets = [64, 3328], sizes = [64, 128], strides = [1, 1]} : vector<512x8192xf32> to vector<64x128xf32>
    %lt3A_559 = arith.cmpf olt, %slice3A_558, %select_n3A_554 : vector<64x128xf32>
    %select_n3A_560 = arith.select %lt3A_559, %slice3A_558, %select_n3A_554 : vector<64x128xi1>, vector<64x128xf32>
    %jit3A_561 = arith.constant 2.600000e+01 : f32
    %broadcast_in_dim3A_562 = vector.broadcast %jit3A_561 : f32 to vector<64x128xf32>
    %select_n3A_563 = arith.select %lt3A_559, %broadcast_in_dim3A_562, %select_n3A_557 : vector<64x128xi1>, vector<64x128xf32>
    %slice3A_564 = vector.extract_strided_slice %sub3A {offsets = [64, 3456], sizes = [64, 128], strides = [1, 1]} : vector<512x8192xf32> to vector<64x128xf32>
    %lt3A_565 = arith.cmpf olt, %slice3A_564, %select_n3A_560 : vector<64x128xf32>
    %select_n3A_566 = arith.select %lt3A_565, %slice3A_564, %select_n3A_560 : vector<64x128xi1>, vector<64x128xf32>
    %jit3A_567 = arith.constant 2.700000e+01 : f32
    %broadcast_in_dim3A_568 = vector.broadcast %jit3A_567 : f32 to vector<64x128xf32>
    %select_n3A_569 = arith.select %lt3A_565, %broadcast_in_dim3A_568, %select_n3A_563 : vector<64x128xi1>, vector<64x128xf32>
    %slice3A_570 = vector.extract_strided_slice %sub3A {offsets = [64, 3584], sizes = [64, 128], strides = [1, 1]} : vector<512x8192xf32> to vector<64x128xf32>
    %lt3A_571 = arith.cmpf olt, %slice3A_570, %select_n3A_566 : vector<64x128xf32>
    %select_n3A_572 = arith.select %lt3A_571, %slice3A_570, %select_n3A_566 : vector<64x128xi1>, vector<64x128xf32>
    %jit3A_573 = arith.constant 2.800000e+01 : f32
    %broadcast_in_dim3A_574 = vector.broadcast %jit3A_573 : f32 to vector<64x128xf32>
    %select_n3A_575 = arith.select %lt3A_571, %broadcast_in_dim3A_574, %select_n3A_569 : vector<64x128xi1>, vector<64x128xf32>
    %slice3A_576 = vector.extract_strided_slice %sub3A {offsets = [64, 3712], sizes = [64, 128], strides = [1, 1]} : vector<512x8192xf32> to vector<64x128xf32>
    %lt3A_577 = arith.cmpf olt, %slice3A_576, %select_n3A_572 : vector<64x128xf32>
    %select_n3A_578 = arith.select %lt3A_577, %slice3A_576, %select_n3A_572 : vector<64x128xi1>, vector<64x128xf32>
    %jit3A_579 = arith.constant 2.900000e+01 : f32
    %broadcast_in_dim3A_580 = vector.broadcast %jit3A_579 : f32 to vector<64x128xf32>
    %select_n3A_581 = arith.select %lt3A_577, %broadcast_in_dim3A_580, %select_n3A_575 : vector<64x128xi1>, vector<64x128xf32>
    %slice3A_582 = vector.extract_strided_slice %sub3A {offsets = [64, 3840], sizes = [64, 128], strides = [1, 1]} : vector<512x8192xf32> to vector<64x128xf32>
    %lt3A_583 = arith.cmpf olt, %slice3A_582, %select_n3A_578 : vector<64x128xf32>
    %select_n3A_584 = arith.select %lt3A_583, %slice3A_582, %select_n3A_578 : vector<64x128xi1>, vector<64x128xf32>
    %jit3A_585 = arith.constant 3.000000e+01 : f32
    %broadcast_in_dim3A_586 = vector.broadcast %jit3A_585 : f32 to vector<64x128xf32>
    %select_n3A_587 = arith.select %lt3A_583, %broadcast_in_dim3A_586, %select_n3A_581 : vector<64x128xi1>, vector<64x128xf32>
    %slice3A_588 = vector.extract_strided_slice %sub3A {offsets = [64, 3968], sizes = [64, 128], strides = [1, 1]} : vector<512x8192xf32> to vector<64x128xf32>
    %lt3A_589 = arith.cmpf olt, %slice3A_588, %select_n3A_584 : vector<64x128xf32>
    %select_n3A_590 = arith.select %lt3A_589, %slice3A_588, %select_n3A_584 : vector<64x128xi1>, vector<64x128xf32>
    %jit3A_591 = arith.constant 3.100000e+01 : f32
    %broadcast_in_dim3A_592 = vector.broadcast %jit3A_591 : f32 to vector<64x128xf32>
    %select_n3A_593 = arith.select %lt3A_589, %broadcast_in_dim3A_592, %select_n3A_587 : vector<64x128xi1>, vector<64x128xf32>
    %slice3A_594 = vector.extract_strided_slice %sub3A {offsets = [64, 4096], sizes = [64, 128], strides = [1, 1]} : vector<512x8192xf32> to vector<64x128xf32>
    %lt3A_595 = arith.cmpf olt, %slice3A_594, %select_n3A_590 : vector<64x128xf32>
    %select_n3A_596 = arith.select %lt3A_595, %slice3A_594, %select_n3A_590 : vector<64x128xi1>, vector<64x128xf32>
    %jit3A_597 = arith.constant 3.200000e+01 : f32
    %broadcast_in_dim3A_598 = vector.broadcast %jit3A_597 : f32 to vector<64x128xf32>
    %select_n3A_599 = arith.select %lt3A_595, %broadcast_in_dim3A_598, %select_n3A_593 : vector<64x128xi1>, vector<64x128xf32>
    %slice3A_600 = vector.extract_strided_slice %sub3A {offsets = [64, 4224], sizes = [64, 128], strides = [1, 1]} : vector<512x8192xf32> to vector<64x128xf32>
    %lt3A_601 = arith.cmpf olt, %slice3A_600, %select_n3A_596 : vector<64x128xf32>
    %select_n3A_602 = arith.select %lt3A_601, %slice3A_600, %select_n3A_596 : vector<64x128xi1>, vector<64x128xf32>
    %jit3A_603 = arith.constant 3.300000e+01 : f32
    %broadcast_in_dim3A_604 = vector.broadcast %jit3A_603 : f32 to vector<64x128xf32>
    %select_n3A_605 = arith.select %lt3A_601, %broadcast_in_dim3A_604, %select_n3A_599 : vector<64x128xi1>, vector<64x128xf32>
    %slice3A_606 = vector.extract_strided_slice %sub3A {offsets = [64, 4352], sizes = [64, 128], strides = [1, 1]} : vector<512x8192xf32> to vector<64x128xf32>
    %lt3A_607 = arith.cmpf olt, %slice3A_606, %select_n3A_602 : vector<64x128xf32>
    %select_n3A_608 = arith.select %lt3A_607, %slice3A_606, %select_n3A_602 : vector<64x128xi1>, vector<64x128xf32>
    %jit3A_609 = arith.constant 3.400000e+01 : f32
    %broadcast_in_dim3A_610 = vector.broadcast %jit3A_609 : f32 to vector<64x128xf32>
    %select_n3A_611 = arith.select %lt3A_607, %broadcast_in_dim3A_610, %select_n3A_605 : vector<64x128xi1>, vector<64x128xf32>
    %slice3A_612 = vector.extract_strided_slice %sub3A {offsets = [64, 4480], sizes = [64, 128], strides = [1, 1]} : vector<512x8192xf32> to vector<64x128xf32>
    %lt3A_613 = arith.cmpf olt, %slice3A_612, %select_n3A_608 : vector<64x128xf32>
    %select_n3A_614 = arith.select %lt3A_613, %slice3A_612, %select_n3A_608 : vector<64x128xi1>, vector<64x128xf32>
    %jit3A_615 = arith.constant 3.500000e+01 : f32
    %broadcast_in_dim3A_616 = vector.broadcast %jit3A_615 : f32 to vector<64x128xf32>
    %select_n3A_617 = arith.select %lt3A_613, %broadcast_in_dim3A_616, %select_n3A_611 : vector<64x128xi1>, vector<64x128xf32>
    %slice3A_618 = vector.extract_strided_slice %sub3A {offsets = [64, 4608], sizes = [64, 128], strides = [1, 1]} : vector<512x8192xf32> to vector<64x128xf32>
    %lt3A_619 = arith.cmpf olt, %slice3A_618, %select_n3A_614 : vector<64x128xf32>
    %select_n3A_620 = arith.select %lt3A_619, %slice3A_618, %select_n3A_614 : vector<64x128xi1>, vector<64x128xf32>
    %jit3A_621 = arith.constant 3.600000e+01 : f32
    %broadcast_in_dim3A_622 = vector.broadcast %jit3A_621 : f32 to vector<64x128xf32>
    %select_n3A_623 = arith.select %lt3A_619, %broadcast_in_dim3A_622, %select_n3A_617 : vector<64x128xi1>, vector<64x128xf32>
    %slice3A_624 = vector.extract_strided_slice %sub3A {offsets = [64, 4736], sizes = [64, 128], strides = [1, 1]} : vector<512x8192xf32> to vector<64x128xf32>
    %lt3A_625 = arith.cmpf olt, %slice3A_624, %select_n3A_620 : vector<64x128xf32>
    %select_n3A_626 = arith.select %lt3A_625, %slice3A_624, %select_n3A_620 : vector<64x128xi1>, vector<64x128xf32>
    %jit3A_627 = arith.constant 3.700000e+01 : f32
    %broadcast_in_dim3A_628 = vector.broadcast %jit3A_627 : f32 to vector<64x128xf32>
    %select_n3A_629 = arith.select %lt3A_625, %broadcast_in_dim3A_628, %select_n3A_623 : vector<64x128xi1>, vector<64x128xf32>
    %slice3A_630 = vector.extract_strided_slice %sub3A {offsets = [64, 4864], sizes = [64, 128], strides = [1, 1]} : vector<512x8192xf32> to vector<64x128xf32>
    %lt3A_631 = arith.cmpf olt, %slice3A_630, %select_n3A_626 : vector<64x128xf32>
    %select_n3A_632 = arith.select %lt3A_631, %slice3A_630, %select_n3A_626 : vector<64x128xi1>, vector<64x128xf32>
    %jit3A_633 = arith.constant 3.800000e+01 : f32
    %broadcast_in_dim3A_634 = vector.broadcast %jit3A_633 : f32 to vector<64x128xf32>
    %select_n3A_635 = arith.select %lt3A_631, %broadcast_in_dim3A_634, %select_n3A_629 : vector<64x128xi1>, vector<64x128xf32>
    %slice3A_636 = vector.extract_strided_slice %sub3A {offsets = [64, 4992], sizes = [64, 128], strides = [1, 1]} : vector<512x8192xf32> to vector<64x128xf32>
    %lt3A_637 = arith.cmpf olt, %slice3A_636, %select_n3A_632 : vector<64x128xf32>
    %select_n3A_638 = arith.select %lt3A_637, %slice3A_636, %select_n3A_632 : vector<64x128xi1>, vector<64x128xf32>
    %jit3A_639 = arith.constant 3.900000e+01 : f32
    %broadcast_in_dim3A_640 = vector.broadcast %jit3A_639 : f32 to vector<64x128xf32>
    %select_n3A_641 = arith.select %lt3A_637, %broadcast_in_dim3A_640, %select_n3A_635 : vector<64x128xi1>, vector<64x128xf32>
    %slice3A_642 = vector.extract_strided_slice %sub3A {offsets = [64, 5120], sizes = [64, 128], strides = [1, 1]} : vector<512x8192xf32> to vector<64x128xf32>
    %lt3A_643 = arith.cmpf olt, %slice3A_642, %select_n3A_638 : vector<64x128xf32>
    %select_n3A_644 = arith.select %lt3A_643, %slice3A_642, %select_n3A_638 : vector<64x128xi1>, vector<64x128xf32>
    %jit3A_645 = arith.constant 4.000000e+01 : f32
    %broadcast_in_dim3A_646 = vector.broadcast %jit3A_645 : f32 to vector<64x128xf32>
    %select_n3A_647 = arith.select %lt3A_643, %broadcast_in_dim3A_646, %select_n3A_641 : vector<64x128xi1>, vector<64x128xf32>
    %slice3A_648 = vector.extract_strided_slice %sub3A {offsets = [64, 5248], sizes = [64, 128], strides = [1, 1]} : vector<512x8192xf32> to vector<64x128xf32>
    %lt3A_649 = arith.cmpf olt, %slice3A_648, %select_n3A_644 : vector<64x128xf32>
    %select_n3A_650 = arith.select %lt3A_649, %slice3A_648, %select_n3A_644 : vector<64x128xi1>, vector<64x128xf32>
    %jit3A_651 = arith.constant 4.100000e+01 : f32
    %broadcast_in_dim3A_652 = vector.broadcast %jit3A_651 : f32 to vector<64x128xf32>
    %select_n3A_653 = arith.select %lt3A_649, %broadcast_in_dim3A_652, %select_n3A_647 : vector<64x128xi1>, vector<64x128xf32>
    %slice3A_654 = vector.extract_strided_slice %sub3A {offsets = [64, 5376], sizes = [64, 128], strides = [1, 1]} : vector<512x8192xf32> to vector<64x128xf32>
    %lt3A_655 = arith.cmpf olt, %slice3A_654, %select_n3A_650 : vector<64x128xf32>
    %select_n3A_656 = arith.select %lt3A_655, %slice3A_654, %select_n3A_650 : vector<64x128xi1>, vector<64x128xf32>
    %jit3A_657 = arith.constant 4.200000e+01 : f32
    %broadcast_in_dim3A_658 = vector.broadcast %jit3A_657 : f32 to vector<64x128xf32>
    %select_n3A_659 = arith.select %lt3A_655, %broadcast_in_dim3A_658, %select_n3A_653 : vector<64x128xi1>, vector<64x128xf32>
    %slice3A_660 = vector.extract_strided_slice %sub3A {offsets = [64, 5504], sizes = [64, 128], strides = [1, 1]} : vector<512x8192xf32> to vector<64x128xf32>
    %lt3A_661 = arith.cmpf olt, %slice3A_660, %select_n3A_656 : vector<64x128xf32>
    %select_n3A_662 = arith.select %lt3A_661, %slice3A_660, %select_n3A_656 : vector<64x128xi1>, vector<64x128xf32>
    %jit3A_663 = arith.constant 4.300000e+01 : f32
    %broadcast_in_dim3A_664 = vector.broadcast %jit3A_663 : f32 to vector<64x128xf32>
    %select_n3A_665 = arith.select %lt3A_661, %broadcast_in_dim3A_664, %select_n3A_659 : vector<64x128xi1>, vector<64x128xf32>
    %slice3A_666 = vector.extract_strided_slice %sub3A {offsets = [64, 5632], sizes = [64, 128], strides = [1, 1]} : vector<512x8192xf32> to vector<64x128xf32>
    %lt3A_667 = arith.cmpf olt, %slice3A_666, %select_n3A_662 : vector<64x128xf32>
    %select_n3A_668 = arith.select %lt3A_667, %slice3A_666, %select_n3A_662 : vector<64x128xi1>, vector<64x128xf32>
    %jit3A_669 = arith.constant 4.400000e+01 : f32
    %broadcast_in_dim3A_670 = vector.broadcast %jit3A_669 : f32 to vector<64x128xf32>
    %select_n3A_671 = arith.select %lt3A_667, %broadcast_in_dim3A_670, %select_n3A_665 : vector<64x128xi1>, vector<64x128xf32>
    %slice3A_672 = vector.extract_strided_slice %sub3A {offsets = [64, 5760], sizes = [64, 128], strides = [1, 1]} : vector<512x8192xf32> to vector<64x128xf32>
    %lt3A_673 = arith.cmpf olt, %slice3A_672, %select_n3A_668 : vector<64x128xf32>
    %select_n3A_674 = arith.select %lt3A_673, %slice3A_672, %select_n3A_668 : vector<64x128xi1>, vector<64x128xf32>
    %jit3A_675 = arith.constant 4.500000e+01 : f32
    %broadcast_in_dim3A_676 = vector.broadcast %jit3A_675 : f32 to vector<64x128xf32>
    %select_n3A_677 = arith.select %lt3A_673, %broadcast_in_dim3A_676, %select_n3A_671 : vector<64x128xi1>, vector<64x128xf32>
    %slice3A_678 = vector.extract_strided_slice %sub3A {offsets = [64, 5888], sizes = [64, 128], strides = [1, 1]} : vector<512x8192xf32> to vector<64x128xf32>
    %lt3A_679 = arith.cmpf olt, %slice3A_678, %select_n3A_674 : vector<64x128xf32>
    %select_n3A_680 = arith.select %lt3A_679, %slice3A_678, %select_n3A_674 : vector<64x128xi1>, vector<64x128xf32>
    %jit3A_681 = arith.constant 4.600000e+01 : f32
    %broadcast_in_dim3A_682 = vector.broadcast %jit3A_681 : f32 to vector<64x128xf32>
    %select_n3A_683 = arith.select %lt3A_679, %broadcast_in_dim3A_682, %select_n3A_677 : vector<64x128xi1>, vector<64x128xf32>
    %slice3A_684 = vector.extract_strided_slice %sub3A {offsets = [64, 6016], sizes = [64, 128], strides = [1, 1]} : vector<512x8192xf32> to vector<64x128xf32>
    %lt3A_685 = arith.cmpf olt, %slice3A_684, %select_n3A_680 : vector<64x128xf32>
    %select_n3A_686 = arith.select %lt3A_685, %slice3A_684, %select_n3A_680 : vector<64x128xi1>, vector<64x128xf32>
    %jit3A_687 = arith.constant 4.700000e+01 : f32
    %broadcast_in_dim3A_688 = vector.broadcast %jit3A_687 : f32 to vector<64x128xf32>
    %select_n3A_689 = arith.select %lt3A_685, %broadcast_in_dim3A_688, %select_n3A_683 : vector<64x128xi1>, vector<64x128xf32>
    %slice3A_690 = vector.extract_strided_slice %sub3A {offsets = [64, 6144], sizes = [64, 128], strides = [1, 1]} : vector<512x8192xf32> to vector<64x128xf32>
    %lt3A_691 = arith.cmpf olt, %slice3A_690, %select_n3A_686 : vector<64x128xf32>
    %select_n3A_692 = arith.select %lt3A_691, %slice3A_690, %select_n3A_686 : vector<64x128xi1>, vector<64x128xf32>
    %jit3A_693 = arith.constant 4.800000e+01 : f32
    %broadcast_in_dim3A_694 = vector.broadcast %jit3A_693 : f32 to vector<64x128xf32>
    %select_n3A_695 = arith.select %lt3A_691, %broadcast_in_dim3A_694, %select_n3A_689 : vector<64x128xi1>, vector<64x128xf32>
    %slice3A_696 = vector.extract_strided_slice %sub3A {offsets = [64, 6272], sizes = [64, 128], strides = [1, 1]} : vector<512x8192xf32> to vector<64x128xf32>
    %lt3A_697 = arith.cmpf olt, %slice3A_696, %select_n3A_692 : vector<64x128xf32>
    %select_n3A_698 = arith.select %lt3A_697, %slice3A_696, %select_n3A_692 : vector<64x128xi1>, vector<64x128xf32>
    %jit3A_699 = arith.constant 4.900000e+01 : f32
    %broadcast_in_dim3A_700 = vector.broadcast %jit3A_699 : f32 to vector<64x128xf32>
    %select_n3A_701 = arith.select %lt3A_697, %broadcast_in_dim3A_700, %select_n3A_695 : vector<64x128xi1>, vector<64x128xf32>
    %slice3A_702 = vector.extract_strided_slice %sub3A {offsets = [64, 6400], sizes = [64, 128], strides = [1, 1]} : vector<512x8192xf32> to vector<64x128xf32>
    %lt3A_703 = arith.cmpf olt, %slice3A_702, %select_n3A_698 : vector<64x128xf32>
    %select_n3A_704 = arith.select %lt3A_703, %slice3A_702, %select_n3A_698 : vector<64x128xi1>, vector<64x128xf32>
    %jit3A_705 = arith.constant 5.000000e+01 : f32
    %broadcast_in_dim3A_706 = vector.broadcast %jit3A_705 : f32 to vector<64x128xf32>
    %select_n3A_707 = arith.select %lt3A_703, %broadcast_in_dim3A_706, %select_n3A_701 : vector<64x128xi1>, vector<64x128xf32>
    %slice3A_708 = vector.extract_strided_slice %sub3A {offsets = [64, 6528], sizes = [64, 128], strides = [1, 1]} : vector<512x8192xf32> to vector<64x128xf32>
    %lt3A_709 = arith.cmpf olt, %slice3A_708, %select_n3A_704 : vector<64x128xf32>
    %select_n3A_710 = arith.select %lt3A_709, %slice3A_708, %select_n3A_704 : vector<64x128xi1>, vector<64x128xf32>
    %jit3A_711 = arith.constant 5.100000e+01 : f32
    %broadcast_in_dim3A_712 = vector.broadcast %jit3A_711 : f32 to vector<64x128xf32>
    %select_n3A_713 = arith.select %lt3A_709, %broadcast_in_dim3A_712, %select_n3A_707 : vector<64x128xi1>, vector<64x128xf32>
    %slice3A_714 = vector.extract_strided_slice %sub3A {offsets = [64, 6656], sizes = [64, 128], strides = [1, 1]} : vector<512x8192xf32> to vector<64x128xf32>
    %lt3A_715 = arith.cmpf olt, %slice3A_714, %select_n3A_710 : vector<64x128xf32>
    %select_n3A_716 = arith.select %lt3A_715, %slice3A_714, %select_n3A_710 : vector<64x128xi1>, vector<64x128xf32>
    %jit3A_717 = arith.constant 5.200000e+01 : f32
    %broadcast_in_dim3A_718 = vector.broadcast %jit3A_717 : f32 to vector<64x128xf32>
    %select_n3A_719 = arith.select %lt3A_715, %broadcast_in_dim3A_718, %select_n3A_713 : vector<64x128xi1>, vector<64x128xf32>
    %slice3A_720 = vector.extract_strided_slice %sub3A {offsets = [64, 6784], sizes = [64, 128], strides = [1, 1]} : vector<512x8192xf32> to vector<64x128xf32>
    %lt3A_721 = arith.cmpf olt, %slice3A_720, %select_n3A_716 : vector<64x128xf32>
    %select_n3A_722 = arith.select %lt3A_721, %slice3A_720, %select_n3A_716 : vector<64x128xi1>, vector<64x128xf32>
    %jit3A_723 = arith.constant 5.300000e+01 : f32
    %broadcast_in_dim3A_724 = vector.broadcast %jit3A_723 : f32 to vector<64x128xf32>
    %select_n3A_725 = arith.select %lt3A_721, %broadcast_in_dim3A_724, %select_n3A_719 : vector<64x128xi1>, vector<64x128xf32>
    %slice3A_726 = vector.extract_strided_slice %sub3A {offsets = [64, 6912], sizes = [64, 128], strides = [1, 1]} : vector<512x8192xf32> to vector<64x128xf32>
    %lt3A_727 = arith.cmpf olt, %slice3A_726, %select_n3A_722 : vector<64x128xf32>
    %select_n3A_728 = arith.select %lt3A_727, %slice3A_726, %select_n3A_722 : vector<64x128xi1>, vector<64x128xf32>
    %jit3A_729 = arith.constant 5.400000e+01 : f32
    %broadcast_in_dim3A_730 = vector.broadcast %jit3A_729 : f32 to vector<64x128xf32>
    %select_n3A_731 = arith.select %lt3A_727, %broadcast_in_dim3A_730, %select_n3A_725 : vector<64x128xi1>, vector<64x128xf32>
    %slice3A_732 = vector.extract_strided_slice %sub3A {offsets = [64, 7040], sizes = [64, 128], strides = [1, 1]} : vector<512x8192xf32> to vector<64x128xf32>
    %lt3A_733 = arith.cmpf olt, %slice3A_732, %select_n3A_728 : vector<64x128xf32>
    %select_n3A_734 = arith.select %lt3A_733, %slice3A_732, %select_n3A_728 : vector<64x128xi1>, vector<64x128xf32>
    %jit3A_735 = arith.constant 5.500000e+01 : f32
    %broadcast_in_dim3A_736 = vector.broadcast %jit3A_735 : f32 to vector<64x128xf32>
    %select_n3A_737 = arith.select %lt3A_733, %broadcast_in_dim3A_736, %select_n3A_731 : vector<64x128xi1>, vector<64x128xf32>
    %slice3A_738 = vector.extract_strided_slice %sub3A {offsets = [64, 7168], sizes = [64, 128], strides = [1, 1]} : vector<512x8192xf32> to vector<64x128xf32>
    %lt3A_739 = arith.cmpf olt, %slice3A_738, %select_n3A_734 : vector<64x128xf32>
    %select_n3A_740 = arith.select %lt3A_739, %slice3A_738, %select_n3A_734 : vector<64x128xi1>, vector<64x128xf32>
    %jit3A_741 = arith.constant 5.600000e+01 : f32
    %broadcast_in_dim3A_742 = vector.broadcast %jit3A_741 : f32 to vector<64x128xf32>
    %select_n3A_743 = arith.select %lt3A_739, %broadcast_in_dim3A_742, %select_n3A_737 : vector<64x128xi1>, vector<64x128xf32>
    %slice3A_744 = vector.extract_strided_slice %sub3A {offsets = [64, 7296], sizes = [64, 128], strides = [1, 1]} : vector<512x8192xf32> to vector<64x128xf32>
    %lt3A_745 = arith.cmpf olt, %slice3A_744, %select_n3A_740 : vector<64x128xf32>
    %select_n3A_746 = arith.select %lt3A_745, %slice3A_744, %select_n3A_740 : vector<64x128xi1>, vector<64x128xf32>
    %jit3A_747 = arith.constant 5.700000e+01 : f32
    %broadcast_in_dim3A_748 = vector.broadcast %jit3A_747 : f32 to vector<64x128xf32>
    %select_n3A_749 = arith.select %lt3A_745, %broadcast_in_dim3A_748, %select_n3A_743 : vector<64x128xi1>, vector<64x128xf32>
    %slice3A_750 = vector.extract_strided_slice %sub3A {offsets = [64, 7424], sizes = [64, 128], strides = [1, 1]} : vector<512x8192xf32> to vector<64x128xf32>
    %lt3A_751 = arith.cmpf olt, %slice3A_750, %select_n3A_746 : vector<64x128xf32>
    %select_n3A_752 = arith.select %lt3A_751, %slice3A_750, %select_n3A_746 : vector<64x128xi1>, vector<64x128xf32>
    %jit3A_753 = arith.constant 5.800000e+01 : f32
    %broadcast_in_dim3A_754 = vector.broadcast %jit3A_753 : f32 to vector<64x128xf32>
    %select_n3A_755 = arith.select %lt3A_751, %broadcast_in_dim3A_754, %select_n3A_749 : vector<64x128xi1>, vector<64x128xf32>
    %slice3A_756 = vector.extract_strided_slice %sub3A {offsets = [64, 7552], sizes = [64, 128], strides = [1, 1]} : vector<512x8192xf32> to vector<64x128xf32>
    %lt3A_757 = arith.cmpf olt, %slice3A_756, %select_n3A_752 : vector<64x128xf32>
    %select_n3A_758 = arith.select %lt3A_757, %slice3A_756, %select_n3A_752 : vector<64x128xi1>, vector<64x128xf32>
    %jit3A_759 = arith.constant 5.900000e+01 : f32
    %broadcast_in_dim3A_760 = vector.broadcast %jit3A_759 : f32 to vector<64x128xf32>
    %select_n3A_761 = arith.select %lt3A_757, %broadcast_in_dim3A_760, %select_n3A_755 : vector<64x128xi1>, vector<64x128xf32>
    %slice3A_762 = vector.extract_strided_slice %sub3A {offsets = [64, 7680], sizes = [64, 128], strides = [1, 1]} : vector<512x8192xf32> to vector<64x128xf32>
    %lt3A_763 = arith.cmpf olt, %slice3A_762, %select_n3A_758 : vector<64x128xf32>
    %select_n3A_764 = arith.select %lt3A_763, %slice3A_762, %select_n3A_758 : vector<64x128xi1>, vector<64x128xf32>
    %jit3A_765 = arith.constant 6.000000e+01 : f32
    %broadcast_in_dim3A_766 = vector.broadcast %jit3A_765 : f32 to vector<64x128xf32>
    %select_n3A_767 = arith.select %lt3A_763, %broadcast_in_dim3A_766, %select_n3A_761 : vector<64x128xi1>, vector<64x128xf32>
    %slice3A_768 = vector.extract_strided_slice %sub3A {offsets = [64, 7808], sizes = [64, 128], strides = [1, 1]} : vector<512x8192xf32> to vector<64x128xf32>
    %lt3A_769 = arith.cmpf olt, %slice3A_768, %select_n3A_764 : vector<64x128xf32>
    %select_n3A_770 = arith.select %lt3A_769, %slice3A_768, %select_n3A_764 : vector<64x128xi1>, vector<64x128xf32>
    %jit3A_771 = arith.constant 6.100000e+01 : f32
    %broadcast_in_dim3A_772 = vector.broadcast %jit3A_771 : f32 to vector<64x128xf32>
    %select_n3A_773 = arith.select %lt3A_769, %broadcast_in_dim3A_772, %select_n3A_767 : vector<64x128xi1>, vector<64x128xf32>
    %slice3A_774 = vector.extract_strided_slice %sub3A {offsets = [64, 7936], sizes = [64, 128], strides = [1, 1]} : vector<512x8192xf32> to vector<64x128xf32>
    %lt3A_775 = arith.cmpf olt, %slice3A_774, %select_n3A_770 : vector<64x128xf32>
    %select_n3A_776 = arith.select %lt3A_775, %slice3A_774, %select_n3A_770 : vector<64x128xi1>, vector<64x128xf32>
    %jit3A_777 = arith.constant 6.200000e+01 : f32
    %broadcast_in_dim3A_778 = vector.broadcast %jit3A_777 : f32 to vector<64x128xf32>
    %select_n3A_779 = arith.select %lt3A_775, %broadcast_in_dim3A_778, %select_n3A_773 : vector<64x128xi1>, vector<64x128xf32>
    %slice3A_780 = vector.extract_strided_slice %sub3A {offsets = [64, 8064], sizes = [64, 128], strides = [1, 1]} : vector<512x8192xf32> to vector<64x128xf32>
    %lt3A_781 = arith.cmpf olt, %slice3A_780, %select_n3A_776 : vector<64x128xf32>
    %select_n3A_782 = arith.select %lt3A_781, %slice3A_780, %select_n3A_776 : vector<64x128xi1>, vector<64x128xf32>
    %jit3A_783 = arith.constant 6.300000e+01 : f32
    %broadcast_in_dim3A_784 = vector.broadcast %jit3A_783 : f32 to vector<64x128xf32>
    %select_n3A_785 = arith.select %lt3A_781, %broadcast_in_dim3A_784, %select_n3A_779 : vector<64x128xi1>, vector<64x128xf32>
    %mul3A_786 = arith.constant 1.280000e+02 : f32
    %mul3A_787 = vector.broadcast %mul3A_786 : f32 to vector<64x128xf32>
    %mul3A_788 = arith.mulf %select_n3A_785, %mul3A_787 : vector<64x128xf32>
    %add3A_789 = arith.addf %mul3A_788, %convert_element_type3A : vector<64x128xf32>
    %reduce_min3A_790 = arith.constant dense<0x7F800000> : vector<64xf32>
    %reduce_min3A_791 = vector.multi_reduction <minimumf>, %select_n3A_782, %reduce_min3A_790 [1] : vector<64x128xf32> to vector<64xf32>
    %broadcast_in_dim3A_792 = vector.shape_cast %reduce_min3A_791 : vector<64xf32> to vector<64x1xf32>
    %eq3A_793 = vector.broadcast %broadcast_in_dim3A_792 : vector<64x1xf32> to vector<64x128xf32>
    %eq3A_794 = arith.cmpf oeq, %select_n3A_782, %eq3A_793 : vector<64x128xf32>
    %jit3A_795 = arith.constant 1.07374182E+9 : f32
    %broadcast_in_dim3A_796 = vector.broadcast %jit3A_795 : f32 to vector<64x128xf32>
    %select_n3A_797 = arith.select %eq3A_794, %add3A_789, %broadcast_in_dim3A_796 : vector<64x128xi1>, vector<64x128xf32>
    %reduce_min3A_798 = arith.constant dense<0x7F800000> : vector<64xf32>
    %reduce_min3A_799 = vector.multi_reduction <minimumf>, %select_n3A_797, %reduce_min3A_798 [1] : vector<64x128xf32> to vector<64xf32>
    %convert_element_type3A_800 = arith.fptosi %reduce_min3A_799 : vector<64xf32> to vector<64xi32>
    %swap3A_801 = arith.constant 64 : index
    %swap3A_802 = vector.load %arg5[%swap3A_801] : memref<512xi32, #tpu.memory_space<vmem>>, vector<64xi32>
    tpu.vector_store %arg5[%swap3A_801], %convert_element_type3A_800 {strides = array<i32>} : memref<512xi32, #tpu.memory_space<vmem>>, vector<64xi32>,
    %slice3A_803 = vector.extract_strided_slice %sub3A {offsets = [128, 0], sizes = [64, 128], strides = [1, 1]} : vector<512x8192xf32> to vector<64x128xf32>
    %broadcast_in_dim3A_804 = arith.constant 0.000000e+00 : f32
    %broadcast_in_dim3A_805 = vector.broadcast %broadcast_in_dim3A_804 : f32 to vector<64x128xf32>
    %slice3A_806 = vector.extract_strided_slice %sub3A {offsets = [128, 128], sizes = [64, 128], strides = [1, 1]} : vector<512x8192xf32> to vector<64x128xf32>
    %lt3A_807 = arith.cmpf olt, %slice3A_806, %slice3A_803 : vector<64x128xf32>
    %select_n3A_808 = arith.select %lt3A_807, %slice3A_806, %slice3A_803 : vector<64x128xi1>, vector<64x128xf32>
    %jit3A_809 = arith.constant 1.000000e+00 : f32
    %broadcast_in_dim3A_810 = vector.broadcast %jit3A_809 : f32 to vector<64x128xf32>
    %select_n3A_811 = arith.select %lt3A_807, %broadcast_in_dim3A_810, %broadcast_in_dim3A_805 : vector<64x128xi1>, vector<64x128xf32>
    %slice3A_812 = vector.extract_strided_slice %sub3A {offsets = [128, 256], sizes = [64, 128], strides = [1, 1]} : vector<512x8192xf32> to vector<64x128xf32>
    %lt3A_813 = arith.cmpf olt, %slice3A_812, %select_n3A_808 : vector<64x128xf32>
    %select_n3A_814 = arith.select %lt3A_813, %slice3A_812, %select_n3A_808 : vector<64x128xi1>, vector<64x128xf32>
    %jit3A_815 = arith.constant 2.000000e+00 : f32
    %broadcast_in_dim3A_816 = vector.broadcast %jit3A_815 : f32 to vector<64x128xf32>
    %select_n3A_817 = arith.select %lt3A_813, %broadcast_in_dim3A_816, %select_n3A_811 : vector<64x128xi1>, vector<64x128xf32>
    %slice3A_818 = vector.extract_strided_slice %sub3A {offsets = [128, 384], sizes = [64, 128], strides = [1, 1]} : vector<512x8192xf32> to vector<64x128xf32>
    %lt3A_819 = arith.cmpf olt, %slice3A_818, %select_n3A_814 : vector<64x128xf32>
    %select_n3A_820 = arith.select %lt3A_819, %slice3A_818, %select_n3A_814 : vector<64x128xi1>, vector<64x128xf32>
    %jit3A_821 = arith.constant 3.000000e+00 : f32
    %broadcast_in_dim3A_822 = vector.broadcast %jit3A_821 : f32 to vector<64x128xf32>
    %select_n3A_823 = arith.select %lt3A_819, %broadcast_in_dim3A_822, %select_n3A_817 : vector<64x128xi1>, vector<64x128xf32>
    %slice3A_824 = vector.extract_strided_slice %sub3A {offsets = [128, 512], sizes = [64, 128], strides = [1, 1]} : vector<512x8192xf32> to vector<64x128xf32>
    %lt3A_825 = arith.cmpf olt, %slice3A_824, %select_n3A_820 : vector<64x128xf32>
    %select_n3A_826 = arith.select %lt3A_825, %slice3A_824, %select_n3A_820 : vector<64x128xi1>, vector<64x128xf32>
    %jit3A_827 = arith.constant 4.000000e+00 : f32
    %broadcast_in_dim3A_828 = vector.broadcast %jit3A_827 : f32 to vector<64x128xf32>
    %select_n3A_829 = arith.select %lt3A_825, %broadcast_in_dim3A_828, %select_n3A_823 : vector<64x128xi1>, vector<64x128xf32>
    %slice3A_830 = vector.extract_strided_slice %sub3A {offsets = [128, 640], sizes = [64, 128], strides = [1, 1]} : vector<512x8192xf32> to vector<64x128xf32>
    %lt3A_831 = arith.cmpf olt, %slice3A_830, %select_n3A_826 : vector<64x128xf32>
    %select_n3A_832 = arith.select %lt3A_831, %slice3A_830, %select_n3A_826 : vector<64x128xi1>, vector<64x128xf32>
    %jit3A_833 = arith.constant 5.000000e+00 : f32
    %broadcast_in_dim3A_834 = vector.broadcast %jit3A_833 : f32 to vector<64x128xf32>
    %select_n3A_835 = arith.select %lt3A_831, %broadcast_in_dim3A_834, %select_n3A_829 : vector<64x128xi1>, vector<64x128xf32>
    %slice3A_836 = vector.extract_strided_slice %sub3A {offsets = [128, 768], sizes = [64, 128], strides = [1, 1]} : vector<512x8192xf32> to vector<64x128xf32>
    %lt3A_837 = arith.cmpf olt, %slice3A_836, %select_n3A_832 : vector<64x128xf32>
    %select_n3A_838 = arith.select %lt3A_837, %slice3A_836, %select_n3A_832 : vector<64x128xi1>, vector<64x128xf32>
    %jit3A_839 = arith.constant 6.000000e+00 : f32
    %broadcast_in_dim3A_840 = vector.broadcast %jit3A_839 : f32 to vector<64x128xf32>
    %select_n3A_841 = arith.select %lt3A_837, %broadcast_in_dim3A_840, %select_n3A_835 : vector<64x128xi1>, vector<64x128xf32>
    %slice3A_842 = vector.extract_strided_slice %sub3A {offsets = [128, 896], sizes = [64, 128], strides = [1, 1]} : vector<512x8192xf32> to vector<64x128xf32>
    %lt3A_843 = arith.cmpf olt, %slice3A_842, %select_n3A_838 : vector<64x128xf32>
    %select_n3A_844 = arith.select %lt3A_843, %slice3A_842, %select_n3A_838 : vector<64x128xi1>, vector<64x128xf32>
    %jit3A_845 = arith.constant 7.000000e+00 : f32
    %broadcast_in_dim3A_846 = vector.broadcast %jit3A_845 : f32 to vector<64x128xf32>
    %select_n3A_847 = arith.select %lt3A_843, %broadcast_in_dim3A_846, %select_n3A_841 : vector<64x128xi1>, vector<64x128xf32>
    %slice3A_848 = vector.extract_strided_slice %sub3A {offsets = [128, 1024], sizes = [64, 128], strides = [1, 1]} : vector<512x8192xf32> to vector<64x128xf32>
    %lt3A_849 = arith.cmpf olt, %slice3A_848, %select_n3A_844 : vector<64x128xf32>
    %select_n3A_850 = arith.select %lt3A_849, %slice3A_848, %select_n3A_844 : vector<64x128xi1>, vector<64x128xf32>
    %jit3A_851 = arith.constant 8.000000e+00 : f32
    %broadcast_in_dim3A_852 = vector.broadcast %jit3A_851 : f32 to vector<64x128xf32>
    %select_n3A_853 = arith.select %lt3A_849, %broadcast_in_dim3A_852, %select_n3A_847 : vector<64x128xi1>, vector<64x128xf32>
    %slice3A_854 = vector.extract_strided_slice %sub3A {offsets = [128, 1152], sizes = [64, 128], strides = [1, 1]} : vector<512x8192xf32> to vector<64x128xf32>
    %lt3A_855 = arith.cmpf olt, %slice3A_854, %select_n3A_850 : vector<64x128xf32>
    %select_n3A_856 = arith.select %lt3A_855, %slice3A_854, %select_n3A_850 : vector<64x128xi1>, vector<64x128xf32>
    %jit3A_857 = arith.constant 9.000000e+00 : f32
    %broadcast_in_dim3A_858 = vector.broadcast %jit3A_857 : f32 to vector<64x128xf32>
    %select_n3A_859 = arith.select %lt3A_855, %broadcast_in_dim3A_858, %select_n3A_853 : vector<64x128xi1>, vector<64x128xf32>
    %slice3A_860 = vector.extract_strided_slice %sub3A {offsets = [128, 1280], sizes = [64, 128], strides = [1, 1]} : vector<512x8192xf32> to vector<64x128xf32>
    %lt3A_861 = arith.cmpf olt, %slice3A_860, %select_n3A_856 : vector<64x128xf32>
    %select_n3A_862 = arith.select %lt3A_861, %slice3A_860, %select_n3A_856 : vector<64x128xi1>, vector<64x128xf32>
    %jit3A_863 = arith.constant 1.000000e+01 : f32
    %broadcast_in_dim3A_864 = vector.broadcast %jit3A_863 : f32 to vector<64x128xf32>
    %select_n3A_865 = arith.select %lt3A_861, %broadcast_in_dim3A_864, %select_n3A_859 : vector<64x128xi1>, vector<64x128xf32>
    %slice3A_866 = vector.extract_strided_slice %sub3A {offsets = [128, 1408], sizes = [64, 128], strides = [1, 1]} : vector<512x8192xf32> to vector<64x128xf32>
    %lt3A_867 = arith.cmpf olt, %slice3A_866, %select_n3A_862 : vector<64x128xf32>
    %select_n3A_868 = arith.select %lt3A_867, %slice3A_866, %select_n3A_862 : vector<64x128xi1>, vector<64x128xf32>
    %jit3A_869 = arith.constant 1.100000e+01 : f32
    %broadcast_in_dim3A_870 = vector.broadcast %jit3A_869 : f32 to vector<64x128xf32>
    %select_n3A_871 = arith.select %lt3A_867, %broadcast_in_dim3A_870, %select_n3A_865 : vector<64x128xi1>, vector<64x128xf32>
    %slice3A_872 = vector.extract_strided_slice %sub3A {offsets = [128, 1536], sizes = [64, 128], strides = [1, 1]} : vector<512x8192xf32> to vector<64x128xf32>
    %lt3A_873 = arith.cmpf olt, %slice3A_872, %select_n3A_868 : vector<64x128xf32>
    %select_n3A_874 = arith.select %lt3A_873, %slice3A_872, %select_n3A_868 : vector<64x128xi1>, vector<64x128xf32>
    %jit3A_875 = arith.constant 1.200000e+01 : f32
    %broadcast_in_dim3A_876 = vector.broadcast %jit3A_875 : f32 to vector<64x128xf32>
    %select_n3A_877 = arith.select %lt3A_873, %broadcast_in_dim3A_876, %select_n3A_871 : vector<64x128xi1>, vector<64x128xf32>
    %slice3A_878 = vector.extract_strided_slice %sub3A {offsets = [128, 1664], sizes = [64, 128], strides = [1, 1]} : vector<512x8192xf32> to vector<64x128xf32>
    %lt3A_879 = arith.cmpf olt, %slice3A_878, %select_n3A_874 : vector<64x128xf32>
    %select_n3A_880 = arith.select %lt3A_879, %slice3A_878, %select_n3A_874 : vector<64x128xi1>, vector<64x128xf32>
    %jit3A_881 = arith.constant 1.300000e+01 : f32
    %broadcast_in_dim3A_882 = vector.broadcast %jit3A_881 : f32 to vector<64x128xf32>
    %select_n3A_883 = arith.select %lt3A_879, %broadcast_in_dim3A_882, %select_n3A_877 : vector<64x128xi1>, vector<64x128xf32>
    %slice3A_884 = vector.extract_strided_slice %sub3A {offsets = [128, 1792], sizes = [64, 128], strides = [1, 1]} : vector<512x8192xf32> to vector<64x128xf32>
    %lt3A_885 = arith.cmpf olt, %slice3A_884, %select_n3A_880 : vector<64x128xf32>
    %select_n3A_886 = arith.select %lt3A_885, %slice3A_884, %select_n3A_880 : vector<64x128xi1>, vector<64x128xf32>
    %jit3A_887 = arith.constant 1.400000e+01 : f32
    %broadcast_in_dim3A_888 = vector.broadcast %jit3A_887 : f32 to vector<64x128xf32>
    %select_n3A_889 = arith.select %lt3A_885, %broadcast_in_dim3A_888, %select_n3A_883 : vector<64x128xi1>, vector<64x128xf32>
    %slice3A_890 = vector.extract_strided_slice %sub3A {offsets = [128, 1920], sizes = [64, 128], strides = [1, 1]} : vector<512x8192xf32> to vector<64x128xf32>
    %lt3A_891 = arith.cmpf olt, %slice3A_890, %select_n3A_886 : vector<64x128xf32>
    %select_n3A_892 = arith.select %lt3A_891, %slice3A_890, %select_n3A_886 : vector<64x128xi1>, vector<64x128xf32>
    %jit3A_893 = arith.constant 1.500000e+01 : f32
    %broadcast_in_dim3A_894 = vector.broadcast %jit3A_893 : f32 to vector<64x128xf32>
    %select_n3A_895 = arith.select %lt3A_891, %broadcast_in_dim3A_894, %select_n3A_889 : vector<64x128xi1>, vector<64x128xf32>
    %slice3A_896 = vector.extract_strided_slice %sub3A {offsets = [128, 2048], sizes = [64, 128], strides = [1, 1]} : vector<512x8192xf32> to vector<64x128xf32>
    %lt3A_897 = arith.cmpf olt, %slice3A_896, %select_n3A_892 : vector<64x128xf32>
    %select_n3A_898 = arith.select %lt3A_897, %slice3A_896, %select_n3A_892 : vector<64x128xi1>, vector<64x128xf32>
    %jit3A_899 = arith.constant 1.600000e+01 : f32
    %broadcast_in_dim3A_900 = vector.broadcast %jit3A_899 : f32 to vector<64x128xf32>
    %select_n3A_901 = arith.select %lt3A_897, %broadcast_in_dim3A_900, %select_n3A_895 : vector<64x128xi1>, vector<64x128xf32>
    %slice3A_902 = vector.extract_strided_slice %sub3A {offsets = [128, 2176], sizes = [64, 128], strides = [1, 1]} : vector<512x8192xf32> to vector<64x128xf32>
    %lt3A_903 = arith.cmpf olt, %slice3A_902, %select_n3A_898 : vector<64x128xf32>
    %select_n3A_904 = arith.select %lt3A_903, %slice3A_902, %select_n3A_898 : vector<64x128xi1>, vector<64x128xf32>
    %jit3A_905 = arith.constant 1.700000e+01 : f32
    %broadcast_in_dim3A_906 = vector.broadcast %jit3A_905 : f32 to vector<64x128xf32>
    %select_n3A_907 = arith.select %lt3A_903, %broadcast_in_dim3A_906, %select_n3A_901 : vector<64x128xi1>, vector<64x128xf32>
    %slice3A_908 = vector.extract_strided_slice %sub3A {offsets = [128, 2304], sizes = [64, 128], strides = [1, 1]} : vector<512x8192xf32> to vector<64x128xf32>
    %lt3A_909 = arith.cmpf olt, %slice3A_908, %select_n3A_904 : vector<64x128xf32>
    %select_n3A_910 = arith.select %lt3A_909, %slice3A_908, %select_n3A_904 : vector<64x128xi1>, vector<64x128xf32>
    %jit3A_911 = arith.constant 1.800000e+01 : f32
    %broadcast_in_dim3A_912 = vector.broadcast %jit3A_911 : f32 to vector<64x128xf32>
    %select_n3A_913 = arith.select %lt3A_909, %broadcast_in_dim3A_912, %select_n3A_907 : vector<64x128xi1>, vector<64x128xf32>
    %slice3A_914 = vector.extract_strided_slice %sub3A {offsets = [128, 2432], sizes = [64, 128], strides = [1, 1]} : vector<512x8192xf32> to vector<64x128xf32>
    %lt3A_915 = arith.cmpf olt, %slice3A_914, %select_n3A_910 : vector<64x128xf32>
    %select_n3A_916 = arith.select %lt3A_915, %slice3A_914, %select_n3A_910 : vector<64x128xi1>, vector<64x128xf32>
    %jit3A_917 = arith.constant 1.900000e+01 : f32
    %broadcast_in_dim3A_918 = vector.broadcast %jit3A_917 : f32 to vector<64x128xf32>
    %select_n3A_919 = arith.select %lt3A_915, %broadcast_in_dim3A_918, %select_n3A_913 : vector<64x128xi1>, vector<64x128xf32>
    %slice3A_920 = vector.extract_strided_slice %sub3A {offsets = [128, 2560], sizes = [64, 128], strides = [1, 1]} : vector<512x8192xf32> to vector<64x128xf32>
    %lt3A_921 = arith.cmpf olt, %slice3A_920, %select_n3A_916 : vector<64x128xf32>
    %select_n3A_922 = arith.select %lt3A_921, %slice3A_920, %select_n3A_916 : vector<64x128xi1>, vector<64x128xf32>
    %jit3A_923 = arith.constant 2.000000e+01 : f32
    %broadcast_in_dim3A_924 = vector.broadcast %jit3A_923 : f32 to vector<64x128xf32>
    %select_n3A_925 = arith.select %lt3A_921, %broadcast_in_dim3A_924, %select_n3A_919 : vector<64x128xi1>, vector<64x128xf32>
    %slice3A_926 = vector.extract_strided_slice %sub3A {offsets = [128, 2688], sizes = [64, 128], strides = [1, 1]} : vector<512x8192xf32> to vector<64x128xf32>
    %lt3A_927 = arith.cmpf olt, %slice3A_926, %select_n3A_922 : vector<64x128xf32>
    %select_n3A_928 = arith.select %lt3A_927, %slice3A_926, %select_n3A_922 : vector<64x128xi1>, vector<64x128xf32>
    %jit3A_929 = arith.constant 2.100000e+01 : f32
    %broadcast_in_dim3A_930 = vector.broadcast %jit3A_929 : f32 to vector<64x128xf32>
    %select_n3A_931 = arith.select %lt3A_927, %broadcast_in_dim3A_930, %select_n3A_925 : vector<64x128xi1>, vector<64x128xf32>
    %slice3A_932 = vector.extract_strided_slice %sub3A {offsets = [128, 2816], sizes = [64, 128], strides = [1, 1]} : vector<512x8192xf32> to vector<64x128xf32>
    %lt3A_933 = arith.cmpf olt, %slice3A_932, %select_n3A_928 : vector<64x128xf32>
    %select_n3A_934 = arith.select %lt3A_933, %slice3A_932, %select_n3A_928 : vector<64x128xi1>, vector<64x128xf32>
    %jit3A_935 = arith.constant 2.200000e+01 : f32
    %broadcast_in_dim3A_936 = vector.broadcast %jit3A_935 : f32 to vector<64x128xf32>
    %select_n3A_937 = arith.select %lt3A_933, %broadcast_in_dim3A_936, %select_n3A_931 : vector<64x128xi1>, vector<64x128xf32>
    %slice3A_938 = vector.extract_strided_slice %sub3A {offsets = [128, 2944], sizes = [64, 128], strides = [1, 1]} : vector<512x8192xf32> to vector<64x128xf32>
    %lt3A_939 = arith.cmpf olt, %slice3A_938, %select_n3A_934 : vector<64x128xf32>
    %select_n3A_940 = arith.select %lt3A_939, %slice3A_938, %select_n3A_934 : vector<64x128xi1>, vector<64x128xf32>
    %jit3A_941 = arith.constant 2.300000e+01 : f32
    %broadcast_in_dim3A_942 = vector.broadcast %jit3A_941 : f32 to vector<64x128xf32>
    %select_n3A_943 = arith.select %lt3A_939, %broadcast_in_dim3A_942, %select_n3A_937 : vector<64x128xi1>, vector<64x128xf32>
    %slice3A_944 = vector.extract_strided_slice %sub3A {offsets = [128, 3072], sizes = [64, 128], strides = [1, 1]} : vector<512x8192xf32> to vector<64x128xf32>
    %lt3A_945 = arith.cmpf olt, %slice3A_944, %select_n3A_940 : vector<64x128xf32>
    %select_n3A_946 = arith.select %lt3A_945, %slice3A_944, %select_n3A_940 : vector<64x128xi1>, vector<64x128xf32>
    %jit3A_947 = arith.constant 2.400000e+01 : f32
    %broadcast_in_dim3A_948 = vector.broadcast %jit3A_947 : f32 to vector<64x128xf32>
    %select_n3A_949 = arith.select %lt3A_945, %broadcast_in_dim3A_948, %select_n3A_943 : vector<64x128xi1>, vector<64x128xf32>
    %slice3A_950 = vector.extract_strided_slice %sub3A {offsets = [128, 3200], sizes = [64, 128], strides = [1, 1]} : vector<512x8192xf32> to vector<64x128xf32>
    %lt3A_951 = arith.cmpf olt, %slice3A_950, %select_n3A_946 : vector<64x128xf32>
    %select_n3A_952 = arith.select %lt3A_951, %slice3A_950, %select_n3A_946 : vector<64x128xi1>, vector<64x128xf32>
    %jit3A_953 = arith.constant 2.500000e+01 : f32
    %broadcast_in_dim3A_954 = vector.broadcast %jit3A_953 : f32 to vector<64x128xf32>
    %select_n3A_955 = arith.select %lt3A_951, %broadcast_in_dim3A_954, %select_n3A_949 : vector<64x128xi1>, vector<64x128xf32>
    %slice3A_956 = vector.extract_strided_slice %sub3A {offsets = [128, 3328], sizes = [64, 128], strides = [1, 1]} : vector<512x8192xf32> to vector<64x128xf32>
    %lt3A_957 = arith.cmpf olt, %slice3A_956, %select_n3A_952 : vector<64x128xf32>
    %select_n3A_958 = arith.select %lt3A_957, %slice3A_956, %select_n3A_952 : vector<64x128xi1>, vector<64x128xf32>
    %jit3A_959 = arith.constant 2.600000e+01 : f32
    %broadcast_in_dim3A_960 = vector.broadcast %jit3A_959 : f32 to vector<64x128xf32>
    %select_n3A_961 = arith.select %lt3A_957, %broadcast_in_dim3A_960, %select_n3A_955 : vector<64x128xi1>, vector<64x128xf32>
    %slice3A_962 = vector.extract_strided_slice %sub3A {offsets = [128, 3456], sizes = [64, 128], strides = [1, 1]} : vector<512x8192xf32> to vector<64x128xf32>
    %lt3A_963 = arith.cmpf olt, %slice3A_962, %select_n3A_958 : vector<64x128xf32>
    %select_n3A_964 = arith.select %lt3A_963, %slice3A_962, %select_n3A_958 : vector<64x128xi1>, vector<64x128xf32>
    %jit3A_965 = arith.constant 2.700000e+01 : f32
    %broadcast_in_dim3A_966 = vector.broadcast %jit3A_965 : f32 to vector<64x128xf32>
    %select_n3A_967 = arith.select %lt3A_963, %broadcast_in_dim3A_966, %select_n3A_961 : vector<64x128xi1>, vector<64x128xf32>
    %slice3A_968 = vector.extract_strided_slice %sub3A {offsets = [128, 3584], sizes = [64, 128], strides = [1, 1]} : vector<512x8192xf32> to vector<64x128xf32>
    %lt3A_969 = arith.cmpf olt, %slice3A_968, %select_n3A_964 : vector<64x128xf32>
    %select_n3A_970 = arith.select %lt3A_969, %slice3A_968, %select_n3A_964 : vector<64x128xi1>, vector<64x128xf32>
    %jit3A_971 = arith.constant 2.800000e+01 : f32
    %broadcast_in_dim3A_972 = vector.broadcast %jit3A_971 : f32 to vector<64x128xf32>
    %select_n3A_973 = arith.select %lt3A_969, %broadcast_in_dim3A_972, %select_n3A_967 : vector<64x128xi1>, vector<64x128xf32>
    %slice3A_974 = vector.extract_strided_slice %sub3A {offsets = [128, 3712], sizes = [64, 128], strides = [1, 1]} : vector<512x8192xf32> to vector<64x128xf32>
    %lt3A_975 = arith.cmpf olt, %slice3A_974, %select_n3A_970 : vector<64x128xf32>
    %select_n3A_976 = arith.select %lt3A_975, %slice3A_974, %select_n3A_970 : vector<64x128xi1>, vector<64x128xf32>
    %jit3A_977 = arith.constant 2.900000e+01 : f32
    %broadcast_in_dim3A_978 = vector.broadcast %jit3A_977 : f32 to vector<64x128xf32>
    %select_n3A_979 = arith.select %lt3A_975, %broadcast_in_dim3A_978, %select_n3A_973 : vector<64x128xi1>, vector<64x128xf32>
    %slice3A_980 = vector.extract_strided_slice %sub3A {offsets = [128, 3840], sizes = [64, 128], strides = [1, 1]} : vector<512x8192xf32> to vector<64x128xf32>
    %lt3A_981 = arith.cmpf olt, %slice3A_980, %select_n3A_976 : vector<64x128xf32>
    %select_n3A_982 = arith.select %lt3A_981, %slice3A_980, %select_n3A_976 : vector<64x128xi1>, vector<64x128xf32>
    %jit3A_983 = arith.constant 3.000000e+01 : f32
    %broadcast_in_dim3A_984 = vector.broadcast %jit3A_983 : f32 to vector<64x128xf32>
    %select_n3A_985 = arith.select %lt3A_981, %broadcast_in_dim3A_984, %select_n3A_979 : vector<64x128xi1>, vector<64x128xf32>
    %slice3A_986 = vector.extract_strided_slice %sub3A {offsets = [128, 3968], sizes = [64, 128], strides = [1, 1]} : vector<512x8192xf32> to vector<64x128xf32>
    %lt3A_987 = arith.cmpf olt, %slice3A_986, %select_n3A_982 : vector<64x128xf32>
    %select_n3A_988 = arith.select %lt3A_987, %slice3A_986, %select_n3A_982 : vector<64x128xi1>, vector<64x128xf32>
    %jit3A_989 = arith.constant 3.100000e+01 : f32
    %broadcast_in_dim3A_990 = vector.broadcast %jit3A_989 : f32 to vector<64x128xf32>
    %select_n3A_991 = arith.select %lt3A_987, %broadcast_in_dim3A_990, %select_n3A_985 : vector<64x128xi1>, vector<64x128xf32>
    %slice3A_992 = vector.extract_strided_slice %sub3A {offsets = [128, 4096], sizes = [64, 128], strides = [1, 1]} : vector<512x8192xf32> to vector<64x128xf32>
    %lt3A_993 = arith.cmpf olt, %slice3A_992, %select_n3A_988 : vector<64x128xf32>
    %select_n3A_994 = arith.select %lt3A_993, %slice3A_992, %select_n3A_988 : vector<64x128xi1>, vector<64x128xf32>
    %jit3A_995 = arith.constant 3.200000e+01 : f32
    %broadcast_in_dim3A_996 = vector.broadcast %jit3A_995 : f32 to vector<64x128xf32>
    %select_n3A_997 = arith.select %lt3A_993, %broadcast_in_dim3A_996, %select_n3A_991 : vector<64x128xi1>, vector<64x128xf32>
    %slice3A_998 = vector.extract_strided_slice %sub3A {offsets = [128, 4224], sizes = [64, 128], strides = [1, 1]} : vector<512x8192xf32> to vector<64x128xf32>
    %lt3A_999 = arith.cmpf olt, %slice3A_998, %select_n3A_994 : vector<64x128xf32>
    %select_n3A_1000 = arith.select %lt3A_999, %slice3A_998, %select_n3A_994 : vector<64x128xi1>, vector<64x128xf32>
    %jit3A_1001 = arith.constant 3.300000e+01 : f32
    %broadcast_in_dim3A_1002 = vector.broadcast %jit3A_1001 : f32 to vector<64x128xf32>
    %select_n3A_1003 = arith.select %lt3A_999, %broadcast_in_dim3A_1002, %select_n3A_997 : vector<64x128xi1>, vector<64x128xf32>
    %slice3A_1004 = vector.extract_strided_slice %sub3A {offsets = [128, 4352], sizes = [64, 128], strides = [1, 1]} : vector<512x8192xf32> to vector<64x128xf32>
    %lt3A_1005 = arith.cmpf olt, %slice3A_1004, %select_n3A_1000 : vector<64x128xf32>
    %select_n3A_1006 = arith.select %lt3A_1005, %slice3A_1004, %select_n3A_1000 : vector<64x128xi1>, vector<64x128xf32>
    %jit3A_1007 = arith.constant 3.400000e+01 : f32
    %broadcast_in_dim3A_1008 = vector.broadcast %jit3A_1007 : f32 to vector<64x128xf32>
    %select_n3A_1009 = arith.select %lt3A_1005, %broadcast_in_dim3A_1008, %select_n3A_1003 : vector<64x128xi1>, vector<64x128xf32>
    %slice3A_1010 = vector.extract_strided_slice %sub3A {offsets = [128, 4480], sizes = [64, 128], strides = [1, 1]} : vector<512x8192xf32> to vector<64x128xf32>
    %lt3A_1011 = arith.cmpf olt, %slice3A_1010, %select_n3A_1006 : vector<64x128xf32>
    %select_n3A_1012 = arith.select %lt3A_1011, %slice3A_1010, %select_n3A_1006 : vector<64x128xi1>, vector<64x128xf32>
    %jit3A_1013 = arith.constant 3.500000e+01 : f32
    %broadcast_in_dim3A_1014 = vector.broadcast %jit3A_1013 : f32 to vector<64x128xf32>
    %select_n3A_1015 = arith.select %lt3A_1011, %broadcast_in_dim3A_1014, %select_n3A_1009 : vector<64x128xi1>, vector<64x128xf32>
    %slice3A_1016 = vector.extract_strided_slice %sub3A {offsets = [128, 4608], sizes = [64, 128], strides = [1, 1]} : vector<512x8192xf32> to vector<64x128xf32>
    %lt3A_1017 = arith.cmpf olt, %slice3A_1016, %select_n3A_1012 : vector<64x128xf32>
    %select_n3A_1018 = arith.select %lt3A_1017, %slice3A_1016, %select_n3A_1012 : vector<64x128xi1>, vector<64x128xf32>
    %jit3A_1019 = arith.constant 3.600000e+01 : f32
    %broadcast_in_dim3A_1020 = vector.broadcast %jit3A_1019 : f32 to vector<64x128xf32>
    %select_n3A_1021 = arith.select %lt3A_1017, %broadcast_in_dim3A_1020, %select_n3A_1015 : vector<64x128xi1>, vector<64x128xf32>
    %slice3A_1022 = vector.extract_strided_slice %sub3A {offsets = [128, 4736], sizes = [64, 128], strides = [1, 1]} : vector<512x8192xf32> to vector<64x128xf32>
    %lt3A_1023 = arith.cmpf olt, %slice3A_1022, %select_n3A_1018 : vector<64x128xf32>
    %select_n3A_1024 = arith.select %lt3A_1023, %slice3A_1022, %select_n3A_1018 : vector<64x128xi1>, vector<64x128xf32>
    %jit3A_1025 = arith.constant 3.700000e+01 : f32
    %broadcast_in_dim3A_1026 = vector.broadcast %jit3A_1025 : f32 to vector<64x128xf32>
    %select_n3A_1027 = arith.select %lt3A_1023, %broadcast_in_dim3A_1026, %select_n3A_1021 : vector<64x128xi1>, vector<64x128xf32>
    %slice3A_1028 = vector.extract_strided_slice %sub3A {offsets = [128, 4864], sizes = [64, 128], strides = [1, 1]} : vector<512x8192xf32> to vector<64x128xf32>
    %lt3A_1029 = arith.cmpf olt, %slice3A_1028, %select_n3A_1024 : vector<64x128xf32>
    %select_n3A_1030 = arith.select %lt3A_1029, %slice3A_1028, %select_n3A_1024 : vector<64x128xi1>, vector<64x128xf32>
    %jit3A_1031 = arith.constant 3.800000e+01 : f32
    %broadcast_in_dim3A_1032 = vector.broadcast %jit3A_1031 : f32 to vector<64x128xf32>
    %select_n3A_1033 = arith.select %lt3A_1029, %broadcast_in_dim3A_1032, %select_n3A_1027 : vector<64x128xi1>, vector<64x128xf32>
    %slice3A_1034 = vector.extract_strided_slice %sub3A {offsets = [128, 4992], sizes = [64, 128], strides = [1, 1]} : vector<512x8192xf32> to vector<64x128xf32>
    %lt3A_1035 = arith.cmpf olt, %slice3A_1034, %select_n3A_1030 : vector<64x128xf32>
    %select_n3A_1036 = arith.select %lt3A_1035, %slice3A_1034, %select_n3A_1030 : vector<64x128xi1>, vector<64x128xf32>
    %jit3A_1037 = arith.constant 3.900000e+01 : f32
    %broadcast_in_dim3A_1038 = vector.broadcast %jit3A_1037 : f32 to vector<64x128xf32>
    %select_n3A_1039 = arith.select %lt3A_1035, %broadcast_in_dim3A_1038, %select_n3A_1033 : vector<64x128xi1>, vector<64x128xf32>
    %slice3A_1040 = vector.extract_strided_slice %sub3A {offsets = [128, 5120], sizes = [64, 128], strides = [1, 1]} : vector<512x8192xf32> to vector<64x128xf32>
    %lt3A_1041 = arith.cmpf olt, %slice3A_1040, %select_n3A_1036 : vector<64x128xf32>
    %select_n3A_1042 = arith.select %lt3A_1041, %slice3A_1040, %select_n3A_1036 : vector<64x128xi1>, vector<64x128xf32>
    %jit3A_1043 = arith.constant 4.000000e+01 : f32
    %broadcast_in_dim3A_1044 = vector.broadcast %jit3A_1043 : f32 to vector<64x128xf32>
    %select_n3A_1045 = arith.select %lt3A_1041, %broadcast_in_dim3A_1044, %select_n3A_1039 : vector<64x128xi1>, vector<64x128xf32>
    %slice3A_1046 = vector.extract_strided_slice %sub3A {offsets = [128, 5248], sizes = [64, 128], strides = [1, 1]} : vector<512x8192xf32> to vector<64x128xf32>
    %lt3A_1047 = arith.cmpf olt, %slice3A_1046, %select_n3A_1042 : vector<64x128xf32>
    %select_n3A_1048 = arith.select %lt3A_1047, %slice3A_1046, %select_n3A_1042 : vector<64x128xi1>, vector<64x128xf32>
    %jit3A_1049 = arith.constant 4.100000e+01 : f32
    %broadcast_in_dim3A_1050 = vector.broadcast %jit3A_1049 : f32 to vector<64x128xf32>
    %select_n3A_1051 = arith.select %lt3A_1047, %broadcast_in_dim3A_1050, %select_n3A_1045 : vector<64x128xi1>, vector<64x128xf32>
    %slice3A_1052 = vector.extract_strided_slice %sub3A {offsets = [128, 5376], sizes = [64, 128], strides = [1, 1]} : vector<512x8192xf32> to vector<64x128xf32>
    %lt3A_1053 = arith.cmpf olt, %slice3A_1052, %select_n3A_1048 : vector<64x128xf32>
    %select_n3A_1054 = arith.select %lt3A_1053, %slice3A_1052, %select_n3A_1048 : vector<64x128xi1>, vector<64x128xf32>
    %jit3A_1055 = arith.constant 4.200000e+01 : f32
    %broadcast_in_dim3A_1056 = vector.broadcast %jit3A_1055 : f32 to vector<64x128xf32>
    %select_n3A_1057 = arith.select %lt3A_1053, %broadcast_in_dim3A_1056, %select_n3A_1051 : vector<64x128xi1>, vector<64x128xf32>
    %slice3A_1058 = vector.extract_strided_slice %sub3A {offsets = [128, 5504], sizes = [64, 128], strides = [1, 1]} : vector<512x8192xf32> to vector<64x128xf32>
    %lt3A_1059 = arith.cmpf olt, %slice3A_1058, %select_n3A_1054 : vector<64x128xf32>
    %select_n3A_1060 = arith.select %lt3A_1059, %slice3A_1058, %select_n3A_1054 : vector<64x128xi1>, vector<64x128xf32>
    %jit3A_1061 = arith.constant 4.300000e+01 : f32
    %broadcast_in_dim3A_1062 = vector.broadcast %jit3A_1061 : f32 to vector<64x128xf32>
    %select_n3A_1063 = arith.select %lt3A_1059, %broadcast_in_dim3A_1062, %select_n3A_1057 : vector<64x128xi1>, vector<64x128xf32>
    %slice3A_1064 = vector.extract_strided_slice %sub3A {offsets = [128, 5632], sizes = [64, 128], strides = [1, 1]} : vector<512x8192xf32> to vector<64x128xf32>
    %lt3A_1065 = arith.cmpf olt, %slice3A_1064, %select_n3A_1060 : vector<64x128xf32>
    %select_n3A_1066 = arith.select %lt3A_1065, %slice3A_1064, %select_n3A_1060 : vector<64x128xi1>, vector<64x128xf32>
    %jit3A_1067 = arith.constant 4.400000e+01 : f32
    %broadcast_in_dim3A_1068 = vector.broadcast %jit3A_1067 : f32 to vector<64x128xf32>
    %select_n3A_1069 = arith.select %lt3A_1065, %broadcast_in_dim3A_1068, %select_n3A_1063 : vector<64x128xi1>, vector<64x128xf32>
    %slice3A_1070 = vector.extract_strided_slice %sub3A {offsets = [128, 5760], sizes = [64, 128], strides = [1, 1]} : vector<512x8192xf32> to vector<64x128xf32>
    %lt3A_1071 = arith.cmpf olt, %slice3A_1070, %select_n3A_1066 : vector<64x128xf32>
    %select_n3A_1072 = arith.select %lt3A_1071, %slice3A_1070, %select_n3A_1066 : vector<64x128xi1>, vector<64x128xf32>
    %jit3A_1073 = arith.constant 4.500000e+01 : f32
    %broadcast_in_dim3A_1074 = vector.broadcast %jit3A_1073 : f32 to vector<64x128xf32>
    %select_n3A_1075 = arith.select %lt3A_1071, %broadcast_in_dim3A_1074, %select_n3A_1069 : vector<64x128xi1>, vector<64x128xf32>
    %slice3A_1076 = vector.extract_strided_slice %sub3A {offsets = [128, 5888], sizes = [64, 128], strides = [1, 1]} : vector<512x8192xf32> to vector<64x128xf32>
    %lt3A_1077 = arith.cmpf olt, %slice3A_1076, %select_n3A_1072 : vector<64x128xf32>
    %select_n3A_1078 = arith.select %lt3A_1077, %slice3A_1076, %select_n3A_1072 : vector<64x128xi1>, vector<64x128xf32>
    %jit3A_1079 = arith.constant 4.600000e+01 : f32
    %broadcast_in_dim3A_1080 = vector.broadcast %jit3A_1079 : f32 to vector<64x128xf32>
    %select_n3A_1081 = arith.select %lt3A_1077, %broadcast_in_dim3A_1080, %select_n3A_1075 : vector<64x128xi1>, vector<64x128xf32>
    %slice3A_1082 = vector.extract_strided_slice %sub3A {offsets = [128, 6016], sizes = [64, 128], strides = [1, 1]} : vector<512x8192xf32> to vector<64x128xf32>
    %lt3A_1083 = arith.cmpf olt, %slice3A_1082, %select_n3A_1078 : vector<64x128xf32>
    %select_n3A_1084 = arith.select %lt3A_1083, %slice3A_1082, %select_n3A_1078 : vector<64x128xi1>, vector<64x128xf32>
    %jit3A_1085 = arith.constant 4.700000e+01 : f32
    %broadcast_in_dim3A_1086 = vector.broadcast %jit3A_1085 : f32 to vector<64x128xf32>
    %select_n3A_1087 = arith.select %lt3A_1083, %broadcast_in_dim3A_1086, %select_n3A_1081 : vector<64x128xi1>, vector<64x128xf32>
    %slice3A_1088 = vector.extract_strided_slice %sub3A {offsets = [128, 6144], sizes = [64, 128], strides = [1, 1]} : vector<512x8192xf32> to vector<64x128xf32>
    %lt3A_1089 = arith.cmpf olt, %slice3A_1088, %select_n3A_1084 : vector<64x128xf32>
    %select_n3A_1090 = arith.select %lt3A_1089, %slice3A_1088, %select_n3A_1084 : vector<64x128xi1>, vector<64x128xf32>
    %jit3A_1091 = arith.constant 4.800000e+01 : f32
    %broadcast_in_dim3A_1092 = vector.broadcast %jit3A_1091 : f32 to vector<64x128xf32>
    %select_n3A_1093 = arith.select %lt3A_1089, %broadcast_in_dim3A_1092, %select_n3A_1087 : vector<64x128xi1>, vector<64x128xf32>
    %slice3A_1094 = vector.extract_strided_slice %sub3A {offsets = [128, 6272], sizes = [64, 128], strides = [1, 1]} : vector<512x8192xf32> to vector<64x128xf32>
    %lt3A_1095 = arith.cmpf olt, %slice3A_1094, %select_n3A_1090 : vector<64x128xf32>
    %select_n3A_1096 = arith.select %lt3A_1095, %slice3A_1094, %select_n3A_1090 : vector<64x128xi1>, vector<64x128xf32>
    %jit3A_1097 = arith.constant 4.900000e+01 : f32
    %broadcast_in_dim3A_1098 = vector.broadcast %jit3A_1097 : f32 to vector<64x128xf32>
    %select_n3A_1099 = arith.select %lt3A_1095, %broadcast_in_dim3A_1098, %select_n3A_1093 : vector<64x128xi1>, vector<64x128xf32>
    %slice3A_1100 = vector.extract_strided_slice %sub3A {offsets = [128, 6400], sizes = [64, 128], strides = [1, 1]} : vector<512x8192xf32> to vector<64x128xf32>
    %lt3A_1101 = arith.cmpf olt, %slice3A_1100, %select_n3A_1096 : vector<64x128xf32>
    %select_n3A_1102 = arith.select %lt3A_1101, %slice3A_1100, %select_n3A_1096 : vector<64x128xi1>, vector<64x128xf32>
    %jit3A_1103 = arith.constant 5.000000e+01 : f32
    %broadcast_in_dim3A_1104 = vector.broadcast %jit3A_1103 : f32 to vector<64x128xf32>
    %select_n3A_1105 = arith.select %lt3A_1101, %broadcast_in_dim3A_1104, %select_n3A_1099 : vector<64x128xi1>, vector<64x128xf32>
    %slice3A_1106 = vector.extract_strided_slice %sub3A {offsets = [128, 6528], sizes = [64, 128], strides = [1, 1]} : vector<512x8192xf32> to vector<64x128xf32>
    %lt3A_1107 = arith.cmpf olt, %slice3A_1106, %select_n3A_1102 : vector<64x128xf32>
    %select_n3A_1108 = arith.select %lt3A_1107, %slice3A_1106, %select_n3A_1102 : vector<64x128xi1>, vector<64x128xf32>
    %jit3A_1109 = arith.constant 5.100000e+01 : f32
    %broadcast_in_dim3A_1110 = vector.broadcast %jit3A_1109 : f32 to vector<64x128xf32>
    %select_n3A_1111 = arith.select %lt3A_1107, %broadcast_in_dim3A_1110, %select_n3A_1105 : vector<64x128xi1>, vector<64x128xf32>
    %slice3A_1112 = vector.extract_strided_slice %sub3A {offsets = [128, 6656], sizes = [64, 128], strides = [1, 1]} : vector<512x8192xf32> to vector<64x128xf32>
    %lt3A_1113 = arith.cmpf olt, %slice3A_1112, %select_n3A_1108 : vector<64x128xf32>
    %select_n3A_1114 = arith.select %lt3A_1113, %slice3A_1112, %select_n3A_1108 : vector<64x128xi1>, vector<64x128xf32>
    %jit3A_1115 = arith.constant 5.200000e+01 : f32
    %broadcast_in_dim3A_1116 = vector.broadcast %jit3A_1115 : f32 to vector<64x128xf32>
    %select_n3A_1117 = arith.select %lt3A_1113, %broadcast_in_dim3A_1116, %select_n3A_1111 : vector<64x128xi1>, vector<64x128xf32>
    %slice3A_1118 = vector.extract_strided_slice %sub3A {offsets = [128, 6784], sizes = [64, 128], strides = [1, 1]} : vector<512x8192xf32> to vector<64x128xf32>
    %lt3A_1119 = arith.cmpf olt, %slice3A_1118, %select_n3A_1114 : vector<64x128xf32>
    %select_n3A_1120 = arith.select %lt3A_1119, %slice3A_1118, %select_n3A_1114 : vector<64x128xi1>, vector<64x128xf32>
    %jit3A_1121 = arith.constant 5.300000e+01 : f32
    %broadcast_in_dim3A_1122 = vector.broadcast %jit3A_1121 : f32 to vector<64x128xf32>
    %select_n3A_1123 = arith.select %lt3A_1119, %broadcast_in_dim3A_1122, %select_n3A_1117 : vector<64x128xi1>, vector<64x128xf32>
    %slice3A_1124 = vector.extract_strided_slice %sub3A {offsets = [128, 6912], sizes = [64, 128], strides = [1, 1]} : vector<512x8192xf32> to vector<64x128xf32>
    %lt3A_1125 = arith.cmpf olt, %slice3A_1124, %select_n3A_1120 : vector<64x128xf32>
    %select_n3A_1126 = arith.select %lt3A_1125, %slice3A_1124, %select_n3A_1120 : vector<64x128xi1>, vector<64x128xf32>
    %jit3A_1127 = arith.constant 5.400000e+01 : f32
    %broadcast_in_dim3A_1128 = vector.broadcast %jit3A_1127 : f32 to vector<64x128xf32>
    %select_n3A_1129 = arith.select %lt3A_1125, %broadcast_in_dim3A_1128, %select_n3A_1123 : vector<64x128xi1>, vector<64x128xf32>
    %slice3A_1130 = vector.extract_strided_slice %sub3A {offsets = [128, 7040], sizes = [64, 128], strides = [1, 1]} : vector<512x8192xf32> to vector<64x128xf32>
    %lt3A_1131 = arith.cmpf olt, %slice3A_1130, %select_n3A_1126 : vector<64x128xf32>
    %select_n3A_1132 = arith.select %lt3A_1131, %slice3A_1130, %select_n3A_1126 : vector<64x128xi1>, vector<64x128xf32>
    %jit3A_1133 = arith.constant 5.500000e+01 : f32
    %broadcast_in_dim3A_1134 = vector.broadcast %jit3A_1133 : f32 to vector<64x128xf32>
    %select_n3A_1135 = arith.select %lt3A_1131, %broadcast_in_dim3A_1134, %select_n3A_1129 : vector<64x128xi1>, vector<64x128xf32>
    %slice3A_1136 = vector.extract_strided_slice %sub3A {offsets = [128, 7168], sizes = [64, 128], strides = [1, 1]} : vector<512x8192xf32> to vector<64x128xf32>
    %lt3A_1137 = arith.cmpf olt, %slice3A_1136, %select_n3A_1132 : vector<64x128xf32>
    %select_n3A_1138 = arith.select %lt3A_1137, %slice3A_1136, %select_n3A_1132 : vector<64x128xi1>, vector<64x128xf32>
    %jit3A_1139 = arith.constant 5.600000e+01 : f32
    %broadcast_in_dim3A_1140 = vector.broadcast %jit3A_1139 : f32 to vector<64x128xf32>
    %select_n3A_1141 = arith.select %lt3A_1137, %broadcast_in_dim3A_1140, %select_n3A_1135 : vector<64x128xi1>, vector<64x128xf32>
    %slice3A_1142 = vector.extract_strided_slice %sub3A {offsets = [128, 7296], sizes = [64, 128], strides = [1, 1]} : vector<512x8192xf32> to vector<64x128xf32>
    %lt3A_1143 = arith.cmpf olt, %slice3A_1142, %select_n3A_1138 : vector<64x128xf32>
    %select_n3A_1144 = arith.select %lt3A_1143, %slice3A_1142, %select_n3A_1138 : vector<64x128xi1>, vector<64x128xf32>
    %jit3A_1145 = arith.constant 5.700000e+01 : f32
    %broadcast_in_dim3A_1146 = vector.broadcast %jit3A_1145 : f32 to vector<64x128xf32>
    %select_n3A_1147 = arith.select %lt3A_1143, %broadcast_in_dim3A_1146, %select_n3A_1141 : vector<64x128xi1>, vector<64x128xf32>
    %slice3A_1148 = vector.extract_strided_slice %sub3A {offsets = [128, 7424], sizes = [64, 128], strides = [1, 1]} : vector<512x8192xf32> to vector<64x128xf32>
    %lt3A_1149 = arith.cmpf olt, %slice3A_1148, %select_n3A_1144 : vector<64x128xf32>
    %select_n3A_1150 = arith.select %lt3A_1149, %slice3A_1148, %select_n3A_1144 : vector<64x128xi1>, vector<64x128xf32>
    %jit3A_1151 = arith.constant 5.800000e+01 : f32
    %broadcast_in_dim3A_1152 = vector.broadcast %jit3A_1151 : f32 to vector<64x128xf32>
    %select_n3A_1153 = arith.select %lt3A_1149, %broadcast_in_dim3A_1152, %select_n3A_1147 : vector<64x128xi1>, vector<64x128xf32>
    %slice3A_1154 = vector.extract_strided_slice %sub3A {offsets = [128, 7552], sizes = [64, 128], strides = [1, 1]} : vector<512x8192xf32> to vector<64x128xf32>
    %lt3A_1155 = arith.cmpf olt, %slice3A_1154, %select_n3A_1150 : vector<64x128xf32>
    %select_n3A_1156 = arith.select %lt3A_1155, %slice3A_1154, %select_n3A_1150 : vector<64x128xi1>, vector<64x128xf32>
    %jit3A_1157 = arith.constant 5.900000e+01 : f32
    %broadcast_in_dim3A_1158 = vector.broadcast %jit3A_1157 : f32 to vector<64x128xf32>
    %select_n3A_1159 = arith.select %lt3A_1155, %broadcast_in_dim3A_1158, %select_n3A_1153 : vector<64x128xi1>, vector<64x128xf32>
    %slice3A_1160 = vector.extract_strided_slice %sub3A {offsets = [128, 7680], sizes = [64, 128], strides = [1, 1]} : vector<512x8192xf32> to vector<64x128xf32>
    %lt3A_1161 = arith.cmpf olt, %slice3A_1160, %select_n3A_1156 : vector<64x128xf32>
    %select_n3A_1162 = arith.select %lt3A_1161, %slice3A_1160, %select_n3A_1156 : vector<64x128xi1>, vector<64x128xf32>
    %jit3A_1163 = arith.constant 6.000000e+01 : f32
    %broadcast_in_dim3A_1164 = vector.broadcast %jit3A_1163 : f32 to vector<64x128xf32>
    %select_n3A_1165 = arith.select %lt3A_1161, %broadcast_in_dim3A_1164, %select_n3A_1159 : vector<64x128xi1>, vector<64x128xf32>
    %slice3A_1166 = vector.extract_strided_slice %sub3A {offsets = [128, 7808], sizes = [64, 128], strides = [1, 1]} : vector<512x8192xf32> to vector<64x128xf32>
    %lt3A_1167 = arith.cmpf olt, %slice3A_1166, %select_n3A_1162 : vector<64x128xf32>
    %select_n3A_1168 = arith.select %lt3A_1167, %slice3A_1166, %select_n3A_1162 : vector<64x128xi1>, vector<64x128xf32>
    %jit3A_1169 = arith.constant 6.100000e+01 : f32
    %broadcast_in_dim3A_1170 = vector.broadcast %jit3A_1169 : f32 to vector<64x128xf32>
    %select_n3A_1171 = arith.select %lt3A_1167, %broadcast_in_dim3A_1170, %select_n3A_1165 : vector<64x128xi1>, vector<64x128xf32>
    %slice3A_1172 = vector.extract_strided_slice %sub3A {offsets = [128, 7936], sizes = [64, 128], strides = [1, 1]} : vector<512x8192xf32> to vector<64x128xf32>
    %lt3A_1173 = arith.cmpf olt, %slice3A_1172, %select_n3A_1168 : vector<64x128xf32>
    %select_n3A_1174 = arith.select %lt3A_1173, %slice3A_1172, %select_n3A_1168 : vector<64x128xi1>, vector<64x128xf32>
    %jit3A_1175 = arith.constant 6.200000e+01 : f32
    %broadcast_in_dim3A_1176 = vector.broadcast %jit3A_1175 : f32 to vector<64x128xf32>
    %select_n3A_1177 = arith.select %lt3A_1173, %broadcast_in_dim3A_1176, %select_n3A_1171 : vector<64x128xi1>, vector<64x128xf32>
    %slice3A_1178 = vector.extract_strided_slice %sub3A {offsets = [128, 8064], sizes = [64, 128], strides = [1, 1]} : vector<512x8192xf32> to vector<64x128xf32>
    %lt3A_1179 = arith.cmpf olt, %slice3A_1178, %select_n3A_1174 : vector<64x128xf32>
    %select_n3A_1180 = arith.select %lt3A_1179, %slice3A_1178, %select_n3A_1174 : vector<64x128xi1>, vector<64x128xf32>
    %jit3A_1181 = arith.constant 6.300000e+01 : f32
    %broadcast_in_dim3A_1182 = vector.broadcast %jit3A_1181 : f32 to vector<64x128xf32>
    %select_n3A_1183 = arith.select %lt3A_1179, %broadcast_in_dim3A_1182, %select_n3A_1177 : vector<64x128xi1>, vector<64x128xf32>
    %mul3A_1184 = arith.constant 1.280000e+02 : f32
    %mul3A_1185 = vector.broadcast %mul3A_1184 : f32 to vector<64x128xf32>
    %mul3A_1186 = arith.mulf %select_n3A_1183, %mul3A_1185 : vector<64x128xf32>
    %add3A_1187 = arith.addf %mul3A_1186, %convert_element_type3A : vector<64x128xf32>
    %reduce_min3A_1188 = arith.constant dense<0x7F800000> : vector<64xf32>
    %reduce_min3A_1189 = vector.multi_reduction <minimumf>, %select_n3A_1180, %reduce_min3A_1188 [1] : vector<64x128xf32> to vector<64xf32>
    %broadcast_in_dim3A_1190 = vector.shape_cast %reduce_min3A_1189 : vector<64xf32> to vector<64x1xf32>
    %eq3A_1191 = vector.broadcast %broadcast_in_dim3A_1190 : vector<64x1xf32> to vector<64x128xf32>
    %eq3A_1192 = arith.cmpf oeq, %select_n3A_1180, %eq3A_1191 : vector<64x128xf32>
    %jit3A_1193 = arith.constant 1.07374182E+9 : f32
    %broadcast_in_dim3A_1194 = vector.broadcast %jit3A_1193 : f32 to vector<64x128xf32>
    %select_n3A_1195 = arith.select %eq3A_1192, %add3A_1187, %broadcast_in_dim3A_1194 : vector<64x128xi1>, vector<64x128xf32>
    %reduce_min3A_1196 = arith.constant dense<0x7F800000> : vector<64xf32>
    %reduce_min3A_1197 = vector.multi_reduction <minimumf>, %select_n3A_1195, %reduce_min3A_1196 [1] : vector<64x128xf32> to vector<64xf32>
    %convert_element_type3A_1198 = arith.fptosi %reduce_min3A_1197 : vector<64xf32> to vector<64xi32>
    %swap3A_1199 = arith.constant 128 : index
    %swap3A_1200 = vector.load %arg5[%swap3A_1199] : memref<512xi32, #tpu.memory_space<vmem>>, vector<64xi32>
    tpu.vector_store %arg5[%swap3A_1199], %convert_element_type3A_1198 {strides = array<i32>} : memref<512xi32, #tpu.memory_space<vmem>>, vector<64xi32>,
    %slice3A_1201 = vector.extract_strided_slice %sub3A {offsets = [192, 0], sizes = [64, 128], strides = [1, 1]} : vector<512x8192xf32> to vector<64x128xf32>
    %broadcast_in_dim3A_1202 = arith.constant 0.000000e+00 : f32
    %broadcast_in_dim3A_1203 = vector.broadcast %broadcast_in_dim3A_1202 : f32 to vector<64x128xf32>
    %slice3A_1204 = vector.extract_strided_slice %sub3A {offsets = [192, 128], sizes = [64, 128], strides = [1, 1]} : vector<512x8192xf32> to vector<64x128xf32>
    %lt3A_1205 = arith.cmpf olt, %slice3A_1204, %slice3A_1201 : vector<64x128xf32>
    %select_n3A_1206 = arith.select %lt3A_1205, %slice3A_1204, %slice3A_1201 : vector<64x128xi1>, vector<64x128xf32>
    %jit3A_1207 = arith.constant 1.000000e+00 : f32
    %broadcast_in_dim3A_1208 = vector.broadcast %jit3A_1207 : f32 to vector<64x128xf32>
    %select_n3A_1209 = arith.select %lt3A_1205, %broadcast_in_dim3A_1208, %broadcast_in_dim3A_1203 : vector<64x128xi1>, vector<64x128xf32>
    %slice3A_1210 = vector.extract_strided_slice %sub3A {offsets = [192, 256], sizes = [64, 128], strides = [1, 1]} : vector<512x8192xf32> to vector<64x128xf32>
    %lt3A_1211 = arith.cmpf olt, %slice3A_1210, %select_n3A_1206 : vector<64x128xf32>
    %select_n3A_1212 = arith.select %lt3A_1211, %slice3A_1210, %select_n3A_1206 : vector<64x128xi1>, vector<64x128xf32>
    %jit3A_1213 = arith.constant 2.000000e+00 : f32
    %broadcast_in_dim3A_1214 = vector.broadcast %jit3A_1213 : f32 to vector<64x128xf32>
    %select_n3A_1215 = arith.select %lt3A_1211, %broadcast_in_dim3A_1214, %select_n3A_1209 : vector<64x128xi1>, vector<64x128xf32>
    %slice3A_1216 = vector.extract_strided_slice %sub3A {offsets = [192, 384], sizes = [64, 128], strides = [1, 1]} : vector<512x8192xf32> to vector<64x128xf32>
    %lt3A_1217 = arith.cmpf olt, %slice3A_1216, %select_n3A_1212 : vector<64x128xf32>
    %select_n3A_1218 = arith.select %lt3A_1217, %slice3A_1216, %select_n3A_1212 : vector<64x128xi1>, vector<64x128xf32>
    %jit3A_1219 = arith.constant 3.000000e+00 : f32
    %broadcast_in_dim3A_1220 = vector.broadcast %jit3A_1219 : f32 to vector<64x128xf32>
    %select_n3A_1221 = arith.select %lt3A_1217, %broadcast_in_dim3A_1220, %select_n3A_1215 : vector<64x128xi1>, vector<64x128xf32>
    %slice3A_1222 = vector.extract_strided_slice %sub3A {offsets = [192, 512], sizes = [64, 128], strides = [1, 1]} : vector<512x8192xf32> to vector<64x128xf32>
    %lt3A_1223 = arith.cmpf olt, %slice3A_1222, %select_n3A_1218 : vector<64x128xf32>
    %select_n3A_1224 = arith.select %lt3A_1223, %slice3A_1222, %select_n3A_1218 : vector<64x128xi1>, vector<64x128xf32>
    %jit3A_1225 = arith.constant 4.000000e+00 : f32
    %broadcast_in_dim3A_1226 = vector.broadcast %jit3A_1225 : f32 to vector<64x128xf32>
    %select_n3A_1227 = arith.select %lt3A_1223, %broadcast_in_dim3A_1226, %select_n3A_1221 : vector<64x128xi1>, vector<64x128xf32>
    %slice3A_1228 = vector.extract_strided_slice %sub3A {offsets = [192, 640], sizes = [64, 128], strides = [1, 1]} : vector<512x8192xf32> to vector<64x128xf32>
    %lt3A_1229 = arith.cmpf olt, %slice3A_1228, %select_n3A_1224 : vector<64x128xf32>
    %select_n3A_1230 = arith.select %lt3A_1229, %slice3A_1228, %select_n3A_1224 : vector<64x128xi1>, vector<64x128xf32>
    %jit3A_1231 = arith.constant 5.000000e+00 : f32
    %broadcast_in_dim3A_1232 = vector.broadcast %jit3A_1231 : f32 to vector<64x128xf32>
    %select_n3A_1233 = arith.select %lt3A_1229, %broadcast_in_dim3A_1232, %select_n3A_1227 : vector<64x128xi1>, vector<64x128xf32>
    %slice3A_1234 = vector.extract_strided_slice %sub3A {offsets = [192, 768], sizes = [64, 128], strides = [1, 1]} : vector<512x8192xf32> to vector<64x128xf32>
    %lt3A_1235 = arith.cmpf olt, %slice3A_1234, %select_n3A_1230 : vector<64x128xf32>
    %select_n3A_1236 = arith.select %lt3A_1235, %slice3A_1234, %select_n3A_1230 : vector<64x128xi1>, vector<64x128xf32>
    %jit3A_1237 = arith.constant 6.000000e+00 : f32
    %broadcast_in_dim3A_1238 = vector.broadcast %jit3A_1237 : f32 to vector<64x128xf32>
    %select_n3A_1239 = arith.select %lt3A_1235, %broadcast_in_dim3A_1238, %select_n3A_1233 : vector<64x128xi1>, vector<64x128xf32>
    %slice3A_1240 = vector.extract_strided_slice %sub3A {offsets = [192, 896], sizes = [64, 128], strides = [1, 1]} : vector<512x8192xf32> to vector<64x128xf32>
    %lt3A_1241 = arith.cmpf olt, %slice3A_1240, %select_n3A_1236 : vector<64x128xf32>
    %select_n3A_1242 = arith.select %lt3A_1241, %slice3A_1240, %select_n3A_1236 : vector<64x128xi1>, vector<64x128xf32>
    %jit3A_1243 = arith.constant 7.000000e+00 : f32
    %broadcast_in_dim3A_1244 = vector.broadcast %jit3A_1243 : f32 to vector<64x128xf32>
    %select_n3A_1245 = arith.select %lt3A_1241, %broadcast_in_dim3A_1244, %select_n3A_1239 : vector<64x128xi1>, vector<64x128xf32>
    %slice3A_1246 = vector.extract_strided_slice %sub3A {offsets = [192, 1024], sizes = [64, 128], strides = [1, 1]} : vector<512x8192xf32> to vector<64x128xf32>
    %lt3A_1247 = arith.cmpf olt, %slice3A_1246, %select_n3A_1242 : vector<64x128xf32>
    %select_n3A_1248 = arith.select %lt3A_1247, %slice3A_1246, %select_n3A_1242 : vector<64x128xi1>, vector<64x128xf32>
    %jit3A_1249 = arith.constant 8.000000e+00 : f32
    %broadcast_in_dim3A_1250 = vector.broadcast %jit3A_1249 : f32 to vector<64x128xf32>
    %select_n3A_1251 = arith.select %lt3A_1247, %broadcast_in_dim3A_1250, %select_n3A_1245 : vector<64x128xi1>, vector<64x128xf32>
    %slice3A_1252 = vector.extract_strided_slice %sub3A {offsets = [192, 1152], sizes = [64, 128], strides = [1, 1]} : vector<512x8192xf32> to vector<64x128xf32>
    %lt3A_1253 = arith.cmpf olt, %slice3A_1252, %select_n3A_1248 : vector<64x128xf32>
    %select_n3A_1254 = arith.select %lt3A_1253, %slice3A_1252, %select_n3A_1248 : vector<64x128xi1>, vector<64x128xf32>
    %jit3A_1255 = arith.constant 9.000000e+00 : f32
    %broadcast_in_dim3A_1256 = vector.broadcast %jit3A_1255 : f32 to vector<64x128xf32>
    %select_n3A_1257 = arith.select %lt3A_1253, %broadcast_in_dim3A_1256, %select_n3A_1251 : vector<64x128xi1>, vector<64x128xf32>
    %slice3A_1258 = vector.extract_strided_slice %sub3A {offsets = [192, 1280], sizes = [64, 128], strides = [1, 1]} : vector<512x8192xf32> to vector<64x128xf32>
    %lt3A_1259 = arith.cmpf olt, %slice3A_1258, %select_n3A_1254 : vector<64x128xf32>
    %select_n3A_1260 = arith.select %lt3A_1259, %slice3A_1258, %select_n3A_1254 : vector<64x128xi1>, vector<64x128xf32>
    %jit3A_1261 = arith.constant 1.000000e+01 : f32
    %broadcast_in_dim3A_1262 = vector.broadcast %jit3A_1261 : f32 to vector<64x128xf32>
    %select_n3A_1263 = arith.select %lt3A_1259, %broadcast_in_dim3A_1262, %select_n3A_1257 : vector<64x128xi1>, vector<64x128xf32>
    %slice3A_1264 = vector.extract_strided_slice %sub3A {offsets = [192, 1408], sizes = [64, 128], strides = [1, 1]} : vector<512x8192xf32> to vector<64x128xf32>
    %lt3A_1265 = arith.cmpf olt, %slice3A_1264, %select_n3A_1260 : vector<64x128xf32>
    %select_n3A_1266 = arith.select %lt3A_1265, %slice3A_1264, %select_n3A_1260 : vector<64x128xi1>, vector<64x128xf32>
    %jit3A_1267 = arith.constant 1.100000e+01 : f32
    %broadcast_in_dim3A_1268 = vector.broadcast %jit3A_1267 : f32 to vector<64x128xf32>
    %select_n3A_1269 = arith.select %lt3A_1265, %broadcast_in_dim3A_1268, %select_n3A_1263 : vector<64x128xi1>, vector<64x128xf32>
    %slice3A_1270 = vector.extract_strided_slice %sub3A {offsets = [192, 1536], sizes = [64, 128], strides = [1, 1]} : vector<512x8192xf32> to vector<64x128xf32>
    %lt3A_1271 = arith.cmpf olt, %slice3A_1270, %select_n3A_1266 : vector<64x128xf32>
    %select_n3A_1272 = arith.select %lt3A_1271, %slice3A_1270, %select_n3A_1266 : vector<64x128xi1>, vector<64x128xf32>
    %jit3A_1273 = arith.constant 1.200000e+01 : f32
    %broadcast_in_dim3A_1274 = vector.broadcast %jit3A_1273 : f32 to vector<64x128xf32>
    %select_n3A_1275 = arith.select %lt3A_1271, %broadcast_in_dim3A_1274, %select_n3A_1269 : vector<64x128xi1>, vector<64x128xf32>
    %slice3A_1276 = vector.extract_strided_slice %sub3A {offsets = [192, 1664], sizes = [64, 128], strides = [1, 1]} : vector<512x8192xf32> to vector<64x128xf32>
    %lt3A_1277 = arith.cmpf olt, %slice3A_1276, %select_n3A_1272 : vector<64x128xf32>
    %select_n3A_1278 = arith.select %lt3A_1277, %slice3A_1276, %select_n3A_1272 : vector<64x128xi1>, vector<64x128xf32>
    %jit3A_1279 = arith.constant 1.300000e+01 : f32
    %broadcast_in_dim3A_1280 = vector.broadcast %jit3A_1279 : f32 to vector<64x128xf32>
    %select_n3A_1281 = arith.select %lt3A_1277, %broadcast_in_dim3A_1280, %select_n3A_1275 : vector<64x128xi1>, vector<64x128xf32>
    %slice3A_1282 = vector.extract_strided_slice %sub3A {offsets = [192, 1792], sizes = [64, 128], strides = [1, 1]} : vector<512x8192xf32> to vector<64x128xf32>
    %lt3A_1283 = arith.cmpf olt, %slice3A_1282, %select_n3A_1278 : vector<64x128xf32>
    %select_n3A_1284 = arith.select %lt3A_1283, %slice3A_1282, %select_n3A_1278 : vector<64x128xi1>, vector<64x128xf32>
    %jit3A_1285 = arith.constant 1.400000e+01 : f32
    %broadcast_in_dim3A_1286 = vector.broadcast %jit3A_1285 : f32 to vector<64x128xf32>
    %select_n3A_1287 = arith.select %lt3A_1283, %broadcast_in_dim3A_1286, %select_n3A_1281 : vector<64x128xi1>, vector<64x128xf32>
    %slice3A_1288 = vector.extract_strided_slice %sub3A {offsets = [192, 1920], sizes = [64, 128], strides = [1, 1]} : vector<512x8192xf32> to vector<64x128xf32>
    %lt3A_1289 = arith.cmpf olt, %slice3A_1288, %select_n3A_1284 : vector<64x128xf32>
    %select_n3A_1290 = arith.select %lt3A_1289, %slice3A_1288, %select_n3A_1284 : vector<64x128xi1>, vector<64x128xf32>
    %jit3A_1291 = arith.constant 1.500000e+01 : f32
    %broadcast_in_dim3A_1292 = vector.broadcast %jit3A_1291 : f32 to vector<64x128xf32>
    %select_n3A_1293 = arith.select %lt3A_1289, %broadcast_in_dim3A_1292, %select_n3A_1287 : vector<64x128xi1>, vector<64x128xf32>
    %slice3A_1294 = vector.extract_strided_slice %sub3A {offsets = [192, 2048], sizes = [64, 128], strides = [1, 1]} : vector<512x8192xf32> to vector<64x128xf32>
    %lt3A_1295 = arith.cmpf olt, %slice3A_1294, %select_n3A_1290 : vector<64x128xf32>
    %select_n3A_1296 = arith.select %lt3A_1295, %slice3A_1294, %select_n3A_1290 : vector<64x128xi1>, vector<64x128xf32>
    %jit3A_1297 = arith.constant 1.600000e+01 : f32
    %broadcast_in_dim3A_1298 = vector.broadcast %jit3A_1297 : f32 to vector<64x128xf32>
    %select_n3A_1299 = arith.select %lt3A_1295, %broadcast_in_dim3A_1298, %select_n3A_1293 : vector<64x128xi1>, vector<64x128xf32>
    %slice3A_1300 = vector.extract_strided_slice %sub3A {offsets = [192, 2176], sizes = [64, 128], strides = [1, 1]} : vector<512x8192xf32> to vector<64x128xf32>
    %lt3A_1301 = arith.cmpf olt, %slice3A_1300, %select_n3A_1296 : vector<64x128xf32>
    %select_n3A_1302 = arith.select %lt3A_1301, %slice3A_1300, %select_n3A_1296 : vector<64x128xi1>, vector<64x128xf32>
    %jit3A_1303 = arith.constant 1.700000e+01 : f32
    %broadcast_in_dim3A_1304 = vector.broadcast %jit3A_1303 : f32 to vector<64x128xf32>
    %select_n3A_1305 = arith.select %lt3A_1301, %broadcast_in_dim3A_1304, %select_n3A_1299 : vector<64x128xi1>, vector<64x128xf32>
    %slice3A_1306 = vector.extract_strided_slice %sub3A {offsets = [192, 2304], sizes = [64, 128], strides = [1, 1]} : vector<512x8192xf32> to vector<64x128xf32>
    %lt3A_1307 = arith.cmpf olt, %slice3A_1306, %select_n3A_1302 : vector<64x128xf32>
    %select_n3A_1308 = arith.select %lt3A_1307, %slice3A_1306, %select_n3A_1302 : vector<64x128xi1>, vector<64x128xf32>
    %jit3A_1309 = arith.constant 1.800000e+01 : f32
    %broadcast_in_dim3A_1310 = vector.broadcast %jit3A_1309 : f32 to vector<64x128xf32>
    %select_n3A_1311 = arith.select %lt3A_1307, %broadcast_in_dim3A_1310, %select_n3A_1305 : vector<64x128xi1>, vector<64x128xf32>
    %slice3A_1312 = vector.extract_strided_slice %sub3A {offsets = [192, 2432], sizes = [64, 128], strides = [1, 1]} : vector<512x8192xf32> to vector<64x128xf32>
    %lt3A_1313 = arith.cmpf olt, %slice3A_1312, %select_n3A_1308 : vector<64x128xf32>
    %select_n3A_1314 = arith.select %lt3A_1313, %slice3A_1312, %select_n3A_1308 : vector<64x128xi1>, vector<64x128xf32>
    %jit3A_1315 = arith.constant 1.900000e+01 : f32
    %broadcast_in_dim3A_1316 = vector.broadcast %jit3A_1315 : f32 to vector<64x128xf32>
    %select_n3A_1317 = arith.select %lt3A_1313, %broadcast_in_dim3A_1316, %select_n3A_1311 : vector<64x128xi1>, vector<64x128xf32>
    %slice3A_1318 = vector.extract_strided_slice %sub3A {offsets = [192, 2560], sizes = [64, 128], strides = [1, 1]} : vector<512x8192xf32> to vector<64x128xf32>
    %lt3A_1319 = arith.cmpf olt, %slice3A_1318, %select_n3A_1314 : vector<64x128xf32>
    %select_n3A_1320 = arith.select %lt3A_1319, %slice3A_1318, %select_n3A_1314 : vector<64x128xi1>, vector<64x128xf32>
    %jit3A_1321 = arith.constant 2.000000e+01 : f32
    %broadcast_in_dim3A_1322 = vector.broadcast %jit3A_1321 : f32 to vector<64x128xf32>
    %select_n3A_1323 = arith.select %lt3A_1319, %broadcast_in_dim3A_1322, %select_n3A_1317 : vector<64x128xi1>, vector<64x128xf32>
    %slice3A_1324 = vector.extract_strided_slice %sub3A {offsets = [192, 2688], sizes = [64, 128], strides = [1, 1]} : vector<512x8192xf32> to vector<64x128xf32>
    %lt3A_1325 = arith.cmpf olt, %slice3A_1324, %select_n3A_1320 : vector<64x128xf32>
    %select_n3A_1326 = arith.select %lt3A_1325, %slice3A_1324, %select_n3A_1320 : vector<64x128xi1>, vector<64x128xf32>
    %jit3A_1327 = arith.constant 2.100000e+01 : f32
    %broadcast_in_dim3A_1328 = vector.broadcast %jit3A_1327 : f32 to vector<64x128xf32>
    %select_n3A_1329 = arith.select %lt3A_1325, %broadcast_in_dim3A_1328, %select_n3A_1323 : vector<64x128xi1>, vector<64x128xf32>
    %slice3A_1330 = vector.extract_strided_slice %sub3A {offsets = [192, 2816], sizes = [64, 128], strides = [1, 1]} : vector<512x8192xf32> to vector<64x128xf32>
    %lt3A_1331 = arith.cmpf olt, %slice3A_1330, %select_n3A_1326 : vector<64x128xf32>
    %select_n3A_1332 = arith.select %lt3A_1331, %slice3A_1330, %select_n3A_1326 : vector<64x128xi1>, vector<64x128xf32>
    %jit3A_1333 = arith.constant 2.200000e+01 : f32
    %broadcast_in_dim3A_1334 = vector.broadcast %jit3A_1333 : f32 to vector<64x128xf32>
    %select_n3A_1335 = arith.select %lt3A_1331, %broadcast_in_dim3A_1334, %select_n3A_1329 : vector<64x128xi1>, vector<64x128xf32>
    %slice3A_1336 = vector.extract_strided_slice %sub3A {offsets = [192, 2944], sizes = [64, 128], strides = [1, 1]} : vector<512x8192xf32> to vector<64x128xf32>
    %lt3A_1337 = arith.cmpf olt, %slice3A_1336, %select_n3A_1332 : vector<64x128xf32>
    %select_n3A_1338 = arith.select %lt3A_1337, %slice3A_1336, %select_n3A_1332 : vector<64x128xi1>, vector<64x128xf32>
    %jit3A_1339 = arith.constant 2.300000e+01 : f32
    %broadcast_in_dim3A_1340 = vector.broadcast %jit3A_1339 : f32 to vector<64x128xf32>
    %select_n3A_1341 = arith.select %lt3A_1337, %broadcast_in_dim3A_1340, %select_n3A_1335 : vector<64x128xi1>, vector<64x128xf32>
    %slice3A_1342 = vector.extract_strided_slice %sub3A {offsets = [192, 3072], sizes = [64, 128], strides = [1, 1]} : vector<512x8192xf32> to vector<64x128xf32>
    %lt3A_1343 = arith.cmpf olt, %slice3A_1342, %select_n3A_1338 : vector<64x128xf32>
    %select_n3A_1344 = arith.select %lt3A_1343, %slice3A_1342, %select_n3A_1338 : vector<64x128xi1>, vector<64x128xf32>
    %jit3A_1345 = arith.constant 2.400000e+01 : f32
    %broadcast_in_dim3A_1346 = vector.broadcast %jit3A_1345 : f32 to vector<64x128xf32>
    %select_n3A_1347 = arith.select %lt3A_1343, %broadcast_in_dim3A_1346, %select_n3A_1341 : vector<64x128xi1>, vector<64x128xf32>
    %slice3A_1348 = vector.extract_strided_slice %sub3A {offsets = [192, 3200], sizes = [64, 128], strides = [1, 1]} : vector<512x8192xf32> to vector<64x128xf32>
    %lt3A_1349 = arith.cmpf olt, %slice3A_1348, %select_n3A_1344 : vector<64x128xf32>
    %select_n3A_1350 = arith.select %lt3A_1349, %slice3A_1348, %select_n3A_1344 : vector<64x128xi1>, vector<64x128xf32>
    %jit3A_1351 = arith.constant 2.500000e+01 : f32
    %broadcast_in_dim3A_1352 = vector.broadcast %jit3A_1351 : f32 to vector<64x128xf32>
    %select_n3A_1353 = arith.select %lt3A_1349, %broadcast_in_dim3A_1352, %select_n3A_1347 : vector<64x128xi1>, vector<64x128xf32>
    %slice3A_1354 = vector.extract_strided_slice %sub3A {offsets = [192, 3328], sizes = [64, 128], strides = [1, 1]} : vector<512x8192xf32> to vector<64x128xf32>
    %lt3A_1355 = arith.cmpf olt, %slice3A_1354, %select_n3A_1350 : vector<64x128xf32>
    %select_n3A_1356 = arith.select %lt3A_1355, %slice3A_1354, %select_n3A_1350 : vector<64x128xi1>, vector<64x128xf32>
    %jit3A_1357 = arith.constant 2.600000e+01 : f32
    %broadcast_in_dim3A_1358 = vector.broadcast %jit3A_1357 : f32 to vector<64x128xf32>
    %select_n3A_1359 = arith.select %lt3A_1355, %broadcast_in_dim3A_1358, %select_n3A_1353 : vector<64x128xi1>, vector<64x128xf32>
    %slice3A_1360 = vector.extract_strided_slice %sub3A {offsets = [192, 3456], sizes = [64, 128], strides = [1, 1]} : vector<512x8192xf32> to vector<64x128xf32>
    %lt3A_1361 = arith.cmpf olt, %slice3A_1360, %select_n3A_1356 : vector<64x128xf32>
    %select_n3A_1362 = arith.select %lt3A_1361, %slice3A_1360, %select_n3A_1356 : vector<64x128xi1>, vector<64x128xf32>
    %jit3A_1363 = arith.constant 2.700000e+01 : f32
    %broadcast_in_dim3A_1364 = vector.broadcast %jit3A_1363 : f32 to vector<64x128xf32>
    %select_n3A_1365 = arith.select %lt3A_1361, %broadcast_in_dim3A_1364, %select_n3A_1359 : vector<64x128xi1>, vector<64x128xf32>
    %slice3A_1366 = vector.extract_strided_slice %sub3A {offsets = [192, 3584], sizes = [64, 128], strides = [1, 1]} : vector<512x8192xf32> to vector<64x128xf32>
    %lt3A_1367 = arith.cmpf olt, %slice3A_1366, %select_n3A_1362 : vector<64x128xf32>
    %select_n3A_1368 = arith.select %lt3A_1367, %slice3A_1366, %select_n3A_1362 : vector<64x128xi1>, vector<64x128xf32>
    %jit3A_1369 = arith.constant 2.800000e+01 : f32
    %broadcast_in_dim3A_1370 = vector.broadcast %jit3A_1369 : f32 to vector<64x128xf32>
    %select_n3A_1371 = arith.select %lt3A_1367, %broadcast_in_dim3A_1370, %select_n3A_1365 : vector<64x128xi1>, vector<64x128xf32>
    %slice3A_1372 = vector.extract_strided_slice %sub3A {offsets = [192, 3712], sizes = [64, 128], strides = [1, 1]} : vector<512x8192xf32> to vector<64x128xf32>
    %lt3A_1373 = arith.cmpf olt, %slice3A_1372, %select_n3A_1368 : vector<64x128xf32>
    %select_n3A_1374 = arith.select %lt3A_1373, %slice3A_1372, %select_n3A_1368 : vector<64x128xi1>, vector<64x128xf32>
    %jit3A_1375 = arith.constant 2.900000e+01 : f32
    %broadcast_in_dim3A_1376 = vector.broadcast %jit3A_1375 : f32 to vector<64x128xf32>
    %select_n3A_1377 = arith.select %lt3A_1373, %broadcast_in_dim3A_1376, %select_n3A_1371 : vector<64x128xi1>, vector<64x128xf32>
    %slice3A_1378 = vector.extract_strided_slice %sub3A {offsets = [192, 3840], sizes = [64, 128], strides = [1, 1]} : vector<512x8192xf32> to vector<64x128xf32>
    %lt3A_1379 = arith.cmpf olt, %slice3A_1378, %select_n3A_1374 : vector<64x128xf32>
    %select_n3A_1380 = arith.select %lt3A_1379, %slice3A_1378, %select_n3A_1374 : vector<64x128xi1>, vector<64x128xf32>
    %jit3A_1381 = arith.constant 3.000000e+01 : f32
    %broadcast_in_dim3A_1382 = vector.broadcast %jit3A_1381 : f32 to vector<64x128xf32>
    %select_n3A_1383 = arith.select %lt3A_1379, %broadcast_in_dim3A_1382, %select_n3A_1377 : vector<64x128xi1>, vector<64x128xf32>
    %slice3A_1384 = vector.extract_strided_slice %sub3A {offsets = [192, 3968], sizes = [64, 128], strides = [1, 1]} : vector<512x8192xf32> to vector<64x128xf32>
    %lt3A_1385 = arith.cmpf olt, %slice3A_1384, %select_n3A_1380 : vector<64x128xf32>
    %select_n3A_1386 = arith.select %lt3A_1385, %slice3A_1384, %select_n3A_1380 : vector<64x128xi1>, vector<64x128xf32>
    %jit3A_1387 = arith.constant 3.100000e+01 : f32
    %broadcast_in_dim3A_1388 = vector.broadcast %jit3A_1387 : f32 to vector<64x128xf32>
    %select_n3A_1389 = arith.select %lt3A_1385, %broadcast_in_dim3A_1388, %select_n3A_1383 : vector<64x128xi1>, vector<64x128xf32>
    %slice3A_1390 = vector.extract_strided_slice %sub3A {offsets = [192, 4096], sizes = [64, 128], strides = [1, 1]} : vector<512x8192xf32> to vector<64x128xf32>
    %lt3A_1391 = arith.cmpf olt, %slice3A_1390, %select_n3A_1386 : vector<64x128xf32>
    %select_n3A_1392 = arith.select %lt3A_1391, %slice3A_1390, %select_n3A_1386 : vector<64x128xi1>, vector<64x128xf32>
    %jit3A_1393 = arith.constant 3.200000e+01 : f32
    %broadcast_in_dim3A_1394 = vector.broadcast %jit3A_1393 : f32 to vector<64x128xf32>
    %select_n3A_1395 = arith.select %lt3A_1391, %broadcast_in_dim3A_1394, %select_n3A_1389 : vector<64x128xi1>, vector<64x128xf32>
    %slice3A_1396 = vector.extract_strided_slice %sub3A {offsets = [192, 4224], sizes = [64, 128], strides = [1, 1]} : vector<512x8192xf32> to vector<64x128xf32>
    %lt3A_1397 = arith.cmpf olt, %slice3A_1396, %select_n3A_1392 : vector<64x128xf32>
    %select_n3A_1398 = arith.select %lt3A_1397, %slice3A_1396, %select_n3A_1392 : vector<64x128xi1>, vector<64x128xf32>
    %jit3A_1399 = arith.constant 3.300000e+01 : f32
    %broadcast_in_dim3A_1400 = vector.broadcast %jit3A_1399 : f32 to vector<64x128xf32>
    %select_n3A_1401 = arith.select %lt3A_1397, %broadcast_in_dim3A_1400, %select_n3A_1395 : vector<64x128xi1>, vector<64x128xf32>
    %slice3A_1402 = vector.extract_strided_slice %sub3A {offsets = [192, 4352], sizes = [64, 128], strides = [1, 1]} : vector<512x8192xf32> to vector<64x128xf32>
    %lt3A_1403 = arith.cmpf olt, %slice3A_1402, %select_n3A_1398 : vector<64x128xf32>
    %select_n3A_1404 = arith.select %lt3A_1403, %slice3A_1402, %select_n3A_1398 : vector<64x128xi1>, vector<64x128xf32>
    %jit3A_1405 = arith.constant 3.400000e+01 : f32
    %broadcast_in_dim3A_1406 = vector.broadcast %jit3A_1405 : f32 to vector<64x128xf32>
    %select_n3A_1407 = arith.select %lt3A_1403, %broadcast_in_dim3A_1406, %select_n3A_1401 : vector<64x128xi1>, vector<64x128xf32>
    %slice3A_1408 = vector.extract_strided_slice %sub3A {offsets = [192, 4480], sizes = [64, 128], strides = [1, 1]} : vector<512x8192xf32> to vector<64x128xf32>
    %lt3A_1409 = arith.cmpf olt, %slice3A_1408, %select_n3A_1404 : vector<64x128xf32>
    %select_n3A_1410 = arith.select %lt3A_1409, %slice3A_1408, %select_n3A_1404 : vector<64x128xi1>, vector<64x128xf32>
    %jit3A_1411 = arith.constant 3.500000e+01 : f32
    %broadcast_in_dim3A_1412 = vector.broadcast %jit3A_1411 : f32 to vector<64x128xf32>
    %select_n3A_1413 = arith.select %lt3A_1409, %broadcast_in_dim3A_1412, %select_n3A_1407 : vector<64x128xi1>, vector<64x128xf32>
    %slice3A_1414 = vector.extract_strided_slice %sub3A {offsets = [192, 4608], sizes = [64, 128], strides = [1, 1]} : vector<512x8192xf32> to vector<64x128xf32>
    %lt3A_1415 = arith.cmpf olt, %slice3A_1414, %select_n3A_1410 : vector<64x128xf32>
    %select_n3A_1416 = arith.select %lt3A_1415, %slice3A_1414, %select_n3A_1410 : vector<64x128xi1>, vector<64x128xf32>
    %jit3A_1417 = arith.constant 3.600000e+01 : f32
    %broadcast_in_dim3A_1418 = vector.broadcast %jit3A_1417 : f32 to vector<64x128xf32>
    %select_n3A_1419 = arith.select %lt3A_1415, %broadcast_in_dim3A_1418, %select_n3A_1413 : vector<64x128xi1>, vector<64x128xf32>
    %slice3A_1420 = vector.extract_strided_slice %sub3A {offsets = [192, 4736], sizes = [64, 128], strides = [1, 1]} : vector<512x8192xf32> to vector<64x128xf32>
    %lt3A_1421 = arith.cmpf olt, %slice3A_1420, %select_n3A_1416 : vector<64x128xf32>
    %select_n3A_1422 = arith.select %lt3A_1421, %slice3A_1420, %select_n3A_1416 : vector<64x128xi1>, vector<64x128xf32>
    %jit3A_1423 = arith.constant 3.700000e+01 : f32
    %broadcast_in_dim3A_1424 = vector.broadcast %jit3A_1423 : f32 to vector<64x128xf32>
    %select_n3A_1425 = arith.select %lt3A_1421, %broadcast_in_dim3A_1424, %select_n3A_1419 : vector<64x128xi1>, vector<64x128xf32>
    %slice3A_1426 = vector.extract_strided_slice %sub3A {offsets = [192, 4864], sizes = [64, 128], strides = [1, 1]} : vector<512x8192xf32> to vector<64x128xf32>
    %lt3A_1427 = arith.cmpf olt, %slice3A_1426, %select_n3A_1422 : vector<64x128xf32>
    %select_n3A_1428 = arith.select %lt3A_1427, %slice3A_1426, %select_n3A_1422 : vector<64x128xi1>, vector<64x128xf32>
    %jit3A_1429 = arith.constant 3.800000e+01 : f32
    %broadcast_in_dim3A_1430 = vector.broadcast %jit3A_1429 : f32 to vector<64x128xf32>
    %select_n3A_1431 = arith.select %lt3A_1427, %broadcast_in_dim3A_1430, %select_n3A_1425 : vector<64x128xi1>, vector<64x128xf32>
    %slice3A_1432 = vector.extract_strided_slice %sub3A {offsets = [192, 4992], sizes = [64, 128], strides = [1, 1]} : vector<512x8192xf32> to vector<64x128xf32>
    %lt3A_1433 = arith.cmpf olt, %slice3A_1432, %select_n3A_1428 : vector<64x128xf32>
    %select_n3A_1434 = arith.select %lt3A_1433, %slice3A_1432, %select_n3A_1428 : vector<64x128xi1>, vector<64x128xf32>
    %jit3A_1435 = arith.constant 3.900000e+01 : f32
    %broadcast_in_dim3A_1436 = vector.broadcast %jit3A_1435 : f32 to vector<64x128xf32>
    %select_n3A_1437 = arith.select %lt3A_1433, %broadcast_in_dim3A_1436, %select_n3A_1431 : vector<64x128xi1>, vector<64x128xf32>
    %slice3A_1438 = vector.extract_strided_slice %sub3A {offsets = [192, 5120], sizes = [64, 128], strides = [1, 1]} : vector<512x8192xf32> to vector<64x128xf32>
    %lt3A_1439 = arith.cmpf olt, %slice3A_1438, %select_n3A_1434 : vector<64x128xf32>
    %select_n3A_1440 = arith.select %lt3A_1439, %slice3A_1438, %select_n3A_1434 : vector<64x128xi1>, vector<64x128xf32>
    %jit3A_1441 = arith.constant 4.000000e+01 : f32
    %broadcast_in_dim3A_1442 = vector.broadcast %jit3A_1441 : f32 to vector<64x128xf32>
    %select_n3A_1443 = arith.select %lt3A_1439, %broadcast_in_dim3A_1442, %select_n3A_1437 : vector<64x128xi1>, vector<64x128xf32>
    %slice3A_1444 = vector.extract_strided_slice %sub3A {offsets = [192, 5248], sizes = [64, 128], strides = [1, 1]} : vector<512x8192xf32> to vector<64x128xf32>
    %lt3A_1445 = arith.cmpf olt, %slice3A_1444, %select_n3A_1440 : vector<64x128xf32>
    %select_n3A_1446 = arith.select %lt3A_1445, %slice3A_1444, %select_n3A_1440 : vector<64x128xi1>, vector<64x128xf32>
    %jit3A_1447 = arith.constant 4.100000e+01 : f32
    %broadcast_in_dim3A_1448 = vector.broadcast %jit3A_1447 : f32 to vector<64x128xf32>
    %select_n3A_1449 = arith.select %lt3A_1445, %broadcast_in_dim3A_1448, %select_n3A_1443 : vector<64x128xi1>, vector<64x128xf32>
    %slice3A_1450 = vector.extract_strided_slice %sub3A {offsets = [192, 5376], sizes = [64, 128], strides = [1, 1]} : vector<512x8192xf32> to vector<64x128xf32>
    %lt3A_1451 = arith.cmpf olt, %slice3A_1450, %select_n3A_1446 : vector<64x128xf32>
    %select_n3A_1452 = arith.select %lt3A_1451, %slice3A_1450, %select_n3A_1446 : vector<64x128xi1>, vector<64x128xf32>
    %jit3A_1453 = arith.constant 4.200000e+01 : f32
    %broadcast_in_dim3A_1454 = vector.broadcast %jit3A_1453 : f32 to vector<64x128xf32>
    %select_n3A_1455 = arith.select %lt3A_1451, %broadcast_in_dim3A_1454, %select_n3A_1449 : vector<64x128xi1>, vector<64x128xf32>
    %slice3A_1456 = vector.extract_strided_slice %sub3A {offsets = [192, 5504], sizes = [64, 128], strides = [1, 1]} : vector<512x8192xf32> to vector<64x128xf32>
    %lt3A_1457 = arith.cmpf olt, %slice3A_1456, %select_n3A_1452 : vector<64x128xf32>
    %select_n3A_1458 = arith.select %lt3A_1457, %slice3A_1456, %select_n3A_1452 : vector<64x128xi1>, vector<64x128xf32>
    %jit3A_1459 = arith.constant 4.300000e+01 : f32
    %broadcast_in_dim3A_1460 = vector.broadcast %jit3A_1459 : f32 to vector<64x128xf32>
    %select_n3A_1461 = arith.select %lt3A_1457, %broadcast_in_dim3A_1460, %select_n3A_1455 : vector<64x128xi1>, vector<64x128xf32>
    %slice3A_1462 = vector.extract_strided_slice %sub3A {offsets = [192, 5632], sizes = [64, 128], strides = [1, 1]} : vector<512x8192xf32> to vector<64x128xf32>
    %lt3A_1463 = arith.cmpf olt, %slice3A_1462, %select_n3A_1458 : vector<64x128xf32>
    %select_n3A_1464 = arith.select %lt3A_1463, %slice3A_1462, %select_n3A_1458 : vector<64x128xi1>, vector<64x128xf32>
    %jit3A_1465 = arith.constant 4.400000e+01 : f32
    %broadcast_in_dim3A_1466 = vector.broadcast %jit3A_1465 : f32 to vector<64x128xf32>
    %select_n3A_1467 = arith.select %lt3A_1463, %broadcast_in_dim3A_1466, %select_n3A_1461 : vector<64x128xi1>, vector<64x128xf32>
    %slice3A_1468 = vector.extract_strided_slice %sub3A {offsets = [192, 5760], sizes = [64, 128], strides = [1, 1]} : vector<512x8192xf32> to vector<64x128xf32>
    %lt3A_1469 = arith.cmpf olt, %slice3A_1468, %select_n3A_1464 : vector<64x128xf32>
    %select_n3A_1470 = arith.select %lt3A_1469, %slice3A_1468, %select_n3A_1464 : vector<64x128xi1>, vector<64x128xf32>
    %jit3A_1471 = arith.constant 4.500000e+01 : f32
    %broadcast_in_dim3A_1472 = vector.broadcast %jit3A_1471 : f32 to vector<64x128xf32>
    %select_n3A_1473 = arith.select %lt3A_1469, %broadcast_in_dim3A_1472, %select_n3A_1467 : vector<64x128xi1>, vector<64x128xf32>
    %slice3A_1474 = vector.extract_strided_slice %sub3A {offsets = [192, 5888], sizes = [64, 128], strides = [1, 1]} : vector<512x8192xf32> to vector<64x128xf32>
    %lt3A_1475 = arith.cmpf olt, %slice3A_1474, %select_n3A_1470 : vector<64x128xf32>
    %select_n3A_1476 = arith.select %lt3A_1475, %slice3A_1474, %select_n3A_1470 : vector<64x128xi1>, vector<64x128xf32>
    %jit3A_1477 = arith.constant 4.600000e+01 : f32
    %broadcast_in_dim3A_1478 = vector.broadcast %jit3A_1477 : f32 to vector<64x128xf32>
    %select_n3A_1479 = arith.select %lt3A_1475, %broadcast_in_dim3A_1478, %select_n3A_1473 : vector<64x128xi1>, vector<64x128xf32>
    %slice3A_1480 = vector.extract_strided_slice %sub3A {offsets = [192, 6016], sizes = [64, 128], strides = [1, 1]} : vector<512x8192xf32> to vector<64x128xf32>
    %lt3A_1481 = arith.cmpf olt, %slice3A_1480, %select_n3A_1476 : vector<64x128xf32>
    %select_n3A_1482 = arith.select %lt3A_1481, %slice3A_1480, %select_n3A_1476 : vector<64x128xi1>, vector<64x128xf32>
    %jit3A_1483 = arith.constant 4.700000e+01 : f32
    %broadcast_in_dim3A_1484 = vector.broadcast %jit3A_1483 : f32 to vector<64x128xf32>
    %select_n3A_1485 = arith.select %lt3A_1481, %broadcast_in_dim3A_1484, %select_n3A_1479 : vector<64x128xi1>, vector<64x128xf32>
    %slice3A_1486 = vector.extract_strided_slice %sub3A {offsets = [192, 6144], sizes = [64, 128], strides = [1, 1]} : vector<512x8192xf32> to vector<64x128xf32>
    %lt3A_1487 = arith.cmpf olt, %slice3A_1486, %select_n3A_1482 : vector<64x128xf32>
    %select_n3A_1488 = arith.select %lt3A_1487, %slice3A_1486, %select_n3A_1482 : vector<64x128xi1>, vector<64x128xf32>
    %jit3A_1489 = arith.constant 4.800000e+01 : f32
    %broadcast_in_dim3A_1490 = vector.broadcast %jit3A_1489 : f32 to vector<64x128xf32>
    %select_n3A_1491 = arith.select %lt3A_1487, %broadcast_in_dim3A_1490, %select_n3A_1485 : vector<64x128xi1>, vector<64x128xf32>
    %slice3A_1492 = vector.extract_strided_slice %sub3A {offsets = [192, 6272], sizes = [64, 128], strides = [1, 1]} : vector<512x8192xf32> to vector<64x128xf32>
    %lt3A_1493 = arith.cmpf olt, %slice3A_1492, %select_n3A_1488 : vector<64x128xf32>
    %select_n3A_1494 = arith.select %lt3A_1493, %slice3A_1492, %select_n3A_1488 : vector<64x128xi1>, vector<64x128xf32>
    %jit3A_1495 = arith.constant 4.900000e+01 : f32
    %broadcast_in_dim3A_1496 = vector.broadcast %jit3A_1495 : f32 to vector<64x128xf32>
    %select_n3A_1497 = arith.select %lt3A_1493, %broadcast_in_dim3A_1496, %select_n3A_1491 : vector<64x128xi1>, vector<64x128xf32>
    %slice3A_1498 = vector.extract_strided_slice %sub3A {offsets = [192, 6400], sizes = [64, 128], strides = [1, 1]} : vector<512x8192xf32> to vector<64x128xf32>
    %lt3A_1499 = arith.cmpf olt, %slice3A_1498, %select_n3A_1494 : vector<64x128xf32>
    %select_n3A_1500 = arith.select %lt3A_1499, %slice3A_1498, %select_n3A_1494 : vector<64x128xi1>, vector<64x128xf32>
    %jit3A_1501 = arith.constant 5.000000e+01 : f32
    %broadcast_in_dim3A_1502 = vector.broadcast %jit3A_1501 : f32 to vector<64x128xf32>
    %select_n3A_1503 = arith.select %lt3A_1499, %broadcast_in_dim3A_1502, %select_n3A_1497 : vector<64x128xi1>, vector<64x128xf32>
    %slice3A_1504 = vector.extract_strided_slice %sub3A {offsets = [192, 6528], sizes = [64, 128], strides = [1, 1]} : vector<512x8192xf32> to vector<64x128xf32>
    %lt3A_1505 = arith.cmpf olt, %slice3A_1504, %select_n3A_1500 : vector<64x128xf32>
    %select_n3A_1506 = arith.select %lt3A_1505, %slice3A_1504, %select_n3A_1500 : vector<64x128xi1>, vector<64x128xf32>
    %jit3A_1507 = arith.constant 5.100000e+01 : f32
    %broadcast_in_dim3A_1508 = vector.broadcast %jit3A_1507 : f32 to vector<64x128xf32>
    %select_n3A_1509 = arith.select %lt3A_1505, %broadcast_in_dim3A_1508, %select_n3A_1503 : vector<64x128xi1>, vector<64x128xf32>
    %slice3A_1510 = vector.extract_strided_slice %sub3A {offsets = [192, 6656], sizes = [64, 128], strides = [1, 1]} : vector<512x8192xf32> to vector<64x128xf32>
    %lt3A_1511 = arith.cmpf olt, %slice3A_1510, %select_n3A_1506 : vector<64x128xf32>
    %select_n3A_1512 = arith.select %lt3A_1511, %slice3A_1510, %select_n3A_1506 : vector<64x128xi1>, vector<64x128xf32>
    %jit3A_1513 = arith.constant 5.200000e+01 : f32
    %broadcast_in_dim3A_1514 = vector.broadcast %jit3A_1513 : f32 to vector<64x128xf32>
    %select_n3A_1515 = arith.select %lt3A_1511, %broadcast_in_dim3A_1514, %select_n3A_1509 : vector<64x128xi1>, vector<64x128xf32>
    %slice3A_1516 = vector.extract_strided_slice %sub3A {offsets = [192, 6784], sizes = [64, 128], strides = [1, 1]} : vector<512x8192xf32> to vector<64x128xf32>
    %lt3A_1517 = arith.cmpf olt, %slice3A_1516, %select_n3A_1512 : vector<64x128xf32>
    %select_n3A_1518 = arith.select %lt3A_1517, %slice3A_1516, %select_n3A_1512 : vector<64x128xi1>, vector<64x128xf32>
    %jit3A_1519 = arith.constant 5.300000e+01 : f32
    %broadcast_in_dim3A_1520 = vector.broadcast %jit3A_1519 : f32 to vector<64x128xf32>
    %select_n3A_1521 = arith.select %lt3A_1517, %broadcast_in_dim3A_1520, %select_n3A_1515 : vector<64x128xi1>, vector<64x128xf32>
    %slice3A_1522 = vector.extract_strided_slice %sub3A {offsets = [192, 6912], sizes = [64, 128], strides = [1, 1]} : vector<512x8192xf32> to vector<64x128xf32>
    %lt3A_1523 = arith.cmpf olt, %slice3A_1522, %select_n3A_1518 : vector<64x128xf32>
    %select_n3A_1524 = arith.select %lt3A_1523, %slice3A_1522, %select_n3A_1518 : vector<64x128xi1>, vector<64x128xf32>
    %jit3A_1525 = arith.constant 5.400000e+01 : f32
    %broadcast_in_dim3A_1526 = vector.broadcast %jit3A_1525 : f32 to vector<64x128xf32>
    %select_n3A_1527 = arith.select %lt3A_1523, %broadcast_in_dim3A_1526, %select_n3A_1521 : vector<64x128xi1>, vector<64x128xf32>
    %slice3A_1528 = vector.extract_strided_slice %sub3A {offsets = [192, 7040], sizes = [64, 128], strides = [1, 1]} : vector<512x8192xf32> to vector<64x128xf32>
    %lt3A_1529 = arith.cmpf olt, %slice3A_1528, %select_n3A_1524 : vector<64x128xf32>
    %select_n3A_1530 = arith.select %lt3A_1529, %slice3A_1528, %select_n3A_1524 : vector<64x128xi1>, vector<64x128xf32>
    %jit3A_1531 = arith.constant 5.500000e+01 : f32
    %broadcast_in_dim3A_1532 = vector.broadcast %jit3A_1531 : f32 to vector<64x128xf32>
    %select_n3A_1533 = arith.select %lt3A_1529, %broadcast_in_dim3A_1532, %select_n3A_1527 : vector<64x128xi1>, vector<64x128xf32>
    %slice3A_1534 = vector.extract_strided_slice %sub3A {offsets = [192, 7168], sizes = [64, 128], strides = [1, 1]} : vector<512x8192xf32> to vector<64x128xf32>
    %lt3A_1535 = arith.cmpf olt, %slice3A_1534, %select_n3A_1530 : vector<64x128xf32>
    %select_n3A_1536 = arith.select %lt3A_1535, %slice3A_1534, %select_n3A_1530 : vector<64x128xi1>, vector<64x128xf32>
    %jit3A_1537 = arith.constant 5.600000e+01 : f32
    %broadcast_in_dim3A_1538 = vector.broadcast %jit3A_1537 : f32 to vector<64x128xf32>
    %select_n3A_1539 = arith.select %lt3A_1535, %broadcast_in_dim3A_1538, %select_n3A_1533 : vector<64x128xi1>, vector<64x128xf32>
    %slice3A_1540 = vector.extract_strided_slice %sub3A {offsets = [192, 7296], sizes = [64, 128], strides = [1, 1]} : vector<512x8192xf32> to vector<64x128xf32>
    %lt3A_1541 = arith.cmpf olt, %slice3A_1540, %select_n3A_1536 : vector<64x128xf32>
    %select_n3A_1542 = arith.select %lt3A_1541, %slice3A_1540, %select_n3A_1536 : vector<64x128xi1>, vector<64x128xf32>
    %jit3A_1543 = arith.constant 5.700000e+01 : f32
    %broadcast_in_dim3A_1544 = vector.broadcast %jit3A_1543 : f32 to vector<64x128xf32>
    %select_n3A_1545 = arith.select %lt3A_1541, %broadcast_in_dim3A_1544, %select_n3A_1539 : vector<64x128xi1>, vector<64x128xf32>
    %slice3A_1546 = vector.extract_strided_slice %sub3A {offsets = [192, 7424], sizes = [64, 128], strides = [1, 1]} : vector<512x8192xf32> to vector<64x128xf32>
    %lt3A_1547 = arith.cmpf olt, %slice3A_1546, %select_n3A_1542 : vector<64x128xf32>
    %select_n3A_1548 = arith.select %lt3A_1547, %slice3A_1546, %select_n3A_1542 : vector<64x128xi1>, vector<64x128xf32>
    %jit3A_1549 = arith.constant 5.800000e+01 : f32
    %broadcast_in_dim3A_1550 = vector.broadcast %jit3A_1549 : f32 to vector<64x128xf32>
    %select_n3A_1551 = arith.select %lt3A_1547, %broadcast_in_dim3A_1550, %select_n3A_1545 : vector<64x128xi1>, vector<64x128xf32>
    %slice3A_1552 = vector.extract_strided_slice %sub3A {offsets = [192, 7552], sizes = [64, 128], strides = [1, 1]} : vector<512x8192xf32> to vector<64x128xf32>
    %lt3A_1553 = arith.cmpf olt, %slice3A_1552, %select_n3A_1548 : vector<64x128xf32>
    %select_n3A_1554 = arith.select %lt3A_1553, %slice3A_1552, %select_n3A_1548 : vector<64x128xi1>, vector<64x128xf32>
    %jit3A_1555 = arith.constant 5.900000e+01 : f32
    %broadcast_in_dim3A_1556 = vector.broadcast %jit3A_1555 : f32 to vector<64x128xf32>
    %select_n3A_1557 = arith.select %lt3A_1553, %broadcast_in_dim3A_1556, %select_n3A_1551 : vector<64x128xi1>, vector<64x128xf32>
    %slice3A_1558 = vector.extract_strided_slice %sub3A {offsets = [192, 7680], sizes = [64, 128], strides = [1, 1]} : vector<512x8192xf32> to vector<64x128xf32>
    %lt3A_1559 = arith.cmpf olt, %slice3A_1558, %select_n3A_1554 : vector<64x128xf32>
    %select_n3A_1560 = arith.select %lt3A_1559, %slice3A_1558, %select_n3A_1554 : vector<64x128xi1>, vector<64x128xf32>
    %jit3A_1561 = arith.constant 6.000000e+01 : f32
    %broadcast_in_dim3A_1562 = vector.broadcast %jit3A_1561 : f32 to vector<64x128xf32>
    %select_n3A_1563 = arith.select %lt3A_1559, %broadcast_in_dim3A_1562, %select_n3A_1557 : vector<64x128xi1>, vector<64x128xf32>
    %slice3A_1564 = vector.extract_strided_slice %sub3A {offsets = [192, 7808], sizes = [64, 128], strides = [1, 1]} : vector<512x8192xf32> to vector<64x128xf32>
    %lt3A_1565 = arith.cmpf olt, %slice3A_1564, %select_n3A_1560 : vector<64x128xf32>
    %select_n3A_1566 = arith.select %lt3A_1565, %slice3A_1564, %select_n3A_1560 : vector<64x128xi1>, vector<64x128xf32>
    %jit3A_1567 = arith.constant 6.100000e+01 : f32
    %broadcast_in_dim3A_1568 = vector.broadcast %jit3A_1567 : f32 to vector<64x128xf32>
    %select_n3A_1569 = arith.select %lt3A_1565, %broadcast_in_dim3A_1568, %select_n3A_1563 : vector<64x128xi1>, vector<64x128xf32>
    %slice3A_1570 = vector.extract_strided_slice %sub3A {offsets = [192, 7936], sizes = [64, 128], strides = [1, 1]} : vector<512x8192xf32> to vector<64x128xf32>
    %lt3A_1571 = arith.cmpf olt, %slice3A_1570, %select_n3A_1566 : vector<64x128xf32>
    %select_n3A_1572 = arith.select %lt3A_1571, %slice3A_1570, %select_n3A_1566 : vector<64x128xi1>, vector<64x128xf32>
    %jit3A_1573 = arith.constant 6.200000e+01 : f32
    %broadcast_in_dim3A_1574 = vector.broadcast %jit3A_1573 : f32 to vector<64x128xf32>
    %select_n3A_1575 = arith.select %lt3A_1571, %broadcast_in_dim3A_1574, %select_n3A_1569 : vector<64x128xi1>, vector<64x128xf32>
    %slice3A_1576 = vector.extract_strided_slice %sub3A {offsets = [192, 8064], sizes = [64, 128], strides = [1, 1]} : vector<512x8192xf32> to vector<64x128xf32>
    %lt3A_1577 = arith.cmpf olt, %slice3A_1576, %select_n3A_1572 : vector<64x128xf32>
    %select_n3A_1578 = arith.select %lt3A_1577, %slice3A_1576, %select_n3A_1572 : vector<64x128xi1>, vector<64x128xf32>
    %jit3A_1579 = arith.constant 6.300000e+01 : f32
    %broadcast_in_dim3A_1580 = vector.broadcast %jit3A_1579 : f32 to vector<64x128xf32>
    %select_n3A_1581 = arith.select %lt3A_1577, %broadcast_in_dim3A_1580, %select_n3A_1575 : vector<64x128xi1>, vector<64x128xf32>
    %mul3A_1582 = arith.constant 1.280000e+02 : f32
    %mul3A_1583 = vector.broadcast %mul3A_1582 : f32 to vector<64x128xf32>
    %mul3A_1584 = arith.mulf %select_n3A_1581, %mul3A_1583 : vector<64x128xf32>
    %add3A_1585 = arith.addf %mul3A_1584, %convert_element_type3A : vector<64x128xf32>
    %reduce_min3A_1586 = arith.constant dense<0x7F800000> : vector<64xf32>
    %reduce_min3A_1587 = vector.multi_reduction <minimumf>, %select_n3A_1578, %reduce_min3A_1586 [1] : vector<64x128xf32> to vector<64xf32>
    %broadcast_in_dim3A_1588 = vector.shape_cast %reduce_min3A_1587 : vector<64xf32> to vector<64x1xf32>
    %eq3A_1589 = vector.broadcast %broadcast_in_dim3A_1588 : vector<64x1xf32> to vector<64x128xf32>
    %eq3A_1590 = arith.cmpf oeq, %select_n3A_1578, %eq3A_1589 : vector<64x128xf32>
    %jit3A_1591 = arith.constant 1.07374182E+9 : f32
    %broadcast_in_dim3A_1592 = vector.broadcast %jit3A_1591 : f32 to vector<64x128xf32>
    %select_n3A_1593 = arith.select %eq3A_1590, %add3A_1585, %broadcast_in_dim3A_1592 : vector<64x128xi1>, vector<64x128xf32>
    %reduce_min3A_1594 = arith.constant dense<0x7F800000> : vector<64xf32>
    %reduce_min3A_1595 = vector.multi_reduction <minimumf>, %select_n3A_1593, %reduce_min3A_1594 [1] : vector<64x128xf32> to vector<64xf32>
    %convert_element_type3A_1596 = arith.fptosi %reduce_min3A_1595 : vector<64xf32> to vector<64xi32>
    %swap3A_1597 = arith.constant 192 : index
    %swap3A_1598 = vector.load %arg5[%swap3A_1597] : memref<512xi32, #tpu.memory_space<vmem>>, vector<64xi32>
    tpu.vector_store %arg5[%swap3A_1597], %convert_element_type3A_1596 {strides = array<i32>} : memref<512xi32, #tpu.memory_space<vmem>>, vector<64xi32>,
    %slice3A_1599 = vector.extract_strided_slice %sub3A {offsets = [256, 0], sizes = [64, 128], strides = [1, 1]} : vector<512x8192xf32> to vector<64x128xf32>
    %broadcast_in_dim3A_1600 = arith.constant 0.000000e+00 : f32
    %broadcast_in_dim3A_1601 = vector.broadcast %broadcast_in_dim3A_1600 : f32 to vector<64x128xf32>
    %slice3A_1602 = vector.extract_strided_slice %sub3A {offsets = [256, 128], sizes = [64, 128], strides = [1, 1]} : vector<512x8192xf32> to vector<64x128xf32>
    %lt3A_1603 = arith.cmpf olt, %slice3A_1602, %slice3A_1599 : vector<64x128xf32>
    %select_n3A_1604 = arith.select %lt3A_1603, %slice3A_1602, %slice3A_1599 : vector<64x128xi1>, vector<64x128xf32>
    %jit3A_1605 = arith.constant 1.000000e+00 : f32
    %broadcast_in_dim3A_1606 = vector.broadcast %jit3A_1605 : f32 to vector<64x128xf32>
    %select_n3A_1607 = arith.select %lt3A_1603, %broadcast_in_dim3A_1606, %broadcast_in_dim3A_1601 : vector<64x128xi1>, vector<64x128xf32>
    %slice3A_1608 = vector.extract_strided_slice %sub3A {offsets = [256, 256], sizes = [64, 128], strides = [1, 1]} : vector<512x8192xf32> to vector<64x128xf32>
    %lt3A_1609 = arith.cmpf olt, %slice3A_1608, %select_n3A_1604 : vector<64x128xf32>
    %select_n3A_1610 = arith.select %lt3A_1609, %slice3A_1608, %select_n3A_1604 : vector<64x128xi1>, vector<64x128xf32>
    %jit3A_1611 = arith.constant 2.000000e+00 : f32
    %broadcast_in_dim3A_1612 = vector.broadcast %jit3A_1611 : f32 to vector<64x128xf32>
    %select_n3A_1613 = arith.select %lt3A_1609, %broadcast_in_dim3A_1612, %select_n3A_1607 : vector<64x128xi1>, vector<64x128xf32>
    %slice3A_1614 = vector.extract_strided_slice %sub3A {offsets = [256, 384], sizes = [64, 128], strides = [1, 1]} : vector<512x8192xf32> to vector<64x128xf32>
    %lt3A_1615 = arith.cmpf olt, %slice3A_1614, %select_n3A_1610 : vector<64x128xf32>
    %select_n3A_1616 = arith.select %lt3A_1615, %slice3A_1614, %select_n3A_1610 : vector<64x128xi1>, vector<64x128xf32>
    %jit3A_1617 = arith.constant 3.000000e+00 : f32
    %broadcast_in_dim3A_1618 = vector.broadcast %jit3A_1617 : f32 to vector<64x128xf32>
    %select_n3A_1619 = arith.select %lt3A_1615, %broadcast_in_dim3A_1618, %select_n3A_1613 : vector<64x128xi1>, vector<64x128xf32>
    %slice3A_1620 = vector.extract_strided_slice %sub3A {offsets = [256, 512], sizes = [64, 128], strides = [1, 1]} : vector<512x8192xf32> to vector<64x128xf32>
    %lt3A_1621 = arith.cmpf olt, %slice3A_1620, %select_n3A_1616 : vector<64x128xf32>
    %select_n3A_1622 = arith.select %lt3A_1621, %slice3A_1620, %select_n3A_1616 : vector<64x128xi1>, vector<64x128xf32>
    %jit3A_1623 = arith.constant 4.000000e+00 : f32
    %broadcast_in_dim3A_1624 = vector.broadcast %jit3A_1623 : f32 to vector<64x128xf32>
    %select_n3A_1625 = arith.select %lt3A_1621, %broadcast_in_dim3A_1624, %select_n3A_1619 : vector<64x128xi1>, vector<64x128xf32>
    %slice3A_1626 = vector.extract_strided_slice %sub3A {offsets = [256, 640], sizes = [64, 128], strides = [1, 1]} : vector<512x8192xf32> to vector<64x128xf32>
    %lt3A_1627 = arith.cmpf olt, %slice3A_1626, %select_n3A_1622 : vector<64x128xf32>
    %select_n3A_1628 = arith.select %lt3A_1627, %slice3A_1626, %select_n3A_1622 : vector<64x128xi1>, vector<64x128xf32>
    %jit3A_1629 = arith.constant 5.000000e+00 : f32
    %broadcast_in_dim3A_1630 = vector.broadcast %jit3A_1629 : f32 to vector<64x128xf32>
    %select_n3A_1631 = arith.select %lt3A_1627, %broadcast_in_dim3A_1630, %select_n3A_1625 : vector<64x128xi1>, vector<64x128xf32>
    %slice3A_1632 = vector.extract_strided_slice %sub3A {offsets = [256, 768], sizes = [64, 128], strides = [1, 1]} : vector<512x8192xf32> to vector<64x128xf32>
    %lt3A_1633 = arith.cmpf olt, %slice3A_1632, %select_n3A_1628 : vector<64x128xf32>
    %select_n3A_1634 = arith.select %lt3A_1633, %slice3A_1632, %select_n3A_1628 : vector<64x128xi1>, vector<64x128xf32>
    %jit3A_1635 = arith.constant 6.000000e+00 : f32
    %broadcast_in_dim3A_1636 = vector.broadcast %jit3A_1635 : f32 to vector<64x128xf32>
    %select_n3A_1637 = arith.select %lt3A_1633, %broadcast_in_dim3A_1636, %select_n3A_1631 : vector<64x128xi1>, vector<64x128xf32>
    %slice3A_1638 = vector.extract_strided_slice %sub3A {offsets = [256, 896], sizes = [64, 128], strides = [1, 1]} : vector<512x8192xf32> to vector<64x128xf32>
    %lt3A_1639 = arith.cmpf olt, %slice3A_1638, %select_n3A_1634 : vector<64x128xf32>
    %select_n3A_1640 = arith.select %lt3A_1639, %slice3A_1638, %select_n3A_1634 : vector<64x128xi1>, vector<64x128xf32>
    %jit3A_1641 = arith.constant 7.000000e+00 : f32
    %broadcast_in_dim3A_1642 = vector.broadcast %jit3A_1641 : f32 to vector<64x128xf32>
    %select_n3A_1643 = arith.select %lt3A_1639, %broadcast_in_dim3A_1642, %select_n3A_1637 : vector<64x128xi1>, vector<64x128xf32>
    %slice3A_1644 = vector.extract_strided_slice %sub3A {offsets = [256, 1024], sizes = [64, 128], strides = [1, 1]} : vector<512x8192xf32> to vector<64x128xf32>
    %lt3A_1645 = arith.cmpf olt, %slice3A_1644, %select_n3A_1640 : vector<64x128xf32>
    %select_n3A_1646 = arith.select %lt3A_1645, %slice3A_1644, %select_n3A_1640 : vector<64x128xi1>, vector<64x128xf32>
    %jit3A_1647 = arith.constant 8.000000e+00 : f32
    %broadcast_in_dim3A_1648 = vector.broadcast %jit3A_1647 : f32 to vector<64x128xf32>
    %select_n3A_1649 = arith.select %lt3A_1645, %broadcast_in_dim3A_1648, %select_n3A_1643 : vector<64x128xi1>, vector<64x128xf32>
    %slice3A_1650 = vector.extract_strided_slice %sub3A {offsets = [256, 1152], sizes = [64, 128], strides = [1, 1]} : vector<512x8192xf32> to vector<64x128xf32>
    %lt3A_1651 = arith.cmpf olt, %slice3A_1650, %select_n3A_1646 : vector<64x128xf32>
    %select_n3A_1652 = arith.select %lt3A_1651, %slice3A_1650, %select_n3A_1646 : vector<64x128xi1>, vector<64x128xf32>
    %jit3A_1653 = arith.constant 9.000000e+00 : f32
    %broadcast_in_dim3A_1654 = vector.broadcast %jit3A_1653 : f32 to vector<64x128xf32>
    %select_n3A_1655 = arith.select %lt3A_1651, %broadcast_in_dim3A_1654, %select_n3A_1649 : vector<64x128xi1>, vector<64x128xf32>
    %slice3A_1656 = vector.extract_strided_slice %sub3A {offsets = [256, 1280], sizes = [64, 128], strides = [1, 1]} : vector<512x8192xf32> to vector<64x128xf32>
    %lt3A_1657 = arith.cmpf olt, %slice3A_1656, %select_n3A_1652 : vector<64x128xf32>
    %select_n3A_1658 = arith.select %lt3A_1657, %slice3A_1656, %select_n3A_1652 : vector<64x128xi1>, vector<64x128xf32>
    %jit3A_1659 = arith.constant 1.000000e+01 : f32
    %broadcast_in_dim3A_1660 = vector.broadcast %jit3A_1659 : f32 to vector<64x128xf32>
    %select_n3A_1661 = arith.select %lt3A_1657, %broadcast_in_dim3A_1660, %select_n3A_1655 : vector<64x128xi1>, vector<64x128xf32>
    %slice3A_1662 = vector.extract_strided_slice %sub3A {offsets = [256, 1408], sizes = [64, 128], strides = [1, 1]} : vector<512x8192xf32> to vector<64x128xf32>
    %lt3A_1663 = arith.cmpf olt, %slice3A_1662, %select_n3A_1658 : vector<64x128xf32>
    %select_n3A_1664 = arith.select %lt3A_1663, %slice3A_1662, %select_n3A_1658 : vector<64x128xi1>, vector<64x128xf32>
    %jit3A_1665 = arith.constant 1.100000e+01 : f32
    %broadcast_in_dim3A_1666 = vector.broadcast %jit3A_1665 : f32 to vector<64x128xf32>
    %select_n3A_1667 = arith.select %lt3A_1663, %broadcast_in_dim3A_1666, %select_n3A_1661 : vector<64x128xi1>, vector<64x128xf32>
    %slice3A_1668 = vector.extract_strided_slice %sub3A {offsets = [256, 1536], sizes = [64, 128], strides = [1, 1]} : vector<512x8192xf32> to vector<64x128xf32>
    %lt3A_1669 = arith.cmpf olt, %slice3A_1668, %select_n3A_1664 : vector<64x128xf32>
    %select_n3A_1670 = arith.select %lt3A_1669, %slice3A_1668, %select_n3A_1664 : vector<64x128xi1>, vector<64x128xf32>
    %jit3A_1671 = arith.constant 1.200000e+01 : f32
    %broadcast_in_dim3A_1672 = vector.broadcast %jit3A_1671 : f32 to vector<64x128xf32>
    %select_n3A_1673 = arith.select %lt3A_1669, %broadcast_in_dim3A_1672, %select_n3A_1667 : vector<64x128xi1>, vector<64x128xf32>
    %slice3A_1674 = vector.extract_strided_slice %sub3A {offsets = [256, 1664], sizes = [64, 128], strides = [1, 1]} : vector<512x8192xf32> to vector<64x128xf32>
    %lt3A_1675 = arith.cmpf olt, %slice3A_1674, %select_n3A_1670 : vector<64x128xf32>
    %select_n3A_1676 = arith.select %lt3A_1675, %slice3A_1674, %select_n3A_1670 : vector<64x128xi1>, vector<64x128xf32>
    %jit3A_1677 = arith.constant 1.300000e+01 : f32
    %broadcast_in_dim3A_1678 = vector.broadcast %jit3A_1677 : f32 to vector<64x128xf32>
    %select_n3A_1679 = arith.select %lt3A_1675, %broadcast_in_dim3A_1678, %select_n3A_1673 : vector<64x128xi1>, vector<64x128xf32>
    %slice3A_1680 = vector.extract_strided_slice %sub3A {offsets = [256, 1792], sizes = [64, 128], strides = [1, 1]} : vector<512x8192xf32> to vector<64x128xf32>
    %lt3A_1681 = arith.cmpf olt, %slice3A_1680, %select_n3A_1676 : vector<64x128xf32>
    %select_n3A_1682 = arith.select %lt3A_1681, %slice3A_1680, %select_n3A_1676 : vector<64x128xi1>, vector<64x128xf32>
    %jit3A_1683 = arith.constant 1.400000e+01 : f32
    %broadcast_in_dim3A_1684 = vector.broadcast %jit3A_1683 : f32 to vector<64x128xf32>
    %select_n3A_1685 = arith.select %lt3A_1681, %broadcast_in_dim3A_1684, %select_n3A_1679 : vector<64x128xi1>, vector<64x128xf32>
    %slice3A_1686 = vector.extract_strided_slice %sub3A {offsets = [256, 1920], sizes = [64, 128], strides = [1, 1]} : vector<512x8192xf32> to vector<64x128xf32>
    %lt3A_1687 = arith.cmpf olt, %slice3A_1686, %select_n3A_1682 : vector<64x128xf32>
    %select_n3A_1688 = arith.select %lt3A_1687, %slice3A_1686, %select_n3A_1682 : vector<64x128xi1>, vector<64x128xf32>
    %jit3A_1689 = arith.constant 1.500000e+01 : f32
    %broadcast_in_dim3A_1690 = vector.broadcast %jit3A_1689 : f32 to vector<64x128xf32>
    %select_n3A_1691 = arith.select %lt3A_1687, %broadcast_in_dim3A_1690, %select_n3A_1685 : vector<64x128xi1>, vector<64x128xf32>
    %slice3A_1692 = vector.extract_strided_slice %sub3A {offsets = [256, 2048], sizes = [64, 128], strides = [1, 1]} : vector<512x8192xf32> to vector<64x128xf32>
    %lt3A_1693 = arith.cmpf olt, %slice3A_1692, %select_n3A_1688 : vector<64x128xf32>
    %select_n3A_1694 = arith.select %lt3A_1693, %slice3A_1692, %select_n3A_1688 : vector<64x128xi1>, vector<64x128xf32>
    %jit3A_1695 = arith.constant 1.600000e+01 : f32
    %broadcast_in_dim3A_1696 = vector.broadcast %jit3A_1695 : f32 to vector<64x128xf32>
    %select_n3A_1697 = arith.select %lt3A_1693, %broadcast_in_dim3A_1696, %select_n3A_1691 : vector<64x128xi1>, vector<64x128xf32>
    %slice3A_1698 = vector.extract_strided_slice %sub3A {offsets = [256, 2176], sizes = [64, 128], strides = [1, 1]} : vector<512x8192xf32> to vector<64x128xf32>
    %lt3A_1699 = arith.cmpf olt, %slice3A_1698, %select_n3A_1694 : vector<64x128xf32>
    %select_n3A_1700 = arith.select %lt3A_1699, %slice3A_1698, %select_n3A_1694 : vector<64x128xi1>, vector<64x128xf32>
    %jit3A_1701 = arith.constant 1.700000e+01 : f32
    %broadcast_in_dim3A_1702 = vector.broadcast %jit3A_1701 : f32 to vector<64x128xf32>
    %select_n3A_1703 = arith.select %lt3A_1699, %broadcast_in_dim3A_1702, %select_n3A_1697 : vector<64x128xi1>, vector<64x128xf32>
    %slice3A_1704 = vector.extract_strided_slice %sub3A {offsets = [256, 2304], sizes = [64, 128], strides = [1, 1]} : vector<512x8192xf32> to vector<64x128xf32>
    %lt3A_1705 = arith.cmpf olt, %slice3A_1704, %select_n3A_1700 : vector<64x128xf32>
    %select_n3A_1706 = arith.select %lt3A_1705, %slice3A_1704, %select_n3A_1700 : vector<64x128xi1>, vector<64x128xf32>
    %jit3A_1707 = arith.constant 1.800000e+01 : f32
    %broadcast_in_dim3A_1708 = vector.broadcast %jit3A_1707 : f32 to vector<64x128xf32>
    %select_n3A_1709 = arith.select %lt3A_1705, %broadcast_in_dim3A_1708, %select_n3A_1703 : vector<64x128xi1>, vector<64x128xf32>
    %slice3A_1710 = vector.extract_strided_slice %sub3A {offsets = [256, 2432], sizes = [64, 128], strides = [1, 1]} : vector<512x8192xf32> to vector<64x128xf32>
    %lt3A_1711 = arith.cmpf olt, %slice3A_1710, %select_n3A_1706 : vector<64x128xf32>
    %select_n3A_1712 = arith.select %lt3A_1711, %slice3A_1710, %select_n3A_1706 : vector<64x128xi1>, vector<64x128xf32>
    %jit3A_1713 = arith.constant 1.900000e+01 : f32
    %broadcast_in_dim3A_1714 = vector.broadcast %jit3A_1713 : f32 to vector<64x128xf32>
    %select_n3A_1715 = arith.select %lt3A_1711, %broadcast_in_dim3A_1714, %select_n3A_1709 : vector<64x128xi1>, vector<64x128xf32>
    %slice3A_1716 = vector.extract_strided_slice %sub3A {offsets = [256, 2560], sizes = [64, 128], strides = [1, 1]} : vector<512x8192xf32> to vector<64x128xf32>
    %lt3A_1717 = arith.cmpf olt, %slice3A_1716, %select_n3A_1712 : vector<64x128xf32>
    %select_n3A_1718 = arith.select %lt3A_1717, %slice3A_1716, %select_n3A_1712 : vector<64x128xi1>, vector<64x128xf32>
    %jit3A_1719 = arith.constant 2.000000e+01 : f32
    %broadcast_in_dim3A_1720 = vector.broadcast %jit3A_1719 : f32 to vector<64x128xf32>
    %select_n3A_1721 = arith.select %lt3A_1717, %broadcast_in_dim3A_1720, %select_n3A_1715 : vector<64x128xi1>, vector<64x128xf32>
    %slice3A_1722 = vector.extract_strided_slice %sub3A {offsets = [256, 2688], sizes = [64, 128], strides = [1, 1]} : vector<512x8192xf32> to vector<64x128xf32>
    %lt3A_1723 = arith.cmpf olt, %slice3A_1722, %select_n3A_1718 : vector<64x128xf32>
    %select_n3A_1724 = arith.select %lt3A_1723, %slice3A_1722, %select_n3A_1718 : vector<64x128xi1>, vector<64x128xf32>
    %jit3A_1725 = arith.constant 2.100000e+01 : f32
    %broadcast_in_dim3A_1726 = vector.broadcast %jit3A_1725 : f32 to vector<64x128xf32>
    %select_n3A_1727 = arith.select %lt3A_1723, %broadcast_in_dim3A_1726, %select_n3A_1721 : vector<64x128xi1>, vector<64x128xf32>
    %slice3A_1728 = vector.extract_strided_slice %sub3A {offsets = [256, 2816], sizes = [64, 128], strides = [1, 1]} : vector<512x8192xf32> to vector<64x128xf32>
    %lt3A_1729 = arith.cmpf olt, %slice3A_1728, %select_n3A_1724 : vector<64x128xf32>
    %select_n3A_1730 = arith.select %lt3A_1729, %slice3A_1728, %select_n3A_1724 : vector<64x128xi1>, vector<64x128xf32>
    %jit3A_1731 = arith.constant 2.200000e+01 : f32
    %broadcast_in_dim3A_1732 = vector.broadcast %jit3A_1731 : f32 to vector<64x128xf32>
    %select_n3A_1733 = arith.select %lt3A_1729, %broadcast_in_dim3A_1732, %select_n3A_1727 : vector<64x128xi1>, vector<64x128xf32>
    %slice3A_1734 = vector.extract_strided_slice %sub3A {offsets = [256, 2944], sizes = [64, 128], strides = [1, 1]} : vector<512x8192xf32> to vector<64x128xf32>
    %lt3A_1735 = arith.cmpf olt, %slice3A_1734, %select_n3A_1730 : vector<64x128xf32>
    %select_n3A_1736 = arith.select %lt3A_1735, %slice3A_1734, %select_n3A_1730 : vector<64x128xi1>, vector<64x128xf32>
    %jit3A_1737 = arith.constant 2.300000e+01 : f32
    %broadcast_in_dim3A_1738 = vector.broadcast %jit3A_1737 : f32 to vector<64x128xf32>
    %select_n3A_1739 = arith.select %lt3A_1735, %broadcast_in_dim3A_1738, %select_n3A_1733 : vector<64x128xi1>, vector<64x128xf32>
    %slice3A_1740 = vector.extract_strided_slice %sub3A {offsets = [256, 3072], sizes = [64, 128], strides = [1, 1]} : vector<512x8192xf32> to vector<64x128xf32>
    %lt3A_1741 = arith.cmpf olt, %slice3A_1740, %select_n3A_1736 : vector<64x128xf32>
    %select_n3A_1742 = arith.select %lt3A_1741, %slice3A_1740, %select_n3A_1736 : vector<64x128xi1>, vector<64x128xf32>
    %jit3A_1743 = arith.constant 2.400000e+01 : f32
    %broadcast_in_dim3A_1744 = vector.broadcast %jit3A_1743 : f32 to vector<64x128xf32>
    %select_n3A_1745 = arith.select %lt3A_1741, %broadcast_in_dim3A_1744, %select_n3A_1739 : vector<64x128xi1>, vector<64x128xf32>
    %slice3A_1746 = vector.extract_strided_slice %sub3A {offsets = [256, 3200], sizes = [64, 128], strides = [1, 1]} : vector<512x8192xf32> to vector<64x128xf32>
    %lt3A_1747 = arith.cmpf olt, %slice3A_1746, %select_n3A_1742 : vector<64x128xf32>
    %select_n3A_1748 = arith.select %lt3A_1747, %slice3A_1746, %select_n3A_1742 : vector<64x128xi1>, vector<64x128xf32>
    %jit3A_1749 = arith.constant 2.500000e+01 : f32
    %broadcast_in_dim3A_1750 = vector.broadcast %jit3A_1749 : f32 to vector<64x128xf32>
    %select_n3A_1751 = arith.select %lt3A_1747, %broadcast_in_dim3A_1750, %select_n3A_1745 : vector<64x128xi1>, vector<64x128xf32>
    %slice3A_1752 = vector.extract_strided_slice %sub3A {offsets = [256, 3328], sizes = [64, 128], strides = [1, 1]} : vector<512x8192xf32> to vector<64x128xf32>
    %lt3A_1753 = arith.cmpf olt, %slice3A_1752, %select_n3A_1748 : vector<64x128xf32>
    %select_n3A_1754 = arith.select %lt3A_1753, %slice3A_1752, %select_n3A_1748 : vector<64x128xi1>, vector<64x128xf32>
    %jit3A_1755 = arith.constant 2.600000e+01 : f32
    %broadcast_in_dim3A_1756 = vector.broadcast %jit3A_1755 : f32 to vector<64x128xf32>
    %select_n3A_1757 = arith.select %lt3A_1753, %broadcast_in_dim3A_1756, %select_n3A_1751 : vector<64x128xi1>, vector<64x128xf32>
    %slice3A_1758 = vector.extract_strided_slice %sub3A {offsets = [256, 3456], sizes = [64, 128], strides = [1, 1]} : vector<512x8192xf32> to vector<64x128xf32>
    %lt3A_1759 = arith.cmpf olt, %slice3A_1758, %select_n3A_1754 : vector<64x128xf32>
    %select_n3A_1760 = arith.select %lt3A_1759, %slice3A_1758, %select_n3A_1754 : vector<64x128xi1>, vector<64x128xf32>
    %jit3A_1761 = arith.constant 2.700000e+01 : f32
    %broadcast_in_dim3A_1762 = vector.broadcast %jit3A_1761 : f32 to vector<64x128xf32>
    %select_n3A_1763 = arith.select %lt3A_1759, %broadcast_in_dim3A_1762, %select_n3A_1757 : vector<64x128xi1>, vector<64x128xf32>
    %slice3A_1764 = vector.extract_strided_slice %sub3A {offsets = [256, 3584], sizes = [64, 128], strides = [1, 1]} : vector<512x8192xf32> to vector<64x128xf32>
    %lt3A_1765 = arith.cmpf olt, %slice3A_1764, %select_n3A_1760 : vector<64x128xf32>
    %select_n3A_1766 = arith.select %lt3A_1765, %slice3A_1764, %select_n3A_1760 : vector<64x128xi1>, vector<64x128xf32>
    %jit3A_1767 = arith.constant 2.800000e+01 : f32
    %broadcast_in_dim3A_1768 = vector.broadcast %jit3A_1767 : f32 to vector<64x128xf32>
    %select_n3A_1769 = arith.select %lt3A_1765, %broadcast_in_dim3A_1768, %select_n3A_1763 : vector<64x128xi1>, vector<64x128xf32>
    %slice3A_1770 = vector.extract_strided_slice %sub3A {offsets = [256, 3712], sizes = [64, 128], strides = [1, 1]} : vector<512x8192xf32> to vector<64x128xf32>
    %lt3A_1771 = arith.cmpf olt, %slice3A_1770, %select_n3A_1766 : vector<64x128xf32>
    %select_n3A_1772 = arith.select %lt3A_1771, %slice3A_1770, %select_n3A_1766 : vector<64x128xi1>, vector<64x128xf32>
    %jit3A_1773 = arith.constant 2.900000e+01 : f32
    %broadcast_in_dim3A_1774 = vector.broadcast %jit3A_1773 : f32 to vector<64x128xf32>
    %select_n3A_1775 = arith.select %lt3A_1771, %broadcast_in_dim3A_1774, %select_n3A_1769 : vector<64x128xi1>, vector<64x128xf32>
    %slice3A_1776 = vector.extract_strided_slice %sub3A {offsets = [256, 3840], sizes = [64, 128], strides = [1, 1]} : vector<512x8192xf32> to vector<64x128xf32>
    %lt3A_1777 = arith.cmpf olt, %slice3A_1776, %select_n3A_1772 : vector<64x128xf32>
    %select_n3A_1778 = arith.select %lt3A_1777, %slice3A_1776, %select_n3A_1772 : vector<64x128xi1>, vector<64x128xf32>
    %jit3A_1779 = arith.constant 3.000000e+01 : f32
    %broadcast_in_dim3A_1780 = vector.broadcast %jit3A_1779 : f32 to vector<64x128xf32>
    %select_n3A_1781 = arith.select %lt3A_1777, %broadcast_in_dim3A_1780, %select_n3A_1775 : vector<64x128xi1>, vector<64x128xf32>
    %slice3A_1782 = vector.extract_strided_slice %sub3A {offsets = [256, 3968], sizes = [64, 128], strides = [1, 1]} : vector<512x8192xf32> to vector<64x128xf32>
    %lt3A_1783 = arith.cmpf olt, %slice3A_1782, %select_n3A_1778 : vector<64x128xf32>
    %select_n3A_1784 = arith.select %lt3A_1783, %slice3A_1782, %select_n3A_1778 : vector<64x128xi1>, vector<64x128xf32>
    %jit3A_1785 = arith.constant 3.100000e+01 : f32
    %broadcast_in_dim3A_1786 = vector.broadcast %jit3A_1785 : f32 to vector<64x128xf32>
    %select_n3A_1787 = arith.select %lt3A_1783, %broadcast_in_dim3A_1786, %select_n3A_1781 : vector<64x128xi1>, vector<64x128xf32>
    %slice3A_1788 = vector.extract_strided_slice %sub3A {offsets = [256, 4096], sizes = [64, 128], strides = [1, 1]} : vector<512x8192xf32> to vector<64x128xf32>
    %lt3A_1789 = arith.cmpf olt, %slice3A_1788, %select_n3A_1784 : vector<64x128xf32>
    %select_n3A_1790 = arith.select %lt3A_1789, %slice3A_1788, %select_n3A_1784 : vector<64x128xi1>, vector<64x128xf32>
    %jit3A_1791 = arith.constant 3.200000e+01 : f32
    %broadcast_in_dim3A_1792 = vector.broadcast %jit3A_1791 : f32 to vector<64x128xf32>
    %select_n3A_1793 = arith.select %lt3A_1789, %broadcast_in_dim3A_1792, %select_n3A_1787 : vector<64x128xi1>, vector<64x128xf32>
    %slice3A_1794 = vector.extract_strided_slice %sub3A {offsets = [256, 4224], sizes = [64, 128], strides = [1, 1]} : vector<512x8192xf32> to vector<64x128xf32>
    %lt3A_1795 = arith.cmpf olt, %slice3A_1794, %select_n3A_1790 : vector<64x128xf32>
    %select_n3A_1796 = arith.select %lt3A_1795, %slice3A_1794, %select_n3A_1790 : vector<64x128xi1>, vector<64x128xf32>
    %jit3A_1797 = arith.constant 3.300000e+01 : f32
    %broadcast_in_dim3A_1798 = vector.broadcast %jit3A_1797 : f32 to vector<64x128xf32>
    %select_n3A_1799 = arith.select %lt3A_1795, %broadcast_in_dim3A_1798, %select_n3A_1793 : vector<64x128xi1>, vector<64x128xf32>
    %slice3A_1800 = vector.extract_strided_slice %sub3A {offsets = [256, 4352], sizes = [64, 128], strides = [1, 1]} : vector<512x8192xf32> to vector<64x128xf32>
    %lt3A_1801 = arith.cmpf olt, %slice3A_1800, %select_n3A_1796 : vector<64x128xf32>
    %select_n3A_1802 = arith.select %lt3A_1801, %slice3A_1800, %select_n3A_1796 : vector<64x128xi1>, vector<64x128xf32>
    %jit3A_1803 = arith.constant 3.400000e+01 : f32
    %broadcast_in_dim3A_1804 = vector.broadcast %jit3A_1803 : f32 to vector<64x128xf32>
    %select_n3A_1805 = arith.select %lt3A_1801, %broadcast_in_dim3A_1804, %select_n3A_1799 : vector<64x128xi1>, vector<64x128xf32>
    %slice3A_1806 = vector.extract_strided_slice %sub3A {offsets = [256, 4480], sizes = [64, 128], strides = [1, 1]} : vector<512x8192xf32> to vector<64x128xf32>
    %lt3A_1807 = arith.cmpf olt, %slice3A_1806, %select_n3A_1802 : vector<64x128xf32>
    %select_n3A_1808 = arith.select %lt3A_1807, %slice3A_1806, %select_n3A_1802 : vector<64x128xi1>, vector<64x128xf32>
    %jit3A_1809 = arith.constant 3.500000e+01 : f32
    %broadcast_in_dim3A_1810 = vector.broadcast %jit3A_1809 : f32 to vector<64x128xf32>
    %select_n3A_1811 = arith.select %lt3A_1807, %broadcast_in_dim3A_1810, %select_n3A_1805 : vector<64x128xi1>, vector<64x128xf32>
    %slice3A_1812 = vector.extract_strided_slice %sub3A {offsets = [256, 4608], sizes = [64, 128], strides = [1, 1]} : vector<512x8192xf32> to vector<64x128xf32>
    %lt3A_1813 = arith.cmpf olt, %slice3A_1812, %select_n3A_1808 : vector<64x128xf32>
    %select_n3A_1814 = arith.select %lt3A_1813, %slice3A_1812, %select_n3A_1808 : vector<64x128xi1>, vector<64x128xf32>
    %jit3A_1815 = arith.constant 3.600000e+01 : f32
    %broadcast_in_dim3A_1816 = vector.broadcast %jit3A_1815 : f32 to vector<64x128xf32>
    %select_n3A_1817 = arith.select %lt3A_1813, %broadcast_in_dim3A_1816, %select_n3A_1811 : vector<64x128xi1>, vector<64x128xf32>
    %slice3A_1818 = vector.extract_strided_slice %sub3A {offsets = [256, 4736], sizes = [64, 128], strides = [1, 1]} : vector<512x8192xf32> to vector<64x128xf32>
    %lt3A_1819 = arith.cmpf olt, %slice3A_1818, %select_n3A_1814 : vector<64x128xf32>
    %select_n3A_1820 = arith.select %lt3A_1819, %slice3A_1818, %select_n3A_1814 : vector<64x128xi1>, vector<64x128xf32>
    %jit3A_1821 = arith.constant 3.700000e+01 : f32
    %broadcast_in_dim3A_1822 = vector.broadcast %jit3A_1821 : f32 to vector<64x128xf32>
    %select_n3A_1823 = arith.select %lt3A_1819, %broadcast_in_dim3A_1822, %select_n3A_1817 : vector<64x128xi1>, vector<64x128xf32>
    %slice3A_1824 = vector.extract_strided_slice %sub3A {offsets = [256, 4864], sizes = [64, 128], strides = [1, 1]} : vector<512x8192xf32> to vector<64x128xf32>
    %lt3A_1825 = arith.cmpf olt, %slice3A_1824, %select_n3A_1820 : vector<64x128xf32>
    %select_n3A_1826 = arith.select %lt3A_1825, %slice3A_1824, %select_n3A_1820 : vector<64x128xi1>, vector<64x128xf32>
    %jit3A_1827 = arith.constant 3.800000e+01 : f32
    %broadcast_in_dim3A_1828 = vector.broadcast %jit3A_1827 : f32 to vector<64x128xf32>
    %select_n3A_1829 = arith.select %lt3A_1825, %broadcast_in_dim3A_1828, %select_n3A_1823 : vector<64x128xi1>, vector<64x128xf32>
    %slice3A_1830 = vector.extract_strided_slice %sub3A {offsets = [256, 4992], sizes = [64, 128], strides = [1, 1]} : vector<512x8192xf32> to vector<64x128xf32>
    %lt3A_1831 = arith.cmpf olt, %slice3A_1830, %select_n3A_1826 : vector<64x128xf32>
    %select_n3A_1832 = arith.select %lt3A_1831, %slice3A_1830, %select_n3A_1826 : vector<64x128xi1>, vector<64x128xf32>
    %jit3A_1833 = arith.constant 3.900000e+01 : f32
    %broadcast_in_dim3A_1834 = vector.broadcast %jit3A_1833 : f32 to vector<64x128xf32>
    %select_n3A_1835 = arith.select %lt3A_1831, %broadcast_in_dim3A_1834, %select_n3A_1829 : vector<64x128xi1>, vector<64x128xf32>
    %slice3A_1836 = vector.extract_strided_slice %sub3A {offsets = [256, 5120], sizes = [64, 128], strides = [1, 1]} : vector<512x8192xf32> to vector<64x128xf32>
    %lt3A_1837 = arith.cmpf olt, %slice3A_1836, %select_n3A_1832 : vector<64x128xf32>
    %select_n3A_1838 = arith.select %lt3A_1837, %slice3A_1836, %select_n3A_1832 : vector<64x128xi1>, vector<64x128xf32>
    %jit3A_1839 = arith.constant 4.000000e+01 : f32
    %broadcast_in_dim3A_1840 = vector.broadcast %jit3A_1839 : f32 to vector<64x128xf32>
    %select_n3A_1841 = arith.select %lt3A_1837, %broadcast_in_dim3A_1840, %select_n3A_1835 : vector<64x128xi1>, vector<64x128xf32>
    %slice3A_1842 = vector.extract_strided_slice %sub3A {offsets = [256, 5248], sizes = [64, 128], strides = [1, 1]} : vector<512x8192xf32> to vector<64x128xf32>
    %lt3A_1843 = arith.cmpf olt, %slice3A_1842, %select_n3A_1838 : vector<64x128xf32>
    %select_n3A_1844 = arith.select %lt3A_1843, %slice3A_1842, %select_n3A_1838 : vector<64x128xi1>, vector<64x128xf32>
    %jit3A_1845 = arith.constant 4.100000e+01 : f32
    %broadcast_in_dim3A_1846 = vector.broadcast %jit3A_1845 : f32 to vector<64x128xf32>
    %select_n3A_1847 = arith.select %lt3A_1843, %broadcast_in_dim3A_1846, %select_n3A_1841 : vector<64x128xi1>, vector<64x128xf32>
    %slice3A_1848 = vector.extract_strided_slice %sub3A {offsets = [256, 5376], sizes = [64, 128], strides = [1, 1]} : vector<512x8192xf32> to vector<64x128xf32>
    %lt3A_1849 = arith.cmpf olt, %slice3A_1848, %select_n3A_1844 : vector<64x128xf32>
    %select_n3A_1850 = arith.select %lt3A_1849, %slice3A_1848, %select_n3A_1844 : vector<64x128xi1>, vector<64x128xf32>
    %jit3A_1851 = arith.constant 4.200000e+01 : f32
    %broadcast_in_dim3A_1852 = vector.broadcast %jit3A_1851 : f32 to vector<64x128xf32>
    %select_n3A_1853 = arith.select %lt3A_1849, %broadcast_in_dim3A_1852, %select_n3A_1847 : vector<64x128xi1>, vector<64x128xf32>
    %slice3A_1854 = vector.extract_strided_slice %sub3A {offsets = [256, 5504], sizes = [64, 128], strides = [1, 1]} : vector<512x8192xf32> to vector<64x128xf32>
    %lt3A_1855 = arith.cmpf olt, %slice3A_1854, %select_n3A_1850 : vector<64x128xf32>
    %select_n3A_1856 = arith.select %lt3A_1855, %slice3A_1854, %select_n3A_1850 : vector<64x128xi1>, vector<64x128xf32>
    %jit3A_1857 = arith.constant 4.300000e+01 : f32
    %broadcast_in_dim3A_1858 = vector.broadcast %jit3A_1857 : f32 to vector<64x128xf32>
    %select_n3A_1859 = arith.select %lt3A_1855, %broadcast_in_dim3A_1858, %select_n3A_1853 : vector<64x128xi1>, vector<64x128xf32>
    %slice3A_1860 = vector.extract_strided_slice %sub3A {offsets = [256, 5632], sizes = [64, 128], strides = [1, 1]} : vector<512x8192xf32> to vector<64x128xf32>
    %lt3A_1861 = arith.cmpf olt, %slice3A_1860, %select_n3A_1856 : vector<64x128xf32>
    %select_n3A_1862 = arith.select %lt3A_1861, %slice3A_1860, %select_n3A_1856 : vector<64x128xi1>, vector<64x128xf32>
    %jit3A_1863 = arith.constant 4.400000e+01 : f32
    %broadcast_in_dim3A_1864 = vector.broadcast %jit3A_1863 : f32 to vector<64x128xf32>
    %select_n3A_1865 = arith.select %lt3A_1861, %broadcast_in_dim3A_1864, %select_n3A_1859 : vector<64x128xi1>, vector<64x128xf32>
    %slice3A_1866 = vector.extract_strided_slice %sub3A {offsets = [256, 5760], sizes = [64, 128], strides = [1, 1]} : vector<512x8192xf32> to vector<64x128xf32>
    %lt3A_1867 = arith.cmpf olt, %slice3A_1866, %select_n3A_1862 : vector<64x128xf32>
    %select_n3A_1868 = arith.select %lt3A_1867, %slice3A_1866, %select_n3A_1862 : vector<64x128xi1>, vector<64x128xf32>
    %jit3A_1869 = arith.constant 4.500000e+01 : f32
    %broadcast_in_dim3A_1870 = vector.broadcast %jit3A_1869 : f32 to vector<64x128xf32>
    %select_n3A_1871 = arith.select %lt3A_1867, %broadcast_in_dim3A_1870, %select_n3A_1865 : vector<64x128xi1>, vector<64x128xf32>
    %slice3A_1872 = vector.extract_strided_slice %sub3A {offsets = [256, 5888], sizes = [64, 128], strides = [1, 1]} : vector<512x8192xf32> to vector<64x128xf32>
    %lt3A_1873 = arith.cmpf olt, %slice3A_1872, %select_n3A_1868 : vector<64x128xf32>
    %select_n3A_1874 = arith.select %lt3A_1873, %slice3A_1872, %select_n3A_1868 : vector<64x128xi1>, vector<64x128xf32>
    %jit3A_1875 = arith.constant 4.600000e+01 : f32
    %broadcast_in_dim3A_1876 = vector.broadcast %jit3A_1875 : f32 to vector<64x128xf32>
    %select_n3A_1877 = arith.select %lt3A_1873, %broadcast_in_dim3A_1876, %select_n3A_1871 : vector<64x128xi1>, vector<64x128xf32>
    %slice3A_1878 = vector.extract_strided_slice %sub3A {offsets = [256, 6016], sizes = [64, 128], strides = [1, 1]} : vector<512x8192xf32> to vector<64x128xf32>
    %lt3A_1879 = arith.cmpf olt, %slice3A_1878, %select_n3A_1874 : vector<64x128xf32>
    %select_n3A_1880 = arith.select %lt3A_1879, %slice3A_1878, %select_n3A_1874 : vector<64x128xi1>, vector<64x128xf32>
    %jit3A_1881 = arith.constant 4.700000e+01 : f32
    %broadcast_in_dim3A_1882 = vector.broadcast %jit3A_1881 : f32 to vector<64x128xf32>
    %select_n3A_1883 = arith.select %lt3A_1879, %broadcast_in_dim3A_1882, %select_n3A_1877 : vector<64x128xi1>, vector<64x128xf32>
    %slice3A_1884 = vector.extract_strided_slice %sub3A {offsets = [256, 6144], sizes = [64, 128], strides = [1, 1]} : vector<512x8192xf32> to vector<64x128xf32>
    %lt3A_1885 = arith.cmpf olt, %slice3A_1884, %select_n3A_1880 : vector<64x128xf32>
    %select_n3A_1886 = arith.select %lt3A_1885, %slice3A_1884, %select_n3A_1880 : vector<64x128xi1>, vector<64x128xf32>
    %jit3A_1887 = arith.constant 4.800000e+01 : f32
    %broadcast_in_dim3A_1888 = vector.broadcast %jit3A_1887 : f32 to vector<64x128xf32>
    %select_n3A_1889 = arith.select %lt3A_1885, %broadcast_in_dim3A_1888, %select_n3A_1883 : vector<64x128xi1>, vector<64x128xf32>
    %slice3A_1890 = vector.extract_strided_slice %sub3A {offsets = [256, 6272], sizes = [64, 128], strides = [1, 1]} : vector<512x8192xf32> to vector<64x128xf32>
    %lt3A_1891 = arith.cmpf olt, %slice3A_1890, %select_n3A_1886 : vector<64x128xf32>
    %select_n3A_1892 = arith.select %lt3A_1891, %slice3A_1890, %select_n3A_1886 : vector<64x128xi1>, vector<64x128xf32>
    %jit3A_1893 = arith.constant 4.900000e+01 : f32
    %broadcast_in_dim3A_1894 = vector.broadcast %jit3A_1893 : f32 to vector<64x128xf32>
    %select_n3A_1895 = arith.select %lt3A_1891, %broadcast_in_dim3A_1894, %select_n3A_1889 : vector<64x128xi1>, vector<64x128xf32>
    %slice3A_1896 = vector.extract_strided_slice %sub3A {offsets = [256, 6400], sizes = [64, 128], strides = [1, 1]} : vector<512x8192xf32> to vector<64x128xf32>
    %lt3A_1897 = arith.cmpf olt, %slice3A_1896, %select_n3A_1892 : vector<64x128xf32>
    %select_n3A_1898 = arith.select %lt3A_1897, %slice3A_1896, %select_n3A_1892 : vector<64x128xi1>, vector<64x128xf32>
    %jit3A_1899 = arith.constant 5.000000e+01 : f32
    %broadcast_in_dim3A_1900 = vector.broadcast %jit3A_1899 : f32 to vector<64x128xf32>
    %select_n3A_1901 = arith.select %lt3A_1897, %broadcast_in_dim3A_1900, %select_n3A_1895 : vector<64x128xi1>, vector<64x128xf32>
    %slice3A_1902 = vector.extract_strided_slice %sub3A {offsets = [256, 6528], sizes = [64, 128], strides = [1, 1]} : vector<512x8192xf32> to vector<64x128xf32>
    %lt3A_1903 = arith.cmpf olt, %slice3A_1902, %select_n3A_1898 : vector<64x128xf32>
    %select_n3A_1904 = arith.select %lt3A_1903, %slice3A_1902, %select_n3A_1898 : vector<64x128xi1>, vector<64x128xf32>
    %jit3A_1905 = arith.constant 5.100000e+01 : f32
    %broadcast_in_dim3A_1906 = vector.broadcast %jit3A_1905 : f32 to vector<64x128xf32>
    %select_n3A_1907 = arith.select %lt3A_1903, %broadcast_in_dim3A_1906, %select_n3A_1901 : vector<64x128xi1>, vector<64x128xf32>
    %slice3A_1908 = vector.extract_strided_slice %sub3A {offsets = [256, 6656], sizes = [64, 128], strides = [1, 1]} : vector<512x8192xf32> to vector<64x128xf32>
    %lt3A_1909 = arith.cmpf olt, %slice3A_1908, %select_n3A_1904 : vector<64x128xf32>
    %select_n3A_1910 = arith.select %lt3A_1909, %slice3A_1908, %select_n3A_1904 : vector<64x128xi1>, vector<64x128xf32>
    %jit3A_1911 = arith.constant 5.200000e+01 : f32
    %broadcast_in_dim3A_1912 = vector.broadcast %jit3A_1911 : f32 to vector<64x128xf32>
    %select_n3A_1913 = arith.select %lt3A_1909, %broadcast_in_dim3A_1912, %select_n3A_1907 : vector<64x128xi1>, vector<64x128xf32>
    %slice3A_1914 = vector.extract_strided_slice %sub3A {offsets = [256, 6784], sizes = [64, 128], strides = [1, 1]} : vector<512x8192xf32> to vector<64x128xf32>
    %lt3A_1915 = arith.cmpf olt, %slice3A_1914, %select_n3A_1910 : vector<64x128xf32>
    %select_n3A_1916 = arith.select %lt3A_1915, %slice3A_1914, %select_n3A_1910 : vector<64x128xi1>, vector<64x128xf32>
    %jit3A_1917 = arith.constant 5.300000e+01 : f32
    %broadcast_in_dim3A_1918 = vector.broadcast %jit3A_1917 : f32 to vector<64x128xf32>
    %select_n3A_1919 = arith.select %lt3A_1915, %broadcast_in_dim3A_1918, %select_n3A_1913 : vector<64x128xi1>, vector<64x128xf32>
    %slice3A_1920 = vector.extract_strided_slice %sub3A {offsets = [256, 6912], sizes = [64, 128], strides = [1, 1]} : vector<512x8192xf32> to vector<64x128xf32>
    %lt3A_1921 = arith.cmpf olt, %slice3A_1920, %select_n3A_1916 : vector<64x128xf32>
    %select_n3A_1922 = arith.select %lt3A_1921, %slice3A_1920, %select_n3A_1916 : vector<64x128xi1>, vector<64x128xf32>
    %jit3A_1923 = arith.constant 5.400000e+01 : f32
    %broadcast_in_dim3A_1924 = vector.broadcast %jit3A_1923 : f32 to vector<64x128xf32>
    %select_n3A_1925 = arith.select %lt3A_1921, %broadcast_in_dim3A_1924, %select_n3A_1919 : vector<64x128xi1>, vector<64x128xf32>
    %slice3A_1926 = vector.extract_strided_slice %sub3A {offsets = [256, 7040], sizes = [64, 128], strides = [1, 1]} : vector<512x8192xf32> to vector<64x128xf32>
    %lt3A_1927 = arith.cmpf olt, %slice3A_1926, %select_n3A_1922 : vector<64x128xf32>
    %select_n3A_1928 = arith.select %lt3A_1927, %slice3A_1926, %select_n3A_1922 : vector<64x128xi1>, vector<64x128xf32>
    %jit3A_1929 = arith.constant 5.500000e+01 : f32
    %broadcast_in_dim3A_1930 = vector.broadcast %jit3A_1929 : f32 to vector<64x128xf32>
    %select_n3A_1931 = arith.select %lt3A_1927, %broadcast_in_dim3A_1930, %select_n3A_1925 : vector<64x128xi1>, vector<64x128xf32>
    %slice3A_1932 = vector.extract_strided_slice %sub3A {offsets = [256, 7168], sizes = [64, 128], strides = [1, 1]} : vector<512x8192xf32> to vector<64x128xf32>
    %lt3A_1933 = arith.cmpf olt, %slice3A_1932, %select_n3A_1928 : vector<64x128xf32>
    %select_n3A_1934 = arith.select %lt3A_1933, %slice3A_1932, %select_n3A_1928 : vector<64x128xi1>, vector<64x128xf32>
    %jit3A_1935 = arith.constant 5.600000e+01 : f32
    %broadcast_in_dim3A_1936 = vector.broadcast %jit3A_1935 : f32 to vector<64x128xf32>
    %select_n3A_1937 = arith.select %lt3A_1933, %broadcast_in_dim3A_1936, %select_n3A_1931 : vector<64x128xi1>, vector<64x128xf32>
    %slice3A_1938 = vector.extract_strided_slice %sub3A {offsets = [256, 7296], sizes = [64, 128], strides = [1, 1]} : vector<512x8192xf32> to vector<64x128xf32>
    %lt3A_1939 = arith.cmpf olt, %slice3A_1938, %select_n3A_1934 : vector<64x128xf32>
    %select_n3A_1940 = arith.select %lt3A_1939, %slice3A_1938, %select_n3A_1934 : vector<64x128xi1>, vector<64x128xf32>
    %jit3A_1941 = arith.constant 5.700000e+01 : f32
    %broadcast_in_dim3A_1942 = vector.broadcast %jit3A_1941 : f32 to vector<64x128xf32>
    %select_n3A_1943 = arith.select %lt3A_1939, %broadcast_in_dim3A_1942, %select_n3A_1937 : vector<64x128xi1>, vector<64x128xf32>
    %slice3A_1944 = vector.extract_strided_slice %sub3A {offsets = [256, 7424], sizes = [64, 128], strides = [1, 1]} : vector<512x8192xf32> to vector<64x128xf32>
    %lt3A_1945 = arith.cmpf olt, %slice3A_1944, %select_n3A_1940 : vector<64x128xf32>
    %select_n3A_1946 = arith.select %lt3A_1945, %slice3A_1944, %select_n3A_1940 : vector<64x128xi1>, vector<64x128xf32>
    %jit3A_1947 = arith.constant 5.800000e+01 : f32
    %broadcast_in_dim3A_1948 = vector.broadcast %jit3A_1947 : f32 to vector<64x128xf32>
    %select_n3A_1949 = arith.select %lt3A_1945, %broadcast_in_dim3A_1948, %select_n3A_1943 : vector<64x128xi1>, vector<64x128xf32>
    %slice3A_1950 = vector.extract_strided_slice %sub3A {offsets = [256, 7552], sizes = [64, 128], strides = [1, 1]} : vector<512x8192xf32> to vector<64x128xf32>
    %lt3A_1951 = arith.cmpf olt, %slice3A_1950, %select_n3A_1946 : vector<64x128xf32>
    %select_n3A_1952 = arith.select %lt3A_1951, %slice3A_1950, %select_n3A_1946 : vector<64x128xi1>, vector<64x128xf32>
    %jit3A_1953 = arith.constant 5.900000e+01 : f32
    %broadcast_in_dim3A_1954 = vector.broadcast %jit3A_1953 : f32 to vector<64x128xf32>
    %select_n3A_1955 = arith.select %lt3A_1951, %broadcast_in_dim3A_1954, %select_n3A_1949 : vector<64x128xi1>, vector<64x128xf32>
    %slice3A_1956 = vector.extract_strided_slice %sub3A {offsets = [256, 7680], sizes = [64, 128], strides = [1, 1]} : vector<512x8192xf32> to vector<64x128xf32>
    %lt3A_1957 = arith.cmpf olt, %slice3A_1956, %select_n3A_1952 : vector<64x128xf32>
    %select_n3A_1958 = arith.select %lt3A_1957, %slice3A_1956, %select_n3A_1952 : vector<64x128xi1>, vector<64x128xf32>
    %jit3A_1959 = arith.constant 6.000000e+01 : f32
    %broadcast_in_dim3A_1960 = vector.broadcast %jit3A_1959 : f32 to vector<64x128xf32>
    %select_n3A_1961 = arith.select %lt3A_1957, %broadcast_in_dim3A_1960, %select_n3A_1955 : vector<64x128xi1>, vector<64x128xf32>
    %slice3A_1962 = vector.extract_strided_slice %sub3A {offsets = [256, 7808], sizes = [64, 128], strides = [1, 1]} : vector<512x8192xf32> to vector<64x128xf32>
    %lt3A_1963 = arith.cmpf olt, %slice3A_1962, %select_n3A_1958 : vector<64x128xf32>
    %select_n3A_1964 = arith.select %lt3A_1963, %slice3A_1962, %select_n3A_1958 : vector<64x128xi1>, vector<64x128xf32>
    %jit3A_1965 = arith.constant 6.100000e+01 : f32
    %broadcast_in_dim3A_1966 = vector.broadcast %jit3A_1965 : f32 to vector<64x128xf32>
    %select_n3A_1967 = arith.select %lt3A_1963, %broadcast_in_dim3A_1966, %select_n3A_1961 : vector<64x128xi1>, vector<64x128xf32>
    %slice3A_1968 = vector.extract_strided_slice %sub3A {offsets = [256, 7936], sizes = [64, 128], strides = [1, 1]} : vector<512x8192xf32> to vector<64x128xf32>
    %lt3A_1969 = arith.cmpf olt, %slice3A_1968, %select_n3A_1964 : vector<64x128xf32>
    %select_n3A_1970 = arith.select %lt3A_1969, %slice3A_1968, %select_n3A_1964 : vector<64x128xi1>, vector<64x128xf32>
    %jit3A_1971 = arith.constant 6.200000e+01 : f32
    %broadcast_in_dim3A_1972 = vector.broadcast %jit3A_1971 : f32 to vector<64x128xf32>
    %select_n3A_1973 = arith.select %lt3A_1969, %broadcast_in_dim3A_1972, %select_n3A_1967 : vector<64x128xi1>, vector<64x128xf32>
    %slice3A_1974 = vector.extract_strided_slice %sub3A {offsets = [256, 8064], sizes = [64, 128], strides = [1, 1]} : vector<512x8192xf32> to vector<64x128xf32>
    %lt3A_1975 = arith.cmpf olt, %slice3A_1974, %select_n3A_1970 : vector<64x128xf32>
    %select_n3A_1976 = arith.select %lt3A_1975, %slice3A_1974, %select_n3A_1970 : vector<64x128xi1>, vector<64x128xf32>
    %jit3A_1977 = arith.constant 6.300000e+01 : f32
    %broadcast_in_dim3A_1978 = vector.broadcast %jit3A_1977 : f32 to vector<64x128xf32>
    %select_n3A_1979 = arith.select %lt3A_1975, %broadcast_in_dim3A_1978, %select_n3A_1973 : vector<64x128xi1>, vector<64x128xf32>
    %mul3A_1980 = arith.constant 1.280000e+02 : f32
    %mul3A_1981 = vector.broadcast %mul3A_1980 : f32 to vector<64x128xf32>
    %mul3A_1982 = arith.mulf %select_n3A_1979, %mul3A_1981 : vector<64x128xf32>
    %add3A_1983 = arith.addf %mul3A_1982, %convert_element_type3A : vector<64x128xf32>
    %reduce_min3A_1984 = arith.constant dense<0x7F800000> : vector<64xf32>
    %reduce_min3A_1985 = vector.multi_reduction <minimumf>, %select_n3A_1976, %reduce_min3A_1984 [1] : vector<64x128xf32> to vector<64xf32>
    %broadcast_in_dim3A_1986 = vector.shape_cast %reduce_min3A_1985 : vector<64xf32> to vector<64x1xf32>
    %eq3A_1987 = vector.broadcast %broadcast_in_dim3A_1986 : vector<64x1xf32> to vector<64x128xf32>
    %eq3A_1988 = arith.cmpf oeq, %select_n3A_1976, %eq3A_1987 : vector<64x128xf32>
    %jit3A_1989 = arith.constant 1.07374182E+9 : f32
    %broadcast_in_dim3A_1990 = vector.broadcast %jit3A_1989 : f32 to vector<64x128xf32>
    %select_n3A_1991 = arith.select %eq3A_1988, %add3A_1983, %broadcast_in_dim3A_1990 : vector<64x128xi1>, vector<64x128xf32>
    %reduce_min3A_1992 = arith.constant dense<0x7F800000> : vector<64xf32>
    %reduce_min3A_1993 = vector.multi_reduction <minimumf>, %select_n3A_1991, %reduce_min3A_1992 [1] : vector<64x128xf32> to vector<64xf32>
    %convert_element_type3A_1994 = arith.fptosi %reduce_min3A_1993 : vector<64xf32> to vector<64xi32>
    %swap3A_1995 = arith.constant 256 : index
    %swap3A_1996 = vector.load %arg5[%swap3A_1995] : memref<512xi32, #tpu.memory_space<vmem>>, vector<64xi32>
    tpu.vector_store %arg5[%swap3A_1995], %convert_element_type3A_1994 {strides = array<i32>} : memref<512xi32, #tpu.memory_space<vmem>>, vector<64xi32>,
    %slice3A_1997 = vector.extract_strided_slice %sub3A {offsets = [320, 0], sizes = [64, 128], strides = [1, 1]} : vector<512x8192xf32> to vector<64x128xf32>
    %broadcast_in_dim3A_1998 = arith.constant 0.000000e+00 : f32
    %broadcast_in_dim3A_1999 = vector.broadcast %broadcast_in_dim3A_1998 : f32 to vector<64x128xf32>
    %slice3A_2000 = vector.extract_strided_slice %sub3A {offsets = [320, 128], sizes = [64, 128], strides = [1, 1]} : vector<512x8192xf32> to vector<64x128xf32>
    %lt3A_2001 = arith.cmpf olt, %slice3A_2000, %slice3A_1997 : vector<64x128xf32>
    %select_n3A_2002 = arith.select %lt3A_2001, %slice3A_2000, %slice3A_1997 : vector<64x128xi1>, vector<64x128xf32>
    %jit3A_2003 = arith.constant 1.000000e+00 : f32
    %broadcast_in_dim3A_2004 = vector.broadcast %jit3A_2003 : f32 to vector<64x128xf32>
    %select_n3A_2005 = arith.select %lt3A_2001, %broadcast_in_dim3A_2004, %broadcast_in_dim3A_1999 : vector<64x128xi1>, vector<64x128xf32>
    %slice3A_2006 = vector.extract_strided_slice %sub3A {offsets = [320, 256], sizes = [64, 128], strides = [1, 1]} : vector<512x8192xf32> to vector<64x128xf32>
    %lt3A_2007 = arith.cmpf olt, %slice3A_2006, %select_n3A_2002 : vector<64x128xf32>
    %select_n3A_2008 = arith.select %lt3A_2007, %slice3A_2006, %select_n3A_2002 : vector<64x128xi1>, vector<64x128xf32>
    %jit3A_2009 = arith.constant 2.000000e+00 : f32
    %broadcast_in_dim3A_2010 = vector.broadcast %jit3A_2009 : f32 to vector<64x128xf32>
    %select_n3A_2011 = arith.select %lt3A_2007, %broadcast_in_dim3A_2010, %select_n3A_2005 : vector<64x128xi1>, vector<64x128xf32>
    %slice3A_2012 = vector.extract_strided_slice %sub3A {offsets = [320, 384], sizes = [64, 128], strides = [1, 1]} : vector<512x8192xf32> to vector<64x128xf32>
    %lt3A_2013 = arith.cmpf olt, %slice3A_2012, %select_n3A_2008 : vector<64x128xf32>
    %select_n3A_2014 = arith.select %lt3A_2013, %slice3A_2012, %select_n3A_2008 : vector<64x128xi1>, vector<64x128xf32>
    %jit3A_2015 = arith.constant 3.000000e+00 : f32
    %broadcast_in_dim3A_2016 = vector.broadcast %jit3A_2015 : f32 to vector<64x128xf32>
    %select_n3A_2017 = arith.select %lt3A_2013, %broadcast_in_dim3A_2016, %select_n3A_2011 : vector<64x128xi1>, vector<64x128xf32>
    %slice3A_2018 = vector.extract_strided_slice %sub3A {offsets = [320, 512], sizes = [64, 128], strides = [1, 1]} : vector<512x8192xf32> to vector<64x128xf32>
    %lt3A_2019 = arith.cmpf olt, %slice3A_2018, %select_n3A_2014 : vector<64x128xf32>
    %select_n3A_2020 = arith.select %lt3A_2019, %slice3A_2018, %select_n3A_2014 : vector<64x128xi1>, vector<64x128xf32>
    %jit3A_2021 = arith.constant 4.000000e+00 : f32
    %broadcast_in_dim3A_2022 = vector.broadcast %jit3A_2021 : f32 to vector<64x128xf32>
    %select_n3A_2023 = arith.select %lt3A_2019, %broadcast_in_dim3A_2022, %select_n3A_2017 : vector<64x128xi1>, vector<64x128xf32>
    %slice3A_2024 = vector.extract_strided_slice %sub3A {offsets = [320, 640], sizes = [64, 128], strides = [1, 1]} : vector<512x8192xf32> to vector<64x128xf32>
    %lt3A_2025 = arith.cmpf olt, %slice3A_2024, %select_n3A_2020 : vector<64x128xf32>
    %select_n3A_2026 = arith.select %lt3A_2025, %slice3A_2024, %select_n3A_2020 : vector<64x128xi1>, vector<64x128xf32>
    %jit3A_2027 = arith.constant 5.000000e+00 : f32
    %broadcast_in_dim3A_2028 = vector.broadcast %jit3A_2027 : f32 to vector<64x128xf32>
    %select_n3A_2029 = arith.select %lt3A_2025, %broadcast_in_dim3A_2028, %select_n3A_2023 : vector<64x128xi1>, vector<64x128xf32>
    %slice3A_2030 = vector.extract_strided_slice %sub3A {offsets = [320, 768], sizes = [64, 128], strides = [1, 1]} : vector<512x8192xf32> to vector<64x128xf32>
    %lt3A_2031 = arith.cmpf olt, %slice3A_2030, %select_n3A_2026 : vector<64x128xf32>
    %select_n3A_2032 = arith.select %lt3A_2031, %slice3A_2030, %select_n3A_2026 : vector<64x128xi1>, vector<64x128xf32>
    %jit3A_2033 = arith.constant 6.000000e+00 : f32
    %broadcast_in_dim3A_2034 = vector.broadcast %jit3A_2033 : f32 to vector<64x128xf32>
    %select_n3A_2035 = arith.select %lt3A_2031, %broadcast_in_dim3A_2034, %select_n3A_2029 : vector<64x128xi1>, vector<64x128xf32>
    %slice3A_2036 = vector.extract_strided_slice %sub3A {offsets = [320, 896], sizes = [64, 128], strides = [1, 1]} : vector<512x8192xf32> to vector<64x128xf32>
    %lt3A_2037 = arith.cmpf olt, %slice3A_2036, %select_n3A_2032 : vector<64x128xf32>
    %select_n3A_2038 = arith.select %lt3A_2037, %slice3A_2036, %select_n3A_2032 : vector<64x128xi1>, vector<64x128xf32>
    %jit3A_2039 = arith.constant 7.000000e+00 : f32
    %broadcast_in_dim3A_2040 = vector.broadcast %jit3A_2039 : f32 to vector<64x128xf32>
    %select_n3A_2041 = arith.select %lt3A_2037, %broadcast_in_dim3A_2040, %select_n3A_2035 : vector<64x128xi1>, vector<64x128xf32>
    %slice3A_2042 = vector.extract_strided_slice %sub3A {offsets = [320, 1024], sizes = [64, 128], strides = [1, 1]} : vector<512x8192xf32> to vector<64x128xf32>
    %lt3A_2043 = arith.cmpf olt, %slice3A_2042, %select_n3A_2038 : vector<64x128xf32>
    %select_n3A_2044 = arith.select %lt3A_2043, %slice3A_2042, %select_n3A_2038 : vector<64x128xi1>, vector<64x128xf32>
    %jit3A_2045 = arith.constant 8.000000e+00 : f32
    %broadcast_in_dim3A_2046 = vector.broadcast %jit3A_2045 : f32 to vector<64x128xf32>
    %select_n3A_2047 = arith.select %lt3A_2043, %broadcast_in_dim3A_2046, %select_n3A_2041 : vector<64x128xi1>, vector<64x128xf32>
    %slice3A_2048 = vector.extract_strided_slice %sub3A {offsets = [320, 1152], sizes = [64, 128], strides = [1, 1]} : vector<512x8192xf32> to vector<64x128xf32>
    %lt3A_2049 = arith.cmpf olt, %slice3A_2048, %select_n3A_2044 : vector<64x128xf32>
    %select_n3A_2050 = arith.select %lt3A_2049, %slice3A_2048, %select_n3A_2044 : vector<64x128xi1>, vector<64x128xf32>
    %jit3A_2051 = arith.constant 9.000000e+00 : f32
    %broadcast_in_dim3A_2052 = vector.broadcast %jit3A_2051 : f32 to vector<64x128xf32>
    %select_n3A_2053 = arith.select %lt3A_2049, %broadcast_in_dim3A_2052, %select_n3A_2047 : vector<64x128xi1>, vector<64x128xf32>
    %slice3A_2054 = vector.extract_strided_slice %sub3A {offsets = [320, 1280], sizes = [64, 128], strides = [1, 1]} : vector<512x8192xf32> to vector<64x128xf32>
    %lt3A_2055 = arith.cmpf olt, %slice3A_2054, %select_n3A_2050 : vector<64x128xf32>
    %select_n3A_2056 = arith.select %lt3A_2055, %slice3A_2054, %select_n3A_2050 : vector<64x128xi1>, vector<64x128xf32>
    %jit3A_2057 = arith.constant 1.000000e+01 : f32
    %broadcast_in_dim3A_2058 = vector.broadcast %jit3A_2057 : f32 to vector<64x128xf32>
    %select_n3A_2059 = arith.select %lt3A_2055, %broadcast_in_dim3A_2058, %select_n3A_2053 : vector<64x128xi1>, vector<64x128xf32>
    %slice3A_2060 = vector.extract_strided_slice %sub3A {offsets = [320, 1408], sizes = [64, 128], strides = [1, 1]} : vector<512x8192xf32> to vector<64x128xf32>
    %lt3A_2061 = arith.cmpf olt, %slice3A_2060, %select_n3A_2056 : vector<64x128xf32>
    %select_n3A_2062 = arith.select %lt3A_2061, %slice3A_2060, %select_n3A_2056 : vector<64x128xi1>, vector<64x128xf32>
    %jit3A_2063 = arith.constant 1.100000e+01 : f32
    %broadcast_in_dim3A_2064 = vector.broadcast %jit3A_2063 : f32 to vector<64x128xf32>
    %select_n3A_2065 = arith.select %lt3A_2061, %broadcast_in_dim3A_2064, %select_n3A_2059 : vector<64x128xi1>, vector<64x128xf32>
    %slice3A_2066 = vector.extract_strided_slice %sub3A {offsets = [320, 1536], sizes = [64, 128], strides = [1, 1]} : vector<512x8192xf32> to vector<64x128xf32>
    %lt3A_2067 = arith.cmpf olt, %slice3A_2066, %select_n3A_2062 : vector<64x128xf32>
    %select_n3A_2068 = arith.select %lt3A_2067, %slice3A_2066, %select_n3A_2062 : vector<64x128xi1>, vector<64x128xf32>
    %jit3A_2069 = arith.constant 1.200000e+01 : f32
    %broadcast_in_dim3A_2070 = vector.broadcast %jit3A_2069 : f32 to vector<64x128xf32>
    %select_n3A_2071 = arith.select %lt3A_2067, %broadcast_in_dim3A_2070, %select_n3A_2065 : vector<64x128xi1>, vector<64x128xf32>
    %slice3A_2072 = vector.extract_strided_slice %sub3A {offsets = [320, 1664], sizes = [64, 128], strides = [1, 1]} : vector<512x8192xf32> to vector<64x128xf32>
    %lt3A_2073 = arith.cmpf olt, %slice3A_2072, %select_n3A_2068 : vector<64x128xf32>
    %select_n3A_2074 = arith.select %lt3A_2073, %slice3A_2072, %select_n3A_2068 : vector<64x128xi1>, vector<64x128xf32>
    %jit3A_2075 = arith.constant 1.300000e+01 : f32
    %broadcast_in_dim3A_2076 = vector.broadcast %jit3A_2075 : f32 to vector<64x128xf32>
    %select_n3A_2077 = arith.select %lt3A_2073, %broadcast_in_dim3A_2076, %select_n3A_2071 : vector<64x128xi1>, vector<64x128xf32>
    %slice3A_2078 = vector.extract_strided_slice %sub3A {offsets = [320, 1792], sizes = [64, 128], strides = [1, 1]} : vector<512x8192xf32> to vector<64x128xf32>
    %lt3A_2079 = arith.cmpf olt, %slice3A_2078, %select_n3A_2074 : vector<64x128xf32>
    %select_n3A_2080 = arith.select %lt3A_2079, %slice3A_2078, %select_n3A_2074 : vector<64x128xi1>, vector<64x128xf32>
    %jit3A_2081 = arith.constant 1.400000e+01 : f32
    %broadcast_in_dim3A_2082 = vector.broadcast %jit3A_2081 : f32 to vector<64x128xf32>
    %select_n3A_2083 = arith.select %lt3A_2079, %broadcast_in_dim3A_2082, %select_n3A_2077 : vector<64x128xi1>, vector<64x128xf32>
    %slice3A_2084 = vector.extract_strided_slice %sub3A {offsets = [320, 1920], sizes = [64, 128], strides = [1, 1]} : vector<512x8192xf32> to vector<64x128xf32>
    %lt3A_2085 = arith.cmpf olt, %slice3A_2084, %select_n3A_2080 : vector<64x128xf32>
    %select_n3A_2086 = arith.select %lt3A_2085, %slice3A_2084, %select_n3A_2080 : vector<64x128xi1>, vector<64x128xf32>
    %jit3A_2087 = arith.constant 1.500000e+01 : f32
    %broadcast_in_dim3A_2088 = vector.broadcast %jit3A_2087 : f32 to vector<64x128xf32>
    %select_n3A_2089 = arith.select %lt3A_2085, %broadcast_in_dim3A_2088, %select_n3A_2083 : vector<64x128xi1>, vector<64x128xf32>
    %slice3A_2090 = vector.extract_strided_slice %sub3A {offsets = [320, 2048], sizes = [64, 128], strides = [1, 1]} : vector<512x8192xf32> to vector<64x128xf32>
    %lt3A_2091 = arith.cmpf olt, %slice3A_2090, %select_n3A_2086 : vector<64x128xf32>
    %select_n3A_2092 = arith.select %lt3A_2091, %slice3A_2090, %select_n3A_2086 : vector<64x128xi1>, vector<64x128xf32>
    %jit3A_2093 = arith.constant 1.600000e+01 : f32
    %broadcast_in_dim3A_2094 = vector.broadcast %jit3A_2093 : f32 to vector<64x128xf32>
    %select_n3A_2095 = arith.select %lt3A_2091, %broadcast_in_dim3A_2094, %select_n3A_2089 : vector<64x128xi1>, vector<64x128xf32>
    %slice3A_2096 = vector.extract_strided_slice %sub3A {offsets = [320, 2176], sizes = [64, 128], strides = [1, 1]} : vector<512x8192xf32> to vector<64x128xf32>
    %lt3A_2097 = arith.cmpf olt, %slice3A_2096, %select_n3A_2092 : vector<64x128xf32>
    %select_n3A_2098 = arith.select %lt3A_2097, %slice3A_2096, %select_n3A_2092 : vector<64x128xi1>, vector<64x128xf32>
    %jit3A_2099 = arith.constant 1.700000e+01 : f32
    %broadcast_in_dim3A_2100 = vector.broadcast %jit3A_2099 : f32 to vector<64x128xf32>
    %select_n3A_2101 = arith.select %lt3A_2097, %broadcast_in_dim3A_2100, %select_n3A_2095 : vector<64x128xi1>, vector<64x128xf32>
    %slice3A_2102 = vector.extract_strided_slice %sub3A {offsets = [320, 2304], sizes = [64, 128], strides = [1, 1]} : vector<512x8192xf32> to vector<64x128xf32>
    %lt3A_2103 = arith.cmpf olt, %slice3A_2102, %select_n3A_2098 : vector<64x128xf32>
    %select_n3A_2104 = arith.select %lt3A_2103, %slice3A_2102, %select_n3A_2098 : vector<64x128xi1>, vector<64x128xf32>
    %jit3A_2105 = arith.constant 1.800000e+01 : f32
    %broadcast_in_dim3A_2106 = vector.broadcast %jit3A_2105 : f32 to vector<64x128xf32>
    %select_n3A_2107 = arith.select %lt3A_2103, %broadcast_in_dim3A_2106, %select_n3A_2101 : vector<64x128xi1>, vector<64x128xf32>
    %slice3A_2108 = vector.extract_strided_slice %sub3A {offsets = [320, 2432], sizes = [64, 128], strides = [1, 1]} : vector<512x8192xf32> to vector<64x128xf32>
    %lt3A_2109 = arith.cmpf olt, %slice3A_2108, %select_n3A_2104 : vector<64x128xf32>
    %select_n3A_2110 = arith.select %lt3A_2109, %slice3A_2108, %select_n3A_2104 : vector<64x128xi1>, vector<64x128xf32>
    %jit3A_2111 = arith.constant 1.900000e+01 : f32
    %broadcast_in_dim3A_2112 = vector.broadcast %jit3A_2111 : f32 to vector<64x128xf32>
    %select_n3A_2113 = arith.select %lt3A_2109, %broadcast_in_dim3A_2112, %select_n3A_2107 : vector<64x128xi1>, vector<64x128xf32>
    %slice3A_2114 = vector.extract_strided_slice %sub3A {offsets = [320, 2560], sizes = [64, 128], strides = [1, 1]} : vector<512x8192xf32> to vector<64x128xf32>
    %lt3A_2115 = arith.cmpf olt, %slice3A_2114, %select_n3A_2110 : vector<64x128xf32>
    %select_n3A_2116 = arith.select %lt3A_2115, %slice3A_2114, %select_n3A_2110 : vector<64x128xi1>, vector<64x128xf32>
    %jit3A_2117 = arith.constant 2.000000e+01 : f32
    %broadcast_in_dim3A_2118 = vector.broadcast %jit3A_2117 : f32 to vector<64x128xf32>
    %select_n3A_2119 = arith.select %lt3A_2115, %broadcast_in_dim3A_2118, %select_n3A_2113 : vector<64x128xi1>, vector<64x128xf32>
    %slice3A_2120 = vector.extract_strided_slice %sub3A {offsets = [320, 2688], sizes = [64, 128], strides = [1, 1]} : vector<512x8192xf32> to vector<64x128xf32>
    %lt3A_2121 = arith.cmpf olt, %slice3A_2120, %select_n3A_2116 : vector<64x128xf32>
    %select_n3A_2122 = arith.select %lt3A_2121, %slice3A_2120, %select_n3A_2116 : vector<64x128xi1>, vector<64x128xf32>
    %jit3A_2123 = arith.constant 2.100000e+01 : f32
    %broadcast_in_dim3A_2124 = vector.broadcast %jit3A_2123 : f32 to vector<64x128xf32>
    %select_n3A_2125 = arith.select %lt3A_2121, %broadcast_in_dim3A_2124, %select_n3A_2119 : vector<64x128xi1>, vector<64x128xf32>
    %slice3A_2126 = vector.extract_strided_slice %sub3A {offsets = [320, 2816], sizes = [64, 128], strides = [1, 1]} : vector<512x8192xf32> to vector<64x128xf32>
    %lt3A_2127 = arith.cmpf olt, %slice3A_2126, %select_n3A_2122 : vector<64x128xf32>
    %select_n3A_2128 = arith.select %lt3A_2127, %slice3A_2126, %select_n3A_2122 : vector<64x128xi1>, vector<64x128xf32>
    %jit3A_2129 = arith.constant 2.200000e+01 : f32
    %broadcast_in_dim3A_2130 = vector.broadcast %jit3A_2129 : f32 to vector<64x128xf32>
    %select_n3A_2131 = arith.select %lt3A_2127, %broadcast_in_dim3A_2130, %select_n3A_2125 : vector<64x128xi1>, vector<64x128xf32>
    %slice3A_2132 = vector.extract_strided_slice %sub3A {offsets = [320, 2944], sizes = [64, 128], strides = [1, 1]} : vector<512x8192xf32> to vector<64x128xf32>
    %lt3A_2133 = arith.cmpf olt, %slice3A_2132, %select_n3A_2128 : vector<64x128xf32>
    %select_n3A_2134 = arith.select %lt3A_2133, %slice3A_2132, %select_n3A_2128 : vector<64x128xi1>, vector<64x128xf32>
    %jit3A_2135 = arith.constant 2.300000e+01 : f32
    %broadcast_in_dim3A_2136 = vector.broadcast %jit3A_2135 : f32 to vector<64x128xf32>
    %select_n3A_2137 = arith.select %lt3A_2133, %broadcast_in_dim3A_2136, %select_n3A_2131 : vector<64x128xi1>, vector<64x128xf32>
    %slice3A_2138 = vector.extract_strided_slice %sub3A {offsets = [320, 3072], sizes = [64, 128], strides = [1, 1]} : vector<512x8192xf32> to vector<64x128xf32>
    %lt3A_2139 = arith.cmpf olt, %slice3A_2138, %select_n3A_2134 : vector<64x128xf32>
    %select_n3A_2140 = arith.select %lt3A_2139, %slice3A_2138, %select_n3A_2134 : vector<64x128xi1>, vector<64x128xf32>
    %jit3A_2141 = arith.constant 2.400000e+01 : f32
    %broadcast_in_dim3A_2142 = vector.broadcast %jit3A_2141 : f32 to vector<64x128xf32>
    %select_n3A_2143 = arith.select %lt3A_2139, %broadcast_in_dim3A_2142, %select_n3A_2137 : vector<64x128xi1>, vector<64x128xf32>
    %slice3A_2144 = vector.extract_strided_slice %sub3A {offsets = [320, 3200], sizes = [64, 128], strides = [1, 1]} : vector<512x8192xf32> to vector<64x128xf32>
    %lt3A_2145 = arith.cmpf olt, %slice3A_2144, %select_n3A_2140 : vector<64x128xf32>
    %select_n3A_2146 = arith.select %lt3A_2145, %slice3A_2144, %select_n3A_2140 : vector<64x128xi1>, vector<64x128xf32>
    %jit3A_2147 = arith.constant 2.500000e+01 : f32
    %broadcast_in_dim3A_2148 = vector.broadcast %jit3A_2147 : f32 to vector<64x128xf32>
    %select_n3A_2149 = arith.select %lt3A_2145, %broadcast_in_dim3A_2148, %select_n3A_2143 : vector<64x128xi1>, vector<64x128xf32>
    %slice3A_2150 = vector.extract_strided_slice %sub3A {offsets = [320, 3328], sizes = [64, 128], strides = [1, 1]} : vector<512x8192xf32> to vector<64x128xf32>
    %lt3A_2151 = arith.cmpf olt, %slice3A_2150, %select_n3A_2146 : vector<64x128xf32>
    %select_n3A_2152 = arith.select %lt3A_2151, %slice3A_2150, %select_n3A_2146 : vector<64x128xi1>, vector<64x128xf32>
    %jit3A_2153 = arith.constant 2.600000e+01 : f32
    %broadcast_in_dim3A_2154 = vector.broadcast %jit3A_2153 : f32 to vector<64x128xf32>
    %select_n3A_2155 = arith.select %lt3A_2151, %broadcast_in_dim3A_2154, %select_n3A_2149 : vector<64x128xi1>, vector<64x128xf32>
    %slice3A_2156 = vector.extract_strided_slice %sub3A {offsets = [320, 3456], sizes = [64, 128], strides = [1, 1]} : vector<512x8192xf32> to vector<64x128xf32>
    %lt3A_2157 = arith.cmpf olt, %slice3A_2156, %select_n3A_2152 : vector<64x128xf32>
    %select_n3A_2158 = arith.select %lt3A_2157, %slice3A_2156, %select_n3A_2152 : vector<64x128xi1>, vector<64x128xf32>
    %jit3A_2159 = arith.constant 2.700000e+01 : f32
    %broadcast_in_dim3A_2160 = vector.broadcast %jit3A_2159 : f32 to vector<64x128xf32>
    %select_n3A_2161 = arith.select %lt3A_2157, %broadcast_in_dim3A_2160, %select_n3A_2155 : vector<64x128xi1>, vector<64x128xf32>
    %slice3A_2162 = vector.extract_strided_slice %sub3A {offsets = [320, 3584], sizes = [64, 128], strides = [1, 1]} : vector<512x8192xf32> to vector<64x128xf32>
    %lt3A_2163 = arith.cmpf olt, %slice3A_2162, %select_n3A_2158 : vector<64x128xf32>
    %select_n3A_2164 = arith.select %lt3A_2163, %slice3A_2162, %select_n3A_2158 : vector<64x128xi1>, vector<64x128xf32>
    %jit3A_2165 = arith.constant 2.800000e+01 : f32
    %broadcast_in_dim3A_2166 = vector.broadcast %jit3A_2165 : f32 to vector<64x128xf32>
    %select_n3A_2167 = arith.select %lt3A_2163, %broadcast_in_dim3A_2166, %select_n3A_2161 : vector<64x128xi1>, vector<64x128xf32>
    %slice3A_2168 = vector.extract_strided_slice %sub3A {offsets = [320, 3712], sizes = [64, 128], strides = [1, 1]} : vector<512x8192xf32> to vector<64x128xf32>
    %lt3A_2169 = arith.cmpf olt, %slice3A_2168, %select_n3A_2164 : vector<64x128xf32>
    %select_n3A_2170 = arith.select %lt3A_2169, %slice3A_2168, %select_n3A_2164 : vector<64x128xi1>, vector<64x128xf32>
    %jit3A_2171 = arith.constant 2.900000e+01 : f32
    %broadcast_in_dim3A_2172 = vector.broadcast %jit3A_2171 : f32 to vector<64x128xf32>
    %select_n3A_2173 = arith.select %lt3A_2169, %broadcast_in_dim3A_2172, %select_n3A_2167 : vector<64x128xi1>, vector<64x128xf32>
    %slice3A_2174 = vector.extract_strided_slice %sub3A {offsets = [320, 3840], sizes = [64, 128], strides = [1, 1]} : vector<512x8192xf32> to vector<64x128xf32>
    %lt3A_2175 = arith.cmpf olt, %slice3A_2174, %select_n3A_2170 : vector<64x128xf32>
    %select_n3A_2176 = arith.select %lt3A_2175, %slice3A_2174, %select_n3A_2170 : vector<64x128xi1>, vector<64x128xf32>
    %jit3A_2177 = arith.constant 3.000000e+01 : f32
    %broadcast_in_dim3A_2178 = vector.broadcast %jit3A_2177 : f32 to vector<64x128xf32>
    %select_n3A_2179 = arith.select %lt3A_2175, %broadcast_in_dim3A_2178, %select_n3A_2173 : vector<64x128xi1>, vector<64x128xf32>
    %slice3A_2180 = vector.extract_strided_slice %sub3A {offsets = [320, 3968], sizes = [64, 128], strides = [1, 1]} : vector<512x8192xf32> to vector<64x128xf32>
    %lt3A_2181 = arith.cmpf olt, %slice3A_2180, %select_n3A_2176 : vector<64x128xf32>
    %select_n3A_2182 = arith.select %lt3A_2181, %slice3A_2180, %select_n3A_2176 : vector<64x128xi1>, vector<64x128xf32>
    %jit3A_2183 = arith.constant 3.100000e+01 : f32
    %broadcast_in_dim3A_2184 = vector.broadcast %jit3A_2183 : f32 to vector<64x128xf32>
    %select_n3A_2185 = arith.select %lt3A_2181, %broadcast_in_dim3A_2184, %select_n3A_2179 : vector<64x128xi1>, vector<64x128xf32>
    %slice3A_2186 = vector.extract_strided_slice %sub3A {offsets = [320, 4096], sizes = [64, 128], strides = [1, 1]} : vector<512x8192xf32> to vector<64x128xf32>
    %lt3A_2187 = arith.cmpf olt, %slice3A_2186, %select_n3A_2182 : vector<64x128xf32>
    %select_n3A_2188 = arith.select %lt3A_2187, %slice3A_2186, %select_n3A_2182 : vector<64x128xi1>, vector<64x128xf32>
    %jit3A_2189 = arith.constant 3.200000e+01 : f32
    %broadcast_in_dim3A_2190 = vector.broadcast %jit3A_2189 : f32 to vector<64x128xf32>
    %select_n3A_2191 = arith.select %lt3A_2187, %broadcast_in_dim3A_2190, %select_n3A_2185 : vector<64x128xi1>, vector<64x128xf32>
    %slice3A_2192 = vector.extract_strided_slice %sub3A {offsets = [320, 4224], sizes = [64, 128], strides = [1, 1]} : vector<512x8192xf32> to vector<64x128xf32>
    %lt3A_2193 = arith.cmpf olt, %slice3A_2192, %select_n3A_2188 : vector<64x128xf32>
    %select_n3A_2194 = arith.select %lt3A_2193, %slice3A_2192, %select_n3A_2188 : vector<64x128xi1>, vector<64x128xf32>
    %jit3A_2195 = arith.constant 3.300000e+01 : f32
    %broadcast_in_dim3A_2196 = vector.broadcast %jit3A_2195 : f32 to vector<64x128xf32>
    %select_n3A_2197 = arith.select %lt3A_2193, %broadcast_in_dim3A_2196, %select_n3A_2191 : vector<64x128xi1>, vector<64x128xf32>
    %slice3A_2198 = vector.extract_strided_slice %sub3A {offsets = [320, 4352], sizes = [64, 128], strides = [1, 1]} : vector<512x8192xf32> to vector<64x128xf32>
    %lt3A_2199 = arith.cmpf olt, %slice3A_2198, %select_n3A_2194 : vector<64x128xf32>
    %select_n3A_2200 = arith.select %lt3A_2199, %slice3A_2198, %select_n3A_2194 : vector<64x128xi1>, vector<64x128xf32>
    %jit3A_2201 = arith.constant 3.400000e+01 : f32
    %broadcast_in_dim3A_2202 = vector.broadcast %jit3A_2201 : f32 to vector<64x128xf32>
    %select_n3A_2203 = arith.select %lt3A_2199, %broadcast_in_dim3A_2202, %select_n3A_2197 : vector<64x128xi1>, vector<64x128xf32>
    %slice3A_2204 = vector.extract_strided_slice %sub3A {offsets = [320, 4480], sizes = [64, 128], strides = [1, 1]} : vector<512x8192xf32> to vector<64x128xf32>
    %lt3A_2205 = arith.cmpf olt, %slice3A_2204, %select_n3A_2200 : vector<64x128xf32>
    %select_n3A_2206 = arith.select %lt3A_2205, %slice3A_2204, %select_n3A_2200 : vector<64x128xi1>, vector<64x128xf32>
    %jit3A_2207 = arith.constant 3.500000e+01 : f32
    %broadcast_in_dim3A_2208 = vector.broadcast %jit3A_2207 : f32 to vector<64x128xf32>
    %select_n3A_2209 = arith.select %lt3A_2205, %broadcast_in_dim3A_2208, %select_n3A_2203 : vector<64x128xi1>, vector<64x128xf32>
    %slice3A_2210 = vector.extract_strided_slice %sub3A {offsets = [320, 4608], sizes = [64, 128], strides = [1, 1]} : vector<512x8192xf32> to vector<64x128xf32>
    %lt3A_2211 = arith.cmpf olt, %slice3A_2210, %select_n3A_2206 : vector<64x128xf32>
    %select_n3A_2212 = arith.select %lt3A_2211, %slice3A_2210, %select_n3A_2206 : vector<64x128xi1>, vector<64x128xf32>
    %jit3A_2213 = arith.constant 3.600000e+01 : f32
    %broadcast_in_dim3A_2214 = vector.broadcast %jit3A_2213 : f32 to vector<64x128xf32>
    %select_n3A_2215 = arith.select %lt3A_2211, %broadcast_in_dim3A_2214, %select_n3A_2209 : vector<64x128xi1>, vector<64x128xf32>
    %slice3A_2216 = vector.extract_strided_slice %sub3A {offsets = [320, 4736], sizes = [64, 128], strides = [1, 1]} : vector<512x8192xf32> to vector<64x128xf32>
    %lt3A_2217 = arith.cmpf olt, %slice3A_2216, %select_n3A_2212 : vector<64x128xf32>
    %select_n3A_2218 = arith.select %lt3A_2217, %slice3A_2216, %select_n3A_2212 : vector<64x128xi1>, vector<64x128xf32>
    %jit3A_2219 = arith.constant 3.700000e+01 : f32
    %broadcast_in_dim3A_2220 = vector.broadcast %jit3A_2219 : f32 to vector<64x128xf32>
    %select_n3A_2221 = arith.select %lt3A_2217, %broadcast_in_dim3A_2220, %select_n3A_2215 : vector<64x128xi1>, vector<64x128xf32>
    %slice3A_2222 = vector.extract_strided_slice %sub3A {offsets = [320, 4864], sizes = [64, 128], strides = [1, 1]} : vector<512x8192xf32> to vector<64x128xf32>
    %lt3A_2223 = arith.cmpf olt, %slice3A_2222, %select_n3A_2218 : vector<64x128xf32>
    %select_n3A_2224 = arith.select %lt3A_2223, %slice3A_2222, %select_n3A_2218 : vector<64x128xi1>, vector<64x128xf32>
    %jit3A_2225 = arith.constant 3.800000e+01 : f32
    %broadcast_in_dim3A_2226 = vector.broadcast %jit3A_2225 : f32 to vector<64x128xf32>
    %select_n3A_2227 = arith.select %lt3A_2223, %broadcast_in_dim3A_2226, %select_n3A_2221 : vector<64x128xi1>, vector<64x128xf32>
    %slice3A_2228 = vector.extract_strided_slice %sub3A {offsets = [320, 4992], sizes = [64, 128], strides = [1, 1]} : vector<512x8192xf32> to vector<64x128xf32>
    %lt3A_2229 = arith.cmpf olt, %slice3A_2228, %select_n3A_2224 : vector<64x128xf32>
    %select_n3A_2230 = arith.select %lt3A_2229, %slice3A_2228, %select_n3A_2224 : vector<64x128xi1>, vector<64x128xf32>
    %jit3A_2231 = arith.constant 3.900000e+01 : f32
    %broadcast_in_dim3A_2232 = vector.broadcast %jit3A_2231 : f32 to vector<64x128xf32>
    %select_n3A_2233 = arith.select %lt3A_2229, %broadcast_in_dim3A_2232, %select_n3A_2227 : vector<64x128xi1>, vector<64x128xf32>
    %slice3A_2234 = vector.extract_strided_slice %sub3A {offsets = [320, 5120], sizes = [64, 128], strides = [1, 1]} : vector<512x8192xf32> to vector<64x128xf32>
    %lt3A_2235 = arith.cmpf olt, %slice3A_2234, %select_n3A_2230 : vector<64x128xf32>
    %select_n3A_2236 = arith.select %lt3A_2235, %slice3A_2234, %select_n3A_2230 : vector<64x128xi1>, vector<64x128xf32>
    %jit3A_2237 = arith.constant 4.000000e+01 : f32
    %broadcast_in_dim3A_2238 = vector.broadcast %jit3A_2237 : f32 to vector<64x128xf32>
    %select_n3A_2239 = arith.select %lt3A_2235, %broadcast_in_dim3A_2238, %select_n3A_2233 : vector<64x128xi1>, vector<64x128xf32>
    %slice3A_2240 = vector.extract_strided_slice %sub3A {offsets = [320, 5248], sizes = [64, 128], strides = [1, 1]} : vector<512x8192xf32> to vector<64x128xf32>
    %lt3A_2241 = arith.cmpf olt, %slice3A_2240, %select_n3A_2236 : vector<64x128xf32>
    %select_n3A_2242 = arith.select %lt3A_2241, %slice3A_2240, %select_n3A_2236 : vector<64x128xi1>, vector<64x128xf32>
    %jit3A_2243 = arith.constant 4.100000e+01 : f32
    %broadcast_in_dim3A_2244 = vector.broadcast %jit3A_2243 : f32 to vector<64x128xf32>
    %select_n3A_2245 = arith.select %lt3A_2241, %broadcast_in_dim3A_2244, %select_n3A_2239 : vector<64x128xi1>, vector<64x128xf32>
    %slice3A_2246 = vector.extract_strided_slice %sub3A {offsets = [320, 5376], sizes = [64, 128], strides = [1, 1]} : vector<512x8192xf32> to vector<64x128xf32>
    %lt3A_2247 = arith.cmpf olt, %slice3A_2246, %select_n3A_2242 : vector<64x128xf32>
    %select_n3A_2248 = arith.select %lt3A_2247, %slice3A_2246, %select_n3A_2242 : vector<64x128xi1>, vector<64x128xf32>
    %jit3A_2249 = arith.constant 4.200000e+01 : f32
    %broadcast_in_dim3A_2250 = vector.broadcast %jit3A_2249 : f32 to vector<64x128xf32>
    %select_n3A_2251 = arith.select %lt3A_2247, %broadcast_in_dim3A_2250, %select_n3A_2245 : vector<64x128xi1>, vector<64x128xf32>
    %slice3A_2252 = vector.extract_strided_slice %sub3A {offsets = [320, 5504], sizes = [64, 128], strides = [1, 1]} : vector<512x8192xf32> to vector<64x128xf32>
    %lt3A_2253 = arith.cmpf olt, %slice3A_2252, %select_n3A_2248 : vector<64x128xf32>
    %select_n3A_2254 = arith.select %lt3A_2253, %slice3A_2252, %select_n3A_2248 : vector<64x128xi1>, vector<64x128xf32>
    %jit3A_2255 = arith.constant 4.300000e+01 : f32
    %broadcast_in_dim3A_2256 = vector.broadcast %jit3A_2255 : f32 to vector<64x128xf32>
    %select_n3A_2257 = arith.select %lt3A_2253, %broadcast_in_dim3A_2256, %select_n3A_2251 : vector<64x128xi1>, vector<64x128xf32>
    %slice3A_2258 = vector.extract_strided_slice %sub3A {offsets = [320, 5632], sizes = [64, 128], strides = [1, 1]} : vector<512x8192xf32> to vector<64x128xf32>
    %lt3A_2259 = arith.cmpf olt, %slice3A_2258, %select_n3A_2254 : vector<64x128xf32>
    %select_n3A_2260 = arith.select %lt3A_2259, %slice3A_2258, %select_n3A_2254 : vector<64x128xi1>, vector<64x128xf32>
    %jit3A_2261 = arith.constant 4.400000e+01 : f32
    %broadcast_in_dim3A_2262 = vector.broadcast %jit3A_2261 : f32 to vector<64x128xf32>
    %select_n3A_2263 = arith.select %lt3A_2259, %broadcast_in_dim3A_2262, %select_n3A_2257 : vector<64x128xi1>, vector<64x128xf32>
    %slice3A_2264 = vector.extract_strided_slice %sub3A {offsets = [320, 5760], sizes = [64, 128], strides = [1, 1]} : vector<512x8192xf32> to vector<64x128xf32>
    %lt3A_2265 = arith.cmpf olt, %slice3A_2264, %select_n3A_2260 : vector<64x128xf32>
    %select_n3A_2266 = arith.select %lt3A_2265, %slice3A_2264, %select_n3A_2260 : vector<64x128xi1>, vector<64x128xf32>
    %jit3A_2267 = arith.constant 4.500000e+01 : f32
    %broadcast_in_dim3A_2268 = vector.broadcast %jit3A_2267 : f32 to vector<64x128xf32>
    %select_n3A_2269 = arith.select %lt3A_2265, %broadcast_in_dim3A_2268, %select_n3A_2263 : vector<64x128xi1>, vector<64x128xf32>
    %slice3A_2270 = vector.extract_strided_slice %sub3A {offsets = [320, 5888], sizes = [64, 128], strides = [1, 1]} : vector<512x8192xf32> to vector<64x128xf32>
    %lt3A_2271 = arith.cmpf olt, %slice3A_2270, %select_n3A_2266 : vector<64x128xf32>
    %select_n3A_2272 = arith.select %lt3A_2271, %slice3A_2270, %select_n3A_2266 : vector<64x128xi1>, vector<64x128xf32>
    %jit3A_2273 = arith.constant 4.600000e+01 : f32
    %broadcast_in_dim3A_2274 = vector.broadcast %jit3A_2273 : f32 to vector<64x128xf32>
    %select_n3A_2275 = arith.select %lt3A_2271, %broadcast_in_dim3A_2274, %select_n3A_2269 : vector<64x128xi1>, vector<64x128xf32>
    %slice3A_2276 = vector.extract_strided_slice %sub3A {offsets = [320, 6016], sizes = [64, 128], strides = [1, 1]} : vector<512x8192xf32> to vector<64x128xf32>
    %lt3A_2277 = arith.cmpf olt, %slice3A_2276, %select_n3A_2272 : vector<64x128xf32>
    %select_n3A_2278 = arith.select %lt3A_2277, %slice3A_2276, %select_n3A_2272 : vector<64x128xi1>, vector<64x128xf32>
    %jit3A_2279 = arith.constant 4.700000e+01 : f32
    %broadcast_in_dim3A_2280 = vector.broadcast %jit3A_2279 : f32 to vector<64x128xf32>
    %select_n3A_2281 = arith.select %lt3A_2277, %broadcast_in_dim3A_2280, %select_n3A_2275 : vector<64x128xi1>, vector<64x128xf32>
    %slice3A_2282 = vector.extract_strided_slice %sub3A {offsets = [320, 6144], sizes = [64, 128], strides = [1, 1]} : vector<512x8192xf32> to vector<64x128xf32>
    %lt3A_2283 = arith.cmpf olt, %slice3A_2282, %select_n3A_2278 : vector<64x128xf32>
    %select_n3A_2284 = arith.select %lt3A_2283, %slice3A_2282, %select_n3A_2278 : vector<64x128xi1>, vector<64x128xf32>
    %jit3A_2285 = arith.constant 4.800000e+01 : f32
    %broadcast_in_dim3A_2286 = vector.broadcast %jit3A_2285 : f32 to vector<64x128xf32>
    %select_n3A_2287 = arith.select %lt3A_2283, %broadcast_in_dim3A_2286, %select_n3A_2281 : vector<64x128xi1>, vector<64x128xf32>
    %slice3A_2288 = vector.extract_strided_slice %sub3A {offsets = [320, 6272], sizes = [64, 128], strides = [1, 1]} : vector<512x8192xf32> to vector<64x128xf32>
    %lt3A_2289 = arith.cmpf olt, %slice3A_2288, %select_n3A_2284 : vector<64x128xf32>
    %select_n3A_2290 = arith.select %lt3A_2289, %slice3A_2288, %select_n3A_2284 : vector<64x128xi1>, vector<64x128xf32>
    %jit3A_2291 = arith.constant 4.900000e+01 : f32
    %broadcast_in_dim3A_2292 = vector.broadcast %jit3A_2291 : f32 to vector<64x128xf32>
    %select_n3A_2293 = arith.select %lt3A_2289, %broadcast_in_dim3A_2292, %select_n3A_2287 : vector<64x128xi1>, vector<64x128xf32>
    %slice3A_2294 = vector.extract_strided_slice %sub3A {offsets = [320, 6400], sizes = [64, 128], strides = [1, 1]} : vector<512x8192xf32> to vector<64x128xf32>
    %lt3A_2295 = arith.cmpf olt, %slice3A_2294, %select_n3A_2290 : vector<64x128xf32>
    %select_n3A_2296 = arith.select %lt3A_2295, %slice3A_2294, %select_n3A_2290 : vector<64x128xi1>, vector<64x128xf32>
    %jit3A_2297 = arith.constant 5.000000e+01 : f32
    %broadcast_in_dim3A_2298 = vector.broadcast %jit3A_2297 : f32 to vector<64x128xf32>
    %select_n3A_2299 = arith.select %lt3A_2295, %broadcast_in_dim3A_2298, %select_n3A_2293 : vector<64x128xi1>, vector<64x128xf32>
    %slice3A_2300 = vector.extract_strided_slice %sub3A {offsets = [320, 6528], sizes = [64, 128], strides = [1, 1]} : vector<512x8192xf32> to vector<64x128xf32>
    %lt3A_2301 = arith.cmpf olt, %slice3A_2300, %select_n3A_2296 : vector<64x128xf32>
    %select_n3A_2302 = arith.select %lt3A_2301, %slice3A_2300, %select_n3A_2296 : vector<64x128xi1>, vector<64x128xf32>
    %jit3A_2303 = arith.constant 5.100000e+01 : f32
    %broadcast_in_dim3A_2304 = vector.broadcast %jit3A_2303 : f32 to vector<64x128xf32>
    %select_n3A_2305 = arith.select %lt3A_2301, %broadcast_in_dim3A_2304, %select_n3A_2299 : vector<64x128xi1>, vector<64x128xf32>
    %slice3A_2306 = vector.extract_strided_slice %sub3A {offsets = [320, 6656], sizes = [64, 128], strides = [1, 1]} : vector<512x8192xf32> to vector<64x128xf32>
    %lt3A_2307 = arith.cmpf olt, %slice3A_2306, %select_n3A_2302 : vector<64x128xf32>
    %select_n3A_2308 = arith.select %lt3A_2307, %slice3A_2306, %select_n3A_2302 : vector<64x128xi1>, vector<64x128xf32>
    %jit3A_2309 = arith.constant 5.200000e+01 : f32
    %broadcast_in_dim3A_2310 = vector.broadcast %jit3A_2309 : f32 to vector<64x128xf32>
    %select_n3A_2311 = arith.select %lt3A_2307, %broadcast_in_dim3A_2310, %select_n3A_2305 : vector<64x128xi1>, vector<64x128xf32>
    %slice3A_2312 = vector.extract_strided_slice %sub3A {offsets = [320, 6784], sizes = [64, 128], strides = [1, 1]} : vector<512x8192xf32> to vector<64x128xf32>
    %lt3A_2313 = arith.cmpf olt, %slice3A_2312, %select_n3A_2308 : vector<64x128xf32>
    %select_n3A_2314 = arith.select %lt3A_2313, %slice3A_2312, %select_n3A_2308 : vector<64x128xi1>, vector<64x128xf32>
    %jit3A_2315 = arith.constant 5.300000e+01 : f32
    %broadcast_in_dim3A_2316 = vector.broadcast %jit3A_2315 : f32 to vector<64x128xf32>
    %select_n3A_2317 = arith.select %lt3A_2313, %broadcast_in_dim3A_2316, %select_n3A_2311 : vector<64x128xi1>, vector<64x128xf32>
    %slice3A_2318 = vector.extract_strided_slice %sub3A {offsets = [320, 6912], sizes = [64, 128], strides = [1, 1]} : vector<512x8192xf32> to vector<64x128xf32>
    %lt3A_2319 = arith.cmpf olt, %slice3A_2318, %select_n3A_2314 : vector<64x128xf32>
    %select_n3A_2320 = arith.select %lt3A_2319, %slice3A_2318, %select_n3A_2314 : vector<64x128xi1>, vector<64x128xf32>
    %jit3A_2321 = arith.constant 5.400000e+01 : f32
    %broadcast_in_dim3A_2322 = vector.broadcast %jit3A_2321 : f32 to vector<64x128xf32>
    %select_n3A_2323 = arith.select %lt3A_2319, %broadcast_in_dim3A_2322, %select_n3A_2317 : vector<64x128xi1>, vector<64x128xf32>
    %slice3A_2324 = vector.extract_strided_slice %sub3A {offsets = [320, 7040], sizes = [64, 128], strides = [1, 1]} : vector<512x8192xf32> to vector<64x128xf32>
    %lt3A_2325 = arith.cmpf olt, %slice3A_2324, %select_n3A_2320 : vector<64x128xf32>
    %select_n3A_2326 = arith.select %lt3A_2325, %slice3A_2324, %select_n3A_2320 : vector<64x128xi1>, vector<64x128xf32>
    %jit3A_2327 = arith.constant 5.500000e+01 : f32
    %broadcast_in_dim3A_2328 = vector.broadcast %jit3A_2327 : f32 to vector<64x128xf32>
    %select_n3A_2329 = arith.select %lt3A_2325, %broadcast_in_dim3A_2328, %select_n3A_2323 : vector<64x128xi1>, vector<64x128xf32>
    %slice3A_2330 = vector.extract_strided_slice %sub3A {offsets = [320, 7168], sizes = [64, 128], strides = [1, 1]} : vector<512x8192xf32> to vector<64x128xf32>
    %lt3A_2331 = arith.cmpf olt, %slice3A_2330, %select_n3A_2326 : vector<64x128xf32>
    %select_n3A_2332 = arith.select %lt3A_2331, %slice3A_2330, %select_n3A_2326 : vector<64x128xi1>, vector<64x128xf32>
    %jit3A_2333 = arith.constant 5.600000e+01 : f32
    %broadcast_in_dim3A_2334 = vector.broadcast %jit3A_2333 : f32 to vector<64x128xf32>
    %select_n3A_2335 = arith.select %lt3A_2331, %broadcast_in_dim3A_2334, %select_n3A_2329 : vector<64x128xi1>, vector<64x128xf32>
    %slice3A_2336 = vector.extract_strided_slice %sub3A {offsets = [320, 7296], sizes = [64, 128], strides = [1, 1]} : vector<512x8192xf32> to vector<64x128xf32>
    %lt3A_2337 = arith.cmpf olt, %slice3A_2336, %select_n3A_2332 : vector<64x128xf32>
    %select_n3A_2338 = arith.select %lt3A_2337, %slice3A_2336, %select_n3A_2332 : vector<64x128xi1>, vector<64x128xf32>
    %jit3A_2339 = arith.constant 5.700000e+01 : f32
    %broadcast_in_dim3A_2340 = vector.broadcast %jit3A_2339 : f32 to vector<64x128xf32>
    %select_n3A_2341 = arith.select %lt3A_2337, %broadcast_in_dim3A_2340, %select_n3A_2335 : vector<64x128xi1>, vector<64x128xf32>
    %slice3A_2342 = vector.extract_strided_slice %sub3A {offsets = [320, 7424], sizes = [64, 128], strides = [1, 1]} : vector<512x8192xf32> to vector<64x128xf32>
    %lt3A_2343 = arith.cmpf olt, %slice3A_2342, %select_n3A_2338 : vector<64x128xf32>
    %select_n3A_2344 = arith.select %lt3A_2343, %slice3A_2342, %select_n3A_2338 : vector<64x128xi1>, vector<64x128xf32>
    %jit3A_2345 = arith.constant 5.800000e+01 : f32
    %broadcast_in_dim3A_2346 = vector.broadcast %jit3A_2345 : f32 to vector<64x128xf32>
    %select_n3A_2347 = arith.select %lt3A_2343, %broadcast_in_dim3A_2346, %select_n3A_2341 : vector<64x128xi1>, vector<64x128xf32>
    %slice3A_2348 = vector.extract_strided_slice %sub3A {offsets = [320, 7552], sizes = [64, 128], strides = [1, 1]} : vector<512x8192xf32> to vector<64x128xf32>
    %lt3A_2349 = arith.cmpf olt, %slice3A_2348, %select_n3A_2344 : vector<64x128xf32>
    %select_n3A_2350 = arith.select %lt3A_2349, %slice3A_2348, %select_n3A_2344 : vector<64x128xi1>, vector<64x128xf32>
    %jit3A_2351 = arith.constant 5.900000e+01 : f32
    %broadcast_in_dim3A_2352 = vector.broadcast %jit3A_2351 : f32 to vector<64x128xf32>
    %select_n3A_2353 = arith.select %lt3A_2349, %broadcast_in_dim3A_2352, %select_n3A_2347 : vector<64x128xi1>, vector<64x128xf32>
    %slice3A_2354 = vector.extract_strided_slice %sub3A {offsets = [320, 7680], sizes = [64, 128], strides = [1, 1]} : vector<512x8192xf32> to vector<64x128xf32>
    %lt3A_2355 = arith.cmpf olt, %slice3A_2354, %select_n3A_2350 : vector<64x128xf32>
    %select_n3A_2356 = arith.select %lt3A_2355, %slice3A_2354, %select_n3A_2350 : vector<64x128xi1>, vector<64x128xf32>
    %jit3A_2357 = arith.constant 6.000000e+01 : f32
    %broadcast_in_dim3A_2358 = vector.broadcast %jit3A_2357 : f32 to vector<64x128xf32>
    %select_n3A_2359 = arith.select %lt3A_2355, %broadcast_in_dim3A_2358, %select_n3A_2353 : vector<64x128xi1>, vector<64x128xf32>
    %slice3A_2360 = vector.extract_strided_slice %sub3A {offsets = [320, 7808], sizes = [64, 128], strides = [1, 1]} : vector<512x8192xf32> to vector<64x128xf32>
    %lt3A_2361 = arith.cmpf olt, %slice3A_2360, %select_n3A_2356 : vector<64x128xf32>
    %select_n3A_2362 = arith.select %lt3A_2361, %slice3A_2360, %select_n3A_2356 : vector<64x128xi1>, vector<64x128xf32>
    %jit3A_2363 = arith.constant 6.100000e+01 : f32
    %broadcast_in_dim3A_2364 = vector.broadcast %jit3A_2363 : f32 to vector<64x128xf32>
    %select_n3A_2365 = arith.select %lt3A_2361, %broadcast_in_dim3A_2364, %select_n3A_2359 : vector<64x128xi1>, vector<64x128xf32>
    %slice3A_2366 = vector.extract_strided_slice %sub3A {offsets = [320, 7936], sizes = [64, 128], strides = [1, 1]} : vector<512x8192xf32> to vector<64x128xf32>
    %lt3A_2367 = arith.cmpf olt, %slice3A_2366, %select_n3A_2362 : vector<64x128xf32>
    %select_n3A_2368 = arith.select %lt3A_2367, %slice3A_2366, %select_n3A_2362 : vector<64x128xi1>, vector<64x128xf32>
    %jit3A_2369 = arith.constant 6.200000e+01 : f32
    %broadcast_in_dim3A_2370 = vector.broadcast %jit3A_2369 : f32 to vector<64x128xf32>
    %select_n3A_2371 = arith.select %lt3A_2367, %broadcast_in_dim3A_2370, %select_n3A_2365 : vector<64x128xi1>, vector<64x128xf32>
    %slice3A_2372 = vector.extract_strided_slice %sub3A {offsets = [320, 8064], sizes = [64, 128], strides = [1, 1]} : vector<512x8192xf32> to vector<64x128xf32>
    %lt3A_2373 = arith.cmpf olt, %slice3A_2372, %select_n3A_2368 : vector<64x128xf32>
    %select_n3A_2374 = arith.select %lt3A_2373, %slice3A_2372, %select_n3A_2368 : vector<64x128xi1>, vector<64x128xf32>
    %jit3A_2375 = arith.constant 6.300000e+01 : f32
    %broadcast_in_dim3A_2376 = vector.broadcast %jit3A_2375 : f32 to vector<64x128xf32>
    %select_n3A_2377 = arith.select %lt3A_2373, %broadcast_in_dim3A_2376, %select_n3A_2371 : vector<64x128xi1>, vector<64x128xf32>
    %mul3A_2378 = arith.constant 1.280000e+02 : f32
    %mul3A_2379 = vector.broadcast %mul3A_2378 : f32 to vector<64x128xf32>
    %mul3A_2380 = arith.mulf %select_n3A_2377, %mul3A_2379 : vector<64x128xf32>
    %add3A_2381 = arith.addf %mul3A_2380, %convert_element_type3A : vector<64x128xf32>
    %reduce_min3A_2382 = arith.constant dense<0x7F800000> : vector<64xf32>
    %reduce_min3A_2383 = vector.multi_reduction <minimumf>, %select_n3A_2374, %reduce_min3A_2382 [1] : vector<64x128xf32> to vector<64xf32>
    %broadcast_in_dim3A_2384 = vector.shape_cast %reduce_min3A_2383 : vector<64xf32> to vector<64x1xf32>
    %eq3A_2385 = vector.broadcast %broadcast_in_dim3A_2384 : vector<64x1xf32> to vector<64x128xf32>
    %eq3A_2386 = arith.cmpf oeq, %select_n3A_2374, %eq3A_2385 : vector<64x128xf32>
    %jit3A_2387 = arith.constant 1.07374182E+9 : f32
    %broadcast_in_dim3A_2388 = vector.broadcast %jit3A_2387 : f32 to vector<64x128xf32>
    %select_n3A_2389 = arith.select %eq3A_2386, %add3A_2381, %broadcast_in_dim3A_2388 : vector<64x128xi1>, vector<64x128xf32>
    %reduce_min3A_2390 = arith.constant dense<0x7F800000> : vector<64xf32>
    %reduce_min3A_2391 = vector.multi_reduction <minimumf>, %select_n3A_2389, %reduce_min3A_2390 [1] : vector<64x128xf32> to vector<64xf32>
    %convert_element_type3A_2392 = arith.fptosi %reduce_min3A_2391 : vector<64xf32> to vector<64xi32>
    %swap3A_2393 = arith.constant 320 : index
    %swap3A_2394 = vector.load %arg5[%swap3A_2393] : memref<512xi32, #tpu.memory_space<vmem>>, vector<64xi32>
    tpu.vector_store %arg5[%swap3A_2393], %convert_element_type3A_2392 {strides = array<i32>} : memref<512xi32, #tpu.memory_space<vmem>>, vector<64xi32>,
    %slice3A_2395 = vector.extract_strided_slice %sub3A {offsets = [384, 0], sizes = [64, 128], strides = [1, 1]} : vector<512x8192xf32> to vector<64x128xf32>
    %broadcast_in_dim3A_2396 = arith.constant 0.000000e+00 : f32
    %broadcast_in_dim3A_2397 = vector.broadcast %broadcast_in_dim3A_2396 : f32 to vector<64x128xf32>
    %slice3A_2398 = vector.extract_strided_slice %sub3A {offsets = [384, 128], sizes = [64, 128], strides = [1, 1]} : vector<512x8192xf32> to vector<64x128xf32>
    %lt3A_2399 = arith.cmpf olt, %slice3A_2398, %slice3A_2395 : vector<64x128xf32>
    %select_n3A_2400 = arith.select %lt3A_2399, %slice3A_2398, %slice3A_2395 : vector<64x128xi1>, vector<64x128xf32>
    %jit3A_2401 = arith.constant 1.000000e+00 : f32
    %broadcast_in_dim3A_2402 = vector.broadcast %jit3A_2401 : f32 to vector<64x128xf32>
    %select_n3A_2403 = arith.select %lt3A_2399, %broadcast_in_dim3A_2402, %broadcast_in_dim3A_2397 : vector<64x128xi1>, vector<64x128xf32>
    %slice3A_2404 = vector.extract_strided_slice %sub3A {offsets = [384, 256], sizes = [64, 128], strides = [1, 1]} : vector<512x8192xf32> to vector<64x128xf32>
    %lt3A_2405 = arith.cmpf olt, %slice3A_2404, %select_n3A_2400 : vector<64x128xf32>
    %select_n3A_2406 = arith.select %lt3A_2405, %slice3A_2404, %select_n3A_2400 : vector<64x128xi1>, vector<64x128xf32>
    %jit3A_2407 = arith.constant 2.000000e+00 : f32
    %broadcast_in_dim3A_2408 = vector.broadcast %jit3A_2407 : f32 to vector<64x128xf32>
    %select_n3A_2409 = arith.select %lt3A_2405, %broadcast_in_dim3A_2408, %select_n3A_2403 : vector<64x128xi1>, vector<64x128xf32>
    %slice3A_2410 = vector.extract_strided_slice %sub3A {offsets = [384, 384], sizes = [64, 128], strides = [1, 1]} : vector<512x8192xf32> to vector<64x128xf32>
    %lt3A_2411 = arith.cmpf olt, %slice3A_2410, %select_n3A_2406 : vector<64x128xf32>
    %select_n3A_2412 = arith.select %lt3A_2411, %slice3A_2410, %select_n3A_2406 : vector<64x128xi1>, vector<64x128xf32>
    %jit3A_2413 = arith.constant 3.000000e+00 : f32
    %broadcast_in_dim3A_2414 = vector.broadcast %jit3A_2413 : f32 to vector<64x128xf32>
    %select_n3A_2415 = arith.select %lt3A_2411, %broadcast_in_dim3A_2414, %select_n3A_2409 : vector<64x128xi1>, vector<64x128xf32>
    %slice3A_2416 = vector.extract_strided_slice %sub3A {offsets = [384, 512], sizes = [64, 128], strides = [1, 1]} : vector<512x8192xf32> to vector<64x128xf32>
    %lt3A_2417 = arith.cmpf olt, %slice3A_2416, %select_n3A_2412 : vector<64x128xf32>
    %select_n3A_2418 = arith.select %lt3A_2417, %slice3A_2416, %select_n3A_2412 : vector<64x128xi1>, vector<64x128xf32>
    %jit3A_2419 = arith.constant 4.000000e+00 : f32
    %broadcast_in_dim3A_2420 = vector.broadcast %jit3A_2419 : f32 to vector<64x128xf32>
    %select_n3A_2421 = arith.select %lt3A_2417, %broadcast_in_dim3A_2420, %select_n3A_2415 : vector<64x128xi1>, vector<64x128xf32>
    %slice3A_2422 = vector.extract_strided_slice %sub3A {offsets = [384, 640], sizes = [64, 128], strides = [1, 1]} : vector<512x8192xf32> to vector<64x128xf32>
    %lt3A_2423 = arith.cmpf olt, %slice3A_2422, %select_n3A_2418 : vector<64x128xf32>
    %select_n3A_2424 = arith.select %lt3A_2423, %slice3A_2422, %select_n3A_2418 : vector<64x128xi1>, vector<64x128xf32>
    %jit3A_2425 = arith.constant 5.000000e+00 : f32
    %broadcast_in_dim3A_2426 = vector.broadcast %jit3A_2425 : f32 to vector<64x128xf32>
    %select_n3A_2427 = arith.select %lt3A_2423, %broadcast_in_dim3A_2426, %select_n3A_2421 : vector<64x128xi1>, vector<64x128xf32>
    %slice3A_2428 = vector.extract_strided_slice %sub3A {offsets = [384, 768], sizes = [64, 128], strides = [1, 1]} : vector<512x8192xf32> to vector<64x128xf32>
    %lt3A_2429 = arith.cmpf olt, %slice3A_2428, %select_n3A_2424 : vector<64x128xf32>
    %select_n3A_2430 = arith.select %lt3A_2429, %slice3A_2428, %select_n3A_2424 : vector<64x128xi1>, vector<64x128xf32>
    %jit3A_2431 = arith.constant 6.000000e+00 : f32
    %broadcast_in_dim3A_2432 = vector.broadcast %jit3A_2431 : f32 to vector<64x128xf32>
    %select_n3A_2433 = arith.select %lt3A_2429, %broadcast_in_dim3A_2432, %select_n3A_2427 : vector<64x128xi1>, vector<64x128xf32>
    %slice3A_2434 = vector.extract_strided_slice %sub3A {offsets = [384, 896], sizes = [64, 128], strides = [1, 1]} : vector<512x8192xf32> to vector<64x128xf32>
    %lt3A_2435 = arith.cmpf olt, %slice3A_2434, %select_n3A_2430 : vector<64x128xf32>
    %select_n3A_2436 = arith.select %lt3A_2435, %slice3A_2434, %select_n3A_2430 : vector<64x128xi1>, vector<64x128xf32>
    %jit3A_2437 = arith.constant 7.000000e+00 : f32
    %broadcast_in_dim3A_2438 = vector.broadcast %jit3A_2437 : f32 to vector<64x128xf32>
    %select_n3A_2439 = arith.select %lt3A_2435, %broadcast_in_dim3A_2438, %select_n3A_2433 : vector<64x128xi1>, vector<64x128xf32>
    %slice3A_2440 = vector.extract_strided_slice %sub3A {offsets = [384, 1024], sizes = [64, 128], strides = [1, 1]} : vector<512x8192xf32> to vector<64x128xf32>
    %lt3A_2441 = arith.cmpf olt, %slice3A_2440, %select_n3A_2436 : vector<64x128xf32>
    %select_n3A_2442 = arith.select %lt3A_2441, %slice3A_2440, %select_n3A_2436 : vector<64x128xi1>, vector<64x128xf32>
    %jit3A_2443 = arith.constant 8.000000e+00 : f32
    %broadcast_in_dim3A_2444 = vector.broadcast %jit3A_2443 : f32 to vector<64x128xf32>
    %select_n3A_2445 = arith.select %lt3A_2441, %broadcast_in_dim3A_2444, %select_n3A_2439 : vector<64x128xi1>, vector<64x128xf32>
    %slice3A_2446 = vector.extract_strided_slice %sub3A {offsets = [384, 1152], sizes = [64, 128], strides = [1, 1]} : vector<512x8192xf32> to vector<64x128xf32>
    %lt3A_2447 = arith.cmpf olt, %slice3A_2446, %select_n3A_2442 : vector<64x128xf32>
    %select_n3A_2448 = arith.select %lt3A_2447, %slice3A_2446, %select_n3A_2442 : vector<64x128xi1>, vector<64x128xf32>
    %jit3A_2449 = arith.constant 9.000000e+00 : f32
    %broadcast_in_dim3A_2450 = vector.broadcast %jit3A_2449 : f32 to vector<64x128xf32>
    %select_n3A_2451 = arith.select %lt3A_2447, %broadcast_in_dim3A_2450, %select_n3A_2445 : vector<64x128xi1>, vector<64x128xf32>
    %slice3A_2452 = vector.extract_strided_slice %sub3A {offsets = [384, 1280], sizes = [64, 128], strides = [1, 1]} : vector<512x8192xf32> to vector<64x128xf32>
    %lt3A_2453 = arith.cmpf olt, %slice3A_2452, %select_n3A_2448 : vector<64x128xf32>
    %select_n3A_2454 = arith.select %lt3A_2453, %slice3A_2452, %select_n3A_2448 : vector<64x128xi1>, vector<64x128xf32>
    %jit3A_2455 = arith.constant 1.000000e+01 : f32
    %broadcast_in_dim3A_2456 = vector.broadcast %jit3A_2455 : f32 to vector<64x128xf32>
    %select_n3A_2457 = arith.select %lt3A_2453, %broadcast_in_dim3A_2456, %select_n3A_2451 : vector<64x128xi1>, vector<64x128xf32>
    %slice3A_2458 = vector.extract_strided_slice %sub3A {offsets = [384, 1408], sizes = [64, 128], strides = [1, 1]} : vector<512x8192xf32> to vector<64x128xf32>
    %lt3A_2459 = arith.cmpf olt, %slice3A_2458, %select_n3A_2454 : vector<64x128xf32>
    %select_n3A_2460 = arith.select %lt3A_2459, %slice3A_2458, %select_n3A_2454 : vector<64x128xi1>, vector<64x128xf32>
    %jit3A_2461 = arith.constant 1.100000e+01 : f32
    %broadcast_in_dim3A_2462 = vector.broadcast %jit3A_2461 : f32 to vector<64x128xf32>
    %select_n3A_2463 = arith.select %lt3A_2459, %broadcast_in_dim3A_2462, %select_n3A_2457 : vector<64x128xi1>, vector<64x128xf32>
    %slice3A_2464 = vector.extract_strided_slice %sub3A {offsets = [384, 1536], sizes = [64, 128], strides = [1, 1]} : vector<512x8192xf32> to vector<64x128xf32>
    %lt3A_2465 = arith.cmpf olt, %slice3A_2464, %select_n3A_2460 : vector<64x128xf32>
    %select_n3A_2466 = arith.select %lt3A_2465, %slice3A_2464, %select_n3A_2460 : vector<64x128xi1>, vector<64x128xf32>
    %jit3A_2467 = arith.constant 1.200000e+01 : f32
    %broadcast_in_dim3A_2468 = vector.broadcast %jit3A_2467 : f32 to vector<64x128xf32>
    %select_n3A_2469 = arith.select %lt3A_2465, %broadcast_in_dim3A_2468, %select_n3A_2463 : vector<64x128xi1>, vector<64x128xf32>
    %slice3A_2470 = vector.extract_strided_slice %sub3A {offsets = [384, 1664], sizes = [64, 128], strides = [1, 1]} : vector<512x8192xf32> to vector<64x128xf32>
    %lt3A_2471 = arith.cmpf olt, %slice3A_2470, %select_n3A_2466 : vector<64x128xf32>
    %select_n3A_2472 = arith.select %lt3A_2471, %slice3A_2470, %select_n3A_2466 : vector<64x128xi1>, vector<64x128xf32>
    %jit3A_2473 = arith.constant 1.300000e+01 : f32
    %broadcast_in_dim3A_2474 = vector.broadcast %jit3A_2473 : f32 to vector<64x128xf32>
    %select_n3A_2475 = arith.select %lt3A_2471, %broadcast_in_dim3A_2474, %select_n3A_2469 : vector<64x128xi1>, vector<64x128xf32>
    %slice3A_2476 = vector.extract_strided_slice %sub3A {offsets = [384, 1792], sizes = [64, 128], strides = [1, 1]} : vector<512x8192xf32> to vector<64x128xf32>
    %lt3A_2477 = arith.cmpf olt, %slice3A_2476, %select_n3A_2472 : vector<64x128xf32>
    %select_n3A_2478 = arith.select %lt3A_2477, %slice3A_2476, %select_n3A_2472 : vector<64x128xi1>, vector<64x128xf32>
    %jit3A_2479 = arith.constant 1.400000e+01 : f32
    %broadcast_in_dim3A_2480 = vector.broadcast %jit3A_2479 : f32 to vector<64x128xf32>
    %select_n3A_2481 = arith.select %lt3A_2477, %broadcast_in_dim3A_2480, %select_n3A_2475 : vector<64x128xi1>, vector<64x128xf32>
    %slice3A_2482 = vector.extract_strided_slice %sub3A {offsets = [384, 1920], sizes = [64, 128], strides = [1, 1]} : vector<512x8192xf32> to vector<64x128xf32>
    %lt3A_2483 = arith.cmpf olt, %slice3A_2482, %select_n3A_2478 : vector<64x128xf32>
    %select_n3A_2484 = arith.select %lt3A_2483, %slice3A_2482, %select_n3A_2478 : vector<64x128xi1>, vector<64x128xf32>
    %jit3A_2485 = arith.constant 1.500000e+01 : f32
    %broadcast_in_dim3A_2486 = vector.broadcast %jit3A_2485 : f32 to vector<64x128xf32>
    %select_n3A_2487 = arith.select %lt3A_2483, %broadcast_in_dim3A_2486, %select_n3A_2481 : vector<64x128xi1>, vector<64x128xf32>
    %slice3A_2488 = vector.extract_strided_slice %sub3A {offsets = [384, 2048], sizes = [64, 128], strides = [1, 1]} : vector<512x8192xf32> to vector<64x128xf32>
    %lt3A_2489 = arith.cmpf olt, %slice3A_2488, %select_n3A_2484 : vector<64x128xf32>
    %select_n3A_2490 = arith.select %lt3A_2489, %slice3A_2488, %select_n3A_2484 : vector<64x128xi1>, vector<64x128xf32>
    %jit3A_2491 = arith.constant 1.600000e+01 : f32
    %broadcast_in_dim3A_2492 = vector.broadcast %jit3A_2491 : f32 to vector<64x128xf32>
    %select_n3A_2493 = arith.select %lt3A_2489, %broadcast_in_dim3A_2492, %select_n3A_2487 : vector<64x128xi1>, vector<64x128xf32>
    %slice3A_2494 = vector.extract_strided_slice %sub3A {offsets = [384, 2176], sizes = [64, 128], strides = [1, 1]} : vector<512x8192xf32> to vector<64x128xf32>
    %lt3A_2495 = arith.cmpf olt, %slice3A_2494, %select_n3A_2490 : vector<64x128xf32>
    %select_n3A_2496 = arith.select %lt3A_2495, %slice3A_2494, %select_n3A_2490 : vector<64x128xi1>, vector<64x128xf32>
    %jit3A_2497 = arith.constant 1.700000e+01 : f32
    %broadcast_in_dim3A_2498 = vector.broadcast %jit3A_2497 : f32 to vector<64x128xf32>
    %select_n3A_2499 = arith.select %lt3A_2495, %broadcast_in_dim3A_2498, %select_n3A_2493 : vector<64x128xi1>, vector<64x128xf32>
    %slice3A_2500 = vector.extract_strided_slice %sub3A {offsets = [384, 2304], sizes = [64, 128], strides = [1, 1]} : vector<512x8192xf32> to vector<64x128xf32>
    %lt3A_2501 = arith.cmpf olt, %slice3A_2500, %select_n3A_2496 : vector<64x128xf32>
    %select_n3A_2502 = arith.select %lt3A_2501, %slice3A_2500, %select_n3A_2496 : vector<64x128xi1>, vector<64x128xf32>
    %jit3A_2503 = arith.constant 1.800000e+01 : f32
    %broadcast_in_dim3A_2504 = vector.broadcast %jit3A_2503 : f32 to vector<64x128xf32>
    %select_n3A_2505 = arith.select %lt3A_2501, %broadcast_in_dim3A_2504, %select_n3A_2499 : vector<64x128xi1>, vector<64x128xf32>
    %slice3A_2506 = vector.extract_strided_slice %sub3A {offsets = [384, 2432], sizes = [64, 128], strides = [1, 1]} : vector<512x8192xf32> to vector<64x128xf32>
    %lt3A_2507 = arith.cmpf olt, %slice3A_2506, %select_n3A_2502 : vector<64x128xf32>
    %select_n3A_2508 = arith.select %lt3A_2507, %slice3A_2506, %select_n3A_2502 : vector<64x128xi1>, vector<64x128xf32>
    %jit3A_2509 = arith.constant 1.900000e+01 : f32
    %broadcast_in_dim3A_2510 = vector.broadcast %jit3A_2509 : f32 to vector<64x128xf32>
    %select_n3A_2511 = arith.select %lt3A_2507, %broadcast_in_dim3A_2510, %select_n3A_2505 : vector<64x128xi1>, vector<64x128xf32>
    %slice3A_2512 = vector.extract_strided_slice %sub3A {offsets = [384, 2560], sizes = [64, 128], strides = [1, 1]} : vector<512x8192xf32> to vector<64x128xf32>
    %lt3A_2513 = arith.cmpf olt, %slice3A_2512, %select_n3A_2508 : vector<64x128xf32>
    %select_n3A_2514 = arith.select %lt3A_2513, %slice3A_2512, %select_n3A_2508 : vector<64x128xi1>, vector<64x128xf32>
    %jit3A_2515 = arith.constant 2.000000e+01 : f32
    %broadcast_in_dim3A_2516 = vector.broadcast %jit3A_2515 : f32 to vector<64x128xf32>
    %select_n3A_2517 = arith.select %lt3A_2513, %broadcast_in_dim3A_2516, %select_n3A_2511 : vector<64x128xi1>, vector<64x128xf32>
    %slice3A_2518 = vector.extract_strided_slice %sub3A {offsets = [384, 2688], sizes = [64, 128], strides = [1, 1]} : vector<512x8192xf32> to vector<64x128xf32>
    %lt3A_2519 = arith.cmpf olt, %slice3A_2518, %select_n3A_2514 : vector<64x128xf32>
    %select_n3A_2520 = arith.select %lt3A_2519, %slice3A_2518, %select_n3A_2514 : vector<64x128xi1>, vector<64x128xf32>
    %jit3A_2521 = arith.constant 2.100000e+01 : f32
    %broadcast_in_dim3A_2522 = vector.broadcast %jit3A_2521 : f32 to vector<64x128xf32>
    %select_n3A_2523 = arith.select %lt3A_2519, %broadcast_in_dim3A_2522, %select_n3A_2517 : vector<64x128xi1>, vector<64x128xf32>
    %slice3A_2524 = vector.extract_strided_slice %sub3A {offsets = [384, 2816], sizes = [64, 128], strides = [1, 1]} : vector<512x8192xf32> to vector<64x128xf32>
    %lt3A_2525 = arith.cmpf olt, %slice3A_2524, %select_n3A_2520 : vector<64x128xf32>
    %select_n3A_2526 = arith.select %lt3A_2525, %slice3A_2524, %select_n3A_2520 : vector<64x128xi1>, vector<64x128xf32>
    %jit3A_2527 = arith.constant 2.200000e+01 : f32
    %broadcast_in_dim3A_2528 = vector.broadcast %jit3A_2527 : f32 to vector<64x128xf32>
    %select_n3A_2529 = arith.select %lt3A_2525, %broadcast_in_dim3A_2528, %select_n3A_2523 : vector<64x128xi1>, vector<64x128xf32>
    %slice3A_2530 = vector.extract_strided_slice %sub3A {offsets = [384, 2944], sizes = [64, 128], strides = [1, 1]} : vector<512x8192xf32> to vector<64x128xf32>
    %lt3A_2531 = arith.cmpf olt, %slice3A_2530, %select_n3A_2526 : vector<64x128xf32>
    %select_n3A_2532 = arith.select %lt3A_2531, %slice3A_2530, %select_n3A_2526 : vector<64x128xi1>, vector<64x128xf32>
    %jit3A_2533 = arith.constant 2.300000e+01 : f32
    %broadcast_in_dim3A_2534 = vector.broadcast %jit3A_2533 : f32 to vector<64x128xf32>
    %select_n3A_2535 = arith.select %lt3A_2531, %broadcast_in_dim3A_2534, %select_n3A_2529 : vector<64x128xi1>, vector<64x128xf32>
    %slice3A_2536 = vector.extract_strided_slice %sub3A {offsets = [384, 3072], sizes = [64, 128], strides = [1, 1]} : vector<512x8192xf32> to vector<64x128xf32>
    %lt3A_2537 = arith.cmpf olt, %slice3A_2536, %select_n3A_2532 : vector<64x128xf32>
    %select_n3A_2538 = arith.select %lt3A_2537, %slice3A_2536, %select_n3A_2532 : vector<64x128xi1>, vector<64x128xf32>
    %jit3A_2539 = arith.constant 2.400000e+01 : f32
    %broadcast_in_dim3A_2540 = vector.broadcast %jit3A_2539 : f32 to vector<64x128xf32>
    %select_n3A_2541 = arith.select %lt3A_2537, %broadcast_in_dim3A_2540, %select_n3A_2535 : vector<64x128xi1>, vector<64x128xf32>
    %slice3A_2542 = vector.extract_strided_slice %sub3A {offsets = [384, 3200], sizes = [64, 128], strides = [1, 1]} : vector<512x8192xf32> to vector<64x128xf32>
    %lt3A_2543 = arith.cmpf olt, %slice3A_2542, %select_n3A_2538 : vector<64x128xf32>
    %select_n3A_2544 = arith.select %lt3A_2543, %slice3A_2542, %select_n3A_2538 : vector<64x128xi1>, vector<64x128xf32>
    %jit3A_2545 = arith.constant 2.500000e+01 : f32
    %broadcast_in_dim3A_2546 = vector.broadcast %jit3A_2545 : f32 to vector<64x128xf32>
    %select_n3A_2547 = arith.select %lt3A_2543, %broadcast_in_dim3A_2546, %select_n3A_2541 : vector<64x128xi1>, vector<64x128xf32>
    %slice3A_2548 = vector.extract_strided_slice %sub3A {offsets = [384, 3328], sizes = [64, 128], strides = [1, 1]} : vector<512x8192xf32> to vector<64x128xf32>
    %lt3A_2549 = arith.cmpf olt, %slice3A_2548, %select_n3A_2544 : vector<64x128xf32>
    %select_n3A_2550 = arith.select %lt3A_2549, %slice3A_2548, %select_n3A_2544 : vector<64x128xi1>, vector<64x128xf32>
    %jit3A_2551 = arith.constant 2.600000e+01 : f32
    %broadcast_in_dim3A_2552 = vector.broadcast %jit3A_2551 : f32 to vector<64x128xf32>
    %select_n3A_2553 = arith.select %lt3A_2549, %broadcast_in_dim3A_2552, %select_n3A_2547 : vector<64x128xi1>, vector<64x128xf32>
    %slice3A_2554 = vector.extract_strided_slice %sub3A {offsets = [384, 3456], sizes = [64, 128], strides = [1, 1]} : vector<512x8192xf32> to vector<64x128xf32>
    %lt3A_2555 = arith.cmpf olt, %slice3A_2554, %select_n3A_2550 : vector<64x128xf32>
    %select_n3A_2556 = arith.select %lt3A_2555, %slice3A_2554, %select_n3A_2550 : vector<64x128xi1>, vector<64x128xf32>
    %jit3A_2557 = arith.constant 2.700000e+01 : f32
    %broadcast_in_dim3A_2558 = vector.broadcast %jit3A_2557 : f32 to vector<64x128xf32>
    %select_n3A_2559 = arith.select %lt3A_2555, %broadcast_in_dim3A_2558, %select_n3A_2553 : vector<64x128xi1>, vector<64x128xf32>
    %slice3A_2560 = vector.extract_strided_slice %sub3A {offsets = [384, 3584], sizes = [64, 128], strides = [1, 1]} : vector<512x8192xf32> to vector<64x128xf32>
    %lt3A_2561 = arith.cmpf olt, %slice3A_2560, %select_n3A_2556 : vector<64x128xf32>
    %select_n3A_2562 = arith.select %lt3A_2561, %slice3A_2560, %select_n3A_2556 : vector<64x128xi1>, vector<64x128xf32>
    %jit3A_2563 = arith.constant 2.800000e+01 : f32
    %broadcast_in_dim3A_2564 = vector.broadcast %jit3A_2563 : f32 to vector<64x128xf32>
    %select_n3A_2565 = arith.select %lt3A_2561, %broadcast_in_dim3A_2564, %select_n3A_2559 : vector<64x128xi1>, vector<64x128xf32>
    %slice3A_2566 = vector.extract_strided_slice %sub3A {offsets = [384, 3712], sizes = [64, 128], strides = [1, 1]} : vector<512x8192xf32> to vector<64x128xf32>
    %lt3A_2567 = arith.cmpf olt, %slice3A_2566, %select_n3A_2562 : vector<64x128xf32>
    %select_n3A_2568 = arith.select %lt3A_2567, %slice3A_2566, %select_n3A_2562 : vector<64x128xi1>, vector<64x128xf32>
    %jit3A_2569 = arith.constant 2.900000e+01 : f32
    %broadcast_in_dim3A_2570 = vector.broadcast %jit3A_2569 : f32 to vector<64x128xf32>
    %select_n3A_2571 = arith.select %lt3A_2567, %broadcast_in_dim3A_2570, %select_n3A_2565 : vector<64x128xi1>, vector<64x128xf32>
    %slice3A_2572 = vector.extract_strided_slice %sub3A {offsets = [384, 3840], sizes = [64, 128], strides = [1, 1]} : vector<512x8192xf32> to vector<64x128xf32>
    %lt3A_2573 = arith.cmpf olt, %slice3A_2572, %select_n3A_2568 : vector<64x128xf32>
    %select_n3A_2574 = arith.select %lt3A_2573, %slice3A_2572, %select_n3A_2568 : vector<64x128xi1>, vector<64x128xf32>
    %jit3A_2575 = arith.constant 3.000000e+01 : f32
    %broadcast_in_dim3A_2576 = vector.broadcast %jit3A_2575 : f32 to vector<64x128xf32>
    %select_n3A_2577 = arith.select %lt3A_2573, %broadcast_in_dim3A_2576, %select_n3A_2571 : vector<64x128xi1>, vector<64x128xf32>
    %slice3A_2578 = vector.extract_strided_slice %sub3A {offsets = [384, 3968], sizes = [64, 128], strides = [1, 1]} : vector<512x8192xf32> to vector<64x128xf32>
    %lt3A_2579 = arith.cmpf olt, %slice3A_2578, %select_n3A_2574 : vector<64x128xf32>
    %select_n3A_2580 = arith.select %lt3A_2579, %slice3A_2578, %select_n3A_2574 : vector<64x128xi1>, vector<64x128xf32>
    %jit3A_2581 = arith.constant 3.100000e+01 : f32
    %broadcast_in_dim3A_2582 = vector.broadcast %jit3A_2581 : f32 to vector<64x128xf32>
    %select_n3A_2583 = arith.select %lt3A_2579, %broadcast_in_dim3A_2582, %select_n3A_2577 : vector<64x128xi1>, vector<64x128xf32>
    %slice3A_2584 = vector.extract_strided_slice %sub3A {offsets = [384, 4096], sizes = [64, 128], strides = [1, 1]} : vector<512x8192xf32> to vector<64x128xf32>
    %lt3A_2585 = arith.cmpf olt, %slice3A_2584, %select_n3A_2580 : vector<64x128xf32>
    %select_n3A_2586 = arith.select %lt3A_2585, %slice3A_2584, %select_n3A_2580 : vector<64x128xi1>, vector<64x128xf32>
    %jit3A_2587 = arith.constant 3.200000e+01 : f32
    %broadcast_in_dim3A_2588 = vector.broadcast %jit3A_2587 : f32 to vector<64x128xf32>
    %select_n3A_2589 = arith.select %lt3A_2585, %broadcast_in_dim3A_2588, %select_n3A_2583 : vector<64x128xi1>, vector<64x128xf32>
    %slice3A_2590 = vector.extract_strided_slice %sub3A {offsets = [384, 4224], sizes = [64, 128], strides = [1, 1]} : vector<512x8192xf32> to vector<64x128xf32>
    %lt3A_2591 = arith.cmpf olt, %slice3A_2590, %select_n3A_2586 : vector<64x128xf32>
    %select_n3A_2592 = arith.select %lt3A_2591, %slice3A_2590, %select_n3A_2586 : vector<64x128xi1>, vector<64x128xf32>
    %jit3A_2593 = arith.constant 3.300000e+01 : f32
    %broadcast_in_dim3A_2594 = vector.broadcast %jit3A_2593 : f32 to vector<64x128xf32>
    %select_n3A_2595 = arith.select %lt3A_2591, %broadcast_in_dim3A_2594, %select_n3A_2589 : vector<64x128xi1>, vector<64x128xf32>
    %slice3A_2596 = vector.extract_strided_slice %sub3A {offsets = [384, 4352], sizes = [64, 128], strides = [1, 1]} : vector<512x8192xf32> to vector<64x128xf32>
    %lt3A_2597 = arith.cmpf olt, %slice3A_2596, %select_n3A_2592 : vector<64x128xf32>
    %select_n3A_2598 = arith.select %lt3A_2597, %slice3A_2596, %select_n3A_2592 : vector<64x128xi1>, vector<64x128xf32>
    %jit3A_2599 = arith.constant 3.400000e+01 : f32
    %broadcast_in_dim3A_2600 = vector.broadcast %jit3A_2599 : f32 to vector<64x128xf32>
    %select_n3A_2601 = arith.select %lt3A_2597, %broadcast_in_dim3A_2600, %select_n3A_2595 : vector<64x128xi1>, vector<64x128xf32>
    %slice3A_2602 = vector.extract_strided_slice %sub3A {offsets = [384, 4480], sizes = [64, 128], strides = [1, 1]} : vector<512x8192xf32> to vector<64x128xf32>
    %lt3A_2603 = arith.cmpf olt, %slice3A_2602, %select_n3A_2598 : vector<64x128xf32>
    %select_n3A_2604 = arith.select %lt3A_2603, %slice3A_2602, %select_n3A_2598 : vector<64x128xi1>, vector<64x128xf32>
    %jit3A_2605 = arith.constant 3.500000e+01 : f32
    %broadcast_in_dim3A_2606 = vector.broadcast %jit3A_2605 : f32 to vector<64x128xf32>
    %select_n3A_2607 = arith.select %lt3A_2603, %broadcast_in_dim3A_2606, %select_n3A_2601 : vector<64x128xi1>, vector<64x128xf32>
    %slice3A_2608 = vector.extract_strided_slice %sub3A {offsets = [384, 4608], sizes = [64, 128], strides = [1, 1]} : vector<512x8192xf32> to vector<64x128xf32>
    %lt3A_2609 = arith.cmpf olt, %slice3A_2608, %select_n3A_2604 : vector<64x128xf32>
    %select_n3A_2610 = arith.select %lt3A_2609, %slice3A_2608, %select_n3A_2604 : vector<64x128xi1>, vector<64x128xf32>
    %jit3A_2611 = arith.constant 3.600000e+01 : f32
    %broadcast_in_dim3A_2612 = vector.broadcast %jit3A_2611 : f32 to vector<64x128xf32>
    %select_n3A_2613 = arith.select %lt3A_2609, %broadcast_in_dim3A_2612, %select_n3A_2607 : vector<64x128xi1>, vector<64x128xf32>
    %slice3A_2614 = vector.extract_strided_slice %sub3A {offsets = [384, 4736], sizes = [64, 128], strides = [1, 1]} : vector<512x8192xf32> to vector<64x128xf32>
    %lt3A_2615 = arith.cmpf olt, %slice3A_2614, %select_n3A_2610 : vector<64x128xf32>
    %select_n3A_2616 = arith.select %lt3A_2615, %slice3A_2614, %select_n3A_2610 : vector<64x128xi1>, vector<64x128xf32>
    %jit3A_2617 = arith.constant 3.700000e+01 : f32
    %broadcast_in_dim3A_2618 = vector.broadcast %jit3A_2617 : f32 to vector<64x128xf32>
    %select_n3A_2619 = arith.select %lt3A_2615, %broadcast_in_dim3A_2618, %select_n3A_2613 : vector<64x128xi1>, vector<64x128xf32>
    %slice3A_2620 = vector.extract_strided_slice %sub3A {offsets = [384, 4864], sizes = [64, 128], strides = [1, 1]} : vector<512x8192xf32> to vector<64x128xf32>
    %lt3A_2621 = arith.cmpf olt, %slice3A_2620, %select_n3A_2616 : vector<64x128xf32>
    %select_n3A_2622 = arith.select %lt3A_2621, %slice3A_2620, %select_n3A_2616 : vector<64x128xi1>, vector<64x128xf32>
    %jit3A_2623 = arith.constant 3.800000e+01 : f32
    %broadcast_in_dim3A_2624 = vector.broadcast %jit3A_2623 : f32 to vector<64x128xf32>
    %select_n3A_2625 = arith.select %lt3A_2621, %broadcast_in_dim3A_2624, %select_n3A_2619 : vector<64x128xi1>, vector<64x128xf32>
    %slice3A_2626 = vector.extract_strided_slice %sub3A {offsets = [384, 4992], sizes = [64, 128], strides = [1, 1]} : vector<512x8192xf32> to vector<64x128xf32>
    %lt3A_2627 = arith.cmpf olt, %slice3A_2626, %select_n3A_2622 : vector<64x128xf32>
    %select_n3A_2628 = arith.select %lt3A_2627, %slice3A_2626, %select_n3A_2622 : vector<64x128xi1>, vector<64x128xf32>
    %jit3A_2629 = arith.constant 3.900000e+01 : f32
    %broadcast_in_dim3A_2630 = vector.broadcast %jit3A_2629 : f32 to vector<64x128xf32>
    %select_n3A_2631 = arith.select %lt3A_2627, %broadcast_in_dim3A_2630, %select_n3A_2625 : vector<64x128xi1>, vector<64x128xf32>
    %slice3A_2632 = vector.extract_strided_slice %sub3A {offsets = [384, 5120], sizes = [64, 128], strides = [1, 1]} : vector<512x8192xf32> to vector<64x128xf32>
    %lt3A_2633 = arith.cmpf olt, %slice3A_2632, %select_n3A_2628 : vector<64x128xf32>
    %select_n3A_2634 = arith.select %lt3A_2633, %slice3A_2632, %select_n3A_2628 : vector<64x128xi1>, vector<64x128xf32>
    %jit3A_2635 = arith.constant 4.000000e+01 : f32
    %broadcast_in_dim3A_2636 = vector.broadcast %jit3A_2635 : f32 to vector<64x128xf32>
    %select_n3A_2637 = arith.select %lt3A_2633, %broadcast_in_dim3A_2636, %select_n3A_2631 : vector<64x128xi1>, vector<64x128xf32>
    %slice3A_2638 = vector.extract_strided_slice %sub3A {offsets = [384, 5248], sizes = [64, 128], strides = [1, 1]} : vector<512x8192xf32> to vector<64x128xf32>
    %lt3A_2639 = arith.cmpf olt, %slice3A_2638, %select_n3A_2634 : vector<64x128xf32>
    %select_n3A_2640 = arith.select %lt3A_2639, %slice3A_2638, %select_n3A_2634 : vector<64x128xi1>, vector<64x128xf32>
    %jit3A_2641 = arith.constant 4.100000e+01 : f32
    %broadcast_in_dim3A_2642 = vector.broadcast %jit3A_2641 : f32 to vector<64x128xf32>
    %select_n3A_2643 = arith.select %lt3A_2639, %broadcast_in_dim3A_2642, %select_n3A_2637 : vector<64x128xi1>, vector<64x128xf32>
    %slice3A_2644 = vector.extract_strided_slice %sub3A {offsets = [384, 5376], sizes = [64, 128], strides = [1, 1]} : vector<512x8192xf32> to vector<64x128xf32>
    %lt3A_2645 = arith.cmpf olt, %slice3A_2644, %select_n3A_2640 : vector<64x128xf32>
    %select_n3A_2646 = arith.select %lt3A_2645, %slice3A_2644, %select_n3A_2640 : vector<64x128xi1>, vector<64x128xf32>
    %jit3A_2647 = arith.constant 4.200000e+01 : f32
    %broadcast_in_dim3A_2648 = vector.broadcast %jit3A_2647 : f32 to vector<64x128xf32>
    %select_n3A_2649 = arith.select %lt3A_2645, %broadcast_in_dim3A_2648, %select_n3A_2643 : vector<64x128xi1>, vector<64x128xf32>
    %slice3A_2650 = vector.extract_strided_slice %sub3A {offsets = [384, 5504], sizes = [64, 128], strides = [1, 1]} : vector<512x8192xf32> to vector<64x128xf32>
    %lt3A_2651 = arith.cmpf olt, %slice3A_2650, %select_n3A_2646 : vector<64x128xf32>
    %select_n3A_2652 = arith.select %lt3A_2651, %slice3A_2650, %select_n3A_2646 : vector<64x128xi1>, vector<64x128xf32>
    %jit3A_2653 = arith.constant 4.300000e+01 : f32
    %broadcast_in_dim3A_2654 = vector.broadcast %jit3A_2653 : f32 to vector<64x128xf32>
    %select_n3A_2655 = arith.select %lt3A_2651, %broadcast_in_dim3A_2654, %select_n3A_2649 : vector<64x128xi1>, vector<64x128xf32>
    %slice3A_2656 = vector.extract_strided_slice %sub3A {offsets = [384, 5632], sizes = [64, 128], strides = [1, 1]} : vector<512x8192xf32> to vector<64x128xf32>
    %lt3A_2657 = arith.cmpf olt, %slice3A_2656, %select_n3A_2652 : vector<64x128xf32>
    %select_n3A_2658 = arith.select %lt3A_2657, %slice3A_2656, %select_n3A_2652 : vector<64x128xi1>, vector<64x128xf32>
    %jit3A_2659 = arith.constant 4.400000e+01 : f32
    %broadcast_in_dim3A_2660 = vector.broadcast %jit3A_2659 : f32 to vector<64x128xf32>
    %select_n3A_2661 = arith.select %lt3A_2657, %broadcast_in_dim3A_2660, %select_n3A_2655 : vector<64x128xi1>, vector<64x128xf32>
    %slice3A_2662 = vector.extract_strided_slice %sub3A {offsets = [384, 5760], sizes = [64, 128], strides = [1, 1]} : vector<512x8192xf32> to vector<64x128xf32>
    %lt3A_2663 = arith.cmpf olt, %slice3A_2662, %select_n3A_2658 : vector<64x128xf32>
    %select_n3A_2664 = arith.select %lt3A_2663, %slice3A_2662, %select_n3A_2658 : vector<64x128xi1>, vector<64x128xf32>
    %jit3A_2665 = arith.constant 4.500000e+01 : f32
    %broadcast_in_dim3A_2666 = vector.broadcast %jit3A_2665 : f32 to vector<64x128xf32>
    %select_n3A_2667 = arith.select %lt3A_2663, %broadcast_in_dim3A_2666, %select_n3A_2661 : vector<64x128xi1>, vector<64x128xf32>
    %slice3A_2668 = vector.extract_strided_slice %sub3A {offsets = [384, 5888], sizes = [64, 128], strides = [1, 1]} : vector<512x8192xf32> to vector<64x128xf32>
    %lt3A_2669 = arith.cmpf olt, %slice3A_2668, %select_n3A_2664 : vector<64x128xf32>
    %select_n3A_2670 = arith.select %lt3A_2669, %slice3A_2668, %select_n3A_2664 : vector<64x128xi1>, vector<64x128xf32>
    %jit3A_2671 = arith.constant 4.600000e+01 : f32
    %broadcast_in_dim3A_2672 = vector.broadcast %jit3A_2671 : f32 to vector<64x128xf32>
    %select_n3A_2673 = arith.select %lt3A_2669, %broadcast_in_dim3A_2672, %select_n3A_2667 : vector<64x128xi1>, vector<64x128xf32>
    %slice3A_2674 = vector.extract_strided_slice %sub3A {offsets = [384, 6016], sizes = [64, 128], strides = [1, 1]} : vector<512x8192xf32> to vector<64x128xf32>
    %lt3A_2675 = arith.cmpf olt, %slice3A_2674, %select_n3A_2670 : vector<64x128xf32>
    %select_n3A_2676 = arith.select %lt3A_2675, %slice3A_2674, %select_n3A_2670 : vector<64x128xi1>, vector<64x128xf32>
    %jit3A_2677 = arith.constant 4.700000e+01 : f32
    %broadcast_in_dim3A_2678 = vector.broadcast %jit3A_2677 : f32 to vector<64x128xf32>
    %select_n3A_2679 = arith.select %lt3A_2675, %broadcast_in_dim3A_2678, %select_n3A_2673 : vector<64x128xi1>, vector<64x128xf32>
    %slice3A_2680 = vector.extract_strided_slice %sub3A {offsets = [384, 6144], sizes = [64, 128], strides = [1, 1]} : vector<512x8192xf32> to vector<64x128xf32>
    %lt3A_2681 = arith.cmpf olt, %slice3A_2680, %select_n3A_2676 : vector<64x128xf32>
    %select_n3A_2682 = arith.select %lt3A_2681, %slice3A_2680, %select_n3A_2676 : vector<64x128xi1>, vector<64x128xf32>
    %jit3A_2683 = arith.constant 4.800000e+01 : f32
    %broadcast_in_dim3A_2684 = vector.broadcast %jit3A_2683 : f32 to vector<64x128xf32>
    %select_n3A_2685 = arith.select %lt3A_2681, %broadcast_in_dim3A_2684, %select_n3A_2679 : vector<64x128xi1>, vector<64x128xf32>
    %slice3A_2686 = vector.extract_strided_slice %sub3A {offsets = [384, 6272], sizes = [64, 128], strides = [1, 1]} : vector<512x8192xf32> to vector<64x128xf32>
    %lt3A_2687 = arith.cmpf olt, %slice3A_2686, %select_n3A_2682 : vector<64x128xf32>
    %select_n3A_2688 = arith.select %lt3A_2687, %slice3A_2686, %select_n3A_2682 : vector<64x128xi1>, vector<64x128xf32>
    %jit3A_2689 = arith.constant 4.900000e+01 : f32
    %broadcast_in_dim3A_2690 = vector.broadcast %jit3A_2689 : f32 to vector<64x128xf32>
    %select_n3A_2691 = arith.select %lt3A_2687, %broadcast_in_dim3A_2690, %select_n3A_2685 : vector<64x128xi1>, vector<64x128xf32>
    %slice3A_2692 = vector.extract_strided_slice %sub3A {offsets = [384, 6400], sizes = [64, 128], strides = [1, 1]} : vector<512x8192xf32> to vector<64x128xf32>
    %lt3A_2693 = arith.cmpf olt, %slice3A_2692, %select_n3A_2688 : vector<64x128xf32>
    %select_n3A_2694 = arith.select %lt3A_2693, %slice3A_2692, %select_n3A_2688 : vector<64x128xi1>, vector<64x128xf32>
    %jit3A_2695 = arith.constant 5.000000e+01 : f32
    %broadcast_in_dim3A_2696 = vector.broadcast %jit3A_2695 : f32 to vector<64x128xf32>
    %select_n3A_2697 = arith.select %lt3A_2693, %broadcast_in_dim3A_2696, %select_n3A_2691 : vector<64x128xi1>, vector<64x128xf32>
    %slice3A_2698 = vector.extract_strided_slice %sub3A {offsets = [384, 6528], sizes = [64, 128], strides = [1, 1]} : vector<512x8192xf32> to vector<64x128xf32>
    %lt3A_2699 = arith.cmpf olt, %slice3A_2698, %select_n3A_2694 : vector<64x128xf32>
    %select_n3A_2700 = arith.select %lt3A_2699, %slice3A_2698, %select_n3A_2694 : vector<64x128xi1>, vector<64x128xf32>
    %jit3A_2701 = arith.constant 5.100000e+01 : f32
    %broadcast_in_dim3A_2702 = vector.broadcast %jit3A_2701 : f32 to vector<64x128xf32>
    %select_n3A_2703 = arith.select %lt3A_2699, %broadcast_in_dim3A_2702, %select_n3A_2697 : vector<64x128xi1>, vector<64x128xf32>
    %slice3A_2704 = vector.extract_strided_slice %sub3A {offsets = [384, 6656], sizes = [64, 128], strides = [1, 1]} : vector<512x8192xf32> to vector<64x128xf32>
    %lt3A_2705 = arith.cmpf olt, %slice3A_2704, %select_n3A_2700 : vector<64x128xf32>
    %select_n3A_2706 = arith.select %lt3A_2705, %slice3A_2704, %select_n3A_2700 : vector<64x128xi1>, vector<64x128xf32>
    %jit3A_2707 = arith.constant 5.200000e+01 : f32
    %broadcast_in_dim3A_2708 = vector.broadcast %jit3A_2707 : f32 to vector<64x128xf32>
    %select_n3A_2709 = arith.select %lt3A_2705, %broadcast_in_dim3A_2708, %select_n3A_2703 : vector<64x128xi1>, vector<64x128xf32>
    %slice3A_2710 = vector.extract_strided_slice %sub3A {offsets = [384, 6784], sizes = [64, 128], strides = [1, 1]} : vector<512x8192xf32> to vector<64x128xf32>
    %lt3A_2711 = arith.cmpf olt, %slice3A_2710, %select_n3A_2706 : vector<64x128xf32>
    %select_n3A_2712 = arith.select %lt3A_2711, %slice3A_2710, %select_n3A_2706 : vector<64x128xi1>, vector<64x128xf32>
    %jit3A_2713 = arith.constant 5.300000e+01 : f32
    %broadcast_in_dim3A_2714 = vector.broadcast %jit3A_2713 : f32 to vector<64x128xf32>
    %select_n3A_2715 = arith.select %lt3A_2711, %broadcast_in_dim3A_2714, %select_n3A_2709 : vector<64x128xi1>, vector<64x128xf32>
    %slice3A_2716 = vector.extract_strided_slice %sub3A {offsets = [384, 6912], sizes = [64, 128], strides = [1, 1]} : vector<512x8192xf32> to vector<64x128xf32>
    %lt3A_2717 = arith.cmpf olt, %slice3A_2716, %select_n3A_2712 : vector<64x128xf32>
    %select_n3A_2718 = arith.select %lt3A_2717, %slice3A_2716, %select_n3A_2712 : vector<64x128xi1>, vector<64x128xf32>
    %jit3A_2719 = arith.constant 5.400000e+01 : f32
    %broadcast_in_dim3A_2720 = vector.broadcast %jit3A_2719 : f32 to vector<64x128xf32>
    %select_n3A_2721 = arith.select %lt3A_2717, %broadcast_in_dim3A_2720, %select_n3A_2715 : vector<64x128xi1>, vector<64x128xf32>
    %slice3A_2722 = vector.extract_strided_slice %sub3A {offsets = [384, 7040], sizes = [64, 128], strides = [1, 1]} : vector<512x8192xf32> to vector<64x128xf32>
    %lt3A_2723 = arith.cmpf olt, %slice3A_2722, %select_n3A_2718 : vector<64x128xf32>
    %select_n3A_2724 = arith.select %lt3A_2723, %slice3A_2722, %select_n3A_2718 : vector<64x128xi1>, vector<64x128xf32>
    %jit3A_2725 = arith.constant 5.500000e+01 : f32
    %broadcast_in_dim3A_2726 = vector.broadcast %jit3A_2725 : f32 to vector<64x128xf32>
    %select_n3A_2727 = arith.select %lt3A_2723, %broadcast_in_dim3A_2726, %select_n3A_2721 : vector<64x128xi1>, vector<64x128xf32>
    %slice3A_2728 = vector.extract_strided_slice %sub3A {offsets = [384, 7168], sizes = [64, 128], strides = [1, 1]} : vector<512x8192xf32> to vector<64x128xf32>
    %lt3A_2729 = arith.cmpf olt, %slice3A_2728, %select_n3A_2724 : vector<64x128xf32>
    %select_n3A_2730 = arith.select %lt3A_2729, %slice3A_2728, %select_n3A_2724 : vector<64x128xi1>, vector<64x128xf32>
    %jit3A_2731 = arith.constant 5.600000e+01 : f32
    %broadcast_in_dim3A_2732 = vector.broadcast %jit3A_2731 : f32 to vector<64x128xf32>
    %select_n3A_2733 = arith.select %lt3A_2729, %broadcast_in_dim3A_2732, %select_n3A_2727 : vector<64x128xi1>, vector<64x128xf32>
    %slice3A_2734 = vector.extract_strided_slice %sub3A {offsets = [384, 7296], sizes = [64, 128], strides = [1, 1]} : vector<512x8192xf32> to vector<64x128xf32>
    %lt3A_2735 = arith.cmpf olt, %slice3A_2734, %select_n3A_2730 : vector<64x128xf32>
    %select_n3A_2736 = arith.select %lt3A_2735, %slice3A_2734, %select_n3A_2730 : vector<64x128xi1>, vector<64x128xf32>
    %jit3A_2737 = arith.constant 5.700000e+01 : f32
    %broadcast_in_dim3A_2738 = vector.broadcast %jit3A_2737 : f32 to vector<64x128xf32>
    %select_n3A_2739 = arith.select %lt3A_2735, %broadcast_in_dim3A_2738, %select_n3A_2733 : vector<64x128xi1>, vector<64x128xf32>
    %slice3A_2740 = vector.extract_strided_slice %sub3A {offsets = [384, 7424], sizes = [64, 128], strides = [1, 1]} : vector<512x8192xf32> to vector<64x128xf32>
    %lt3A_2741 = arith.cmpf olt, %slice3A_2740, %select_n3A_2736 : vector<64x128xf32>
    %select_n3A_2742 = arith.select %lt3A_2741, %slice3A_2740, %select_n3A_2736 : vector<64x128xi1>, vector<64x128xf32>
    %jit3A_2743 = arith.constant 5.800000e+01 : f32
    %broadcast_in_dim3A_2744 = vector.broadcast %jit3A_2743 : f32 to vector<64x128xf32>
    %select_n3A_2745 = arith.select %lt3A_2741, %broadcast_in_dim3A_2744, %select_n3A_2739 : vector<64x128xi1>, vector<64x128xf32>
    %slice3A_2746 = vector.extract_strided_slice %sub3A {offsets = [384, 7552], sizes = [64, 128], strides = [1, 1]} : vector<512x8192xf32> to vector<64x128xf32>
    %lt3A_2747 = arith.cmpf olt, %slice3A_2746, %select_n3A_2742 : vector<64x128xf32>
    %select_n3A_2748 = arith.select %lt3A_2747, %slice3A_2746, %select_n3A_2742 : vector<64x128xi1>, vector<64x128xf32>
    %jit3A_2749 = arith.constant 5.900000e+01 : f32
    %broadcast_in_dim3A_2750 = vector.broadcast %jit3A_2749 : f32 to vector<64x128xf32>
    %select_n3A_2751 = arith.select %lt3A_2747, %broadcast_in_dim3A_2750, %select_n3A_2745 : vector<64x128xi1>, vector<64x128xf32>
    %slice3A_2752 = vector.extract_strided_slice %sub3A {offsets = [384, 7680], sizes = [64, 128], strides = [1, 1]} : vector<512x8192xf32> to vector<64x128xf32>
    %lt3A_2753 = arith.cmpf olt, %slice3A_2752, %select_n3A_2748 : vector<64x128xf32>
    %select_n3A_2754 = arith.select %lt3A_2753, %slice3A_2752, %select_n3A_2748 : vector<64x128xi1>, vector<64x128xf32>
    %jit3A_2755 = arith.constant 6.000000e+01 : f32
    %broadcast_in_dim3A_2756 = vector.broadcast %jit3A_2755 : f32 to vector<64x128xf32>
    %select_n3A_2757 = arith.select %lt3A_2753, %broadcast_in_dim3A_2756, %select_n3A_2751 : vector<64x128xi1>, vector<64x128xf32>
    %slice3A_2758 = vector.extract_strided_slice %sub3A {offsets = [384, 7808], sizes = [64, 128], strides = [1, 1]} : vector<512x8192xf32> to vector<64x128xf32>
    %lt3A_2759 = arith.cmpf olt, %slice3A_2758, %select_n3A_2754 : vector<64x128xf32>
    %select_n3A_2760 = arith.select %lt3A_2759, %slice3A_2758, %select_n3A_2754 : vector<64x128xi1>, vector<64x128xf32>
    %jit3A_2761 = arith.constant 6.100000e+01 : f32
    %broadcast_in_dim3A_2762 = vector.broadcast %jit3A_2761 : f32 to vector<64x128xf32>
    %select_n3A_2763 = arith.select %lt3A_2759, %broadcast_in_dim3A_2762, %select_n3A_2757 : vector<64x128xi1>, vector<64x128xf32>
    %slice3A_2764 = vector.extract_strided_slice %sub3A {offsets = [384, 7936], sizes = [64, 128], strides = [1, 1]} : vector<512x8192xf32> to vector<64x128xf32>
    %lt3A_2765 = arith.cmpf olt, %slice3A_2764, %select_n3A_2760 : vector<64x128xf32>
    %select_n3A_2766 = arith.select %lt3A_2765, %slice3A_2764, %select_n3A_2760 : vector<64x128xi1>, vector<64x128xf32>
    %jit3A_2767 = arith.constant 6.200000e+01 : f32
    %broadcast_in_dim3A_2768 = vector.broadcast %jit3A_2767 : f32 to vector<64x128xf32>
    %select_n3A_2769 = arith.select %lt3A_2765, %broadcast_in_dim3A_2768, %select_n3A_2763 : vector<64x128xi1>, vector<64x128xf32>
    %slice3A_2770 = vector.extract_strided_slice %sub3A {offsets = [384, 8064], sizes = [64, 128], strides = [1, 1]} : vector<512x8192xf32> to vector<64x128xf32>
    %lt3A_2771 = arith.cmpf olt, %slice3A_2770, %select_n3A_2766 : vector<64x128xf32>
    %select_n3A_2772 = arith.select %lt3A_2771, %slice3A_2770, %select_n3A_2766 : vector<64x128xi1>, vector<64x128xf32>
    %jit3A_2773 = arith.constant 6.300000e+01 : f32
    %broadcast_in_dim3A_2774 = vector.broadcast %jit3A_2773 : f32 to vector<64x128xf32>
    %select_n3A_2775 = arith.select %lt3A_2771, %broadcast_in_dim3A_2774, %select_n3A_2769 : vector<64x128xi1>, vector<64x128xf32>
    %mul3A_2776 = arith.constant 1.280000e+02 : f32
    %mul3A_2777 = vector.broadcast %mul3A_2776 : f32 to vector<64x128xf32>
    %mul3A_2778 = arith.mulf %select_n3A_2775, %mul3A_2777 : vector<64x128xf32>
    %add3A_2779 = arith.addf %mul3A_2778, %convert_element_type3A : vector<64x128xf32>
    %reduce_min3A_2780 = arith.constant dense<0x7F800000> : vector<64xf32>
    %reduce_min3A_2781 = vector.multi_reduction <minimumf>, %select_n3A_2772, %reduce_min3A_2780 [1] : vector<64x128xf32> to vector<64xf32>
    %broadcast_in_dim3A_2782 = vector.shape_cast %reduce_min3A_2781 : vector<64xf32> to vector<64x1xf32>
    %eq3A_2783 = vector.broadcast %broadcast_in_dim3A_2782 : vector<64x1xf32> to vector<64x128xf32>
    %eq3A_2784 = arith.cmpf oeq, %select_n3A_2772, %eq3A_2783 : vector<64x128xf32>
    %jit3A_2785 = arith.constant 1.07374182E+9 : f32
    %broadcast_in_dim3A_2786 = vector.broadcast %jit3A_2785 : f32 to vector<64x128xf32>
    %select_n3A_2787 = arith.select %eq3A_2784, %add3A_2779, %broadcast_in_dim3A_2786 : vector<64x128xi1>, vector<64x128xf32>
    %reduce_min3A_2788 = arith.constant dense<0x7F800000> : vector<64xf32>
    %reduce_min3A_2789 = vector.multi_reduction <minimumf>, %select_n3A_2787, %reduce_min3A_2788 [1] : vector<64x128xf32> to vector<64xf32>
    %convert_element_type3A_2790 = arith.fptosi %reduce_min3A_2789 : vector<64xf32> to vector<64xi32>
    %swap3A_2791 = arith.constant 384 : index
    %swap3A_2792 = vector.load %arg5[%swap3A_2791] : memref<512xi32, #tpu.memory_space<vmem>>, vector<64xi32>
    tpu.vector_store %arg5[%swap3A_2791], %convert_element_type3A_2790 {strides = array<i32>} : memref<512xi32, #tpu.memory_space<vmem>>, vector<64xi32>,
    %slice3A_2793 = vector.extract_strided_slice %sub3A {offsets = [448, 0], sizes = [64, 128], strides = [1, 1]} : vector<512x8192xf32> to vector<64x128xf32>
    %broadcast_in_dim3A_2794 = arith.constant 0.000000e+00 : f32
    %broadcast_in_dim3A_2795 = vector.broadcast %broadcast_in_dim3A_2794 : f32 to vector<64x128xf32>
    %slice3A_2796 = vector.extract_strided_slice %sub3A {offsets = [448, 128], sizes = [64, 128], strides = [1, 1]} : vector<512x8192xf32> to vector<64x128xf32>
    %lt3A_2797 = arith.cmpf olt, %slice3A_2796, %slice3A_2793 : vector<64x128xf32>
    %select_n3A_2798 = arith.select %lt3A_2797, %slice3A_2796, %slice3A_2793 : vector<64x128xi1>, vector<64x128xf32>
    %jit3A_2799 = arith.constant 1.000000e+00 : f32
    %broadcast_in_dim3A_2800 = vector.broadcast %jit3A_2799 : f32 to vector<64x128xf32>
    %select_n3A_2801 = arith.select %lt3A_2797, %broadcast_in_dim3A_2800, %broadcast_in_dim3A_2795 : vector<64x128xi1>, vector<64x128xf32>
    %slice3A_2802 = vector.extract_strided_slice %sub3A {offsets = [448, 256], sizes = [64, 128], strides = [1, 1]} : vector<512x8192xf32> to vector<64x128xf32>
    %lt3A_2803 = arith.cmpf olt, %slice3A_2802, %select_n3A_2798 : vector<64x128xf32>
    %select_n3A_2804 = arith.select %lt3A_2803, %slice3A_2802, %select_n3A_2798 : vector<64x128xi1>, vector<64x128xf32>
    %jit3A_2805 = arith.constant 2.000000e+00 : f32
    %broadcast_in_dim3A_2806 = vector.broadcast %jit3A_2805 : f32 to vector<64x128xf32>
    %select_n3A_2807 = arith.select %lt3A_2803, %broadcast_in_dim3A_2806, %select_n3A_2801 : vector<64x128xi1>, vector<64x128xf32>
    %slice3A_2808 = vector.extract_strided_slice %sub3A {offsets = [448, 384], sizes = [64, 128], strides = [1, 1]} : vector<512x8192xf32> to vector<64x128xf32>
    %lt3A_2809 = arith.cmpf olt, %slice3A_2808, %select_n3A_2804 : vector<64x128xf32>
    %select_n3A_2810 = arith.select %lt3A_2809, %slice3A_2808, %select_n3A_2804 : vector<64x128xi1>, vector<64x128xf32>
    %jit3A_2811 = arith.constant 3.000000e+00 : f32
    %broadcast_in_dim3A_2812 = vector.broadcast %jit3A_2811 : f32 to vector<64x128xf32>
    %select_n3A_2813 = arith.select %lt3A_2809, %broadcast_in_dim3A_2812, %select_n3A_2807 : vector<64x128xi1>, vector<64x128xf32>
    %slice3A_2814 = vector.extract_strided_slice %sub3A {offsets = [448, 512], sizes = [64, 128], strides = [1, 1]} : vector<512x8192xf32> to vector<64x128xf32>
    %lt3A_2815 = arith.cmpf olt, %slice3A_2814, %select_n3A_2810 : vector<64x128xf32>
    %select_n3A_2816 = arith.select %lt3A_2815, %slice3A_2814, %select_n3A_2810 : vector<64x128xi1>, vector<64x128xf32>
    %jit3A_2817 = arith.constant 4.000000e+00 : f32
    %broadcast_in_dim3A_2818 = vector.broadcast %jit3A_2817 : f32 to vector<64x128xf32>
    %select_n3A_2819 = arith.select %lt3A_2815, %broadcast_in_dim3A_2818, %select_n3A_2813 : vector<64x128xi1>, vector<64x128xf32>
    %slice3A_2820 = vector.extract_strided_slice %sub3A {offsets = [448, 640], sizes = [64, 128], strides = [1, 1]} : vector<512x8192xf32> to vector<64x128xf32>
    %lt3A_2821 = arith.cmpf olt, %slice3A_2820, %select_n3A_2816 : vector<64x128xf32>
    %select_n3A_2822 = arith.select %lt3A_2821, %slice3A_2820, %select_n3A_2816 : vector<64x128xi1>, vector<64x128xf32>
    %jit3A_2823 = arith.constant 5.000000e+00 : f32
    %broadcast_in_dim3A_2824 = vector.broadcast %jit3A_2823 : f32 to vector<64x128xf32>
    %select_n3A_2825 = arith.select %lt3A_2821, %broadcast_in_dim3A_2824, %select_n3A_2819 : vector<64x128xi1>, vector<64x128xf32>
    %slice3A_2826 = vector.extract_strided_slice %sub3A {offsets = [448, 768], sizes = [64, 128], strides = [1, 1]} : vector<512x8192xf32> to vector<64x128xf32>
    %lt3A_2827 = arith.cmpf olt, %slice3A_2826, %select_n3A_2822 : vector<64x128xf32>
    %select_n3A_2828 = arith.select %lt3A_2827, %slice3A_2826, %select_n3A_2822 : vector<64x128xi1>, vector<64x128xf32>
    %jit3A_2829 = arith.constant 6.000000e+00 : f32
    %broadcast_in_dim3A_2830 = vector.broadcast %jit3A_2829 : f32 to vector<64x128xf32>
    %select_n3A_2831 = arith.select %lt3A_2827, %broadcast_in_dim3A_2830, %select_n3A_2825 : vector<64x128xi1>, vector<64x128xf32>
    %slice3A_2832 = vector.extract_strided_slice %sub3A {offsets = [448, 896], sizes = [64, 128], strides = [1, 1]} : vector<512x8192xf32> to vector<64x128xf32>
    %lt3A_2833 = arith.cmpf olt, %slice3A_2832, %select_n3A_2828 : vector<64x128xf32>
    %select_n3A_2834 = arith.select %lt3A_2833, %slice3A_2832, %select_n3A_2828 : vector<64x128xi1>, vector<64x128xf32>
    %jit3A_2835 = arith.constant 7.000000e+00 : f32
    %broadcast_in_dim3A_2836 = vector.broadcast %jit3A_2835 : f32 to vector<64x128xf32>
    %select_n3A_2837 = arith.select %lt3A_2833, %broadcast_in_dim3A_2836, %select_n3A_2831 : vector<64x128xi1>, vector<64x128xf32>
    %slice3A_2838 = vector.extract_strided_slice %sub3A {offsets = [448, 1024], sizes = [64, 128], strides = [1, 1]} : vector<512x8192xf32> to vector<64x128xf32>
    %lt3A_2839 = arith.cmpf olt, %slice3A_2838, %select_n3A_2834 : vector<64x128xf32>
    %select_n3A_2840 = arith.select %lt3A_2839, %slice3A_2838, %select_n3A_2834 : vector<64x128xi1>, vector<64x128xf32>
    %jit3A_2841 = arith.constant 8.000000e+00 : f32
    %broadcast_in_dim3A_2842 = vector.broadcast %jit3A_2841 : f32 to vector<64x128xf32>
    %select_n3A_2843 = arith.select %lt3A_2839, %broadcast_in_dim3A_2842, %select_n3A_2837 : vector<64x128xi1>, vector<64x128xf32>
    %slice3A_2844 = vector.extract_strided_slice %sub3A {offsets = [448, 1152], sizes = [64, 128], strides = [1, 1]} : vector<512x8192xf32> to vector<64x128xf32>
    %lt3A_2845 = arith.cmpf olt, %slice3A_2844, %select_n3A_2840 : vector<64x128xf32>
    %select_n3A_2846 = arith.select %lt3A_2845, %slice3A_2844, %select_n3A_2840 : vector<64x128xi1>, vector<64x128xf32>
    %jit3A_2847 = arith.constant 9.000000e+00 : f32
    %broadcast_in_dim3A_2848 = vector.broadcast %jit3A_2847 : f32 to vector<64x128xf32>
    %select_n3A_2849 = arith.select %lt3A_2845, %broadcast_in_dim3A_2848, %select_n3A_2843 : vector<64x128xi1>, vector<64x128xf32>
    %slice3A_2850 = vector.extract_strided_slice %sub3A {offsets = [448, 1280], sizes = [64, 128], strides = [1, 1]} : vector<512x8192xf32> to vector<64x128xf32>
    %lt3A_2851 = arith.cmpf olt, %slice3A_2850, %select_n3A_2846 : vector<64x128xf32>
    %select_n3A_2852 = arith.select %lt3A_2851, %slice3A_2850, %select_n3A_2846 : vector<64x128xi1>, vector<64x128xf32>
    %jit3A_2853 = arith.constant 1.000000e+01 : f32
    %broadcast_in_dim3A_2854 = vector.broadcast %jit3A_2853 : f32 to vector<64x128xf32>
    %select_n3A_2855 = arith.select %lt3A_2851, %broadcast_in_dim3A_2854, %select_n3A_2849 : vector<64x128xi1>, vector<64x128xf32>
    %slice3A_2856 = vector.extract_strided_slice %sub3A {offsets = [448, 1408], sizes = [64, 128], strides = [1, 1]} : vector<512x8192xf32> to vector<64x128xf32>
    %lt3A_2857 = arith.cmpf olt, %slice3A_2856, %select_n3A_2852 : vector<64x128xf32>
    %select_n3A_2858 = arith.select %lt3A_2857, %slice3A_2856, %select_n3A_2852 : vector<64x128xi1>, vector<64x128xf32>
    %jit3A_2859 = arith.constant 1.100000e+01 : f32
    %broadcast_in_dim3A_2860 = vector.broadcast %jit3A_2859 : f32 to vector<64x128xf32>
    %select_n3A_2861 = arith.select %lt3A_2857, %broadcast_in_dim3A_2860, %select_n3A_2855 : vector<64x128xi1>, vector<64x128xf32>
    %slice3A_2862 = vector.extract_strided_slice %sub3A {offsets = [448, 1536], sizes = [64, 128], strides = [1, 1]} : vector<512x8192xf32> to vector<64x128xf32>
    %lt3A_2863 = arith.cmpf olt, %slice3A_2862, %select_n3A_2858 : vector<64x128xf32>
    %select_n3A_2864 = arith.select %lt3A_2863, %slice3A_2862, %select_n3A_2858 : vector<64x128xi1>, vector<64x128xf32>
    %jit3A_2865 = arith.constant 1.200000e+01 : f32
    %broadcast_in_dim3A_2866 = vector.broadcast %jit3A_2865 : f32 to vector<64x128xf32>
    %select_n3A_2867 = arith.select %lt3A_2863, %broadcast_in_dim3A_2866, %select_n3A_2861 : vector<64x128xi1>, vector<64x128xf32>
    %slice3A_2868 = vector.extract_strided_slice %sub3A {offsets = [448, 1664], sizes = [64, 128], strides = [1, 1]} : vector<512x8192xf32> to vector<64x128xf32>
    %lt3A_2869 = arith.cmpf olt, %slice3A_2868, %select_n3A_2864 : vector<64x128xf32>
    %select_n3A_2870 = arith.select %lt3A_2869, %slice3A_2868, %select_n3A_2864 : vector<64x128xi1>, vector<64x128xf32>
    %jit3A_2871 = arith.constant 1.300000e+01 : f32
    %broadcast_in_dim3A_2872 = vector.broadcast %jit3A_2871 : f32 to vector<64x128xf32>
    %select_n3A_2873 = arith.select %lt3A_2869, %broadcast_in_dim3A_2872, %select_n3A_2867 : vector<64x128xi1>, vector<64x128xf32>
    %slice3A_2874 = vector.extract_strided_slice %sub3A {offsets = [448, 1792], sizes = [64, 128], strides = [1, 1]} : vector<512x8192xf32> to vector<64x128xf32>
    %lt3A_2875 = arith.cmpf olt, %slice3A_2874, %select_n3A_2870 : vector<64x128xf32>
    %select_n3A_2876 = arith.select %lt3A_2875, %slice3A_2874, %select_n3A_2870 : vector<64x128xi1>, vector<64x128xf32>
    %jit3A_2877 = arith.constant 1.400000e+01 : f32
    %broadcast_in_dim3A_2878 = vector.broadcast %jit3A_2877 : f32 to vector<64x128xf32>
    %select_n3A_2879 = arith.select %lt3A_2875, %broadcast_in_dim3A_2878, %select_n3A_2873 : vector<64x128xi1>, vector<64x128xf32>
    %slice3A_2880 = vector.extract_strided_slice %sub3A {offsets = [448, 1920], sizes = [64, 128], strides = [1, 1]} : vector<512x8192xf32> to vector<64x128xf32>
    %lt3A_2881 = arith.cmpf olt, %slice3A_2880, %select_n3A_2876 : vector<64x128xf32>
    %select_n3A_2882 = arith.select %lt3A_2881, %slice3A_2880, %select_n3A_2876 : vector<64x128xi1>, vector<64x128xf32>
    %jit3A_2883 = arith.constant 1.500000e+01 : f32
    %broadcast_in_dim3A_2884 = vector.broadcast %jit3A_2883 : f32 to vector<64x128xf32>
    %select_n3A_2885 = arith.select %lt3A_2881, %broadcast_in_dim3A_2884, %select_n3A_2879 : vector<64x128xi1>, vector<64x128xf32>
    %slice3A_2886 = vector.extract_strided_slice %sub3A {offsets = [448, 2048], sizes = [64, 128], strides = [1, 1]} : vector<512x8192xf32> to vector<64x128xf32>
    %lt3A_2887 = arith.cmpf olt, %slice3A_2886, %select_n3A_2882 : vector<64x128xf32>
    %select_n3A_2888 = arith.select %lt3A_2887, %slice3A_2886, %select_n3A_2882 : vector<64x128xi1>, vector<64x128xf32>
    %jit3A_2889 = arith.constant 1.600000e+01 : f32
    %broadcast_in_dim3A_2890 = vector.broadcast %jit3A_2889 : f32 to vector<64x128xf32>
    %select_n3A_2891 = arith.select %lt3A_2887, %broadcast_in_dim3A_2890, %select_n3A_2885 : vector<64x128xi1>, vector<64x128xf32>
    %slice3A_2892 = vector.extract_strided_slice %sub3A {offsets = [448, 2176], sizes = [64, 128], strides = [1, 1]} : vector<512x8192xf32> to vector<64x128xf32>
    %lt3A_2893 = arith.cmpf olt, %slice3A_2892, %select_n3A_2888 : vector<64x128xf32>
    %select_n3A_2894 = arith.select %lt3A_2893, %slice3A_2892, %select_n3A_2888 : vector<64x128xi1>, vector<64x128xf32>
    %jit3A_2895 = arith.constant 1.700000e+01 : f32
    %broadcast_in_dim3A_2896 = vector.broadcast %jit3A_2895 : f32 to vector<64x128xf32>
    %select_n3A_2897 = arith.select %lt3A_2893, %broadcast_in_dim3A_2896, %select_n3A_2891 : vector<64x128xi1>, vector<64x128xf32>
    %slice3A_2898 = vector.extract_strided_slice %sub3A {offsets = [448, 2304], sizes = [64, 128], strides = [1, 1]} : vector<512x8192xf32> to vector<64x128xf32>
    %lt3A_2899 = arith.cmpf olt, %slice3A_2898, %select_n3A_2894 : vector<64x128xf32>
    %select_n3A_2900 = arith.select %lt3A_2899, %slice3A_2898, %select_n3A_2894 : vector<64x128xi1>, vector<64x128xf32>
    %jit3A_2901 = arith.constant 1.800000e+01 : f32
    %broadcast_in_dim3A_2902 = vector.broadcast %jit3A_2901 : f32 to vector<64x128xf32>
    %select_n3A_2903 = arith.select %lt3A_2899, %broadcast_in_dim3A_2902, %select_n3A_2897 : vector<64x128xi1>, vector<64x128xf32>
    %slice3A_2904 = vector.extract_strided_slice %sub3A {offsets = [448, 2432], sizes = [64, 128], strides = [1, 1]} : vector<512x8192xf32> to vector<64x128xf32>
    %lt3A_2905 = arith.cmpf olt, %slice3A_2904, %select_n3A_2900 : vector<64x128xf32>
    %select_n3A_2906 = arith.select %lt3A_2905, %slice3A_2904, %select_n3A_2900 : vector<64x128xi1>, vector<64x128xf32>
    %jit3A_2907 = arith.constant 1.900000e+01 : f32
    %broadcast_in_dim3A_2908 = vector.broadcast %jit3A_2907 : f32 to vector<64x128xf32>
    %select_n3A_2909 = arith.select %lt3A_2905, %broadcast_in_dim3A_2908, %select_n3A_2903 : vector<64x128xi1>, vector<64x128xf32>
    %slice3A_2910 = vector.extract_strided_slice %sub3A {offsets = [448, 2560], sizes = [64, 128], strides = [1, 1]} : vector<512x8192xf32> to vector<64x128xf32>
    %lt3A_2911 = arith.cmpf olt, %slice3A_2910, %select_n3A_2906 : vector<64x128xf32>
    %select_n3A_2912 = arith.select %lt3A_2911, %slice3A_2910, %select_n3A_2906 : vector<64x128xi1>, vector<64x128xf32>
    %jit3A_2913 = arith.constant 2.000000e+01 : f32
    %broadcast_in_dim3A_2914 = vector.broadcast %jit3A_2913 : f32 to vector<64x128xf32>
    %select_n3A_2915 = arith.select %lt3A_2911, %broadcast_in_dim3A_2914, %select_n3A_2909 : vector<64x128xi1>, vector<64x128xf32>
    %slice3A_2916 = vector.extract_strided_slice %sub3A {offsets = [448, 2688], sizes = [64, 128], strides = [1, 1]} : vector<512x8192xf32> to vector<64x128xf32>
    %lt3A_2917 = arith.cmpf olt, %slice3A_2916, %select_n3A_2912 : vector<64x128xf32>
    %select_n3A_2918 = arith.select %lt3A_2917, %slice3A_2916, %select_n3A_2912 : vector<64x128xi1>, vector<64x128xf32>
    %jit3A_2919 = arith.constant 2.100000e+01 : f32
    %broadcast_in_dim3A_2920 = vector.broadcast %jit3A_2919 : f32 to vector<64x128xf32>
    %select_n3A_2921 = arith.select %lt3A_2917, %broadcast_in_dim3A_2920, %select_n3A_2915 : vector<64x128xi1>, vector<64x128xf32>
    %slice3A_2922 = vector.extract_strided_slice %sub3A {offsets = [448, 2816], sizes = [64, 128], strides = [1, 1]} : vector<512x8192xf32> to vector<64x128xf32>
    %lt3A_2923 = arith.cmpf olt, %slice3A_2922, %select_n3A_2918 : vector<64x128xf32>
    %select_n3A_2924 = arith.select %lt3A_2923, %slice3A_2922, %select_n3A_2918 : vector<64x128xi1>, vector<64x128xf32>
    %jit3A_2925 = arith.constant 2.200000e+01 : f32
    %broadcast_in_dim3A_2926 = vector.broadcast %jit3A_2925 : f32 to vector<64x128xf32>
    %select_n3A_2927 = arith.select %lt3A_2923, %broadcast_in_dim3A_2926, %select_n3A_2921 : vector<64x128xi1>, vector<64x128xf32>
    %slice3A_2928 = vector.extract_strided_slice %sub3A {offsets = [448, 2944], sizes = [64, 128], strides = [1, 1]} : vector<512x8192xf32> to vector<64x128xf32>
    %lt3A_2929 = arith.cmpf olt, %slice3A_2928, %select_n3A_2924 : vector<64x128xf32>
    %select_n3A_2930 = arith.select %lt3A_2929, %slice3A_2928, %select_n3A_2924 : vector<64x128xi1>, vector<64x128xf32>
    %jit3A_2931 = arith.constant 2.300000e+01 : f32
    %broadcast_in_dim3A_2932 = vector.broadcast %jit3A_2931 : f32 to vector<64x128xf32>
    %select_n3A_2933 = arith.select %lt3A_2929, %broadcast_in_dim3A_2932, %select_n3A_2927 : vector<64x128xi1>, vector<64x128xf32>
    %slice3A_2934 = vector.extract_strided_slice %sub3A {offsets = [448, 3072], sizes = [64, 128], strides = [1, 1]} : vector<512x8192xf32> to vector<64x128xf32>
    %lt3A_2935 = arith.cmpf olt, %slice3A_2934, %select_n3A_2930 : vector<64x128xf32>
    %select_n3A_2936 = arith.select %lt3A_2935, %slice3A_2934, %select_n3A_2930 : vector<64x128xi1>, vector<64x128xf32>
    %jit3A_2937 = arith.constant 2.400000e+01 : f32
    %broadcast_in_dim3A_2938 = vector.broadcast %jit3A_2937 : f32 to vector<64x128xf32>
    %select_n3A_2939 = arith.select %lt3A_2935, %broadcast_in_dim3A_2938, %select_n3A_2933 : vector<64x128xi1>, vector<64x128xf32>
    %slice3A_2940 = vector.extract_strided_slice %sub3A {offsets = [448, 3200], sizes = [64, 128], strides = [1, 1]} : vector<512x8192xf32> to vector<64x128xf32>
    %lt3A_2941 = arith.cmpf olt, %slice3A_2940, %select_n3A_2936 : vector<64x128xf32>
    %select_n3A_2942 = arith.select %lt3A_2941, %slice3A_2940, %select_n3A_2936 : vector<64x128xi1>, vector<64x128xf32>
    %jit3A_2943 = arith.constant 2.500000e+01 : f32
    %broadcast_in_dim3A_2944 = vector.broadcast %jit3A_2943 : f32 to vector<64x128xf32>
    %select_n3A_2945 = arith.select %lt3A_2941, %broadcast_in_dim3A_2944, %select_n3A_2939 : vector<64x128xi1>, vector<64x128xf32>
    %slice3A_2946 = vector.extract_strided_slice %sub3A {offsets = [448, 3328], sizes = [64, 128], strides = [1, 1]} : vector<512x8192xf32> to vector<64x128xf32>
    %lt3A_2947 = arith.cmpf olt, %slice3A_2946, %select_n3A_2942 : vector<64x128xf32>
    %select_n3A_2948 = arith.select %lt3A_2947, %slice3A_2946, %select_n3A_2942 : vector<64x128xi1>, vector<64x128xf32>
    %jit3A_2949 = arith.constant 2.600000e+01 : f32
    %broadcast_in_dim3A_2950 = vector.broadcast %jit3A_2949 : f32 to vector<64x128xf32>
    %select_n3A_2951 = arith.select %lt3A_2947, %broadcast_in_dim3A_2950, %select_n3A_2945 : vector<64x128xi1>, vector<64x128xf32>
    %slice3A_2952 = vector.extract_strided_slice %sub3A {offsets = [448, 3456], sizes = [64, 128], strides = [1, 1]} : vector<512x8192xf32> to vector<64x128xf32>
    %lt3A_2953 = arith.cmpf olt, %slice3A_2952, %select_n3A_2948 : vector<64x128xf32>
    %select_n3A_2954 = arith.select %lt3A_2953, %slice3A_2952, %select_n3A_2948 : vector<64x128xi1>, vector<64x128xf32>
    %jit3A_2955 = arith.constant 2.700000e+01 : f32
    %broadcast_in_dim3A_2956 = vector.broadcast %jit3A_2955 : f32 to vector<64x128xf32>
    %select_n3A_2957 = arith.select %lt3A_2953, %broadcast_in_dim3A_2956, %select_n3A_2951 : vector<64x128xi1>, vector<64x128xf32>
    %slice3A_2958 = vector.extract_strided_slice %sub3A {offsets = [448, 3584], sizes = [64, 128], strides = [1, 1]} : vector<512x8192xf32> to vector<64x128xf32>
    %lt3A_2959 = arith.cmpf olt, %slice3A_2958, %select_n3A_2954 : vector<64x128xf32>
    %select_n3A_2960 = arith.select %lt3A_2959, %slice3A_2958, %select_n3A_2954 : vector<64x128xi1>, vector<64x128xf32>
    %jit3A_2961 = arith.constant 2.800000e+01 : f32
    %broadcast_in_dim3A_2962 = vector.broadcast %jit3A_2961 : f32 to vector<64x128xf32>
    %select_n3A_2963 = arith.select %lt3A_2959, %broadcast_in_dim3A_2962, %select_n3A_2957 : vector<64x128xi1>, vector<64x128xf32>
    %slice3A_2964 = vector.extract_strided_slice %sub3A {offsets = [448, 3712], sizes = [64, 128], strides = [1, 1]} : vector<512x8192xf32> to vector<64x128xf32>
    %lt3A_2965 = arith.cmpf olt, %slice3A_2964, %select_n3A_2960 : vector<64x128xf32>
    %select_n3A_2966 = arith.select %lt3A_2965, %slice3A_2964, %select_n3A_2960 : vector<64x128xi1>, vector<64x128xf32>
    %jit3A_2967 = arith.constant 2.900000e+01 : f32
    %broadcast_in_dim3A_2968 = vector.broadcast %jit3A_2967 : f32 to vector<64x128xf32>
    %select_n3A_2969 = arith.select %lt3A_2965, %broadcast_in_dim3A_2968, %select_n3A_2963 : vector<64x128xi1>, vector<64x128xf32>
    %slice3A_2970 = vector.extract_strided_slice %sub3A {offsets = [448, 3840], sizes = [64, 128], strides = [1, 1]} : vector<512x8192xf32> to vector<64x128xf32>
    %lt3A_2971 = arith.cmpf olt, %slice3A_2970, %select_n3A_2966 : vector<64x128xf32>
    %select_n3A_2972 = arith.select %lt3A_2971, %slice3A_2970, %select_n3A_2966 : vector<64x128xi1>, vector<64x128xf32>
    %jit3A_2973 = arith.constant 3.000000e+01 : f32
    %broadcast_in_dim3A_2974 = vector.broadcast %jit3A_2973 : f32 to vector<64x128xf32>
    %select_n3A_2975 = arith.select %lt3A_2971, %broadcast_in_dim3A_2974, %select_n3A_2969 : vector<64x128xi1>, vector<64x128xf32>
    %slice3A_2976 = vector.extract_strided_slice %sub3A {offsets = [448, 3968], sizes = [64, 128], strides = [1, 1]} : vector<512x8192xf32> to vector<64x128xf32>
    %lt3A_2977 = arith.cmpf olt, %slice3A_2976, %select_n3A_2972 : vector<64x128xf32>
    %select_n3A_2978 = arith.select %lt3A_2977, %slice3A_2976, %select_n3A_2972 : vector<64x128xi1>, vector<64x128xf32>
    %jit3A_2979 = arith.constant 3.100000e+01 : f32
    %broadcast_in_dim3A_2980 = vector.broadcast %jit3A_2979 : f32 to vector<64x128xf32>
    %select_n3A_2981 = arith.select %lt3A_2977, %broadcast_in_dim3A_2980, %select_n3A_2975 : vector<64x128xi1>, vector<64x128xf32>
    %slice3A_2982 = vector.extract_strided_slice %sub3A {offsets = [448, 4096], sizes = [64, 128], strides = [1, 1]} : vector<512x8192xf32> to vector<64x128xf32>
    %lt3A_2983 = arith.cmpf olt, %slice3A_2982, %select_n3A_2978 : vector<64x128xf32>
    %select_n3A_2984 = arith.select %lt3A_2983, %slice3A_2982, %select_n3A_2978 : vector<64x128xi1>, vector<64x128xf32>
    %jit3A_2985 = arith.constant 3.200000e+01 : f32
    %broadcast_in_dim3A_2986 = vector.broadcast %jit3A_2985 : f32 to vector<64x128xf32>
    %select_n3A_2987 = arith.select %lt3A_2983, %broadcast_in_dim3A_2986, %select_n3A_2981 : vector<64x128xi1>, vector<64x128xf32>
    %slice3A_2988 = vector.extract_strided_slice %sub3A {offsets = [448, 4224], sizes = [64, 128], strides = [1, 1]} : vector<512x8192xf32> to vector<64x128xf32>
    %lt3A_2989 = arith.cmpf olt, %slice3A_2988, %select_n3A_2984 : vector<64x128xf32>
    %select_n3A_2990 = arith.select %lt3A_2989, %slice3A_2988, %select_n3A_2984 : vector<64x128xi1>, vector<64x128xf32>
    %jit3A_2991 = arith.constant 3.300000e+01 : f32
    %broadcast_in_dim3A_2992 = vector.broadcast %jit3A_2991 : f32 to vector<64x128xf32>
    %select_n3A_2993 = arith.select %lt3A_2989, %broadcast_in_dim3A_2992, %select_n3A_2987 : vector<64x128xi1>, vector<64x128xf32>
    %slice3A_2994 = vector.extract_strided_slice %sub3A {offsets = [448, 4352], sizes = [64, 128], strides = [1, 1]} : vector<512x8192xf32> to vector<64x128xf32>
    %lt3A_2995 = arith.cmpf olt, %slice3A_2994, %select_n3A_2990 : vector<64x128xf32>
    %select_n3A_2996 = arith.select %lt3A_2995, %slice3A_2994, %select_n3A_2990 : vector<64x128xi1>, vector<64x128xf32>
    %jit3A_2997 = arith.constant 3.400000e+01 : f32
    %broadcast_in_dim3A_2998 = vector.broadcast %jit3A_2997 : f32 to vector<64x128xf32>
    %select_n3A_2999 = arith.select %lt3A_2995, %broadcast_in_dim3A_2998, %select_n3A_2993 : vector<64x128xi1>, vector<64x128xf32>
    %slice3A_3000 = vector.extract_strided_slice %sub3A {offsets = [448, 4480], sizes = [64, 128], strides = [1, 1]} : vector<512x8192xf32> to vector<64x128xf32>
    %lt3A_3001 = arith.cmpf olt, %slice3A_3000, %select_n3A_2996 : vector<64x128xf32>
    %select_n3A_3002 = arith.select %lt3A_3001, %slice3A_3000, %select_n3A_2996 : vector<64x128xi1>, vector<64x128xf32>
    %jit3A_3003 = arith.constant 3.500000e+01 : f32
    %broadcast_in_dim3A_3004 = vector.broadcast %jit3A_3003 : f32 to vector<64x128xf32>
    %select_n3A_3005 = arith.select %lt3A_3001, %broadcast_in_dim3A_3004, %select_n3A_2999 : vector<64x128xi1>, vector<64x128xf32>
    %slice3A_3006 = vector.extract_strided_slice %sub3A {offsets = [448, 4608], sizes = [64, 128], strides = [1, 1]} : vector<512x8192xf32> to vector<64x128xf32>
    %lt3A_3007 = arith.cmpf olt, %slice3A_3006, %select_n3A_3002 : vector<64x128xf32>
    %select_n3A_3008 = arith.select %lt3A_3007, %slice3A_3006, %select_n3A_3002 : vector<64x128xi1>, vector<64x128xf32>
    %jit3A_3009 = arith.constant 3.600000e+01 : f32
    %broadcast_in_dim3A_3010 = vector.broadcast %jit3A_3009 : f32 to vector<64x128xf32>
    %select_n3A_3011 = arith.select %lt3A_3007, %broadcast_in_dim3A_3010, %select_n3A_3005 : vector<64x128xi1>, vector<64x128xf32>
    %slice3A_3012 = vector.extract_strided_slice %sub3A {offsets = [448, 4736], sizes = [64, 128], strides = [1, 1]} : vector<512x8192xf32> to vector<64x128xf32>
    %lt3A_3013 = arith.cmpf olt, %slice3A_3012, %select_n3A_3008 : vector<64x128xf32>
    %select_n3A_3014 = arith.select %lt3A_3013, %slice3A_3012, %select_n3A_3008 : vector<64x128xi1>, vector<64x128xf32>
    %jit3A_3015 = arith.constant 3.700000e+01 : f32
    %broadcast_in_dim3A_3016 = vector.broadcast %jit3A_3015 : f32 to vector<64x128xf32>
    %select_n3A_3017 = arith.select %lt3A_3013, %broadcast_in_dim3A_3016, %select_n3A_3011 : vector<64x128xi1>, vector<64x128xf32>
    %slice3A_3018 = vector.extract_strided_slice %sub3A {offsets = [448, 4864], sizes = [64, 128], strides = [1, 1]} : vector<512x8192xf32> to vector<64x128xf32>
    %lt3A_3019 = arith.cmpf olt, %slice3A_3018, %select_n3A_3014 : vector<64x128xf32>
    %select_n3A_3020 = arith.select %lt3A_3019, %slice3A_3018, %select_n3A_3014 : vector<64x128xi1>, vector<64x128xf32>
    %jit3A_3021 = arith.constant 3.800000e+01 : f32
    %broadcast_in_dim3A_3022 = vector.broadcast %jit3A_3021 : f32 to vector<64x128xf32>
    %select_n3A_3023 = arith.select %lt3A_3019, %broadcast_in_dim3A_3022, %select_n3A_3017 : vector<64x128xi1>, vector<64x128xf32>
    %slice3A_3024 = vector.extract_strided_slice %sub3A {offsets = [448, 4992], sizes = [64, 128], strides = [1, 1]} : vector<512x8192xf32> to vector<64x128xf32>
    %lt3A_3025 = arith.cmpf olt, %slice3A_3024, %select_n3A_3020 : vector<64x128xf32>
    %select_n3A_3026 = arith.select %lt3A_3025, %slice3A_3024, %select_n3A_3020 : vector<64x128xi1>, vector<64x128xf32>
    %jit3A_3027 = arith.constant 3.900000e+01 : f32
    %broadcast_in_dim3A_3028 = vector.broadcast %jit3A_3027 : f32 to vector<64x128xf32>
    %select_n3A_3029 = arith.select %lt3A_3025, %broadcast_in_dim3A_3028, %select_n3A_3023 : vector<64x128xi1>, vector<64x128xf32>
    %slice3A_3030 = vector.extract_strided_slice %sub3A {offsets = [448, 5120], sizes = [64, 128], strides = [1, 1]} : vector<512x8192xf32> to vector<64x128xf32>
    %lt3A_3031 = arith.cmpf olt, %slice3A_3030, %select_n3A_3026 : vector<64x128xf32>
    %select_n3A_3032 = arith.select %lt3A_3031, %slice3A_3030, %select_n3A_3026 : vector<64x128xi1>, vector<64x128xf32>
    %jit3A_3033 = arith.constant 4.000000e+01 : f32
    %broadcast_in_dim3A_3034 = vector.broadcast %jit3A_3033 : f32 to vector<64x128xf32>
    %select_n3A_3035 = arith.select %lt3A_3031, %broadcast_in_dim3A_3034, %select_n3A_3029 : vector<64x128xi1>, vector<64x128xf32>
    %slice3A_3036 = vector.extract_strided_slice %sub3A {offsets = [448, 5248], sizes = [64, 128], strides = [1, 1]} : vector<512x8192xf32> to vector<64x128xf32>
    %lt3A_3037 = arith.cmpf olt, %slice3A_3036, %select_n3A_3032 : vector<64x128xf32>
    %select_n3A_3038 = arith.select %lt3A_3037, %slice3A_3036, %select_n3A_3032 : vector<64x128xi1>, vector<64x128xf32>
    %jit3A_3039 = arith.constant 4.100000e+01 : f32
    %broadcast_in_dim3A_3040 = vector.broadcast %jit3A_3039 : f32 to vector<64x128xf32>
    %select_n3A_3041 = arith.select %lt3A_3037, %broadcast_in_dim3A_3040, %select_n3A_3035 : vector<64x128xi1>, vector<64x128xf32>
    %slice3A_3042 = vector.extract_strided_slice %sub3A {offsets = [448, 5376], sizes = [64, 128], strides = [1, 1]} : vector<512x8192xf32> to vector<64x128xf32>
    %lt3A_3043 = arith.cmpf olt, %slice3A_3042, %select_n3A_3038 : vector<64x128xf32>
    %select_n3A_3044 = arith.select %lt3A_3043, %slice3A_3042, %select_n3A_3038 : vector<64x128xi1>, vector<64x128xf32>
    %jit3A_3045 = arith.constant 4.200000e+01 : f32
    %broadcast_in_dim3A_3046 = vector.broadcast %jit3A_3045 : f32 to vector<64x128xf32>
    %select_n3A_3047 = arith.select %lt3A_3043, %broadcast_in_dim3A_3046, %select_n3A_3041 : vector<64x128xi1>, vector<64x128xf32>
    %slice3A_3048 = vector.extract_strided_slice %sub3A {offsets = [448, 5504], sizes = [64, 128], strides = [1, 1]} : vector<512x8192xf32> to vector<64x128xf32>
    %lt3A_3049 = arith.cmpf olt, %slice3A_3048, %select_n3A_3044 : vector<64x128xf32>
    %select_n3A_3050 = arith.select %lt3A_3049, %slice3A_3048, %select_n3A_3044 : vector<64x128xi1>, vector<64x128xf32>
    %jit3A_3051 = arith.constant 4.300000e+01 : f32
    %broadcast_in_dim3A_3052 = vector.broadcast %jit3A_3051 : f32 to vector<64x128xf32>
    %select_n3A_3053 = arith.select %lt3A_3049, %broadcast_in_dim3A_3052, %select_n3A_3047 : vector<64x128xi1>, vector<64x128xf32>
    %slice3A_3054 = vector.extract_strided_slice %sub3A {offsets = [448, 5632], sizes = [64, 128], strides = [1, 1]} : vector<512x8192xf32> to vector<64x128xf32>
    %lt3A_3055 = arith.cmpf olt, %slice3A_3054, %select_n3A_3050 : vector<64x128xf32>
    %select_n3A_3056 = arith.select %lt3A_3055, %slice3A_3054, %select_n3A_3050 : vector<64x128xi1>, vector<64x128xf32>
    %jit3A_3057 = arith.constant 4.400000e+01 : f32
    %broadcast_in_dim3A_3058 = vector.broadcast %jit3A_3057 : f32 to vector<64x128xf32>
    %select_n3A_3059 = arith.select %lt3A_3055, %broadcast_in_dim3A_3058, %select_n3A_3053 : vector<64x128xi1>, vector<64x128xf32>
    %slice3A_3060 = vector.extract_strided_slice %sub3A {offsets = [448, 5760], sizes = [64, 128], strides = [1, 1]} : vector<512x8192xf32> to vector<64x128xf32>
    %lt3A_3061 = arith.cmpf olt, %slice3A_3060, %select_n3A_3056 : vector<64x128xf32>
    %select_n3A_3062 = arith.select %lt3A_3061, %slice3A_3060, %select_n3A_3056 : vector<64x128xi1>, vector<64x128xf32>
    %jit3A_3063 = arith.constant 4.500000e+01 : f32
    %broadcast_in_dim3A_3064 = vector.broadcast %jit3A_3063 : f32 to vector<64x128xf32>
    %select_n3A_3065 = arith.select %lt3A_3061, %broadcast_in_dim3A_3064, %select_n3A_3059 : vector<64x128xi1>, vector<64x128xf32>
    %slice3A_3066 = vector.extract_strided_slice %sub3A {offsets = [448, 5888], sizes = [64, 128], strides = [1, 1]} : vector<512x8192xf32> to vector<64x128xf32>
    %lt3A_3067 = arith.cmpf olt, %slice3A_3066, %select_n3A_3062 : vector<64x128xf32>
    %select_n3A_3068 = arith.select %lt3A_3067, %slice3A_3066, %select_n3A_3062 : vector<64x128xi1>, vector<64x128xf32>
    %jit3A_3069 = arith.constant 4.600000e+01 : f32
    %broadcast_in_dim3A_3070 = vector.broadcast %jit3A_3069 : f32 to vector<64x128xf32>
    %select_n3A_3071 = arith.select %lt3A_3067, %broadcast_in_dim3A_3070, %select_n3A_3065 : vector<64x128xi1>, vector<64x128xf32>
    %slice3A_3072 = vector.extract_strided_slice %sub3A {offsets = [448, 6016], sizes = [64, 128], strides = [1, 1]} : vector<512x8192xf32> to vector<64x128xf32>
    %lt3A_3073 = arith.cmpf olt, %slice3A_3072, %select_n3A_3068 : vector<64x128xf32>
    %select_n3A_3074 = arith.select %lt3A_3073, %slice3A_3072, %select_n3A_3068 : vector<64x128xi1>, vector<64x128xf32>
    %jit3A_3075 = arith.constant 4.700000e+01 : f32
    %broadcast_in_dim3A_3076 = vector.broadcast %jit3A_3075 : f32 to vector<64x128xf32>
    %select_n3A_3077 = arith.select %lt3A_3073, %broadcast_in_dim3A_3076, %select_n3A_3071 : vector<64x128xi1>, vector<64x128xf32>
    %slice3A_3078 = vector.extract_strided_slice %sub3A {offsets = [448, 6144], sizes = [64, 128], strides = [1, 1]} : vector<512x8192xf32> to vector<64x128xf32>
    %lt3A_3079 = arith.cmpf olt, %slice3A_3078, %select_n3A_3074 : vector<64x128xf32>
    %select_n3A_3080 = arith.select %lt3A_3079, %slice3A_3078, %select_n3A_3074 : vector<64x128xi1>, vector<64x128xf32>
    %jit3A_3081 = arith.constant 4.800000e+01 : f32
    %broadcast_in_dim3A_3082 = vector.broadcast %jit3A_3081 : f32 to vector<64x128xf32>
    %select_n3A_3083 = arith.select %lt3A_3079, %broadcast_in_dim3A_3082, %select_n3A_3077 : vector<64x128xi1>, vector<64x128xf32>
    %slice3A_3084 = vector.extract_strided_slice %sub3A {offsets = [448, 6272], sizes = [64, 128], strides = [1, 1]} : vector<512x8192xf32> to vector<64x128xf32>
    %lt3A_3085 = arith.cmpf olt, %slice3A_3084, %select_n3A_3080 : vector<64x128xf32>
    %select_n3A_3086 = arith.select %lt3A_3085, %slice3A_3084, %select_n3A_3080 : vector<64x128xi1>, vector<64x128xf32>
    %jit3A_3087 = arith.constant 4.900000e+01 : f32
    %broadcast_in_dim3A_3088 = vector.broadcast %jit3A_3087 : f32 to vector<64x128xf32>
    %select_n3A_3089 = arith.select %lt3A_3085, %broadcast_in_dim3A_3088, %select_n3A_3083 : vector<64x128xi1>, vector<64x128xf32>
    %slice3A_3090 = vector.extract_strided_slice %sub3A {offsets = [448, 6400], sizes = [64, 128], strides = [1, 1]} : vector<512x8192xf32> to vector<64x128xf32>
    %lt3A_3091 = arith.cmpf olt, %slice3A_3090, %select_n3A_3086 : vector<64x128xf32>
    %select_n3A_3092 = arith.select %lt3A_3091, %slice3A_3090, %select_n3A_3086 : vector<64x128xi1>, vector<64x128xf32>
    %jit3A_3093 = arith.constant 5.000000e+01 : f32
    %broadcast_in_dim3A_3094 = vector.broadcast %jit3A_3093 : f32 to vector<64x128xf32>
    %select_n3A_3095 = arith.select %lt3A_3091, %broadcast_in_dim3A_3094, %select_n3A_3089 : vector<64x128xi1>, vector<64x128xf32>
    %slice3A_3096 = vector.extract_strided_slice %sub3A {offsets = [448, 6528], sizes = [64, 128], strides = [1, 1]} : vector<512x8192xf32> to vector<64x128xf32>
    %lt3A_3097 = arith.cmpf olt, %slice3A_3096, %select_n3A_3092 : vector<64x128xf32>
    %select_n3A_3098 = arith.select %lt3A_3097, %slice3A_3096, %select_n3A_3092 : vector<64x128xi1>, vector<64x128xf32>
    %jit3A_3099 = arith.constant 5.100000e+01 : f32
    %broadcast_in_dim3A_3100 = vector.broadcast %jit3A_3099 : f32 to vector<64x128xf32>
    %select_n3A_3101 = arith.select %lt3A_3097, %broadcast_in_dim3A_3100, %select_n3A_3095 : vector<64x128xi1>, vector<64x128xf32>
    %slice3A_3102 = vector.extract_strided_slice %sub3A {offsets = [448, 6656], sizes = [64, 128], strides = [1, 1]} : vector<512x8192xf32> to vector<64x128xf32>
    %lt3A_3103 = arith.cmpf olt, %slice3A_3102, %select_n3A_3098 : vector<64x128xf32>
    %select_n3A_3104 = arith.select %lt3A_3103, %slice3A_3102, %select_n3A_3098 : vector<64x128xi1>, vector<64x128xf32>
    %jit3A_3105 = arith.constant 5.200000e+01 : f32
    %broadcast_in_dim3A_3106 = vector.broadcast %jit3A_3105 : f32 to vector<64x128xf32>
    %select_n3A_3107 = arith.select %lt3A_3103, %broadcast_in_dim3A_3106, %select_n3A_3101 : vector<64x128xi1>, vector<64x128xf32>
    %slice3A_3108 = vector.extract_strided_slice %sub3A {offsets = [448, 6784], sizes = [64, 128], strides = [1, 1]} : vector<512x8192xf32> to vector<64x128xf32>
    %lt3A_3109 = arith.cmpf olt, %slice3A_3108, %select_n3A_3104 : vector<64x128xf32>
    %select_n3A_3110 = arith.select %lt3A_3109, %slice3A_3108, %select_n3A_3104 : vector<64x128xi1>, vector<64x128xf32>
    %jit3A_3111 = arith.constant 5.300000e+01 : f32
    %broadcast_in_dim3A_3112 = vector.broadcast %jit3A_3111 : f32 to vector<64x128xf32>
    %select_n3A_3113 = arith.select %lt3A_3109, %broadcast_in_dim3A_3112, %select_n3A_3107 : vector<64x128xi1>, vector<64x128xf32>
    %slice3A_3114 = vector.extract_strided_slice %sub3A {offsets = [448, 6912], sizes = [64, 128], strides = [1, 1]} : vector<512x8192xf32> to vector<64x128xf32>
    %lt3A_3115 = arith.cmpf olt, %slice3A_3114, %select_n3A_3110 : vector<64x128xf32>
    %select_n3A_3116 = arith.select %lt3A_3115, %slice3A_3114, %select_n3A_3110 : vector<64x128xi1>, vector<64x128xf32>
    %jit3A_3117 = arith.constant 5.400000e+01 : f32
    %broadcast_in_dim3A_3118 = vector.broadcast %jit3A_3117 : f32 to vector<64x128xf32>
    %select_n3A_3119 = arith.select %lt3A_3115, %broadcast_in_dim3A_3118, %select_n3A_3113 : vector<64x128xi1>, vector<64x128xf32>
    %slice3A_3120 = vector.extract_strided_slice %sub3A {offsets = [448, 7040], sizes = [64, 128], strides = [1, 1]} : vector<512x8192xf32> to vector<64x128xf32>
    %lt3A_3121 = arith.cmpf olt, %slice3A_3120, %select_n3A_3116 : vector<64x128xf32>
    %select_n3A_3122 = arith.select %lt3A_3121, %slice3A_3120, %select_n3A_3116 : vector<64x128xi1>, vector<64x128xf32>
    %jit3A_3123 = arith.constant 5.500000e+01 : f32
    %broadcast_in_dim3A_3124 = vector.broadcast %jit3A_3123 : f32 to vector<64x128xf32>
    %select_n3A_3125 = arith.select %lt3A_3121, %broadcast_in_dim3A_3124, %select_n3A_3119 : vector<64x128xi1>, vector<64x128xf32>
    %slice3A_3126 = vector.extract_strided_slice %sub3A {offsets = [448, 7168], sizes = [64, 128], strides = [1, 1]} : vector<512x8192xf32> to vector<64x128xf32>
    %lt3A_3127 = arith.cmpf olt, %slice3A_3126, %select_n3A_3122 : vector<64x128xf32>
    %select_n3A_3128 = arith.select %lt3A_3127, %slice3A_3126, %select_n3A_3122 : vector<64x128xi1>, vector<64x128xf32>
    %jit3A_3129 = arith.constant 5.600000e+01 : f32
    %broadcast_in_dim3A_3130 = vector.broadcast %jit3A_3129 : f32 to vector<64x128xf32>
    %select_n3A_3131 = arith.select %lt3A_3127, %broadcast_in_dim3A_3130, %select_n3A_3125 : vector<64x128xi1>, vector<64x128xf32>
    %slice3A_3132 = vector.extract_strided_slice %sub3A {offsets = [448, 7296], sizes = [64, 128], strides = [1, 1]} : vector<512x8192xf32> to vector<64x128xf32>
    %lt3A_3133 = arith.cmpf olt, %slice3A_3132, %select_n3A_3128 : vector<64x128xf32>
    %select_n3A_3134 = arith.select %lt3A_3133, %slice3A_3132, %select_n3A_3128 : vector<64x128xi1>, vector<64x128xf32>
    %jit3A_3135 = arith.constant 5.700000e+01 : f32
    %broadcast_in_dim3A_3136 = vector.broadcast %jit3A_3135 : f32 to vector<64x128xf32>
    %select_n3A_3137 = arith.select %lt3A_3133, %broadcast_in_dim3A_3136, %select_n3A_3131 : vector<64x128xi1>, vector<64x128xf32>
    %slice3A_3138 = vector.extract_strided_slice %sub3A {offsets = [448, 7424], sizes = [64, 128], strides = [1, 1]} : vector<512x8192xf32> to vector<64x128xf32>
    %lt3A_3139 = arith.cmpf olt, %slice3A_3138, %select_n3A_3134 : vector<64x128xf32>
    %select_n3A_3140 = arith.select %lt3A_3139, %slice3A_3138, %select_n3A_3134 : vector<64x128xi1>, vector<64x128xf32>
    %jit3A_3141 = arith.constant 5.800000e+01 : f32
    %broadcast_in_dim3A_3142 = vector.broadcast %jit3A_3141 : f32 to vector<64x128xf32>
    %select_n3A_3143 = arith.select %lt3A_3139, %broadcast_in_dim3A_3142, %select_n3A_3137 : vector<64x128xi1>, vector<64x128xf32>
    %slice3A_3144 = vector.extract_strided_slice %sub3A {offsets = [448, 7552], sizes = [64, 128], strides = [1, 1]} : vector<512x8192xf32> to vector<64x128xf32>
    %lt3A_3145 = arith.cmpf olt, %slice3A_3144, %select_n3A_3140 : vector<64x128xf32>
    %select_n3A_3146 = arith.select %lt3A_3145, %slice3A_3144, %select_n3A_3140 : vector<64x128xi1>, vector<64x128xf32>
    %jit3A_3147 = arith.constant 5.900000e+01 : f32
    %broadcast_in_dim3A_3148 = vector.broadcast %jit3A_3147 : f32 to vector<64x128xf32>
    %select_n3A_3149 = arith.select %lt3A_3145, %broadcast_in_dim3A_3148, %select_n3A_3143 : vector<64x128xi1>, vector<64x128xf32>
    %slice3A_3150 = vector.extract_strided_slice %sub3A {offsets = [448, 7680], sizes = [64, 128], strides = [1, 1]} : vector<512x8192xf32> to vector<64x128xf32>
    %lt3A_3151 = arith.cmpf olt, %slice3A_3150, %select_n3A_3146 : vector<64x128xf32>
    %select_n3A_3152 = arith.select %lt3A_3151, %slice3A_3150, %select_n3A_3146 : vector<64x128xi1>, vector<64x128xf32>
    %jit3A_3153 = arith.constant 6.000000e+01 : f32
    %broadcast_in_dim3A_3154 = vector.broadcast %jit3A_3153 : f32 to vector<64x128xf32>
    %select_n3A_3155 = arith.select %lt3A_3151, %broadcast_in_dim3A_3154, %select_n3A_3149 : vector<64x128xi1>, vector<64x128xf32>
    %slice3A_3156 = vector.extract_strided_slice %sub3A {offsets = [448, 7808], sizes = [64, 128], strides = [1, 1]} : vector<512x8192xf32> to vector<64x128xf32>
    %lt3A_3157 = arith.cmpf olt, %slice3A_3156, %select_n3A_3152 : vector<64x128xf32>
    %select_n3A_3158 = arith.select %lt3A_3157, %slice3A_3156, %select_n3A_3152 : vector<64x128xi1>, vector<64x128xf32>
    %jit3A_3159 = arith.constant 6.100000e+01 : f32
    %broadcast_in_dim3A_3160 = vector.broadcast %jit3A_3159 : f32 to vector<64x128xf32>
    %select_n3A_3161 = arith.select %lt3A_3157, %broadcast_in_dim3A_3160, %select_n3A_3155 : vector<64x128xi1>, vector<64x128xf32>
    %slice3A_3162 = vector.extract_strided_slice %sub3A {offsets = [448, 7936], sizes = [64, 128], strides = [1, 1]} : vector<512x8192xf32> to vector<64x128xf32>
    %lt3A_3163 = arith.cmpf olt, %slice3A_3162, %select_n3A_3158 : vector<64x128xf32>
    %select_n3A_3164 = arith.select %lt3A_3163, %slice3A_3162, %select_n3A_3158 : vector<64x128xi1>, vector<64x128xf32>
    %jit3A_3165 = arith.constant 6.200000e+01 : f32
    %broadcast_in_dim3A_3166 = vector.broadcast %jit3A_3165 : f32 to vector<64x128xf32>
    %select_n3A_3167 = arith.select %lt3A_3163, %broadcast_in_dim3A_3166, %select_n3A_3161 : vector<64x128xi1>, vector<64x128xf32>
    %slice3A_3168 = vector.extract_strided_slice %sub3A {offsets = [448, 8064], sizes = [64, 128], strides = [1, 1]} : vector<512x8192xf32> to vector<64x128xf32>
    %lt3A_3169 = arith.cmpf olt, %slice3A_3168, %select_n3A_3164 : vector<64x128xf32>
    %select_n3A_3170 = arith.select %lt3A_3169, %slice3A_3168, %select_n3A_3164 : vector<64x128xi1>, vector<64x128xf32>
    %jit3A_3171 = arith.constant 6.300000e+01 : f32
    %broadcast_in_dim3A_3172 = vector.broadcast %jit3A_3171 : f32 to vector<64x128xf32>
    %select_n3A_3173 = arith.select %lt3A_3169, %broadcast_in_dim3A_3172, %select_n3A_3167 : vector<64x128xi1>, vector<64x128xf32>
    %mul3A_3174 = arith.constant 1.280000e+02 : f32
    %mul3A_3175 = vector.broadcast %mul3A_3174 : f32 to vector<64x128xf32>
    %mul3A_3176 = arith.mulf %select_n3A_3173, %mul3A_3175 : vector<64x128xf32>
    %add3A_3177 = arith.addf %mul3A_3176, %convert_element_type3A : vector<64x128xf32>
    %reduce_min3A_3178 = arith.constant dense<0x7F800000> : vector<64xf32>
    %reduce_min3A_3179 = vector.multi_reduction <minimumf>, %select_n3A_3170, %reduce_min3A_3178 [1] : vector<64x128xf32> to vector<64xf32>
    %broadcast_in_dim3A_3180 = vector.shape_cast %reduce_min3A_3179 : vector<64xf32> to vector<64x1xf32>
    %eq3A_3181 = vector.broadcast %broadcast_in_dim3A_3180 : vector<64x1xf32> to vector<64x128xf32>
    %eq3A_3182 = arith.cmpf oeq, %select_n3A_3170, %eq3A_3181 : vector<64x128xf32>
    %jit3A_3183 = arith.constant 1.07374182E+9 : f32
    %broadcast_in_dim3A_3184 = vector.broadcast %jit3A_3183 : f32 to vector<64x128xf32>
    %select_n3A_3185 = arith.select %eq3A_3182, %add3A_3177, %broadcast_in_dim3A_3184 : vector<64x128xi1>, vector<64x128xf32>
    %reduce_min3A_3186 = arith.constant dense<0x7F800000> : vector<64xf32>
    %reduce_min3A_3187 = vector.multi_reduction <minimumf>, %select_n3A_3185, %reduce_min3A_3186 [1] : vector<64x128xf32> to vector<64xf32>
    %convert_element_type3A_3188 = arith.fptosi %reduce_min3A_3187 : vector<64xf32> to vector<64xi32>
    %swap3A_3189 = arith.constant 448 : index
    %swap3A_3190 = vector.load %arg5[%swap3A_3189] : memref<512xi32, #tpu.memory_space<vmem>>, vector<64xi32>
    tpu.vector_store %arg5[%swap3A_3189], %convert_element_type3A_3188 {strides = array<i32>} : memref<512xi32, #tpu.memory_space<vmem>>, vector<64xi32>,
    return
  }
  func.func @transform_0(%arg0: i32) -> (i32, i32) {
    %c0_i32 = arith.constant 0 : i32
    %c0_i32_0 = arith.constant 0 : i32
    return %arg0, %c0_i32 : i32, i32
  }
  func.func @transform_1(%arg0: i32) -> (i32, i32) {
    %c0_i32 = arith.constant 0 : i32
    %c0_i32_0 = arith.constant 0 : i32
    %c0_i32_1 = arith.constant 0 : i32
    return %c0_i32, %c0_i32_0 : i32, i32
  }
  func.func @transform_2(%arg0: i32) -> i32 {
    %c0_i32 = arith.constant 0 : i32
    return %arg0 : i32
  }
  func.func @transform_3(%arg0: i32) -> (i32, i32) {
    %c0_i32 = arith.constant 0 : i32
    %c0_i32_0 = arith.constant 0 : i32
    %c0_i32_1 = arith.constant 0 : i32
    return %c0_i32, %c0_i32_0 : i32, i32
  }
  func.func @transform_4(%arg0: i32) -> i32 {
    %c0_i32 = arith.constant 0 : i32
    return %arg0 : i32
  }
}

module attributes {stable_mosaic.version = 14 : i64} {
  func.func @_stats_body(%arg0: memref<32x8192xf32, #tpu.memory_space<vmem>>, %arg1: memref<1x1xf32, #tpu.memory_space<vmem>>, %arg2: memref<1x1xf32, #tpu.memory_space<vmem>>) attributes {dimension_semantics = [], scalar_prefetch = 0 : i64, scratch_operands = 0 : i64, tpu.core_type = #tpu.core_type<tc>} {
    %get3A = arith.constant 0 : index
    %get3A_0 = arith.constant 0 : index
    %get3A_1 = vector.load %arg0[%get3A, %get3A_0] : memref<32x8192xf32, #tpu.memory_space<vmem>>, vector<32x8192xf32>
    %reduce_sum3A = arith.constant dense<0.000000e+00> : vector<8192xf32>
    %reduce_sum3A_2 = vector.multi_reduction <add>, %get3A_1, %reduce_sum3A [0] : vector<32x8192xf32> to vector<8192xf32>
    %broadcast_in_dim3A = vector.shape_cast %reduce_sum3A_2 : vector<8192xf32> to vector<1x8192xf32>
    %div3A = arith.constant 4.608000e+03 : f32
    %div3A_3 = vector.broadcast %div3A : f32 to vector<1x8192xf32>
    %div3A_4 = arith.divf %broadcast_in_dim3A, %div3A_3 : vector<1x8192xf32>
    %add3A = arith.constant 1.000000e-10 : f32
    %add3A_5 = vector.broadcast %add3A : f32 to vector<1x8192xf32>
    %add3A_6 = arith.addf %div3A_4, %add3A_5 : vector<1x8192xf32>
    %log3A = math.log %add3A_6 : vector<1x8192xf32>
    %mul3A = arith.mulf %div3A_4, %log3A : vector<1x8192xf32>
    %reduce_sum3A_7 = vector.shape_cast %mul3A : vector<1x8192xf32> to vector<1x1x8192xf32>
    %reduce_sum3A_8 = arith.constant dense<0.000000e+00> : vector<1xf32>
    %reduce_sum3A_9 = vector.multi_reduction <add>, %reduce_sum3A_7, %reduce_sum3A_8 [1, 2] : vector<1x1x8192xf32> to vector<1xf32>
    %reduce_sum3A_10 = vector.shape_cast %reduce_sum3A_9 : vector<1xf32> to vector<1x1x1xf32>
    %reduce_sum3A_11 = vector.extract %reduce_sum3A_10[0, 0, 0] : f32 from vector<1x1x1xf32>
    %neg3A = arith.constant 0.000000e+00 : f32
    %neg3A_12 = arith.subf %neg3A, %reduce_sum3A_11 : f32
    %exp3A = math.exp %neg3A_12 : f32
    %reshape3A = vector.broadcast %exp3A : f32 to vector<1x1xf32>
    %swap3A = arith.constant 0 : index
    %swap3A_13 = arith.constant 0 : index
    %swap3A_14 = vector.load %arg1[%swap3A, %swap3A_13] : memref<1x1xf32, #tpu.memory_space<vmem>>, vector<1x1xf32>
    tpu.vector_store %arg1[%swap3A, %swap3A_13], %reshape3A {strides = array<i32>} : memref<1x1xf32, #tpu.memory_space<vmem>>, vector<1x1xf32>,
    %gt3A = arith.constant 0.000000e+00 : f32
    %gt3A_15 = vector.broadcast %gt3A : f32 to vector<1x8192xf32>
    %gt3A_16 = arith.cmpf ogt, %broadcast_in_dim3A, %gt3A_15 : vector<1x8192xf32>
    %convert_element_type3A = arith.extui %gt3A_16 : vector<1x8192xi1> to vector<1x8192xi32>
    %convert_element_type3A_17 = arith.sitofp %convert_element_type3A : vector<1x8192xi32> to vector<1x8192xf32>
    %reduce_sum3A_18 = vector.shape_cast %convert_element_type3A_17 : vector<1x8192xf32> to vector<1x1x8192xf32>
    %reduce_sum3A_19 = arith.constant dense<0.000000e+00> : vector<1xf32>
    %reduce_sum3A_20 = vector.multi_reduction <add>, %reduce_sum3A_18, %reduce_sum3A_19 [1, 2] : vector<1x1x8192xf32> to vector<1xf32>
    %reduce_sum3A_21 = vector.shape_cast %reduce_sum3A_20 : vector<1xf32> to vector<1x1x1xf32>
    %reduce_sum3A_22 = vector.extract %reduce_sum3A_21[0, 0, 0] : f32 from vector<1x1x1xf32>
    %div3A_23 = arith.constant 8.192000e+03 : f32
    %div3A_24 = arith.divf %reduce_sum3A_22, %div3A_23 : f32
    %reshape3A_25 = vector.broadcast %div3A_24 : f32 to vector<1x1xf32>
    %swap3A_26 = arith.constant 0 : index
    %swap3A_27 = arith.constant 0 : index
    %swap3A_28 = vector.load %arg2[%swap3A_26, %swap3A_27] : memref<1x1xf32, #tpu.memory_space<vmem>>, vector<1x1xf32>
    tpu.vector_store %arg2[%swap3A_26, %swap3A_27], %reshape3A_25 {strides = array<i32>} : memref<1x1xf32, #tpu.memory_space<vmem>>, vector<1x1xf32>,
    return
  }
}

</mosaic_0001>

<sc_bundles>
// kernel: kernel.5.cloned.1.call-start
scs
__scs_entry_jumppad:
0x0: {  	(pc) =	sbr.rel $0x88, $3  }
0x1: {  	(tag) =	ssettag $0x0;
	lr =	simm.s32 $0x1  }
0x2: {  	[smem:$0x3F9F] =	sst lr;
	_ =	strace $0xD0000000  }
0x3: {  	_ = 	snop  }
0x4: {  	_ = 	snop  }
0x5: {  	_ = 	snop  }
0x6: {  	_ = 	snop  }
0x7: {  	_ = 	snop  }
__scs_overlays_trampoline_lowered:
0x8: {  	[smem:$0x3FAE] =	sst s0  }
0x9: {  	[smem:$0x3FAF] =	sst s1  }
0xa: {  	[smem:$0x3FB0] =	sst s2  }
0xb: {  	[smem:$0x3FB1] =	sst s3  }
0xc: {  	[smem:$0x3FB2] =	sst s4  }
0xd: {  	[smem:$0x3FB3] =	sst s5  }
0xe: {  	[smem:$0x3FB4] =	sst s6  }
0xf: {  	[smem:$0x3FB5] =	sst s7  }
0x10: {  	[smem:$0x3FB6] =	sst s8  }
0x11: {  	[smem:$0x3FB7] =	sst s9;
	s0 =	simm.s32 @!p0 $0x0  }
0x12: {  	s1 =	sld [smem:$0x3F9D];
	s0 =	simm.s32 @p0 $0x1  }
0x13: {  	[smem:$0x3FB8] =	sst s0;
	s0 =	simm.s32 @!p1 $0x0  }
0x14: {  	s2 =	sld [smem:$0x3F9C];
	s0 =	simm.s32 @p1 $0x1  }
0x15: {  	[smem:$0x3FB9] =	sst s0;
	s0 =	simm.s32 @!p2 $0x0  }
0x16: {  	s3 =	sld [smem:$0x3FDB];
	s0 =	simm.s32 @p2 $0x1  }
0x17: {  	s4 =	simm.s32 $0x1BF5;
	[smem:$0x3FBB] =	sst s0  }
0x18: {  	s0 =	sld [smem:$0x3F9E];
	_ =	swait.ge [sflag:s4], $0x0  }
0x19: {  	s7 =	sld [smem:$0x3F9F]  }
0x1a: {  	s8 =	sadd.s32 $0xFFFFE003, lr  }
0x1b: {  	s9 =	sadd.s32 $0xFFFFFEF7, lr;
	s5 =	simm.s32 $0xFFFFFFFF;
	p2 =	slt.u32 s8, $0xFFFFF086  }
0x1c: {  	p1 =	slt.u32 s9, $0xF7A;
	s5 =	simm.s32 @!p2 $0x0  }
0x1d: {  	s5 =	simm.s32 @p1 $0x1;
	p0 =	seq.s32 s7, s2  }
0x1e: {  	s7 =	smul.u32 @!p0 $0xF7A, s2;
	p2 =	seq.s32 @!p0 s5, $0x0  }
0x1f: {  	s9 =	smul.u32 $0xF7A, s1;
	s8 =	simm.s32 @!p0 $0x1BF5;
	p2 =	por !p2, p0  }
0x20: {  	[sflag:s8] =	ssyncset.s32 @!p0 $0xFFFFF086;
	s6 =	sadd.s32 @!p0 s3, s7;
	s7 =	simm.s32 @!p0 $0x108  }
0x21: {  	s3 =	sadd.s32 s3, s9;
	s6 =	sadd.s32 @!p0 $0x88, s6;
	s7 =	simm.s32 @p2 $0x1082  }
0x22: {  	[simem:s7], [sflag:s8] =	dma.local @!p0 [hbm:s6], $0xF7A  }
0x23: {  	s9 =	sor.u32 $0xD0000000, s2;
	s6 =	simm.s32 $0x108;
	_ =	swait.ge @!p0 [sflag:s8], $0x0  }
0x24: {  	s3 =	sadd.s32 $0x88, s3;
	s6 =	simm.s32 @!p1 $0x1082;
	[sflag:s4] =	ssyncset.s32 $0xFFFFF086  }
0x25: {  	[simem:s6], [sflag:s4] =	dma.local [hbm:s3], $0xF7A  }
0x26: {  	[smem:$0x3F9F] =	sst s1;
	(tag) =	ssettag s2;
	_ =	strace s9  }
0x27: {  	s1 =	sld [smem:$0x3FAF]  }
0x28: {  	s2 =	sld [smem:$0x3FB0]  }
0x29: {  	s4 =	sld [smem:$0x3FB2]  }
0x2a: {  	p0 =	seq.s32 s5, $0x0;
	s5 =	sld [smem:$0x3FB3]  }
0x2b: {  	s6 =	sld [smem:$0x3FB4]  }
0x2c: {  	s7 =	sld [smem:$0x3FB5]  }
0x2d: {  	s3 =	simm.s32 $0x108;
	s8 =	sld [smem:$0x3FB6]  }
0x2e: {  	s3 =	simm.s32 @!p0 $0x1082;
	s9 =	sld [smem:$0x3FB7]  }
0x2f: {  	lr =	sadd.s32 s0, s3;
	s0 =	sld [smem:$0x3FAE]  }
0x30: {  	s3 =	sld [smem:$0x3FB1]  }
0x31: {  	[smem:$0x3FBA] =	sst s10  }
0x32: {  	s10 =	sld [smem:$0x3FB8];
	_ =	sdelay $0x3  }
0x33: {  	p0 =	seq.s32 s10, $0x1;
	s10 =	sld [smem:$0x3FBA];
	_ =	sdelay $0x3  }
0x34: {  	[smem:$0x3FBA] =	sst s10  }
0x35: {  	s10 =	sld [smem:$0x3FB9];
	_ =	sdelay $0x3  }
0x36: {  	p1 =	seq.s32 s10, $0x1;
	s10 =	sld [smem:$0x3FBA];
	_ =	sdelay $0x3  }
0x37: {  	[smem:$0x3FBA] =	sst s10  }
0x38: {  	s10 =	sld [smem:$0x3FBB]  }
0x39: {  	_ = 	snop;
	(pc) =	sbr.ind lr, $3  }
0x3a: {  	_ = 	snop  }
0x3b: {  	_ = 	snop  }
0x3c: {  	p2 =	seq.s32 s10, $0x1;
	s10 =	sld [smem:$0x3FBA]  }
0x3d: {  	_ =	shalt  }
0x3e: {  	_ =	shalt  }
0x3f: {  	_ =	shalt  }
0x40: {  	_ =	shalt  }
0x41: {  	_ =	shalt  }
0x42: {  	_ =	shalt  }
0x43: {  	_ =	shalt  }
0x44: {  	_ =	shalt  }
0x45: {  	_ =	shalt  }
0x46: {  	_ =	shalt  }
0x47: {  	_ =	shalt  }
0x48: {  	_ =	shalt  }
0x49: {  	_ =	shalt  }
0x4a: {  	_ =	shalt  }
0x4b: {  	_ =	shalt  }
0x4c: {  	_ =	shalt  }
0x4d: {  	_ =	shalt  }
0x4e: {  	_ =	shalt  }
0x4f: {  	_ =	shalt  }
0x50: {  	_ =	shalt  }
0x51: {  	_ =	shalt  }
0x52: {  	_ =	shalt  }
0x53: {  	_ =	shalt  }
0x54: {  	_ =	shalt  }
0x55: {  	_ =	shalt  }
0x56: {  	_ =	shalt  }
0x57: {  	_ =	shalt  }
0x58: {  	_ =	shalt  }
0x59: {  	_ =	shalt  }
0x5a: {  	_ =	shalt  }
0x5b: {  	_ =	shalt  }
0x5c: {  	_ =	shalt  }
0x5d: {  	_ =	shalt  }
0x5e: {  	_ =	shalt  }
0x5f: {  	_ =	shalt  }
0x60: {  	_ =	shalt  }
0x61: {  	_ =	shalt  }
0x62: {  	_ =	shalt  }
0x63: {  	_ =	shalt  }
0x64: {  	_ =	shalt  }
0x65: {  	_ =	shalt  }
0x66: {  	_ =	shalt  }
0x67: {  	_ =	shalt  }
0x68: {  	_ =	shalt  }
0x69: {  	_ =	shalt  }
0x6a: {  	_ =	shalt  }
0x6b: {  	_ =	shalt  }
0x6c: {  	_ =	shalt  }
0x6d: {  	_ =	shalt  }
0x6e: {  	_ =	shalt  }
0x6f: {  	_ =	shalt  }
0x70: {  	_ =	shalt  }
0x71: {  	_ =	shalt  }
0x72: {  	_ =	shalt  }
0x73: {  	_ =	shalt  }
0x74: {  	_ =	shalt  }
0x75: {  	_ =	shalt  }
0x76: {  	_ =	shalt  }
0x77: {  	_ =	shalt  }
0x78: {  	_ =	shalt  }
0x79: {  	_ =	shalt  }
0x7a: {  	_ =	shalt  }
0x7b: {  	_ =	shalt  }
0x7c: {  	_ =	shalt  }
0x7d: {  	_ =	shalt  }
0x7e: {  	_ =	shalt  }
0x7f: {  	_ =	shalt  }
0x80: {  	_ =	shalt  }
0x81: {  	_ =	shalt  }
0x82: {  	_ =	shalt  }
0x83: {  	_ =	shalt  }
0x84: {  	_ =	shalt  }
0x85: {  	_ =	shalt  }
0x86: {  	_ =	shalt  }
0x87: {  	_ =	shalt  }
.Lfunc_end0:
.L_simem_size_0:
called_computation_lowered:
.L_overlay_start_0:
0x88: {  	s2 =	sld [smem:$0x3FD9]  }
0x89: {  	s3 =	sld [smem:$0x3FFE];
	_ =	sdelay $0x1  }
0x8a: {  	s1 =	srdreg.scid  }
0x8b: {  	s0 =	sand.u32 $0x1, s1  }
0x8c: {  	s14 =	sshll.u32 s0, $0xA;
	s2 =	sadd.s32 s3, s2  }
0x8d: {  	s2 =	sadd.s32 s2, s14  }
0x8e: {  	[smem:$0x3FC6] =	sst s2  }
0x8f: {  	_ = 	snop  }
0x90: {  	s2 =	sld [smem:$0x3FD0];
	_ =	sdelay $0x2  }
0x91: {  	s4 =	simm.s32 $0xA;
	s5 =	simm.s32 $0x10;
	s15 =	sld [smem:$0x3FC8]  }
0x92: {  	[smem:s5], [sflag:s4] =	dma.local [hbm:s2], $0x1  }
0x93: {  	_ =	swait.eq [sflag:s4], $0x1  }
0x94: {  	[sflag:s4] =	ssyncset.done $0x0  }
0x95: {  	[sflag:s4] =	ssyncadd.s32 $0xFFFFFFFF  }
0x96: {  	s16 =	sld [smem:$0x10];
	(tm) =	ssettm $0x1  }
0x97: {  	s17 =	sld [smem:$0x3FFB];
	_ =	sdelay $0x3  }
0x98: {  	_ =	strace s17  }
0x99: {  	s4 =	sld [smem:$0x3FFC];
	_ =	sdelay $0x3  }
0x9a: {  	_ =	strace s4  }
0x9b: {  	s4 =	sld [smem:$0x3FFD];
	_ =	sdelay $0x3  }
0x9c: {  	_ =	strace s4  }
0x9d: {  	_ =	strace $0x8FFFFFFF  }
0x9e: {  	s18 =	sld [smem:$0x3FDB];
	_ =	sdelay $0x1  }
0x9f: {  	s19 =	simm.s32 $_scs_section_size  }
0xa0: {  	s6 =	simm.s32 $_size__tile_overlayer_lowered;
	s7 =	simm.s32 $_tile_overlayer_lowered  }
0xa1: {  	s22 =	simm.s32 $0x1BFF;
	s21 =	sshll.u32 s7, $0x1;
	s4 =	sadd.s32 s19, s18  }
0xa2: {  	s8 =	simm.s32 $0x0;
	s20 =	sshll.u32 s6, $0x1;
	s6 =	sadd.s32 s21, s4  }
0xa3: {  	[timem:s8], [sflag:s22] =	dma.local [hbm:s6], s20  }
0xa4: {  	_ =	swait.ge [sflag:s22], s20  }
0xa5: {  	s5 =	ssub.s32 $0x0, s20;
	[sflag:s22] =	ssyncset.done $0x0  }
0xa6: {  	[sflag:s22] =	ssyncadd.s32 s5;
	_ =	sdelay $0x1  }
0xa7: {  	s23 =	simm.s32 $0x1B8B  }
0xa8: {  	_ =	swait.ge [sflag:s23], $0x1  }
0xa9: {  	[sflag:s23] =	ssyncset.done $0x0  }
0xaa: {  	s25 =	simm.s32 $0x1B8E;
	s24 =	sld [smem:$0x3FFE];
	[sflag:s23] =	ssyncadd.s32 $0xFFFFFFFF  }
0xab: {  	s26 =	simm.s32 $execute0_lowered;
	[smem:$0x3FD2] =	sst s25  }
0xac: {  	s6 =	sshll.u32 s26, $0x1;
	_ =	strace $0x80000046;
	[dreg:$0x1] =	wrdreg $0xFFFFFFFF  }
0xad: {  	s28 =	simm.s32 $_size_execute0_lowered;
	s4 =	sadd.s32 s4, s6;
	[dreg:$0x0] =	wrdreg $0x0  }
0xae: {  	s6 =	sshll.u32 s28, $0x1;
	[dreg:$0x2] =	wrdreg s4  }
0xaf: {  	[dreg:$0x3] =	wrdreg s6  }
0xb0: {  	[dreg:$0x4] =	wrdreg $0xC0  }
0xb1: {  	_ =	task [dreg:s8], $0x5FFFF  }
0xb2: {  	[dreg:$0x1] =	wrdreg $0xFFFFFFFF  }
0xb3: {  	[dreg:$0x0] =	wrdreg $0x60  }
0xb4: {  	[dreg:$0x2] =	wrdreg s15  }
0xb5: {  	[dreg:$0x3] =	wrdreg s24  }
0xb6: {  	[dreg:$0x4] =	wrdreg s16  }
0xb7: {  	[dreg:$0x5] =	wrdreg $0x9  }
0xb8: {  	_ =	task.clear_ibuf [dreg:s8], $0x6FFFF;
	_ =	strace $0x90000046  }
0xb9: {  	s29 =	simm.s32 $0x9;
	_ =	strace $0x80000048  }
0xba: {  	_ =	swait.ge [sflag:s29], $0x1  }
0xbb: {  	[sflag:s29] =	ssyncadd.s32 $0xFFFFFFFF  }
0xbc: {  	_ =	strace $0x90000048  }
0xbd: {  	_ =	sfence  }
0xbe: {  	s30 =	sld [smem:$0x0];
	_ =	sdelay $0x2  }
0xbf: {  	s31 =	sshll.u32 s1, $0xD;
	s1 =	sshrl.u32 s1, $0x2  }
0xc0: {  	s3 =	sand.u32 $0x4000, s31;
	s1 =	sadd.s32 s1, s30  }
0xc1: {  	s0 =	sor.u32 s3, s0;
	s1 =	sshll.u32 s1, $0x11  }
0xc2: {  	s0 =	sor.u32 s1, s0  }
0xc3: {  	s0 =	sadd.s32 $0x8F2B, s0  }
0xc4: {  	[sflag:s0] =	ssyncadd.remote.s32 $0x1  }
0xc5: {  	_ =	sfence.sel $0xFFFF  }
0xc6: {  	[dreg:$0x0] =	wrdreg $0xFFFFFFFF;
	(pc) =	sbr.abs _section_cstart, $3  }
0xc7: {  	[dreg:$0x1] =	wrdreg $0xFFFFFFFF  }
0xc8: {  	_ =	task.clear_ibuf [dreg:s8], $0x2FFFF;
	_ =	strace $0x9FFFFFFF  }
0xc9: {  	(tm) =	ssettm $0x7FFFFFFF  }
tec
execute0_lowered:
.L_overlay_start_1:
0x0: {  	(tag) =	ssettag $0x1  }
0x1: {  	s1 =	rddreg [dreg:$0x0]  }
0x2: {  	s0 =	rddreg [dreg:$0x1]  }
0x3: {  	s2 =	rddreg [dreg:$0x2];
	s3 =	simm.s32 $0x0  }
0x4: {  	s6 =	stileid.u32;
	s5 =	srdreg.scid;
	s11 =	simm.s32 $0x1100  }
0x5: {  	s12 =	simm.s32 $0x1900;
	s13 =	simm.s32 $0x2100;
	s14 =	simm.s32 $0x2900  }
0x6: {  	s15 =	simm.s32 $0x3100;
	s16 =	simm.s32 $0x3900;
	s17 =	simm.s32 $0x4100  }
0x7: {  	s18 =	simm.s32 $0x4900;
	s19 =	simm.s32 $0x5100;
	s20 =	simm.s32 $0x5900  }
0x8: {  	s21 =	simm.s32 $0x6100;
	s22 =	simm.s32 $0x6900;
	s23 =	simm.s32 $0x7100  }
0x9: {  	s24 =	simm.s32 $0x7900;
	s28 =	simm.s32 $0x9100;
	s29 =	simm.s32 $0x80  }
0xa: {  	s30 =	simm.s32 $0x400;
	s31 =	simm.s32 $0x1;
	[smem:$0x7FF] =	sst s3  }
0xb: {  	v2 =	vlaneseq.u32;
	vm0 =	vmmov $0xffff;
	s4 =	sshll.u32 s6, $0xB;
	s5 =	sand.u32 $0x1, s5;
	s6 =	sshll.u32 s6, $0x1  }
0xc: {  	v3 =	vimm.f32 $0.0e+00;
	v4 =	vimm.f32 $1.000000000e+00;
	vm1 =	vcmask $0x704;
	s4 =	sand.u32 $0x6000, s4;
	_ =	strace $0x80000047;
	s25 =	sor.u32 s5, s6  }
0xd: {  	vm2 =	vcmask $0xB08;
	vm3 =	vcmask $0xF0C;
	vm4 =	vcmask $0x1310;
	s5 =	ssub.s32 $0x2, s5;
	s7 =	sadd.s32 s4, s0;
	s6 =	smul.u32 $0x12, s25  }
0xe: {  	vm5 =	vcmask $0x1714;
	vm6 =	vcmask $0x1B18;
	vm7 =	vcmask $0x1F1C;
	s8 =	sshll.u32 s25, $0x4;
	s9 =	sshrl.u32 s5, $0x1;
	s10 =	smul.u32 $0x1200, s25  }
0xf: {  	vm8 =	vcmask $0x2320;
	vm9 =	vcmask $0x2724;
	vm10 =	vcmask $0x2B28;
	s25 =	simm.s32 $0x8100;
	s8 =	sand.u32 $0x70, s8;
	s9 =	ssub.s32 s5, s9  }
0x10: {  	vm11 =	vcmask $0x2F2C;
	vm12 =	vcmask $0x3330;
	vm13 =	vcmask $0x3734;
	s4 =	sadd.s32 s0, s6;
	s26 =	sadd.s32 s8, s7;
	s6 =	sadd.s32 s2, s10  }
0x11: {  	vm14 =	vcmask $0x3B38;
	vm15 =	vcmask $0x3F3C;
	v1 =	vshrl.u32 v2, $0x3;
	s7 =	smax.u32 s9, $0x1;
	s8 =	simm.s32 $0x2;
	s9 =	simm.s32 $0x100  }
0x12: {  	v0 =	vand.u32 $0x7, v2;
	v2 =	vor.u32 $0x8, v2;
	v1 =	vmul.u32 $0x8, v1;
	s0 =	simm.s32 $0x0;
	s5 =	sadd.s32 $0x400, s26;
	s26 =	simm.s32 $0x8900  }
.LBB2_1:
0x13: {  	[tilespmem:s3], [sflag:$0x2] =	stream.linear.gather [hbm4b:s4+s3], $0x90, $0x38;
	[tilespmem:$0xB100] =	vst v63  }
0x14: {  	_ =	swait.ge [sflag:s8], $0x90  }
0x15: {  	[sflag:s8] =	ssyncset.done $0x0  }
0x16: {  	[sflag:s8] =	ssyncadd.s32 $0xFFFFFF70  }
0x17: {  	v5 =	vld [tilespmem:$0x0];
	_ =	sdelay $0x4  }
0x18: {  	v6 =	vshll.u32 v5, $0x1  }
0x19: {  	v5 =	vand.u32 $0x7, v5;
	v6 =	vand.u32 $0xFFFFFFF0, v6  }
0x1a: {  	v5 =	vor.u32 v5, v6  }
0x1b: {  	v6 =	vperm.xlane v5, v0;
	_ =	sdelay $0x1  }
0x1c: {  	v5 =	vperm.xlane v5, v2;
	v6 =	vadd.s32 v1, v6;
	_ =	sdelay $0x1  }
0x1d: {  	v5 =	vadd.s32 v1, v5;
	_ =	sdelay $0x2  }
0x1e: {  	[tilespmem:s9], [sflag:$0x1] =	stream.indirect_vreg.gather [hbm4b:s1+s3], $0x80, v6, vm0, $0xb8;
	[tilespmem:$0xB100] =	vst v63  }
0x1f: {  	s2 =	simm.s32 $0x900  }
0x20: {  	[tilespmem:s2], [sflag:$0x1] =	stream.indirect_vreg.gather [hbm4b:s1+s3], $0x80, v5, vm0, $0xb8;
	[tilespmem:$0xB100] =	vst v63  }
0x21: {  	v5 =	vld [tilespmem:$0x10];
	_ =	sdelay $0x4  }
0x22: {  	v6 =	vshll.u32 v5, $0x1  }
0x23: {  	v5 =	vand.u32 $0x7, v5;
	v6 =	vand.u32 $0xFFFFFFF0, v6  }
0x24: {  	v5 =	vor.u32 v5, v6  }
0x25: {  	v6 =	vperm.xlane v5, v0;
	_ =	sdelay $0x1  }
0x26: {  	v5 =	vperm.xlane v5, v2;
	v6 =	vadd.s32 v1, v6;
	_ =	sdelay $0x1  }
0x27: {  	v5 =	vadd.s32 v1, v5;
	_ =	sdelay $0x2  }
0x28: {  	[tilespmem:s11], [sflag:$0x1] =	stream.indirect_vreg.gather [hbm4b:s1+s3], $0x80, v6, vm0, $0xb8;
	[tilespmem:$0xB100] =	vst v63  }
0x29: {  	_ = 	snop  }
0x2a: {  	[tilespmem:s12], [sflag:$0x1] =	stream.indirect_vreg.gather [hbm4b:s1+s3], $0x80, v5, vm0, $0xb8;
	[tilespmem:$0xB100] =	vst v63  }
0x2b: {  	v5 =	vld [tilespmem:$0x20];
	_ =	sdelay $0x4  }
0x2c: {  	v6 =	vshll.u32 v5, $0x1  }
0x2d: {  	v5 =	vand.u32 $0x7, v5;
	v6 =	vand.u32 $0xFFFFFFF0, v6  }
0x2e: {  	v5 =	vor.u32 v5, v6  }
0x2f: {  	v6 =	vperm.xlane v5, v0;
	_ =	sdelay $0x1  }
0x30: {  	v5 =	vperm.xlane v5, v2;
	v6 =	vadd.s32 v1, v6;
	_ =	sdelay $0x1  }
0x31: {  	v5 =	vadd.s32 v1, v5;
	_ =	sdelay $0x2  }
0x32: {  	[tilespmem:s13], [sflag:$0x1] =	stream.indirect_vreg.gather [hbm4b:s1+s3], $0x80, v6, vm0, $0xb8;
	[tilespmem:$0xB100] =	vst v63  }
0x33: {  	_ = 	snop  }
0x34: {  	[tilespmem:s14], [sflag:$0x1] =	stream.indirect_vreg.gather [hbm4b:s1+s3], $0x80, v5, vm0, $0xb8;
	[tilespmem:$0xB100] =	vst v63  }
0x35: {  	v5 =	vld [tilespmem:$0x30];
	_ =	sdelay $0x4  }
0x36: {  	v6 =	vshll.u32 v5, $0x1  }
0x37: {  	v5 =	vand.u32 $0x7, v5;
	v6 =	vand.u32 $0xFFFFFFF0, v6  }
0x38: {  	v5 =	vor.u32 v5, v6  }
0x39: {  	v6 =	vperm.xlane v5, v0;
	_ =	sdelay $0x1  }
0x3a: {  	v5 =	vperm.xlane v5, v2;
	v6 =	vadd.s32 v1, v6;
	_ =	sdelay $0x1  }
0x3b: {  	v5 =	vadd.s32 v1, v5;
	_ =	sdelay $0x2  }
0x3c: {  	[tilespmem:s15], [sflag:$0x1] =	stream.indirect_vreg.gather [hbm4b:s1+s3], $0x80, v6, vm0, $0xb8;
	[tilespmem:$0xB100] =	vst v63  }
0x3d: {  	_ = 	snop  }
0x3e: {  	[tilespmem:s16], [sflag:$0x1] =	stream.indirect_vreg.gather [hbm4b:s1+s3], $0x80, v5, vm0, $0xb8;
	[tilespmem:$0xB100] =	vst v63  }
0x3f: {  	v5 =	vld.msk [tilespmem:$0x40], $0xff;
	_ =	sdelay $0x4  }
0x40: {  	v6 =	vshll.u32 v5, $0x1  }
0x41: {  	v5 =	vand.u32 $0x7, v5;
	v6 =	vand.u32 $0xFFFFFFF0, v6  }
0x42: {  	v5 =	vor.u32 v5, v6  }
0x43: {  	v5 =	vperm.xlane v5, v0;
	_ =	sdelay $0x1  }
0x44: {  	v5 =	vadd.s32 v1, v5;
	_ =	sdelay $0x4  }
0x45: {  	[tilespmem:s17], [sflag:$0x1] =	stream.indirect_vreg.gather [hbm4b:s1+s3], $0x80, v5, vm0, $0xb8;
	[tilespmem:$0xB100] =	vst v63  }
0x46: {  	v5 =	vld [tilespmem:$0x48];
	_ =	sdelay $0x4  }
0x47: {  	v6 =	vshll.u32 v5, $0x1  }
0x48: {  	v5 =	vand.u32 $0x7, v5;
	v6 =	vand.u32 $0xFFFFFFF0, v6  }
0x49: {  	v5 =	vor.u32 v5, v6  }
0x4a: {  	v6 =	vperm.xlane v5, v0;
	_ =	sdelay $0x1  }
0x4b: {  	v5 =	vperm.xlane v5, v2;
	v6 =	vadd.s32 v1, v6;
	_ =	sdelay $0x1  }
0x4c: {  	v5 =	vadd.s32 v1, v5;
	_ =	sdelay $0x2  }
0x4d: {  	[tilespmem:s18], [sflag:$0x1] =	stream.indirect_vreg.gather [hbm4b:s1+s3], $0x80, v6, vm0, $0xb8;
	[tilespmem:$0xB100] =	vst v63  }
0x4e: {  	_ = 	snop  }
0x4f: {  	[tilespmem:s19], [sflag:$0x1] =	stream.indirect_vreg.gather [hbm4b:s1+s3], $0x80, v5, vm0, $0xb8;
	[tilespmem:$0xB100] =	vst v63  }
0x50: {  	v5 =	vld [tilespmem:$0x58];
	_ =	sdelay $0x4  }
0x51: {  	v6 =	vshll.u32 v5, $0x1  }
0x52: {  	v5 =	vand.u32 $0x7, v5;
	v6 =	vand.u32 $0xFFFFFFF0, v6  }
0x53: {  	v5 =	vor.u32 v5, v6  }
0x54: {  	v6 =	vperm.xlane v5, v0;
	_ =	sdelay $0x1  }
0x55: {  	v5 =	vperm.xlane v5, v2;
	v6 =	vadd.s32 v1, v6;
	_ =	sdelay $0x1  }
0x56: {  	v5 =	vadd.s32 v1, v5;
	_ =	sdelay $0x2  }
0x57: {  	[tilespmem:s20], [sflag:$0x1] =	stream.indirect_vreg.gather [hbm4b:s1+s3], $0x80, v6, vm0, $0xb8;
	[tilespmem:$0xB100] =	vst v63  }
0x58: {  	_ = 	snop  }
0x59: {  	[tilespmem:s21], [sflag:$0x1] =	stream.indirect_vreg.gather [hbm4b:s1+s3], $0x80, v5, vm0, $0xb8;
	[tilespmem:$0xB100] =	vst v63  }
0x5a: {  	v5 =	vld [tilespmem:$0x68];
	_ =	sdelay $0x4  }
0x5b: {  	v6 =	vshll.u32 v5, $0x1  }
0x5c: {  	v5 =	vand.u32 $0x7, v5;
	v6 =	vand.u32 $0xFFFFFFF0, v6  }
0x5d: {  	v5 =	vor.u32 v5, v6  }
0x5e: {  	v6 =	vperm.xlane v5, v0;
	_ =	sdelay $0x1  }
0x5f: {  	v5 =	vperm.xlane v5, v2;
	v6 =	vadd.s32 v1, v6;
	_ =	sdelay $0x1  }
0x60: {  	v5 =	vadd.s32 v1, v5;
	_ =	sdelay $0x2  }
0x61: {  	[tilespmem:s22], [sflag:$0x1] =	stream.indirect_vreg.gather [hbm4b:s1+s3], $0x80, v6, vm0, $0xb8;
	[tilespmem:$0xB100] =	vst v63  }
0x62: {  	_ = 	snop  }
0x63: {  	[tilespmem:s23], [sflag:$0x1] =	stream.indirect_vreg.gather [hbm4b:s1+s3], $0x80, v5, vm0, $0xb8;
	[tilespmem:$0xB100] =	vst v63  }
0x64: {  	v5 =	vld [tilespmem:$0x78];
	_ =	sdelay $0x4  }
0x65: {  	v6 =	vshll.u32 v5, $0x1  }
0x66: {  	v5 =	vand.u32 $0x7, v5;
	v6 =	vand.u32 $0xFFFFFFF0, v6  }
0x67: {  	v5 =	vor.u32 v5, v6  }
0x68: {  	v6 =	vperm.xlane v5, v0;
	_ =	sdelay $0x1  }
0x69: {  	v5 =	vperm.xlane v5, v2;
	v6 =	vadd.s32 v1, v6;
	_ =	sdelay $0x1  }
0x6a: {  	v5 =	vadd.s32 v1, v5;
	_ =	sdelay $0x2  }
0x6b: {  	[tilespmem:s24], [sflag:$0x1] =	stream.indirect_vreg.gather [hbm4b:s1+s3], $0x80, v6, vm0, $0xb8;
	[tilespmem:$0xB100] =	vst v63  }
0x6c: {  	_ = 	snop  }
0x6d: {  	[tilespmem:s25], [sflag:$0x1] =	stream.indirect_vreg.gather [hbm4b:s1+s3], $0x80, v5, vm0, $0xb8;
	[tilespmem:$0xB100] =	vst v63  }
0x6e: {  	v5 =	vld.msk [tilespmem:$0x88], $0xff;
	_ =	sdelay $0x4  }
0x6f: {  	v6 =	vshll.u32 v5, $0x1  }
0x70: {  	v5 =	vand.u32 $0x7, v5;
	v6 =	vand.u32 $0xFFFFFFF0, v6  }
0x71: {  	v5 =	vor.u32 v5, v6  }
0x72: {  	v5 =	vperm.xlane v5, v0;
	_ =	sdelay $0x1  }
0x73: {  	v5 =	vadd.s32 v1, v5;
	_ =	sdelay $0x3  }
0x74: {  	s10 =	simm.s32 $0x400;
	s2 =	simm.s32 $0x0  }
0x75: {  	[tilespmem:s26], [sflag:$0x1] =	stream.indirect_vreg.gather [hbm4b:s1+s3], $0x80, v5, vm0, $0xb8;
	[tilespmem:$0xB100] =	vst v63  }
.LBB2_2:
0x76: {  	p0 =	sne.s32 s10, $0x7C00;
	[tilespmem:s2+$0x91F0] =	vst v3  }
0x77: {  	[tilespmem:s2+$0x9100] =	vst v3  }
0x78: {  	[tilespmem:s2+$0x9110] =	vst v3  }
0x79: {  	[tilespmem:s2+$0x9120] =	vst v3  }
0x7a: {  	[tilespmem:s2+$0x9130] =	vst v3  }
0x7b: {  	[tilespmem:s2+$0x9140] =	vst v3  }
0x7c: {  	[tilespmem:s2+$0x9150] =	vst v3  }
0x7d: {  	[tilespmem:s2+$0x9160] =	vst v3  }
0x7e: {  	[tilespmem:s2+$0x9170] =	vst v3  }
0x7f: {  	[tilespmem:s2+$0x9180] =	vst v3  }
0x80: {  	[tilespmem:s2+$0x9190] =	vst v3  }
.Ltmp0:
0x81: {  	[tilespmem:s2+$0x91A0] =	vst v3;
	(pc) =	sbr.rel @p0 .LBB2_2-.Ltmp0, $4  }
0x82: {  	[tilespmem:s2+$0x91B0] =	vst v3  }
0x83: {  	[tilespmem:s2+$0x91C0] =	vst v3  }
0x84: {  	[tilespmem:s2+$0x91D0] =	vst v3  }
0x85: {  	[tilespmem:s2+$0x91E0] =	vst v3;
	s2 =	sshra.s32 s10, $0x2;
	s10 =	sadd.s32 $0x400, s10  }
0x86: {  	[tilespmem:s2+$0x91F0] =	vst v3  }
0x87: {  	[tilespmem:s2+$0x9100] =	vst v3  }
0x88: {  	[tilespmem:s2+$0x9110] =	vst v3  }
0x89: {  	[tilespmem:s2+$0x9120] =	vst v3  }
0x8a: {  	[tilespmem:s2+$0x9130] =	vst v3  }
0x8b: {  	[tilespmem:s2+$0x9140] =	vst v3  }
0x8c: {  	[tilespmem:s2+$0x9150] =	vst v3  }
0x8d: {  	[tilespmem:s2+$0x9160] =	vst v3  }
0x8e: {  	[tilespmem:s2+$0x9170] =	vst v3  }
0x8f: {  	[tilespmem:s2+$0x9180] =	vst v3  }
0x90: {  	[tilespmem:s2+$0x9190] =	vst v3  }
0x91: {  	[tilespmem:s2+$0x91A0] =	vst v3  }
0x92: {  	[tilespmem:s2+$0x91B0] =	vst v3  }
0x93: {  	[tilespmem:s2+$0x91C0] =	vst v3  }
0x94: {  	[tilespmem:s2+$0x91D0] =	vst v3  }
0x95: {  	[tilespmem:s2+$0x91E0] =	vst v3  }
0x96: {  	v5 =	vld [tilespmem:$0x0];
	_ =	sdelay $0x7  }
0x97: {  	[tilespmem:v5+s28+$0x0] =	vst.idx.add.f32.msk $0x1, v4  }
0x98: {  	[tilespmem:v5+s28+$0x0] =	vst.idx.add.f32.msk vm1, v4  }
0x99: {  	[tilespmem:v5+s28+$0x0] =	vst.idx.add.f32.msk vm2, v4  }
0x9a: {  	[tilespmem:v5+s28+$0x0] =	vst.idx.add.f32.msk vm3, v4  }
0x9b: {  	[tilespmem:v5+s28+$0x0] =	vst.idx.add.f32.msk vm4, v4  }
0x9c: {  	[tilespmem:v5+s28+$0x0] =	vst.idx.add.f32.msk vm5, v4  }
0x9d: {  	[tilespmem:v5+s28+$0x0] =	vst.idx.add.f32.msk vm6, v4  }
0x9e: {  	[tilespmem:v5+s28+$0x0] =	vst.idx.add.f32.msk vm7, v4  }
0x9f: {  	[tilespmem:v5+s28+$0x0] =	vst.idx.add.f32.msk vm8, v4  }
0xa0: {  	[tilespmem:v5+s28+$0x0] =	vst.idx.add.f32.msk vm9, v4  }
0xa1: {  	[tilespmem:v5+s28+$0x0] =	vst.idx.add.f32.msk vm10, v4  }
0xa2: {  	[tilespmem:v5+s28+$0x0] =	vst.idx.add.f32.msk vm11, v4  }
0xa3: {  	[tilespmem:v5+s28+$0x0] =	vst.idx.add.f32.msk vm12, v4  }
0xa4: {  	[tilespmem:v5+s28+$0x0] =	vst.idx.add.f32.msk vm13, v4  }
0xa5: {  	[tilespmem:v5+s28+$0x0] =	vst.idx.add.f32.msk vm14, v4  }
0xa6: {  	[tilespmem:v5+s28+$0x0] =	vst.idx.add.f32.msk vm15, v4  }
0xa7: {  	v5 =	vld [tilespmem:$0x10];
	_ =	sdelay $0x7  }
0xa8: {  	[tilespmem:v5+s28+$0x0] =	vst.idx.add.f32.msk $0x1, v4  }
0xa9: {  	[tilespmem:v5+s28+$0x0] =	vst.idx.add.f32.msk vm1, v4  }
0xaa: {  	[tilespmem:v5+s28+$0x0] =	vst.idx.add.f32.msk vm2, v4  }
0xab: {  	[tilespmem:v5+s28+$0x0] =	vst.idx.add.f32.msk vm3, v4  }
0xac: {  	[tilespmem:v5+s28+$0x0] =	vst.idx.add.f32.msk vm4, v4  }
0xad: {  	[tilespmem:v5+s28+$0x0] =	vst.idx.add.f32.msk vm5, v4  }
0xae: {  	[tilespmem:v5+s28+$0x0] =	vst.idx.add.f32.msk vm6, v4  }
0xaf: {  	[tilespmem:v5+s28+$0x0] =	vst.idx.add.f32.msk vm7, v4  }
0xb0: {  	[tilespmem:v5+s28+$0x0] =	vst.idx.add.f32.msk vm8, v4  }
0xb1: {  	[tilespmem:v5+s28+$0x0] =	vst.idx.add.f32.msk vm9, v4  }
0xb2: {  	[tilespmem:v5+s28+$0x0] =	vst.idx.add.f32.msk vm10, v4  }
0xb3: {  	[tilespmem:v5+s28+$0x0] =	vst.idx.add.f32.msk vm11, v4  }
0xb4: {  	[tilespmem:v5+s28+$0x0] =	vst.idx.add.f32.msk vm12, v4  }
0xb5: {  	[tilespmem:v5+s28+$0x0] =	vst.idx.add.f32.msk vm13, v4  }
0xb6: {  	[tilespmem:v5+s28+$0x0] =	vst.idx.add.f32.msk vm14, v4  }
0xb7: {  	[tilespmem:v5+s28+$0x0] =	vst.idx.add.f32.msk vm15, v4  }
0xb8: {  	v5 =	vld [tilespmem:$0x20];
	_ =	sdelay $0x7  }
0xb9: {  	[tilespmem:v5+s28+$0x0] =	vst.idx.add.f32.msk $0x1, v4  }
0xba: {  	[tilespmem:v5+s28+$0x0] =	vst.idx.add.f32.msk vm1, v4  }
0xbb: {  	[tilespmem:v5+s28+$0x0] =	vst.idx.add.f32.msk vm2, v4  }
0xbc: {  	[tilespmem:v5+s28+$0x0] =	vst.idx.add.f32.msk vm3, v4  }
0xbd: {  	[tilespmem:v5+s28+$0x0] =	vst.idx.add.f32.msk vm4, v4  }
0xbe: {  	[tilespmem:v5+s28+$0x0] =	vst.idx.add.f32.msk vm5, v4  }
0xbf: {  	[tilespmem:v5+s28+$0x0] =	vst.idx.add.f32.msk vm6, v4  }
0xc0: {  	[tilespmem:v5+s28+$0x0] =	vst.idx.add.f32.msk vm7, v4  }
0xc1: {  	[tilespmem:v5+s28+$0x0] =	vst.idx.add.f32.msk vm8, v4  }
0xc2: {  	[tilespmem:v5+s28+$0x0] =	vst.idx.add.f32.msk vm9, v4  }
0xc3: {  	[tilespmem:v5+s28+$0x0] =	vst.idx.add.f32.msk vm10, v4  }
0xc4: {  	[tilespmem:v5+s28+$0x0] =	vst.idx.add.f32.msk vm11, v4  }
0xc5: {  	[tilespmem:v5+s28+$0x0] =	vst.idx.add.f32.msk vm12, v4  }
0xc6: {  	[tilespmem:v5+s28+$0x0] =	vst.idx.add.f32.msk vm13, v4  }
0xc7: {  	[tilespmem:v5+s28+$0x0] =	vst.idx.add.f32.msk vm14, v4  }
0xc8: {  	[tilespmem:v5+s28+$0x0] =	vst.idx.add.f32.msk vm15, v4  }
0xc9: {  	v5 =	vld [tilespmem:$0x30];
	_ =	sdelay $0x7  }
0xca: {  	[tilespmem:v5+s28+$0x0] =	vst.idx.add.f32.msk $0x1, v4  }
0xcb: {  	[tilespmem:v5+s28+$0x0] =	vst.idx.add.f32.msk vm1, v4  }
0xcc: {  	[tilespmem:v5+s28+$0x0] =	vst.idx.add.f32.msk vm2, v4  }
0xcd: {  	[tilespmem:v5+s28+$0x0] =	vst.idx.add.f32.msk vm3, v4  }
0xce: {  	[tilespmem:v5+s28+$0x0] =	vst.idx.add.f32.msk vm4, v4  }
0xcf: {  	[tilespmem:v5+s28+$0x0] =	vst.idx.add.f32.msk vm5, v4  }
0xd0: {  	[tilespmem:v5+s28+$0x0] =	vst.idx.add.f32.msk vm6, v4  }
0xd1: {  	[tilespmem:v5+s28+$0x0] =	vst.idx.add.f32.msk vm7, v4  }
0xd2: {  	[tilespmem:v5+s28+$0x0] =	vst.idx.add.f32.msk vm8, v4  }
0xd3: {  	[tilespmem:v5+s28+$0x0] =	vst.idx.add.f32.msk vm9, v4  }
0xd4: {  	[tilespmem:v5+s28+$0x0] =	vst.idx.add.f32.msk vm10, v4  }
0xd5: {  	[tilespmem:v5+s28+$0x0] =	vst.idx.add.f32.msk vm11, v4  }
0xd6: {  	[tilespmem:v5+s28+$0x0] =	vst.idx.add.f32.msk vm12, v4  }
0xd7: {  	[tilespmem:v5+s28+$0x0] =	vst.idx.add.f32.msk vm13, v4  }
0xd8: {  	[tilespmem:v5+s28+$0x0] =	vst.idx.add.f32.msk vm14, v4  }
0xd9: {  	[tilespmem:v5+s28+$0x0] =	vst.idx.add.f32.msk vm15, v4  }
0xda: {  	v5 =	vld [tilespmem:$0x40];
	_ =	sdelay $0x7  }
0xdb: {  	[tilespmem:v5+s28+$0x0] =	vst.idx.add.f32.msk $0x1, v4  }
0xdc: {  	[tilespmem:v5+s28+$0x0] =	vst.idx.add.f32.msk vm1, v4  }
0xdd: {  	[tilespmem:v5+s28+$0x0] =	vst.idx.add.f32.msk vm2, v4  }
0xde: {  	[tilespmem:v5+s28+$0x0] =	vst.idx.add.f32.msk vm3, v4  }
0xdf: {  	[tilespmem:v5+s28+$0x0] =	vst.idx.add.f32.msk vm4, v4  }
0xe0: {  	[tilespmem:v5+s28+$0x0] =	vst.idx.add.f32.msk vm5, v4  }
0xe1: {  	[tilespmem:v5+s28+$0x0] =	vst.idx.add.f32.msk vm6, v4  }
0xe2: {  	[tilespmem:v5+s28+$0x0] =	vst.idx.add.f32.msk vm7, v4  }
0xe3: {  	[tilespmem:v5+s28+$0x0] =	vst.idx.add.f32.msk vm8, v4  }
0xe4: {  	[tilespmem:v5+s28+$0x0] =	vst.idx.add.f32.msk vm9, v4  }
0xe5: {  	[tilespmem:v5+s28+$0x0] =	vst.idx.add.f32.msk vm10, v4  }
0xe6: {  	[tilespmem:v5+s28+$0x0] =	vst.idx.add.f32.msk vm11, v4  }
0xe7: {  	[tilespmem:v5+s28+$0x0] =	vst.idx.add.f32.msk vm12, v4  }
0xe8: {  	[tilespmem:v5+s28+$0x0] =	vst.idx.add.f32.msk vm13, v4  }
0xe9: {  	[tilespmem:v5+s28+$0x0] =	vst.idx.add.f32.msk vm14, v4  }
0xea: {  	[tilespmem:v5+s28+$0x0] =	vst.idx.add.f32.msk vm15, v4  }
0xeb: {  	v5 =	vld [tilespmem:$0x50];
	_ =	sdelay $0x7  }
0xec: {  	[tilespmem:v5+s28+$0x0] =	vst.idx.add.f32.msk $0x1, v4  }
0xed: {  	[tilespmem:v5+s28+$0x0] =	vst.idx.add.f32.msk vm1, v4  }
0xee: {  	[tilespmem:v5+s28+$0x0] =	vst.idx.add.f32.msk vm2, v4  }
0xef: {  	[tilespmem:v5+s28+$0x0] =	vst.idx.add.f32.msk vm3, v4  }
0xf0: {  	[tilespmem:v5+s28+$0x0] =	vst.idx.add.f32.msk vm4, v4  }
0xf1: {  	[tilespmem:v5+s28+$0x0] =	vst.idx.add.f32.msk vm5, v4  }
0xf2: {  	[tilespmem:v5+s28+$0x0] =	vst.idx.add.f32.msk vm6, v4  }
0xf3: {  	[tilespmem:v5+s28+$0x0] =	vst.idx.add.f32.msk vm7, v4  }
0xf4: {  	[tilespmem:v5+s28+$0x0] =	vst.idx.add.f32.msk vm8, v4  }
0xf5: {  	[tilespmem:v5+s28+$0x0] =	vst.idx.add.f32.msk vm9, v4  }
0xf6: {  	[tilespmem:v5+s28+$0x0] =	vst.idx.add.f32.msk vm10, v4  }
0xf7: {  	[tilespmem:v5+s28+$0x0] =	vst.idx.add.f32.msk vm11, v4  }
0xf8: {  	[tilespmem:v5+s28+$0x0] =	vst.idx.add.f32.msk vm12, v4  }
0xf9: {  	[tilespmem:v5+s28+$0x0] =	vst.idx.add.f32.msk vm13, v4  }
0xfa: {  	[tilespmem:v5+s28+$0x0] =	vst.idx.add.f32.msk vm14, v4  }
0xfb: {  	[tilespmem:v5+s28+$0x0] =	vst.idx.add.f32.msk vm15, v4  }
0xfc: {  	v5 =	vld [tilespmem:$0x60];
	_ =	sdelay $0x7  }
0xfd: {  	[tilespmem:v5+s28+$0x0] =	vst.idx.add.f32.msk $0x1, v4  }
0xfe: {  	[tilespmem:v5+s28+$0x0] =	vst.idx.add.f32.msk vm1, v4  }
0xff: {  	[tilespmem:v5+s28+$0x0] =	vst.idx.add.f32.msk vm2, v4  }
0x100: {  	[tilespmem:v5+s28+$0x0] =	vst.idx.add.f32.msk vm3, v4  }
0x101: {  	[tilespmem:v5+s28+$0x0] =	vst.idx.add.f32.msk vm4, v4  }
0x102: {  	[tilespmem:v5+s28+$0x0] =	vst.idx.add.f32.msk vm5, v4  }
0x103: {  	[tilespmem:v5+s28+$0x0] =	vst.idx.add.f32.msk vm6, v4  }
0x104: {  	[tilespmem:v5+s28+$0x0] =	vst.idx.add.f32.msk vm7, v4  }
0x105: {  	[tilespmem:v5+s28+$0x0] =	vst.idx.add.f32.msk vm8, v4  }
0x106: {  	[tilespmem:v5+s28+$0x0] =	vst.idx.add.f32.msk vm9, v4  }
0x107: {  	[tilespmem:v5+s28+$0x0] =	vst.idx.add.f32.msk vm10, v4  }
0x108: {  	[tilespmem:v5+s28+$0x0] =	vst.idx.add.f32.msk vm11, v4  }
0x109: {  	[tilespmem:v5+s28+$0x0] =	vst.idx.add.f32.msk vm12, v4  }
0x10a: {  	[tilespmem:v5+s28+$0x0] =	vst.idx.add.f32.msk vm13, v4  }
0x10b: {  	[tilespmem:v5+s28+$0x0] =	vst.idx.add.f32.msk vm14, v4  }
0x10c: {  	[tilespmem:v5+s28+$0x0] =	vst.idx.add.f32.msk vm15, v4  }
0x10d: {  	v5 =	vld [tilespmem:$0x70];
	_ =	sdelay $0x7  }
0x10e: {  	[tilespmem:v5+s28+$0x0] =	vst.idx.add.f32.msk $0x1, v4  }
0x10f: {  	[tilespmem:v5+s28+$0x0] =	vst.idx.add.f32.msk vm1, v4  }
0x110: {  	[tilespmem:v5+s28+$0x0] =	vst.idx.add.f32.msk vm2, v4  }
0x111: {  	[tilespmem:v5+s28+$0x0] =	vst.idx.add.f32.msk vm3, v4  }
0x112: {  	[tilespmem:v5+s28+$0x0] =	vst.idx.add.f32.msk vm4, v4  }
0x113: {  	[tilespmem:v5+s28+$0x0] =	vst.idx.add.f32.msk vm5, v4  }
0x114: {  	[tilespmem:v5+s28+$0x0] =	vst.idx.add.f32.msk vm6, v4  }
0x115: {  	[tilespmem:v5+s28+$0x0] =	vst.idx.add.f32.msk vm7, v4  }
0x116: {  	[tilespmem:v5+s28+$0x0] =	vst.idx.add.f32.msk vm8, v4  }
0x117: {  	[tilespmem:v5+s28+$0x0] =	vst.idx.add.f32.msk vm9, v4  }
0x118: {  	[tilespmem:v5+s28+$0x0] =	vst.idx.add.f32.msk vm10, v4  }
0x119: {  	[tilespmem:v5+s28+$0x0] =	vst.idx.add.f32.msk vm11, v4  }
0x11a: {  	[tilespmem:v5+s28+$0x0] =	vst.idx.add.f32.msk vm12, v4  }
0x11b: {  	[tilespmem:v5+s28+$0x0] =	vst.idx.add.f32.msk vm13, v4  }
0x11c: {  	[tilespmem:v5+s28+$0x0] =	vst.idx.add.f32.msk vm14, v4  }
0x11d: {  	[tilespmem:v5+s28+$0x0] =	vst.idx.add.f32.msk vm15, v4  }
0x11e: {  	v5 =	vld [tilespmem:$0x80];
	_ =	sdelay $0x7  }
0x11f: {  	[tilespmem:v5+s28+$0x0] =	vst.idx.add.f32.msk $0x1, v4  }
0x120: {  	[tilespmem:v5+s28+$0x0] =	vst.idx.add.f32.msk vm1, v4  }
0x121: {  	[tilespmem:v5+s28+$0x0] =	vst.idx.add.f32.msk vm2, v4  }
0x122: {  	[tilespmem:v5+s28+$0x0] =	vst.idx.add.f32.msk vm3, v4  }
0x123: {  	[tilespmem:v5+s28+$0x0] =	vst.idx.add.f32.msk vm4, v4  }
0x124: {  	[tilespmem:v5+s28+$0x0] =	vst.idx.add.f32.msk vm5, v4  }
0x125: {  	[tilespmem:v5+s28+$0x0] =	vst.idx.add.f32.msk vm6, v4  }
0x126: {  	[tilespmem:v5+s28+$0x0] =	vst.idx.add.f32.msk vm7, v4  }
0x127: {  	[tilespmem:v5+s28+$0x0] =	vst.idx.add.f32.msk vm8, v4  }
0x128: {  	[tilespmem:v5+s28+$0x0] =	vst.idx.add.f32.msk vm9, v4  }
0x129: {  	[tilespmem:v5+s28+$0x0] =	vst.idx.add.f32.msk vm10, v4  }
0x12a: {  	[tilespmem:v5+s28+$0x0] =	vst.idx.add.f32.msk vm11, v4  }
0x12b: {  	[tilespmem:v5+s28+$0x0] =	vst.idx.add.f32.msk vm12, v4  }
0x12c: {  	[tilespmem:v5+s28+$0x0] =	vst.idx.add.f32.msk vm13, v4  }
0x12d: {  	[tilespmem:v5+s28+$0x0] =	vst.idx.add.f32.msk vm14, v4  }
0x12e: {  	[tilespmem:v5+s28+$0x0] =	vst.idx.add.f32.msk vm15, v4  }
0x12f: {  	[hbm4b:s5+s29] =	stream.strided.scatter [tilespmem:s28], [sflag:$0x2], $0x2000, s30, s29, $0x38;
	[tilespmem:$0xB100] =	vst v63  }
0x130: {  	_ =	swait.ge [sflag:s8], $0x2000  }
0x131: {  	[sflag:s8] =	ssyncset.done $0x0  }
0x132: {  	[sflag:s8] =	ssyncadd.s32 $0xFFFFE000  }
0x133: {  	_ =	swait.ge [sflag:s31], $0x4800  }
0x134: {  	[sflag:s31] =	ssyncset.done $0x0  }
0x135: {  	[sflag:s31] =	ssyncadd.s32 $0xFFFFB800  }
0x136: {  	s0 =	sadd.s32 $0x1, s0;
	_ =	swait.ge [sflag:s31], $0x4800  }
0x137: {  	p0 =	sne.s32 s0, s7;
	[sflag:s31] =	ssyncset.done $0x0  }
.Ltmp1:
0x138: {  	[sflag:s31] =	ssyncadd.s32 $0xFFFFB800;
	(pc) =	sbr.rel @p0 .LBB2_1-.Ltmp1, $4  }
0x139: {  	[hbm4b:s6+s3] =	stream.linear.scatter [tilespmem:s9], [sflag:$0x2], $0x9000, $0x38;
	[tilespmem:$0xB100] =	vst v63  }
0x13a: {  	_ =	swait.ge [sflag:s8], $0x9000  }
0x13b: {  	[sflag:s8] =	ssyncset.done $0x0  }
0x13c: {  	[sflag:s8] =	ssyncadd.s32 $0xFFFF7000  }
0x13d: {  	_ =	sfence.sel $0x180000  }
0x13e: {  	[bflag:$0x0] =	sbarrier.arrive $0xFFFF  }
0x13f: {  	_ =	strace $0x90000047  }
0x140: {  	s0 =	stileid.u32;
	[bflag:$0x2] =	sbarrier.arrive $0xFFFF  }
0x141: {  	p0 =	sne.s32 s0, $0x0;
	s0 =	rddreg [dreg:$0x3]  }
0x142: {  	s0 =	sadd.s32 @!p0 $0x100000, s0  }
0x143: {  	[sflag:s0] =	ssyncadd.tile.s32 @!p0 $0x1;
	_ =	shalt  }
.Lfunc_end2:
_tile_overlayer_lowered:
.L_overlay_start_2:
0x144: {  	(tag) =	ssettag $0x2  }
0x145: {  	s0 =	rddreg [dreg:$0x0];
	s2 =	stileid.u32  }
0x146: {  	s1 =	rddreg [dreg:$0x1];
	p0 =	sne.s32 s2, $0x0  }
0x147: {  	s3 =	rddreg [dreg:$0x2];
	[bflag:$0x3] =	sbarrier.arrive $0xFFFF;
	s2 =	simm.s32 @!p0 $0x1C02  }
0x148: {  	[timem:s3], [sflag:s2] =	dma.local @!p0 [hbm:s0], s1  }
0x149: {  	s0 =	simm.s32 @!p0 $0x2  }
0x14a: {  	_ =	swait.ge @!p0 [sflag:s0], s1  }
0x14b: {  	s1 =	ssub.s32 @!p0 $0x0, s1;
	[sflag:s0] =	ssyncset.done @!p0 $0x0  }
0x14c: {  	[sflag:s0] =	ssyncadd.s32 @!p0 s1  }
0x14d: {  	[bflag:$0x3] =	sbarrier.arrive $0xFFFF  }
0x14e: {  	_ =	shalt  }

</sc_bundles>
